<compile_context>
chip_gen: v7x
topology: tpu7x:2x2x1
jax: 0.10.2.dev20260603
libtpu: 0.0.44.dev20260713+nightly
codegen_flags: <defaults>
</compile_context>

<pallas_src>
import functools

import jax
import jax.numpy as jnp
from jax import lax
from jax.experimental import pallas as pl
from jax.experimental.pallas import tpu as pltpu
from jax.experimental.pallas import tpu_sc as plsc

_N = 500
_Q = 512
_NP = 12
_K4 = 4
_CF = 128
_NW = 32
_QT = _Q // _NW
_GT = _QT * _NP
_GH = _GT // 2
_INF = float("inf")


def _lrelu(x):
    return jnp.where(x >= 0, x, 0.01 * x)


def _mm(x, w):
    return lax.dot_general(x, w, (((1,), (1,)), ((), ())),
                           preferred_element_type=jnp.float32)



def _stage_a_body(imgB_r, ctB_r, imgA_r, ctA_r,
                  wc1, bc1, wc2, bc2, wp1, bp1, wp2, bp2,
                  fG, ownG, idx_ab, w_ab, idx_bb, w_bb, idx_pp):
    zpt = jnp.zeros((_Q - _N, 32), jnp.float32)
    zc = jnp.zeros((_Q - _N, 3), jnp.float32)
    imgA = jnp.concatenate([jnp.transpose(imgA_r[0]), zpt], axis=0)
    imgB = jnp.concatenate([jnp.transpose(imgB_r[0]), zpt], axis=0)
    ctAs = jnp.concatenate([ctA_r[0], zc], axis=0)
    ctBs = jnp.concatenate([ctB_r[0], zc], axis=0)
    ctAl = jnp.transpose(ctAs)
    ctBl = jnp.transpose(ctBs)

    def conv(x, w1, b1, w2, b2):
        return _mm(_lrelu(_mm(x, w1) + b1), w2) + b2

    ownG[0] = conv(imgA, wc1[...], bc1[...], wc2[...], bc2[...])
    fG[0] = conv(imgB, wc1[...], bc1[...], wc2[...], bc2[...])
    ownG[1] = conv(ctAs, wp1[...], bp1[...], wp2[...], bp2[...])
    fG[1] = conv(ctBs, wp1[...], bp1[...], wp2[...], bp2[...])

    jl = lax.broadcasted_iota(jnp.int32, (_Q, _Q), 1)
    i0 = lax.broadcasted_iota(jnp.int32, (_Q, _Q), 0)
    qrow_valid = lax.broadcasted_iota(jnp.int32, (_Q, 1), 0) < _N

    def dist2_qsub(qrys_sub, refs_lane):
        d = jnp.zeros((_Q, _Q), jnp.float32)
        for c in range(3):
            diff = qrys_sub[:, c:c + 1] - refs_lane[c:c + 1, :]
            d = d + diff * diff
        return jnp.where(jl >= _N, _INF, d)

    def topk_qsub(d, k):
        idxs, vals = [], []
        for j in range(k):
            mn = jnp.min(d, axis=1, keepdims=True)
            sel = jnp.min(jnp.where(d == mn, jl, _Q), axis=1,
                          keepdims=True)
            idxs.append(sel)
            vals.append(mn)
            d = jnp.where(jl == sel, _INF, d)
        return (jnp.concatenate(idxs, axis=1), jnp.concatenate(vals, axis=1))

    def emit(idx, v, idx_ref, w_ref):
        nd = -jnp.sqrt(jnp.maximum(v, 1e-12))
        m = jnp.max(jnp.where(qrow_valid, nd, -_INF))
        e = jnp.where(qrow_valid, jnp.exp(nd - m), 0.0)
        w = e / jnp.sum(e)
        zf = jnp.zeros((_Q, 16 - _NP), jnp.float32)
        idx_ref[...] = idx
        w_ref[...] = jnp.concatenate([w, zf], axis=1)

    emit(*topk_qsub(dist2_qsub(ctAs, ctBl), _NP), idx_ab, w_ab)
    emit(*topk_qsub(dist2_qsub(ctAs, ctAl), _NP), idx_bb, w_bb)

    d = jnp.zeros((_Q, _Q), jnp.float32)
    for c in range(3):
        diff = ctAs[:, c:c + 1] - ctBl[c:c + 1, :]
        d = d + diff * diff
    d = jnp.where(i0 >= _N, _INF, d)
    sels = []
    for j in range(_K4):
        mn = jnp.min(d, axis=0, keepdims=True)
        sel = jnp.min(jnp.where(d == mn, i0, _Q), axis=0, keepdims=True)
        sels.append(sel)
        d = jnp.where(i0 == sel, _INF, d)
    idx_pp[...] = jnp.concatenate(sels, axis=0)


def _stage_a(*args):
    f32, i32 = jnp.float32, jnp.int32
    outs = (
        jax.ShapeDtypeStruct((2, _Q, _CF), f32),
        jax.ShapeDtypeStruct((2, _Q, _CF), f32),
        jax.ShapeDtypeStruct((_Q, _NP), i32),
        jax.ShapeDtypeStruct((_Q, 16), f32),
        jax.ShapeDtypeStruct((_Q, _NP), i32),
        jax.ShapeDtypeStruct((_Q, 16), f32),
        jax.ShapeDtypeStruct((_K4, _Q), i32),
    )
    return pl.pallas_call(_stage_a_body, out_shape=outs)(*args)



_QS = _Q // 16
_GS = _QS * _NP


def _sc_pool():
    f32, i32 = jnp.float32, jnp.int32
    mesh = plsc.VectorSubcoreMesh(core_axis_name="c", subcore_axis_name="s",
                                  num_cores=2, num_subcores=16)
    scratch = [
        pltpu.VMEM((4, _GH), i32),
        pltpu.VMEM((_QS * 16,), f32),
        pltpu.VMEM((4, _GH), i32),
        pltpu.VMEM((_QS * 16,), f32),
        pltpu.VMEM((_GS, _CF), f32),
        pltpu.VMEM((_QS, _CF), f32),
        pltpu.VMEM((_QS, _CF), f32),
        pltpu.VMEM((_QS, _CF), f32),
        pltpu.VMEM_SHARED((_Q, _CF), f32),
        pltpu.SemaphoreType.DMA,
        pltpu.SemaphoreType.DMA,
    ]
    out_type = (jax.ShapeDtypeStruct((2, _Q, _CF), f32),
                jax.ShapeDtypeStruct((2, _Q, _CF), f32))

    @functools.partial(pl.kernel, out_type=out_type, mesh=mesh,
                       scratch_types=scratch)
    def k(idxa_hbm, wa_hbm, idxb_hbm, wb_hbm, tabG, ownG,
          diffG, sG, idx_v, w_v, idx2_v, w2_v, rows, own_v, oD, oS, spm,
          sem, sem2):
        c = lax.axis_index("c")
        s = lax.axis_index("s")
        bq = s * _QS

        def pool(oref, sub, wv):
            @plsc.parallel_loop(0, _QS, 1, unroll=2)
            def body(q):
                b0 = q * _NP
                wq = wv[pl.ds(q * 16, 16)]
                for ch in range(_CF // 16):
                    sl = pl.ds(ch * 16, 16)
                    m = rows[b0, sl] * wq[0]
                    for j in range(1, _NP):
                        m = jnp.maximum(m, rows[b0 + j, sl] * wq[j])
                    if sub:
                        oref[q, sl] = own_v[q, sl] - m
                    else:
                        oref[q, sl] = m

        pltpu.sync_copy(idxa_hbm.at[pl.ds(s * 4, 4)], idx_v)
        pltpu.sync_copy(wa_hbm.at[pl.ds(s * _QS * 16, _QS * 16)], w_v)
        cps = [pltpu.async_copy(tabG.at[c].at[idx_v.at[h]],
                                rows.at[pl.ds(h * _GH, _GH)], sem)
               for h in range(4)]
        pltpu.sync_copy(ownG.at[c].at[pl.ds(bq, _QS)], own_v)
        pltpu.sync_copy(idxb_hbm.at[pl.ds(s * 4, 4)], idx2_v)
        pltpu.sync_copy(wb_hbm.at[pl.ds(s * _QS * 16, _QS * 16)], w2_v)
        for cp in cps:
            cp.wait()
        pool(oD, True, w_v)
        pltpu.sync_copy(oD, spm.at[pl.ds(bq, _QS)])
        hbm_cp = pltpu.async_copy(oD, diffG.at[c].at[pl.ds(bq, _QS)], sem2)
        plsc.subcore_barrier()

        cps = [pltpu.async_copy(spm.at[idx2_v.at[h]],
                                rows.at[pl.ds(h * _GH, _GH)], sem)
               for h in range(4)]
        for cp in cps:
            cp.wait()
        pool(oS, False, w2_v)
        pltpu.sync_copy(oS, sG.at[c].at[pl.ds(bq, _QS)])
        hbm_cp.wait()

    return k



def _stage_e_body(diffG, sG, tgt_r, cur_r, ipp,
                  wfc1, bfc1, wfc2, bfc2, wfu, bfu,
                  wp1, bp1, wp2, bp2, wp3, bp3, out):
    fi = _mm(jnp.concatenate([diffG[0], sG[1]], axis=1), wfc1[...]) + bfc1[...]
    fp = _mm(jnp.concatenate([diffG[1], sG[0]], axis=1), wfc2[...]) + bfc2[...]
    ft = _mm(jnp.concatenate([fp, fi], axis=1), wfu[...]) + bfu[...]
    x = _mm(ft, wp1[...]) + bp1[...]
    x = _lrelu(_mm(x, wp2[...]) + bp2[...])
    x = _mm(x, wp3[...]) + bp3[...]
    xT = jnp.transpose(x)
    tf = jnp.concatenate(
        [tgt_r[0] * xT[:, :_N], jnp.zeros((160, _Q - _N), jnp.float32)],
        axis=1)
    ii = lax.broadcasted_iota(jnp.int32, (_Q, _Q), 0)
    ippv = ipp[...]
    s = jnp.zeros((_Q, _Q), jnp.float32)
    for j in range(_K4):
        s = s + jnp.where(ii == ippv[j:j + 1, :], 1.0, 0.0)
    g = lax.dot_general(tf, s, (((1,), (0,)), ((), ())),
                        preferred_element_type=jnp.float32)
    out[...] = cur_r[0] + 0.25 * g[:, :_N]


def _stage_e(*args):
    return pl.pallas_call(
        _stage_e_body,
        out_shape=jax.ShapeDtypeStruct((160, _N), jnp.float32))(*args)



def kernel(img, cloud, img_tar, cloud_tar, current_feat, target_feat,
           w_conv1, b_conv1, w_conv2, b_conv2, w_pconv1, b_pconv1,
           w_pconv2, b_pconv2, w_fc1, b_fc1, w_fc2, b_fc2,
           w_fuse2, b_fuse2, w_pn1, b_pn1, w_pn2, b_pn2, w_pn3, b_pn3):
    row = lambda b: b[None, :]

    (fG, ownG, idx_ab, w_ab, idx_bb, w_bb, idx_pp) = _stage_a(
        img, cloud, img_tar, cloud_tar,
        w_conv1, row(b_conv1), w_conv2, row(b_conv2),
        w_pconv1, row(b_pconv1), w_pconv2, row(b_pconv2))

    idx_ab_f = idx_ab.reshape(-1, _GH)
    idx_bb_f = idx_bb.reshape(-1, _GH)
    w_ab_f = w_ab.reshape(-1)
    w_bb_f = w_bb.reshape(-1)

    diffG, sG = _sc_pool()(idx_ab_f, w_ab_f, idx_bb_f, w_bb_f, fG, ownG)

    outp = _stage_e(diffG, sG, target_feat, current_feat, idx_pp,
                    w_fc1, row(b_fc1), w_fc2, row(b_fc2),
                    w_fuse2, row(b_fuse2), w_pn1, row(b_pn1),
                    w_pn2, row(b_pn2), w_pn3, row(b_pn3))
    return outp[None]

# --- scband reference (transcript-rebuilt; emitter-appended) ---
"""Pipeline reference for scband-pseudo3-dconv-25383256719968 (READ-ONLY COPY).

The authoritative reference and input builder live on the scoring server;
editing this copy changes nothing except your own understanding.
"""

import jax, jax.numpy as jnp
import numpy as np


def _c1(x, W, b):
    return jnp.einsum('oc,bcn->bon', W, x) + b[None, :, None]


def _lrelu(x):
    return jax.nn.leaky_relu(x, 0.01)


def _knn_idx(ref, query, k):
    # ref, query: (3, N); returns (M, k) indices of k nearest ref points per query
    d2 = jnp.sum((query.T[:, None, :] - ref.T[None, :, :]) ** 2, axis=-1)
    _, idx = jax.lax.top_k(-d2, k)
    return idx


def _norm(x):
    return jnp.sqrt(jnp.maximum(jnp.sum(x * x, axis=1), 1e-12))


def _forward(img, cloud, img_tar, cloud_tar, current_feat, target_feat,
             w_conv1, b_conv1, w_conv2, b_conv2, w_pconv1, b_pconv1, w_pconv2, b_pconv2,
             w_fc1, b_fc1, w_fc2, b_fc2, w_fuse2, b_fuse2,
             w_pn1, b_pn1, w_pn2, b_pn2, w_pn3, b_pn3):
    N = 500
    NP = 12
    ct = jnp.transpose(cloud, (0, 2, 1))       # (1,3,500)
    ctt = jnp.transpose(cloud_tar, (0, 2, 1))  # (1,3,500)
    inds = _knn_idx(ct[0], ctt[0], NP)          # (500,12) into cloud
    inds_self2 = _knn_idx(ctt[0], ctt[0], NP)   # (500,12) into cloud_tar
    inds_pp = _knn_idx(ctt[0], ct[0], 4)        # (500,4) into cloud_tar
    # bid_diff_fuse(img_tar, cloud_tar, img, cloud, inds_self2, inds)
    A_img, A_ct, B_img, B_ct = img_tar, ctt, img, ct
    idx_t = inds.reshape(-1)        # (6000,)
    idx_s = inds_self2.reshape(-1)  # (6000,)
    cloud_feat = _c1(_lrelu(_c1(A_ct, w_pconv1, b_pconv1)), w_pconv2, b_pconv2)      # (1,128,500)
    cloud_tar_feat = _c1(_lrelu(_c1(B_ct, w_pconv1, b_pconv1)), w_pconv2, b_pconv2)  # (1,128,500)
    sel_img_tar = B_img[:, :, idx_t]              # (1,32,6000)
    sel_pts_tar_feat = cloud_tar_feat[:, :, idx_t]  # (1,128,6000)
    current_point = jnp.repeat(A_ct, NP, axis=2)  # (1,3,6000)
    sel_pts_tar = B_ct[:, :, idx_t]
    sel_pts_self = A_ct[:, :, idx_s]
    w_ct = jax.nn.softmax(-_norm(current_point - sel_pts_tar), axis=1)  # (1,6000)
    sel_img_tar_feat = _c1(_lrelu(_c1(sel_img_tar, w_conv1, b_conv1)), w_conv2, b_conv2)  # (1,128,6000)
    sel_pts_tar_feat = sel_pts_tar_feat * w_ct[:, None, :]
    sel_img_tar_feat = sel_img_tar_feat * w_ct[:, None, :]
    sel_pts_tar_feat = sel_pts_tar_feat.reshape(1, 128, N, NP).max(axis=-1)
    sel_img_tar_feat = sel_img_tar_feat.reshape(1, 128, N, NP).max(axis=-1)
    img_feat = _c1(_lrelu(_c1(A_img, w_conv1, b_conv1)), w_conv2, b_conv2)  # (1,128,500)
    img_diff = img_feat - sel_img_tar_feat
    cloud_diff = cloud_feat - sel_pts_tar_feat
    sel_pts_self_diff = cloud_diff[:, :, idx_s]
    sel_img_self_diff = img_diff[:, :, idx_s]
    w_cc = jax.nn.softmax(-_norm(current_point - sel_pts_self), axis=1)
    sel_img_self_diff = (sel_img_self_diff * w_cc[:, None, :]).reshape(1, 128, N, NP).max(axis=-1)
    sel_pts_self_diff = (sel_pts_self_diff * w_cc[:, None, :]).reshape(1, 128, N, NP).max(axis=-1)
    fuse_i = _c1(jnp.concatenate([img_diff, sel_pts_self_diff], axis=1), w_fc1, b_fc1)  # (1,64,500)
    fuse_p = _c1(jnp.concatenate([cloud_diff, sel_img_self_diff], axis=1), w_fc2, b_fc2)  # (1,64,500)
    # back in forward
    fuse_t_c = _c1(jnp.concatenate([fuse_p, fuse_i], axis=1), w_fuse2, b_fuse2)  # (1,160,500)
    x = _c1(fuse_t_c, w_pn1, b_pn1)
    x = _lrelu(_c1(x, w_pn2, b_pn2))
    x = _c1(x, w_pn3, b_pn3)  # (1,160,500)
    tf = target_feat * x
    idx_pp = inds_pp.reshape(-1)  # (2000,)
    sel = tf[:, :, idx_pp]        # (1,160,2000)
    cur = jnp.repeat(current_feat, 4, axis=2)
    final = (cur + sel).reshape(1, 160, N, 4).mean(axis=-1)  # (1,160,500)
    return final


def setup_inputs(seed: int = 0):
    key = jax.random.key(seed)
    ks = jax.random.split(key, 40)
    def rn(i, shape, s=1.0):
        return jax.random.normal(ks[i], shape, dtype=jnp.float32) * s
    return {
        "img": rn(0, (1, 32, 500)),
        "cloud": rn(1, (1, 500, 3)),
        "img_tar": rn(2, (1, 32, 500)),
        "cloud_tar": rn(3, (1, 500, 3)),
        "current_feat": rn(4, (1, 160, 500)),
        "target_feat": rn(5, (1, 160, 500)),
        "w_conv1": rn(6, (64, 32), 0.05), "b_conv1": jnp.zeros((64,), jnp.float32),
        "w_conv2": rn(7, (128, 64), 0.05), "b_conv2": jnp.zeros((128,), jnp.float32),
        "w_pconv1": rn(8, (64, 3), 0.05), "b_pconv1": jnp.zeros((64,), jnp.float32),
        "w_pconv2": rn(9, (128, 64), 0.05), "b_pconv2": jnp.zeros((128,), jnp.float32),
        "w_fc1": rn(10, (64, 256), 0.05), "b_fc1": jnp.zeros((64,), jnp.float32),
        "w_fc2": rn(11, (64, 256), 0.05), "b_fc2": jnp.zeros((64,), jnp.float32),
        "w_fuse2": rn(12, (160, 128), 0.05), "b_fuse2": jnp.zeros((160,), jnp.float32),
        "w_pn1": rn(13, (256, 160), 0.05), "b_pn1": jnp.zeros((256,), jnp.float32),
        "w_pn2": rn(14, (1024, 256), 0.05), "b_pn2": jnp.zeros((1024,), jnp.float32),
        "w_pn3": rn(15, (160, 1024), 0.05), "b_pn3": jnp.zeros((160,), jnp.float32),
    }


def reference(img, cloud, img_tar, cloud_tar, current_feat, target_feat,
              w_conv1, b_conv1, w_conv2, b_conv2, w_pconv1, b_pconv1, w_pconv2, b_pconv2,
              w_fc1, b_fc1, w_fc2, b_fc2, w_fuse2, b_fuse2,
              w_pn1, b_pn1, w_pn2, b_pn2, w_pn3, b_pn3):
    return _forward(img, cloud, img_tar, cloud_tar, current_feat, target_feat,
                    w_conv1, b_conv1, w_conv2, b_conv2, w_pconv1, b_pconv1, w_pconv2, b_pconv2,
                    w_fc1, b_fc1, w_fc2, b_fc2, w_fuse2, b_fuse2,
                    w_pn1, b_pn1, w_pn2, b_pn2, w_pn3, b_pn3)

if __name__ == "__main__":
    import jax
    _d = setup_inputs()
    print(jax.jit(kernel)(*tuple(_d.values())))

</pallas_src>

<mosaic_0001>
#map = affine_map<(d0, d1) -> (0, 0)>
#map1 = affine_map<(d0, d1) -> (0)>
#map2 = affine_map<(d0, d1) -> (0, 0, 0)>
module attributes {stable_mosaic.version = 14 : i64} {
  func.func @k(%arg0: i32, %arg1: i32, %arg2: memref<64x96xi32, #tpu.memory_space<hbm>>, %arg3: memref<8192xf32, #tpu.memory_space<hbm>>, %arg4: memref<64x96xi32, #tpu.memory_space<hbm>>, %arg5: memref<8192xf32, #tpu.memory_space<hbm>>, %arg6: memref<2x512x128xf32, #tpu.memory_space<hbm>>, %arg7: memref<2x512x128xf32, #tpu.memory_space<hbm>>, %arg8: memref<2x512x128xf32, #tpu.memory_space<hbm>>, %arg9: memref<2x512x128xf32, #tpu.memory_space<hbm>>, %arg10: memref<4x96xi32, #tpu.memory_space<vmem>>, %arg11: memref<512xf32, #tpu.memory_space<vmem>>, %arg12: memref<4x96xi32, #tpu.memory_space<vmem>>, %arg13: memref<512xf32, #tpu.memory_space<vmem>>, %arg14: memref<384x128xf32, #tpu.memory_space<vmem>>, %arg15: memref<32x128xf32, #tpu.memory_space<vmem>>, %arg16: memref<32x128xf32, #tpu.memory_space<vmem>>, %arg17: memref<32x128xf32, #tpu.memory_space<vmem>>, %arg18: memref<512x128xf32, #tpu.memory_space<vmem_shared>>, %arg19: memref<!tpu.dma_semaphore, #tpu.memory_space<semaphore_mem>>, %arg20: memref<!tpu.dma_semaphore, #tpu.memory_space<semaphore_mem>>) attributes {dimension_semantics = [#tpu.dimension_semantics<core_parallel>, #tpu.dimension_semantics<subcore_parallel>], iteration_bounds = array<i64: 2, 16>, scalar_prefetch = 0 : i64, scratch_operands = 11 : i64, tpu.core_type = #tpu.core_type<sc_vector_subcore>, window_params = [{transform_indices = #map}, {transform_indices = #map1}, {transform_indices = #map}, {transform_indices = #map1}, {transform_indices = #map2}, {transform_indices = #map2}, {transform_indices = #map2}, {transform_indices = #map2}]} {
    %mul3A = arith.constant 32 : i32
    %mul3A_0 = arith.muli %arg1, %mul3A : i32
    %mul3A_1 = arith.constant 4 : i32
    %mul3A_2 = arith.muli %arg1, %mul3A_1 : i32
    "tpu.region"() ({
      %run_scoped3A = tpu.sem_alloc : memref<!tpu.dma_semaphore, #tpu.memory_space<semaphore_mem>>
      %dma_start3A_232 = arith.constant 0 : i32
      %dma_start3A_233 = tpu.memref_slice %arg2[%mul3A_2, %dma_start3A_232] : memref<64x96xi32, #tpu.memory_space<hbm>> -> memref<4x96xi32, #tpu.memory_space<hbm>>
      %dma_start3A_234 = arith.constant 0 : i32
      %dma_start3A_235 = tpu.memref_slice %arg2[%mul3A_2, %dma_start3A_234] : memref<64x96xi32, #tpu.memory_space<hbm>> -> memref<4x96xi32, #tpu.memory_space<hbm>>
      tpu.enqueue_dma source(%dma_start3A_235 : memref<4x96xi32, #tpu.memory_space<hbm>>) target(%arg10 : memref<4x96xi32, #tpu.memory_space<vmem>>) target_semaphore(%run_scoped3A : memref<!tpu.dma_semaphore, #tpu.memory_space<semaphore_mem>>)
      %dma_wait3A_236 = arith.constant 0 : i32
      %dma_wait3A_237 = tpu.memref_slice %arg2[%mul3A_2, %dma_wait3A_236] : memref<64x96xi32, #tpu.memory_space<hbm>> -> memref<4x96xi32, #tpu.memory_space<hbm>>
      %dma_wait3A_238 = arith.constant 0 : i32
      %dma_wait3A_239 = tpu.memref_slice %arg2[%mul3A_2, %dma_wait3A_238] : memref<64x96xi32, #tpu.memory_space<hbm>> -> memref<4x96xi32, #tpu.memory_space<hbm>>
      tpu.wait_dma2 semaphore(%run_scoped3A : memref<!tpu.dma_semaphore, #tpu.memory_space<semaphore_mem>>) src(%dma_wait3A_239 : memref<4x96xi32, #tpu.memory_space<hbm>>) dst(%arg10 : memref<4x96xi32, #tpu.memory_space<vmem>>)
      tpu.yield
    }) : () -> ()
    %mul3A_3 = arith.constant 32 : i32
    %mul3A_4 = arith.muli %arg1, %mul3A_3 : i32
    %mul3A_5 = arith.constant 16 : i32
    %mul3A_6 = arith.muli %mul3A_4, %mul3A_5 : i32
    "tpu.region"() ({
      %run_scoped3A = tpu.sem_alloc : memref<!tpu.dma_semaphore, #tpu.memory_space<semaphore_mem>>
      %dma_start3A_232 = tpu.memref_slice %arg3[%mul3A_6] : memref<8192xf32, #tpu.memory_space<hbm>> -> memref<512xf32, #tpu.memory_space<hbm>>
      %dma_start3A_233 = tpu.memref_slice %arg3[%mul3A_6] : memref<8192xf32, #tpu.memory_space<hbm>> -> memref<512xf32, #tpu.memory_space<hbm>>
      tpu.enqueue_dma source(%dma_start3A_233 : memref<512xf32, #tpu.memory_space<hbm>>) target(%arg11 : memref<512xf32, #tpu.memory_space<vmem>>) target_semaphore(%run_scoped3A : memref<!tpu.dma_semaphore, #tpu.memory_space<semaphore_mem>>)
      %dma_wait3A_234 = tpu.memref_slice %arg3[%mul3A_6] : memref<8192xf32, #tpu.memory_space<hbm>> -> memref<512xf32, #tpu.memory_space<hbm>>
      %dma_wait3A_235 = tpu.memref_slice %arg3[%mul3A_6] : memref<8192xf32, #tpu.memory_space<hbm>> -> memref<512xf32, #tpu.memory_space<hbm>>
      tpu.wait_dma2 semaphore(%run_scoped3A : memref<!tpu.dma_semaphore, #tpu.memory_space<semaphore_mem>>) src(%dma_wait3A_235 : memref<512xf32, #tpu.memory_space<hbm>>) dst(%arg11 : memref<512xf32, #tpu.memory_space<vmem>>)
      tpu.yield
    }) : () -> ()
    %dma_start3A = arith.constant 0 : i32
    %dma_start3A_7 = arith.constant 0 : i32
    %dma_start3A_8 = arith.constant 0 : i32
    %dma_start3A_9 = tpu.memref_slice %arg14[%dma_start3A_7, %dma_start3A_8] : memref<384x128xf32, #tpu.memory_space<vmem>> -> memref<96x128xf32, #tpu.memory_space<vmem>>
    %dma_start3A_10 = arith.constant 0 : i32
    %dma_start3A_11 = tpu.memref_slice %arg10[%dma_start3A, %dma_start3A_10] : memref<4x96xi32, #tpu.memory_space<vmem>> -> memref<1x96xi32, #tpu.memory_space<vmem>>
    %dma_start3A_12 = tpu.memref_squeeze %dma_start3A_11 : memref<1x96xi32, #tpu.memory_space<vmem>> -> memref<96xi32, #tpu.memory_space<vmem>>
    %dma_start3A_13 = arith.constant 0 : i32
    %dma_start3A_14 = arith.constant 0 : i32
    %dma_start3A_15 = tpu.memref_slice %arg6[%arg0, %dma_start3A_13, %dma_start3A_14] : memref<2x512x128xf32, #tpu.memory_space<hbm>> -> memref<1x512x128xf32, #tpu.memory_space<hbm>>
    %dma_start3A_16 = tpu.memref_squeeze %dma_start3A_15 : memref<1x512x128xf32, #tpu.memory_space<hbm>> -> memref<512x128xf32, #tpu.memory_space<hbm>>
    %dma_start3A_17 = arith.constant 0 : i32
    %dma_start3A_18 = arith.constant 0 : i32
    %dma_start3A_19 = tpu.memref_slice %dma_start3A_16[%dma_start3A_17, %dma_start3A_18] : memref<512x128xf32, #tpu.memory_space<hbm>> -> memref<512x128xf32, #tpu.memory_space<hbm>>
    tpu.enqueue_indirect_dma source(%dma_start3A_19 : memref<512x128xf32, #tpu.memory_space<hbm>>) target(%dma_start3A_9 : memref<96x128xf32, #tpu.memory_space<vmem>>) offsets(%dma_start3A_12 : memref<96xi32, #tpu.memory_space<vmem>>) semaphore(%arg19 : memref<!tpu.dma_semaphore, #tpu.memory_space<semaphore_mem>>)
    %dma_start3A_20 = arith.constant 1 : i32
    %dma_start3A_21 = arith.constant 96 : i32
    %dma_start3A_22 = arith.constant 0 : i32
    %dma_start3A_23 = tpu.memref_slice %arg14[%dma_start3A_21, %dma_start3A_22] : memref<384x128xf32, #tpu.memory_space<vmem>> -> memref<96x128xf32, #tpu.memory_space<vmem>>
    %dma_start3A_24 = arith.constant 0 : i32
    %dma_start3A_25 = tpu.memref_slice %arg10[%dma_start3A_20, %dma_start3A_24] : memref<4x96xi32, #tpu.memory_space<vmem>> -> memref<1x96xi32, #tpu.memory_space<vmem>>
    %dma_start3A_26 = tpu.memref_squeeze %dma_start3A_25 : memref<1x96xi32, #tpu.memory_space<vmem>> -> memref<96xi32, #tpu.memory_space<vmem>>
    %dma_start3A_27 = arith.constant 0 : i32
    %dma_start3A_28 = arith.constant 0 : i32
    %dma_start3A_29 = tpu.memref_slice %arg6[%arg0, %dma_start3A_27, %dma_start3A_28] : memref<2x512x128xf32, #tpu.memory_space<hbm>> -> memref<1x512x128xf32, #tpu.memory_space<hbm>>
    %dma_start3A_30 = tpu.memref_squeeze %dma_start3A_29 : memref<1x512x128xf32, #tpu.memory_space<hbm>> -> memref<512x128xf32, #tpu.memory_space<hbm>>
    %dma_start3A_31 = arith.constant 0 : i32
    %dma_start3A_32 = arith.constant 0 : i32
    %dma_start3A_33 = tpu.memref_slice %dma_start3A_30[%dma_start3A_31, %dma_start3A_32] : memref<512x128xf32, #tpu.memory_space<hbm>> -> memref<512x128xf32, #tpu.memory_space<hbm>>
    tpu.enqueue_indirect_dma source(%dma_start3A_33 : memref<512x128xf32, #tpu.memory_space<hbm>>) target(%dma_start3A_23 : memref<96x128xf32, #tpu.memory_space<vmem>>) offsets(%dma_start3A_26 : memref<96xi32, #tpu.memory_space<vmem>>) semaphore(%arg19 : memref<!tpu.dma_semaphore, #tpu.memory_space<semaphore_mem>>)
    %dma_start3A_34 = arith.constant 2 : i32
    %dma_start3A_35 = arith.constant 192 : i32
    %dma_start3A_36 = arith.constant 0 : i32
    %dma_start3A_37 = tpu.memref_slice %arg14[%dma_start3A_35, %dma_start3A_36] : memref<384x128xf32, #tpu.memory_space<vmem>> -> memref<96x128xf32, #tpu.memory_space<vmem>>
    %dma_start3A_38 = arith.constant 0 : i32
    %dma_start3A_39 = tpu.memref_slice %arg10[%dma_start3A_34, %dma_start3A_38] : memref<4x96xi32, #tpu.memory_space<vmem>> -> memref<1x96xi32, #tpu.memory_space<vmem>>
    %dma_start3A_40 = tpu.memref_squeeze %dma_start3A_39 : memref<1x96xi32, #tpu.memory_space<vmem>> -> memref<96xi32, #tpu.memory_space<vmem>>
    %dma_start3A_41 = arith.constant 0 : i32
    %dma_start3A_42 = arith.constant 0 : i32
    %dma_start3A_43 = tpu.memref_slice %arg6[%arg0, %dma_start3A_41, %dma_start3A_42] : memref<2x512x128xf32, #tpu.memory_space<hbm>> -> memref<1x512x128xf32, #tpu.memory_space<hbm>>
    %dma_start3A_44 = tpu.memref_squeeze %dma_start3A_43 : memref<1x512x128xf32, #tpu.memory_space<hbm>> -> memref<512x128xf32, #tpu.memory_space<hbm>>
    %dma_start3A_45 = arith.constant 0 : i32
    %dma_start3A_46 = arith.constant 0 : i32
    %dma_start3A_47 = tpu.memref_slice %dma_start3A_44[%dma_start3A_45, %dma_start3A_46] : memref<512x128xf32, #tpu.memory_space<hbm>> -> memref<512x128xf32, #tpu.memory_space<hbm>>
    tpu.enqueue_indirect_dma source(%dma_start3A_47 : memref<512x128xf32, #tpu.memory_space<hbm>>) target(%dma_start3A_37 : memref<96x128xf32, #tpu.memory_space<vmem>>) offsets(%dma_start3A_40 : memref<96xi32, #tpu.memory_space<vmem>>) semaphore(%arg19 : memref<!tpu.dma_semaphore, #tpu.memory_space<semaphore_mem>>)
    %dma_start3A_48 = arith.constant 3 : i32
    %dma_start3A_49 = arith.constant 288 : i32
    %dma_start3A_50 = arith.constant 0 : i32
    %dma_start3A_51 = tpu.memref_slice %arg14[%dma_start3A_49, %dma_start3A_50] : memref<384x128xf32, #tpu.memory_space<vmem>> -> memref<96x128xf32, #tpu.memory_space<vmem>>
    %dma_start3A_52 = arith.constant 0 : i32
    %dma_start3A_53 = tpu.memref_slice %arg10[%dma_start3A_48, %dma_start3A_52] : memref<4x96xi32, #tpu.memory_space<vmem>> -> memref<1x96xi32, #tpu.memory_space<vmem>>
    %dma_start3A_54 = tpu.memref_squeeze %dma_start3A_53 : memref<1x96xi32, #tpu.memory_space<vmem>> -> memref<96xi32, #tpu.memory_space<vmem>>
    %dma_start3A_55 = arith.constant 0 : i32
    %dma_start3A_56 = arith.constant 0 : i32
    %dma_start3A_57 = tpu.memref_slice %arg6[%arg0, %dma_start3A_55, %dma_start3A_56] : memref<2x512x128xf32, #tpu.memory_space<hbm>> -> memref<1x512x128xf32, #tpu.memory_space<hbm>>
    %dma_start3A_58 = tpu.memref_squeeze %dma_start3A_57 : memref<1x512x128xf32, #tpu.memory_space<hbm>> -> memref<512x128xf32, #tpu.memory_space<hbm>>
    %dma_start3A_59 = arith.constant 0 : i32
    %dma_start3A_60 = arith.constant 0 : i32
    %dma_start3A_61 = tpu.memref_slice %dma_start3A_58[%dma_start3A_59, %dma_start3A_60] : memref<512x128xf32, #tpu.memory_space<hbm>> -> memref<512x128xf32, #tpu.memory_space<hbm>>
    tpu.enqueue_indirect_dma source(%dma_start3A_61 : memref<512x128xf32, #tpu.memory_space<hbm>>) target(%dma_start3A_51 : memref<96x128xf32, #tpu.memory_space<vmem>>) offsets(%dma_start3A_54 : memref<96xi32, #tpu.memory_space<vmem>>) semaphore(%arg19 : memref<!tpu.dma_semaphore, #tpu.memory_space<semaphore_mem>>)
    "tpu.region"() ({
      %run_scoped3A = tpu.sem_alloc : memref<!tpu.dma_semaphore, #tpu.memory_space<semaphore_mem>>
      %dma_start3A_232 = arith.constant 0 : i32
      %dma_start3A_233 = arith.constant 0 : i32
      %dma_start3A_234 = tpu.memref_slice %arg7[%arg0, %dma_start3A_232, %dma_start3A_233] : memref<2x512x128xf32, #tpu.memory_space<hbm>> -> memref<1x512x128xf32, #tpu.memory_space<hbm>>
      %dma_start3A_235 = tpu.memref_squeeze %dma_start3A_234 : memref<1x512x128xf32, #tpu.memory_space<hbm>> -> memref<512x128xf32, #tpu.memory_space<hbm>>
      %dma_start3A_236 = arith.constant 0 : i32
      %dma_start3A_237 = tpu.memref_slice %dma_start3A_235[%mul3A_0, %dma_start3A_236] : memref<512x128xf32, #tpu.memory_space<hbm>> -> memref<32x128xf32, #tpu.memory_space<hbm>>
      %dma_start3A_238 = arith.constant 0 : i32
      %dma_start3A_239 = arith.constant 0 : i32
      %dma_start3A_240 = tpu.memref_slice %arg7[%arg0, %dma_start3A_238, %dma_start3A_239] : memref<2x512x128xf32, #tpu.memory_space<hbm>> -> memref<1x512x128xf32, #tpu.memory_space<hbm>>
      %dma_start3A_241 = tpu.memref_squeeze %dma_start3A_240 : memref<1x512x128xf32, #tpu.memory_space<hbm>> -> memref<512x128xf32, #tpu.memory_space<hbm>>
      %dma_start3A_242 = arith.constant 0 : i32
      %dma_start3A_243 = tpu.memref_slice %dma_start3A_241[%mul3A_0, %dma_start3A_242] : memref<512x128xf32, #tpu.memory_space<hbm>> -> memref<32x128xf32, #tpu.memory_space<hbm>>
      tpu.enqueue_dma source(%dma_start3A_243 : memref<32x128xf32, #tpu.memory_space<hbm>>) target(%arg15 : memref<32x128xf32, #tpu.memory_space<vmem>>) target_semaphore(%run_scoped3A : memref<!tpu.dma_semaphore, #tpu.memory_space<semaphore_mem>>)
      %dma_wait3A_244 = arith.constant 0 : i32
      %dma_wait3A_245 = arith.constant 0 : i32
      %dma_wait3A_246 = tpu.memref_slice %arg7[%arg0, %dma_wait3A_244, %dma_wait3A_245] : memref<2x512x128xf32, #tpu.memory_space<hbm>> -> memref<1x512x128xf32, #tpu.memory_space<hbm>>
      %dma_wait3A_247 = tpu.memref_squeeze %dma_wait3A_246 : memref<1x512x128xf32, #tpu.memory_space<hbm>> -> memref<512x128xf32, #tpu.memory_space<hbm>>
      %dma_wait3A_248 = arith.constant 0 : i32
      %dma_wait3A_249 = tpu.memref_slice %dma_wait3A_247[%mul3A_0, %dma_wait3A_248] : memref<512x128xf32, #tpu.memory_space<hbm>> -> memref<32x128xf32, #tpu.memory_space<hbm>>
      %dma_wait3A_250 = arith.constant 0 : i32
      %dma_wait3A_251 = arith.constant 0 : i32
      %dma_wait3A_252 = tpu.memref_slice %arg7[%arg0, %dma_wait3A_250, %dma_wait3A_251] : memref<2x512x128xf32, #tpu.memory_space<hbm>> -> memref<1x512x128xf32, #tpu.memory_space<hbm>>
      %dma_wait3A_253 = tpu.memref_squeeze %dma_wait3A_252 : memref<1x512x128xf32, #tpu.memory_space<hbm>> -> memref<512x128xf32, #tpu.memory_space<hbm>>
      %dma_wait3A_254 = arith.constant 0 : i32
      %dma_wait3A_255 = tpu.memref_slice %dma_wait3A_253[%mul3A_0, %dma_wait3A_254] : memref<512x128xf32, #tpu.memory_space<hbm>> -> memref<32x128xf32, #tpu.memory_space<hbm>>
      tpu.wait_dma2 semaphore(%run_scoped3A : memref<!tpu.dma_semaphore, #tpu.memory_space<semaphore_mem>>) src(%dma_wait3A_255 : memref<32x128xf32, #tpu.memory_space<hbm>>) dst(%arg15 : memref<32x128xf32, #tpu.memory_space<vmem>>)
      tpu.yield
    }) : () -> ()
    %mul3A_62 = arith.constant 4 : i32
    %mul3A_63 = arith.muli %arg1, %mul3A_62 : i32
    "tpu.region"() ({
      %run_scoped3A = tpu.sem_alloc : memref<!tpu.dma_semaphore, #tpu.memory_space<semaphore_mem>>
      %dma_start3A_232 = arith.constant 0 : i32
      %dma_start3A_233 = tpu.memref_slice %arg4[%mul3A_63, %dma_start3A_232] : memref<64x96xi32, #tpu.memory_space<hbm>> -> memref<4x96xi32, #tpu.memory_space<hbm>>
      %dma_start3A_234 = arith.constant 0 : i32
      %dma_start3A_235 = tpu.memref_slice %arg4[%mul3A_63, %dma_start3A_234] : memref<64x96xi32, #tpu.memory_space<hbm>> -> memref<4x96xi32, #tpu.memory_space<hbm>>
      tpu.enqueue_dma source(%dma_start3A_235 : memref<4x96xi32, #tpu.memory_space<hbm>>) target(%arg12 : memref<4x96xi32, #tpu.memory_space<vmem>>) target_semaphore(%run_scoped3A : memref<!tpu.dma_semaphore, #tpu.memory_space<semaphore_mem>>)
      %dma_wait3A_236 = arith.constant 0 : i32
      %dma_wait3A_237 = tpu.memref_slice %arg4[%mul3A_63, %dma_wait3A_236] : memref<64x96xi32, #tpu.memory_space<hbm>> -> memref<4x96xi32, #tpu.memory_space<hbm>>
      %dma_wait3A_238 = arith.constant 0 : i32
      %dma_wait3A_239 = tpu.memref_slice %arg4[%mul3A_63, %dma_wait3A_238] : memref<64x96xi32, #tpu.memory_space<hbm>> -> memref<4x96xi32, #tpu.memory_space<hbm>>
      tpu.wait_dma2 semaphore(%run_scoped3A : memref<!tpu.dma_semaphore, #tpu.memory_space<semaphore_mem>>) src(%dma_wait3A_239 : memref<4x96xi32, #tpu.memory_space<hbm>>) dst(%arg12 : memref<4x96xi32, #tpu.memory_space<vmem>>)
      tpu.yield
    }) : () -> ()
    %mul3A_64 = arith.constant 32 : i32
    %mul3A_65 = arith.muli %arg1, %mul3A_64 : i32
    %mul3A_66 = arith.constant 16 : i32
    %mul3A_67 = arith.muli %mul3A_65, %mul3A_66 : i32
    "tpu.region"() ({
      %run_scoped3A = tpu.sem_alloc : memref<!tpu.dma_semaphore, #tpu.memory_space<semaphore_mem>>
      %dma_start3A_232 = tpu.memref_slice %arg5[%mul3A_67] : memref<8192xf32, #tpu.memory_space<hbm>> -> memref<512xf32, #tpu.memory_space<hbm>>
      %dma_start3A_233 = tpu.memref_slice %arg5[%mul3A_67] : memref<8192xf32, #tpu.memory_space<hbm>> -> memref<512xf32, #tpu.memory_space<hbm>>
      tpu.enqueue_dma source(%dma_start3A_233 : memref<512xf32, #tpu.memory_space<hbm>>) target(%arg13 : memref<512xf32, #tpu.memory_space<vmem>>) target_semaphore(%run_scoped3A : memref<!tpu.dma_semaphore, #tpu.memory_space<semaphore_mem>>)
      %dma_wait3A_234 = tpu.memref_slice %arg5[%mul3A_67] : memref<8192xf32, #tpu.memory_space<hbm>> -> memref<512xf32, #tpu.memory_space<hbm>>
      %dma_wait3A_235 = tpu.memref_slice %arg5[%mul3A_67] : memref<8192xf32, #tpu.memory_space<hbm>> -> memref<512xf32, #tpu.memory_space<hbm>>
      tpu.wait_dma2 semaphore(%run_scoped3A : memref<!tpu.dma_semaphore, #tpu.memory_space<semaphore_mem>>) src(%dma_wait3A_235 : memref<512xf32, #tpu.memory_space<hbm>>) dst(%arg13 : memref<512xf32, #tpu.memory_space<vmem>>)
      tpu.yield
    }) : () -> ()
    %dma_wait3A = arith.constant 0 : i32
    %dma_wait3A_68 = arith.constant 0 : i32
    %dma_wait3A_69 = arith.constant 0 : i32
    %dma_wait3A_70 = tpu.memref_slice %arg14[%dma_wait3A_68, %dma_wait3A_69] : memref<384x128xf32, #tpu.memory_space<vmem>> -> memref<96x128xf32, #tpu.memory_space<vmem>>
    %dma_wait3A_71 = arith.constant 0 : i32
    %dma_wait3A_72 = tpu.memref_slice %arg10[%dma_wait3A, %dma_wait3A_71] : memref<4x96xi32, #tpu.memory_space<vmem>> -> memref<1x96xi32, #tpu.memory_space<vmem>>
    %dma_wait3A_73 = tpu.memref_squeeze %dma_wait3A_72 : memref<1x96xi32, #tpu.memory_space<vmem>> -> memref<96xi32, #tpu.memory_space<vmem>>
    %dma_wait3A_74 = arith.constant 0 : i32
    %dma_wait3A_75 = arith.constant 0 : i32
    %dma_wait3A_76 = tpu.memref_slice %arg6[%arg0, %dma_wait3A_74, %dma_wait3A_75] : memref<2x512x128xf32, #tpu.memory_space<hbm>> -> memref<1x512x128xf32, #tpu.memory_space<hbm>>
    %dma_wait3A_77 = tpu.memref_squeeze %dma_wait3A_76 : memref<1x512x128xf32, #tpu.memory_space<hbm>> -> memref<512x128xf32, #tpu.memory_space<hbm>>
    %dma_wait3A_78 = arith.constant 0 : i32
    %dma_wait3A_79 = arith.constant 0 : i32
    %dma_wait3A_80 = tpu.memref_slice %dma_wait3A_77[%dma_wait3A_78, %dma_wait3A_79] : memref<512x128xf32, #tpu.memory_space<hbm>> -> memref<512x128xf32, #tpu.memory_space<hbm>>
    tpu.wait_indirect_dma semaphore(%arg19 : memref<!tpu.dma_semaphore, #tpu.memory_space<semaphore_mem>>) src(%dma_wait3A_80 : memref<512x128xf32, #tpu.memory_space<hbm>>) dst(%dma_wait3A_70 : memref<96x128xf32, #tpu.memory_space<vmem>>)
    %dma_wait3A_81 = arith.constant 1 : i32
    %dma_wait3A_82 = arith.constant 96 : i32
    %dma_wait3A_83 = arith.constant 0 : i32
    %dma_wait3A_84 = tpu.memref_slice %arg14[%dma_wait3A_82, %dma_wait3A_83] : memref<384x128xf32, #tpu.memory_space<vmem>> -> memref<96x128xf32, #tpu.memory_space<vmem>>
    %dma_wait3A_85 = arith.constant 0 : i32
    %dma_wait3A_86 = tpu.memref_slice %arg10[%dma_wait3A_81, %dma_wait3A_85] : memref<4x96xi32, #tpu.memory_space<vmem>> -> memref<1x96xi32, #tpu.memory_space<vmem>>
    %dma_wait3A_87 = tpu.memref_squeeze %dma_wait3A_86 : memref<1x96xi32, #tpu.memory_space<vmem>> -> memref<96xi32, #tpu.memory_space<vmem>>
    %dma_wait3A_88 = arith.constant 0 : i32
    %dma_wait3A_89 = arith.constant 0 : i32
    %dma_wait3A_90 = tpu.memref_slice %arg6[%arg0, %dma_wait3A_88, %dma_wait3A_89] : memref<2x512x128xf32, #tpu.memory_space<hbm>> -> memref<1x512x128xf32, #tpu.memory_space<hbm>>
    %dma_wait3A_91 = tpu.memref_squeeze %dma_wait3A_90 : memref<1x512x128xf32, #tpu.memory_space<hbm>> -> memref<512x128xf32, #tpu.memory_space<hbm>>
    %dma_wait3A_92 = arith.constant 0 : i32
    %dma_wait3A_93 = arith.constant 0 : i32
    %dma_wait3A_94 = tpu.memref_slice %dma_wait3A_91[%dma_wait3A_92, %dma_wait3A_93] : memref<512x128xf32, #tpu.memory_space<hbm>> -> memref<512x128xf32, #tpu.memory_space<hbm>>
    tpu.wait_indirect_dma semaphore(%arg19 : memref<!tpu.dma_semaphore, #tpu.memory_space<semaphore_mem>>) src(%dma_wait3A_94 : memref<512x128xf32, #tpu.memory_space<hbm>>) dst(%dma_wait3A_84 : memref<96x128xf32, #tpu.memory_space<vmem>>)
    %dma_wait3A_95 = arith.constant 2 : i32
    %dma_wait3A_96 = arith.constant 192 : i32
    %dma_wait3A_97 = arith.constant 0 : i32
    %dma_wait3A_98 = tpu.memref_slice %arg14[%dma_wait3A_96, %dma_wait3A_97] : memref<384x128xf32, #tpu.memory_space<vmem>> -> memref<96x128xf32, #tpu.memory_space<vmem>>
    %dma_wait3A_99 = arith.constant 0 : i32
    %dma_wait3A_100 = tpu.memref_slice %arg10[%dma_wait3A_95, %dma_wait3A_99] : memref<4x96xi32, #tpu.memory_space<vmem>> -> memref<1x96xi32, #tpu.memory_space<vmem>>
    %dma_wait3A_101 = tpu.memref_squeeze %dma_wait3A_100 : memref<1x96xi32, #tpu.memory_space<vmem>> -> memref<96xi32, #tpu.memory_space<vmem>>
    %dma_wait3A_102 = arith.constant 0 : i32
    %dma_wait3A_103 = arith.constant 0 : i32
    %dma_wait3A_104 = tpu.memref_slice %arg6[%arg0, %dma_wait3A_102, %dma_wait3A_103] : memref<2x512x128xf32, #tpu.memory_space<hbm>> -> memref<1x512x128xf32, #tpu.memory_space<hbm>>
    %dma_wait3A_105 = tpu.memref_squeeze %dma_wait3A_104 : memref<1x512x128xf32, #tpu.memory_space<hbm>> -> memref<512x128xf32, #tpu.memory_space<hbm>>
    %dma_wait3A_106 = arith.constant 0 : i32
    %dma_wait3A_107 = arith.constant 0 : i32
    %dma_wait3A_108 = tpu.memref_slice %dma_wait3A_105[%dma_wait3A_106, %dma_wait3A_107] : memref<512x128xf32, #tpu.memory_space<hbm>> -> memref<512x128xf32, #tpu.memory_space<hbm>>
    tpu.wait_indirect_dma semaphore(%arg19 : memref<!tpu.dma_semaphore, #tpu.memory_space<semaphore_mem>>) src(%dma_wait3A_108 : memref<512x128xf32, #tpu.memory_space<hbm>>) dst(%dma_wait3A_98 : memref<96x128xf32, #tpu.memory_space<vmem>>)
    %dma_wait3A_109 = arith.constant 3 : i32
    %dma_wait3A_110 = arith.constant 288 : i32
    %dma_wait3A_111 = arith.constant 0 : i32
    %dma_wait3A_112 = tpu.memref_slice %arg14[%dma_wait3A_110, %dma_wait3A_111] : memref<384x128xf32, #tpu.memory_space<vmem>> -> memref<96x128xf32, #tpu.memory_space<vmem>>
    %dma_wait3A_113 = arith.constant 0 : i32
    %dma_wait3A_114 = tpu.memref_slice %arg10[%dma_wait3A_109, %dma_wait3A_113] : memref<4x96xi32, #tpu.memory_space<vmem>> -> memref<1x96xi32, #tpu.memory_space<vmem>>
    %dma_wait3A_115 = tpu.memref_squeeze %dma_wait3A_114 : memref<1x96xi32, #tpu.memory_space<vmem>> -> memref<96xi32, #tpu.memory_space<vmem>>
    %dma_wait3A_116 = arith.constant 0 : i32
    %dma_wait3A_117 = arith.constant 0 : i32
    %dma_wait3A_118 = tpu.memref_slice %arg6[%arg0, %dma_wait3A_116, %dma_wait3A_117] : memref<2x512x128xf32, #tpu.memory_space<hbm>> -> memref<1x512x128xf32, #tpu.memory_space<hbm>>
    %dma_wait3A_119 = tpu.memref_squeeze %dma_wait3A_118 : memref<1x512x128xf32, #tpu.memory_space<hbm>> -> memref<512x128xf32, #tpu.memory_space<hbm>>
    %dma_wait3A_120 = arith.constant 0 : i32
    %dma_wait3A_121 = arith.constant 0 : i32
    %dma_wait3A_122 = tpu.memref_slice %dma_wait3A_119[%dma_wait3A_120, %dma_wait3A_121] : memref<512x128xf32, #tpu.memory_space<hbm>> -> memref<512x128xf32, #tpu.memory_space<hbm>>
    tpu.wait_indirect_dma semaphore(%arg19 : memref<!tpu.dma_semaphore, #tpu.memory_space<semaphore_mem>>) src(%dma_wait3A_122 : memref<512x128xf32, #tpu.memory_space<hbm>>) dst(%dma_wait3A_112 : memref<96x128xf32, #tpu.memory_space<vmem>>)
    %parallel_loop3A = arith.constant 0 : i32
    %parallel_loop3A_123 = arith.constant 32 : i32
    %parallel_loop3A_124 = arith.constant 1 : i32
    scf.for %parallel_loop3A_232 = %parallel_loop3A to %parallel_loop3A_123 step %parallel_loop3A_124  : i32 {
      %parallel_loop3A_233 = arith.constant 12 : i32
      %parallel_loop3A_234 = arith.muli %parallel_loop3A_232, %parallel_loop3A_233 : i32
      %parallel_loop3A_235 = arith.constant 16 : i32
      %parallel_loop3A_236 = arith.muli %parallel_loop3A_232, %parallel_loop3A_235 : i32
      %parallel_loop3A_237 = arith.index_cast %parallel_loop3A_236 : i32 to index
      %parallel_loop3A_238 = tpu.vector_load %arg11[%parallel_loop3A_237] {strides = array<i32>} : memref<512xf32, #tpu.memory_space<vmem>>, vector<16xf32>,
      %parallel_loop3A_239 = vector.shape_cast %parallel_loop3A_238 : vector<16xf32> to vector<16xf32>
      %parallel_loop3A_240 = arith.index_cast %parallel_loop3A_234 : i32 to index
      %parallel_loop3A_241 = arith.constant 0 : index
      %parallel_loop3A_242 = tpu.vector_load %arg14[%parallel_loop3A_240, %parallel_loop3A_241] {strides = array<i32>} : memref<384x128xf32, #tpu.memory_space<vmem>>, vector<1x16xf32>,
      %parallel_loop3A_243 = vector.shape_cast %parallel_loop3A_242 : vector<1x16xf32> to vector<16xf32>
      %parallel_loop3A_244 = vector.extract_strided_slice %parallel_loop3A_239 {offsets = [0], sizes = [1], strides = [1]} : vector<16xf32> to vector<1xf32>
      %parallel_loop3A_245 = vector.extract %parallel_loop3A_244[0] : f32 from vector<1xf32>
      %parallel_loop3A_246 = vector.broadcast %parallel_loop3A_245 : f32 to vector<16xf32>
      %parallel_loop3A_247 = arith.mulf %parallel_loop3A_243, %parallel_loop3A_246 : vector<16xf32>
      %parallel_loop3A_248 = arith.constant 1 : i32
      %parallel_loop3A_249 = arith.addi %parallel_loop3A_234, %parallel_loop3A_248 : i32
      %parallel_loop3A_250 = arith.index_cast %parallel_loop3A_249 : i32 to index
      %parallel_loop3A_251 = arith.constant 0 : index
      %parallel_loop3A_252 = tpu.vector_load %arg14[%parallel_loop3A_250, %parallel_loop3A_251] {strides = array<i32>} : memref<384x128xf32, #tpu.memory_space<vmem>>, vector<1x16xf32>,
      %parallel_loop3A_253 = vector.shape_cast %parallel_loop3A_252 : vector<1x16xf32> to vector<16xf32>
      %parallel_loop3A_254 = vector.extract_strided_slice %parallel_loop3A_239 {offsets = [1], sizes = [1], strides = [1]} : vector<16xf32> to vector<1xf32>
      %parallel_loop3A_255 = vector.extract %parallel_loop3A_254[0] : f32 from vector<1xf32>
      %parallel_loop3A_256 = vector.broadcast %parallel_loop3A_255 : f32 to vector<16xf32>
      %parallel_loop3A_257 = arith.mulf %parallel_loop3A_253, %parallel_loop3A_256 : vector<16xf32>
      %parallel_loop3A_258 = arith.maximumf %parallel_loop3A_247, %parallel_loop3A_257 : vector<16xf32>
      %parallel_loop3A_259 = arith.constant 2 : i32
      %parallel_loop3A_260 = arith.addi %parallel_loop3A_234, %parallel_loop3A_259 : i32
      %parallel_loop3A_261 = arith.index_cast %parallel_loop3A_260 : i32 to index
      %parallel_loop3A_262 = arith.constant 0 : index
      %parallel_loop3A_263 = tpu.vector_load %arg14[%parallel_loop3A_261, %parallel_loop3A_262] {strides = array<i32>} : memref<384x128xf32, #tpu.memory_space<vmem>>, vector<1x16xf32>,
      %parallel_loop3A_264 = vector.shape_cast %parallel_loop3A_263 : vector<1x16xf32> to vector<16xf32>
      %parallel_loop3A_265 = vector.extract_strided_slice %parallel_loop3A_239 {offsets = [2], sizes = [1], strides = [1]} : vector<16xf32> to vector<1xf32>
      %parallel_loop3A_266 = vector.extract %parallel_loop3A_265[0] : f32 from vector<1xf32>
      %parallel_loop3A_267 = vector.broadcast %parallel_loop3A_266 : f32 to vector<16xf32>
      %parallel_loop3A_268 = arith.mulf %parallel_loop3A_264, %parallel_loop3A_267 : vector<16xf32>
      %parallel_loop3A_269 = arith.maximumf %parallel_loop3A_258, %parallel_loop3A_268 : vector<16xf32>
      %parallel_loop3A_270 = arith.constant 3 : i32
      %parallel_loop3A_271 = arith.addi %parallel_loop3A_234, %parallel_loop3A_270 : i32
      %parallel_loop3A_272 = arith.index_cast %parallel_loop3A_271 : i32 to index
      %parallel_loop3A_273 = arith.constant 0 : index
      %parallel_loop3A_274 = tpu.vector_load %arg14[%parallel_loop3A_272, %parallel_loop3A_273] {strides = array<i32>} : memref<384x128xf32, #tpu.memory_space<vmem>>, vector<1x16xf32>,
      %parallel_loop3A_275 = vector.shape_cast %parallel_loop3A_274 : vector<1x16xf32> to vector<16xf32>
      %parallel_loop3A_276 = vector.extract_strided_slice %parallel_loop3A_239 {offsets = [3], sizes = [1], strides = [1]} : vector<16xf32> to vector<1xf32>
      %parallel_loop3A_277 = vector.extract %parallel_loop3A_276[0] : f32 from vector<1xf32>
      %parallel_loop3A_278 = vector.broadcast %parallel_loop3A_277 : f32 to vector<16xf32>
      %parallel_loop3A_279 = arith.mulf %parallel_loop3A_275, %parallel_loop3A_278 : vector<16xf32>
      %parallel_loop3A_280 = arith.maximumf %parallel_loop3A_269, %parallel_loop3A_279 : vector<16xf32>
      %parallel_loop3A_281 = arith.constant 4 : i32
      %parallel_loop3A_282 = arith.addi %parallel_loop3A_234, %parallel_loop3A_281 : i32
      %parallel_loop3A_283 = arith.index_cast %parallel_loop3A_282 : i32 to index
      %parallel_loop3A_284 = arith.constant 0 : index
      %parallel_loop3A_285 = tpu.vector_load %arg14[%parallel_loop3A_283, %parallel_loop3A_284] {strides = array<i32>} : memref<384x128xf32, #tpu.memory_space<vmem>>, vector<1x16xf32>,
      %parallel_loop3A_286 = vector.shape_cast %parallel_loop3A_285 : vector<1x16xf32> to vector<16xf32>
      %parallel_loop3A_287 = vector.extract_strided_slice %parallel_loop3A_239 {offsets = [4], sizes = [1], strides = [1]} : vector<16xf32> to vector<1xf32>
      %parallel_loop3A_288 = vector.extract %parallel_loop3A_287[0] : f32 from vector<1xf32>
      %parallel_loop3A_289 = vector.broadcast %parallel_loop3A_288 : f32 to vector<16xf32>
      %parallel_loop3A_290 = arith.mulf %parallel_loop3A_286, %parallel_loop3A_289 : vector<16xf32>
      %parallel_loop3A_291 = arith.maximumf %parallel_loop3A_280, %parallel_loop3A_290 : vector<16xf32>
      %parallel_loop3A_292 = arith.constant 5 : i32
      %parallel_loop3A_293 = arith.addi %parallel_loop3A_234, %parallel_loop3A_292 : i32
      %parallel_loop3A_294 = arith.index_cast %parallel_loop3A_293 : i32 to index
      %parallel_loop3A_295 = arith.constant 0 : index
      %parallel_loop3A_296 = tpu.vector_load %arg14[%parallel_loop3A_294, %parallel_loop3A_295] {strides = array<i32>} : memref<384x128xf32, #tpu.memory_space<vmem>>, vector<1x16xf32>,
      %parallel_loop3A_297 = vector.shape_cast %parallel_loop3A_296 : vector<1x16xf32> to vector<16xf32>
      %parallel_loop3A_298 = vector.extract_strided_slice %parallel_loop3A_239 {offsets = [5], sizes = [1], strides = [1]} : vector<16xf32> to vector<1xf32>
      %parallel_loop3A_299 = vector.extract %parallel_loop3A_298[0] : f32 from vector<1xf32>
      %parallel_loop3A_300 = vector.broadcast %parallel_loop3A_299 : f32 to vector<16xf32>
      %parallel_loop3A_301 = arith.mulf %parallel_loop3A_297, %parallel_loop3A_300 : vector<16xf32>
      %parallel_loop3A_302 = arith.maximumf %parallel_loop3A_291, %parallel_loop3A_301 : vector<16xf32>
      %parallel_loop3A_303 = arith.constant 6 : i32
      %parallel_loop3A_304 = arith.addi %parallel_loop3A_234, %parallel_loop3A_303 : i32
      %parallel_loop3A_305 = arith.index_cast %parallel_loop3A_304 : i32 to index
      %parallel_loop3A_306 = arith.constant 0 : index
      %parallel_loop3A_307 = tpu.vector_load %arg14[%parallel_loop3A_305, %parallel_loop3A_306] {strides = array<i32>} : memref<384x128xf32, #tpu.memory_space<vmem>>, vector<1x16xf32>,
      %parallel_loop3A_308 = vector.shape_cast %parallel_loop3A_307 : vector<1x16xf32> to vector<16xf32>
      %parallel_loop3A_309 = vector.extract_strided_slice %parallel_loop3A_239 {offsets = [6], sizes = [1], strides = [1]} : vector<16xf32> to vector<1xf32>
      %parallel_loop3A_310 = vector.extract %parallel_loop3A_309[0] : f32 from vector<1xf32>
      %parallel_loop3A_311 = vector.broadcast %parallel_loop3A_310 : f32 to vector<16xf32>
      %parallel_loop3A_312 = arith.mulf %parallel_loop3A_308, %parallel_loop3A_311 : vector<16xf32>
      %parallel_loop3A_313 = arith.maximumf %parallel_loop3A_302, %parallel_loop3A_312 : vector<16xf32>
      %parallel_loop3A_314 = arith.constant 7 : i32
      %parallel_loop3A_315 = arith.addi %parallel_loop3A_234, %parallel_loop3A_314 : i32
      %parallel_loop3A_316 = arith.index_cast %parallel_loop3A_315 : i32 to index
      %parallel_loop3A_317 = arith.constant 0 : index
      %parallel_loop3A_318 = tpu.vector_load %arg14[%parallel_loop3A_316, %parallel_loop3A_317] {strides = array<i32>} : memref<384x128xf32, #tpu.memory_space<vmem>>, vector<1x16xf32>,
      %parallel_loop3A_319 = vector.shape_cast %parallel_loop3A_318 : vector<1x16xf32> to vector<16xf32>
      %parallel_loop3A_320 = vector.extract_strided_slice %parallel_loop3A_239 {offsets = [7], sizes = [1], strides = [1]} : vector<16xf32> to vector<1xf32>
      %parallel_loop3A_321 = vector.extract %parallel_loop3A_320[0] : f32 from vector<1xf32>
      %parallel_loop3A_322 = vector.broadcast %parallel_loop3A_321 : f32 to vector<16xf32>
      %parallel_loop3A_323 = arith.mulf %parallel_loop3A_319, %parallel_loop3A_322 : vector<16xf32>
      %parallel_loop3A_324 = arith.maximumf %parallel_loop3A_313, %parallel_loop3A_323 : vector<16xf32>
      %parallel_loop3A_325 = arith.constant 8 : i32
      %parallel_loop3A_326 = arith.addi %parallel_loop3A_234, %parallel_loop3A_325 : i32
      %parallel_loop3A_327 = arith.index_cast %parallel_loop3A_326 : i32 to index
      %parallel_loop3A_328 = arith.constant 0 : index
      %parallel_loop3A_329 = tpu.vector_load %arg14[%parallel_loop3A_327, %parallel_loop3A_328] {strides = array<i32>} : memref<384x128xf32, #tpu.memory_space<vmem>>, vector<1x16xf32>,
      %parallel_loop3A_330 = vector.shape_cast %parallel_loop3A_329 : vector<1x16xf32> to vector<16xf32>
      %parallel_loop3A_331 = vector.extract_strided_slice %parallel_loop3A_239 {offsets = [8], sizes = [1], strides = [1]} : vector<16xf32> to vector<1xf32>
      %parallel_loop3A_332 = vector.extract %parallel_loop3A_331[0] : f32 from vector<1xf32>
      %parallel_loop3A_333 = vector.broadcast %parallel_loop3A_332 : f32 to vector<16xf32>
      %parallel_loop3A_334 = arith.mulf %parallel_loop3A_330, %parallel_loop3A_333 : vector<16xf32>
      %parallel_loop3A_335 = arith.maximumf %parallel_loop3A_324, %parallel_loop3A_334 : vector<16xf32>
      %parallel_loop3A_336 = arith.constant 9 : i32
      %parallel_loop3A_337 = arith.addi %parallel_loop3A_234, %parallel_loop3A_336 : i32
      %parallel_loop3A_338 = arith.index_cast %parallel_loop3A_337 : i32 to index
      %parallel_loop3A_339 = arith.constant 0 : index
      %parallel_loop3A_340 = tpu.vector_load %arg14[%parallel_loop3A_338, %parallel_loop3A_339] {strides = array<i32>} : memref<384x128xf32, #tpu.memory_space<vmem>>, vector<1x16xf32>,
      %parallel_loop3A_341 = vector.shape_cast %parallel_loop3A_340 : vector<1x16xf32> to vector<16xf32>
      %parallel_loop3A_342 = vector.extract_strided_slice %parallel_loop3A_239 {offsets = [9], sizes = [1], strides = [1]} : vector<16xf32> to vector<1xf32>
      %parallel_loop3A_343 = vector.extract %parallel_loop3A_342[0] : f32 from vector<1xf32>
      %parallel_loop3A_344 = vector.broadcast %parallel_loop3A_343 : f32 to vector<16xf32>
      %parallel_loop3A_345 = arith.mulf %parallel_loop3A_341, %parallel_loop3A_344 : vector<16xf32>
      %parallel_loop3A_346 = arith.maximumf %parallel_loop3A_335, %parallel_loop3A_345 : vector<16xf32>
      %parallel_loop3A_347 = arith.constant 10 : i32
      %parallel_loop3A_348 = arith.addi %parallel_loop3A_234, %parallel_loop3A_347 : i32
      %parallel_loop3A_349 = arith.index_cast %parallel_loop3A_348 : i32 to index
      %parallel_loop3A_350 = arith.constant 0 : index
      %parallel_loop3A_351 = tpu.vector_load %arg14[%parallel_loop3A_349, %parallel_loop3A_350] {strides = array<i32>} : memref<384x128xf32, #tpu.memory_space<vmem>>, vector<1x16xf32>,
      %parallel_loop3A_352 = vector.shape_cast %parallel_loop3A_351 : vector<1x16xf32> to vector<16xf32>
      %parallel_loop3A_353 = vector.extract_strided_slice %parallel_loop3A_239 {offsets = [10], sizes = [1], strides = [1]} : vector<16xf32> to vector<1xf32>
      %parallel_loop3A_354 = vector.extract %parallel_loop3A_353[0] : f32 from vector<1xf32>
      %parallel_loop3A_355 = vector.broadcast %parallel_loop3A_354 : f32 to vector<16xf32>
      %parallel_loop3A_356 = arith.mulf %parallel_loop3A_352, %parallel_loop3A_355 : vector<16xf32>
      %parallel_loop3A_357 = arith.maximumf %parallel_loop3A_346, %parallel_loop3A_356 : vector<16xf32>
      %parallel_loop3A_358 = arith.constant 11 : i32
      %parallel_loop3A_359 = arith.addi %parallel_loop3A_234, %parallel_loop3A_358 : i32
      %parallel_loop3A_360 = arith.index_cast %parallel_loop3A_359 : i32 to index
      %parallel_loop3A_361 = arith.constant 0 : index
      %parallel_loop3A_362 = tpu.vector_load %arg14[%parallel_loop3A_360, %parallel_loop3A_361] {strides = array<i32>} : memref<384x128xf32, #tpu.memory_space<vmem>>, vector<1x16xf32>,
      %parallel_loop3A_363 = vector.shape_cast %parallel_loop3A_362 : vector<1x16xf32> to vector<16xf32>
      %parallel_loop3A_364 = vector.extract_strided_slice %parallel_loop3A_239 {offsets = [11], sizes = [1], strides = [1]} : vector<16xf32> to vector<1xf32>
      %parallel_loop3A_365 = vector.extract %parallel_loop3A_364[0] : f32 from vector<1xf32>
      %parallel_loop3A_366 = vector.broadcast %parallel_loop3A_365 : f32 to vector<16xf32>
      %parallel_loop3A_367 = arith.mulf %parallel_loop3A_363, %parallel_loop3A_366 : vector<16xf32>
      %parallel_loop3A_368 = arith.maximumf %parallel_loop3A_357, %parallel_loop3A_367 : vector<16xf32>
      %parallel_loop3A_369 = arith.index_cast %parallel_loop3A_232 : i32 to index
      %parallel_loop3A_370 = arith.constant 0 : index
      %parallel_loop3A_371 = tpu.vector_load %arg15[%parallel_loop3A_369, %parallel_loop3A_370] {strides = array<i32>} : memref<32x128xf32, #tpu.memory_space<vmem>>, vector<1x16xf32>,
      %parallel_loop3A_372 = vector.shape_cast %parallel_loop3A_371 : vector<1x16xf32> to vector<16xf32>
      %parallel_loop3A_373 = arith.subf %parallel_loop3A_372, %parallel_loop3A_368 : vector<16xf32>
      %parallel_loop3A_374 = arith.index_cast %parallel_loop3A_232 : i32 to index
      %parallel_loop3A_375 = arith.constant 0 : index
      %parallel_loop3A_376 = tpu.vector_load %arg16[%parallel_loop3A_374, %parallel_loop3A_375] {strides = array<i32>} : memref<32x128xf32, #tpu.memory_space<vmem>>, vector<1x16xf32>,
      %parallel_loop3A_377 = vector.shape_cast %parallel_loop3A_376 : vector<1x16xf32> to vector<16xf32>
      %parallel_loop3A_378 = vector.shape_cast %parallel_loop3A_373 : vector<16xf32> to vector<1x16xf32>
      tpu.vector_store %arg16[%parallel_loop3A_374, %parallel_loop3A_375], %parallel_loop3A_378 {strides = array<i32>} : memref<32x128xf32, #tpu.memory_space<vmem>>, vector<1x16xf32>,
      %parallel_loop3A_379 = arith.index_cast %parallel_loop3A_234 : i32 to index
      %parallel_loop3A_380 = arith.constant 16 : index
      %parallel_loop3A_381 = tpu.vector_load %arg14[%parallel_loop3A_379, %parallel_loop3A_380] {strides = array<i32>} : memref<384x128xf32, #tpu.memory_space<vmem>>, vector<1x16xf32>,
      %parallel_loop3A_382 = vector.shape_cast %parallel_loop3A_381 : vector<1x16xf32> to vector<16xf32>
      %parallel_loop3A_383 = vector.extract_strided_slice %parallel_loop3A_239 {offsets = [0], sizes = [1], strides = [1]} : vector<16xf32> to vector<1xf32>
      %parallel_loop3A_384 = vector.extract %parallel_loop3A_383[0] : f32 from vector<1xf32>
      %parallel_loop3A_385 = vector.broadcast %parallel_loop3A_384 : f32 to vector<16xf32>
      %parallel_loop3A_386 = arith.mulf %parallel_loop3A_382, %parallel_loop3A_385 : vector<16xf32>
      %parallel_loop3A_387 = arith.constant 1 : i32
      %parallel_loop3A_388 = arith.addi %parallel_loop3A_234, %parallel_loop3A_387 : i32
      %parallel_loop3A_389 = arith.index_cast %parallel_loop3A_388 : i32 to index
      %parallel_loop3A_390 = arith.constant 16 : index
      %parallel_loop3A_391 = tpu.vector_load %arg14[%parallel_loop3A_389, %parallel_loop3A_390] {strides = array<i32>} : memref<384x128xf32, #tpu.memory_space<vmem>>, vector<1x16xf32>,
      %parallel_loop3A_392 = vector.shape_cast %parallel_loop3A_391 : vector<1x16xf32> to vector<16xf32>
      %parallel_loop3A_393 = vector.extract_strided_slice %parallel_loop3A_239 {offsets = [1], sizes = [1], strides = [1]} : vector<16xf32> to vector<1xf32>
      %parallel_loop3A_394 = vector.extract %parallel_loop3A_393[0] : f32 from vector<1xf32>
      %parallel_loop3A_395 = vector.broadcast %parallel_loop3A_394 : f32 to vector<16xf32>
      %parallel_loop3A_396 = arith.mulf %parallel_loop3A_392, %parallel_loop3A_395 : vector<16xf32>
      %parallel_loop3A_397 = arith.maximumf %parallel_loop3A_386, %parallel_loop3A_396 : vector<16xf32>
      %parallel_loop3A_398 = arith.constant 2 : i32
      %parallel_loop3A_399 = arith.addi %parallel_loop3A_234, %parallel_loop3A_398 : i32
      %parallel_loop3A_400 = arith.index_cast %parallel_loop3A_399 : i32 to index
      %parallel_loop3A_401 = arith.constant 16 : index
      %parallel_loop3A_402 = tpu.vector_load %arg14[%parallel_loop3A_400, %parallel_loop3A_401] {strides = array<i32>} : memref<384x128xf32, #tpu.memory_space<vmem>>, vector<1x16xf32>,
      %parallel_loop3A_403 = vector.shape_cast %parallel_loop3A_402 : vector<1x16xf32> to vector<16xf32>
      %parallel_loop3A_404 = vector.extract_strided_slice %parallel_loop3A_239 {offsets = [2], sizes = [1], strides = [1]} : vector<16xf32> to vector<1xf32>
      %parallel_loop3A_405 = vector.extract %parallel_loop3A_404[0] : f32 from vector<1xf32>
      %parallel_loop3A_406 = vector.broadcast %parallel_loop3A_405 : f32 to vector<16xf32>
      %parallel_loop3A_407 = arith.mulf %parallel_loop3A_403, %parallel_loop3A_406 : vector<16xf32>
      %parallel_loop3A_408 = arith.maximumf %parallel_loop3A_397, %parallel_loop3A_407 : vector<16xf32>
      %parallel_loop3A_409 = arith.constant 3 : i32
      %parallel_loop3A_410 = arith.addi %parallel_loop3A_234, %parallel_loop3A_409 : i32
      %parallel_loop3A_411 = arith.index_cast %parallel_loop3A_410 : i32 to index
      %parallel_loop3A_412 = arith.constant 16 : index
      %parallel_loop3A_413 = tpu.vector_load %arg14[%parallel_loop3A_411, %parallel_loop3A_412] {strides = array<i32>} : memref<384x128xf32, #tpu.memory_space<vmem>>, vector<1x16xf32>,
      %parallel_loop3A_414 = vector.shape_cast %parallel_loop3A_413 : vector<1x16xf32> to vector<16xf32>
      %parallel_loop3A_415 = vector.extract_strided_slice %parallel_loop3A_239 {offsets = [3], sizes = [1], strides = [1]} : vector<16xf32> to vector<1xf32>
      %parallel_loop3A_416 = vector.extract %parallel_loop3A_415[0] : f32 from vector<1xf32>
      %parallel_loop3A_417 = vector.broadcast %parallel_loop3A_416 : f32 to vector<16xf32>
      %parallel_loop3A_418 = arith.mulf %parallel_loop3A_414, %parallel_loop3A_417 : vector<16xf32>
      %parallel_loop3A_419 = arith.maximumf %parallel_loop3A_408, %parallel_loop3A_418 : vector<16xf32>
      %parallel_loop3A_420 = arith.constant 4 : i32
      %parallel_loop3A_421 = arith.addi %parallel_loop3A_234, %parallel_loop3A_420 : i32
      %parallel_loop3A_422 = arith.index_cast %parallel_loop3A_421 : i32 to index
      %parallel_loop3A_423 = arith.constant 16 : index
      %parallel_loop3A_424 = tpu.vector_load %arg14[%parallel_loop3A_422, %parallel_loop3A_423] {strides = array<i32>} : memref<384x128xf32, #tpu.memory_space<vmem>>, vector<1x16xf32>,
      %parallel_loop3A_425 = vector.shape_cast %parallel_loop3A_424 : vector<1x16xf32> to vector<16xf32>
      %parallel_loop3A_426 = vector.extract_strided_slice %parallel_loop3A_239 {offsets = [4], sizes = [1], strides = [1]} : vector<16xf32> to vector<1xf32>
      %parallel_loop3A_427 = vector.extract %parallel_loop3A_426[0] : f32 from vector<1xf32>
      %parallel_loop3A_428 = vector.broadcast %parallel_loop3A_427 : f32 to vector<16xf32>
      %parallel_loop3A_429 = arith.mulf %parallel_loop3A_425, %parallel_loop3A_428 : vector<16xf32>
      %parallel_loop3A_430 = arith.maximumf %parallel_loop3A_419, %parallel_loop3A_429 : vector<16xf32>
      %parallel_loop3A_431 = arith.constant 5 : i32
      %parallel_loop3A_432 = arith.addi %parallel_loop3A_234, %parallel_loop3A_431 : i32
      %parallel_loop3A_433 = arith.index_cast %parallel_loop3A_432 : i32 to index
      %parallel_loop3A_434 = arith.constant 16 : index
      %parallel_loop3A_435 = tpu.vector_load %arg14[%parallel_loop3A_433, %parallel_loop3A_434] {strides = array<i32>} : memref<384x128xf32, #tpu.memory_space<vmem>>, vector<1x16xf32>,
      %parallel_loop3A_436 = vector.shape_cast %parallel_loop3A_435 : vector<1x16xf32> to vector<16xf32>
      %parallel_loop3A_437 = vector.extract_strided_slice %parallel_loop3A_239 {offsets = [5], sizes = [1], strides = [1]} : vector<16xf32> to vector<1xf32>
      %parallel_loop3A_438 = vector.extract %parallel_loop3A_437[0] : f32 from vector<1xf32>
      %parallel_loop3A_439 = vector.broadcast %parallel_loop3A_438 : f32 to vector<16xf32>
      %parallel_loop3A_440 = arith.mulf %parallel_loop3A_436, %parallel_loop3A_439 : vector<16xf32>
      %parallel_loop3A_441 = arith.maximumf %parallel_loop3A_430, %parallel_loop3A_440 : vector<16xf32>
      %parallel_loop3A_442 = arith.constant 6 : i32
      %parallel_loop3A_443 = arith.addi %parallel_loop3A_234, %parallel_loop3A_442 : i32
      %parallel_loop3A_444 = arith.index_cast %parallel_loop3A_443 : i32 to index
      %parallel_loop3A_445 = arith.constant 16 : index
      %parallel_loop3A_446 = tpu.vector_load %arg14[%parallel_loop3A_444, %parallel_loop3A_445] {strides = array<i32>} : memref<384x128xf32, #tpu.memory_space<vmem>>, vector<1x16xf32>,
      %parallel_loop3A_447 = vector.shape_cast %parallel_loop3A_446 : vector<1x16xf32> to vector<16xf32>
      %parallel_loop3A_448 = vector.extract_strided_slice %parallel_loop3A_239 {offsets = [6], sizes = [1], strides = [1]} : vector<16xf32> to vector<1xf32>
      %parallel_loop3A_449 = vector.extract %parallel_loop3A_448[0] : f32 from vector<1xf32>
      %parallel_loop3A_450 = vector.broadcast %parallel_loop3A_449 : f32 to vector<16xf32>
      %parallel_loop3A_451 = arith.mulf %parallel_loop3A_447, %parallel_loop3A_450 : vector<16xf32>
      %parallel_loop3A_452 = arith.maximumf %parallel_loop3A_441, %parallel_loop3A_451 : vector<16xf32>
      %parallel_loop3A_453 = arith.constant 7 : i32
      %parallel_loop3A_454 = arith.addi %parallel_loop3A_234, %parallel_loop3A_453 : i32
      %parallel_loop3A_455 = arith.index_cast %parallel_loop3A_454 : i32 to index
      %parallel_loop3A_456 = arith.constant 16 : index
      %parallel_loop3A_457 = tpu.vector_load %arg14[%parallel_loop3A_455, %parallel_loop3A_456] {strides = array<i32>} : memref<384x128xf32, #tpu.memory_space<vmem>>, vector<1x16xf32>,
      %parallel_loop3A_458 = vector.shape_cast %parallel_loop3A_457 : vector<1x16xf32> to vector<16xf32>
      %parallel_loop3A_459 = vector.extract_strided_slice %parallel_loop3A_239 {offsets = [7], sizes = [1], strides = [1]} : vector<16xf32> to vector<1xf32>
      %parallel_loop3A_460 = vector.extract %parallel_loop3A_459[0] : f32 from vector<1xf32>
      %parallel_loop3A_461 = vector.broadcast %parallel_loop3A_460 : f32 to vector<16xf32>
      %parallel_loop3A_462 = arith.mulf %parallel_loop3A_458, %parallel_loop3A_461 : vector<16xf32>
      %parallel_loop3A_463 = arith.maximumf %parallel_loop3A_452, %parallel_loop3A_462 : vector<16xf32>
      %parallel_loop3A_464 = arith.constant 8 : i32
      %parallel_loop3A_465 = arith.addi %parallel_loop3A_234, %parallel_loop3A_464 : i32
      %parallel_loop3A_466 = arith.index_cast %parallel_loop3A_465 : i32 to index
      %parallel_loop3A_467 = arith.constant 16 : index
      %parallel_loop3A_468 = tpu.vector_load %arg14[%parallel_loop3A_466, %parallel_loop3A_467] {strides = array<i32>} : memref<384x128xf32, #tpu.memory_space<vmem>>, vector<1x16xf32>,
      %parallel_loop3A_469 = vector.shape_cast %parallel_loop3A_468 : vector<1x16xf32> to vector<16xf32>
      %parallel_loop3A_470 = vector.extract_strided_slice %parallel_loop3A_239 {offsets = [8], sizes = [1], strides = [1]} : vector<16xf32> to vector<1xf32>
      %parallel_loop3A_471 = vector.extract %parallel_loop3A_470[0] : f32 from vector<1xf32>
      %parallel_loop3A_472 = vector.broadcast %parallel_loop3A_471 : f32 to vector<16xf32>
      %parallel_loop3A_473 = arith.mulf %parallel_loop3A_469, %parallel_loop3A_472 : vector<16xf32>
      %parallel_loop3A_474 = arith.maximumf %parallel_loop3A_463, %parallel_loop3A_473 : vector<16xf32>
      %parallel_loop3A_475 = arith.constant 9 : i32
      %parallel_loop3A_476 = arith.addi %parallel_loop3A_234, %parallel_loop3A_475 : i32
      %parallel_loop3A_477 = arith.index_cast %parallel_loop3A_476 : i32 to index
      %parallel_loop3A_478 = arith.constant 16 : index
      %parallel_loop3A_479 = tpu.vector_load %arg14[%parallel_loop3A_477, %parallel_loop3A_478] {strides = array<i32>} : memref<384x128xf32, #tpu.memory_space<vmem>>, vector<1x16xf32>,
      %parallel_loop3A_480 = vector.shape_cast %parallel_loop3A_479 : vector<1x16xf32> to vector<16xf32>
      %parallel_loop3A_481 = vector.extract_strided_slice %parallel_loop3A_239 {offsets = [9], sizes = [1], strides = [1]} : vector<16xf32> to vector<1xf32>
      %parallel_loop3A_482 = vector.extract %parallel_loop3A_481[0] : f32 from vector<1xf32>
      %parallel_loop3A_483 = vector.broadcast %parallel_loop3A_482 : f32 to vector<16xf32>
      %parallel_loop3A_484 = arith.mulf %parallel_loop3A_480, %parallel_loop3A_483 : vector<16xf32>
      %parallel_loop3A_485 = arith.maximumf %parallel_loop3A_474, %parallel_loop3A_484 : vector<16xf32>
      %parallel_loop3A_486 = arith.constant 10 : i32
      %parallel_loop3A_487 = arith.addi %parallel_loop3A_234, %parallel_loop3A_486 : i32
      %parallel_loop3A_488 = arith.index_cast %parallel_loop3A_487 : i32 to index
      %parallel_loop3A_489 = arith.constant 16 : index
      %parallel_loop3A_490 = tpu.vector_load %arg14[%parallel_loop3A_488, %parallel_loop3A_489] {strides = array<i32>} : memref<384x128xf32, #tpu.memory_space<vmem>>, vector<1x16xf32>,
      %parallel_loop3A_491 = vector.shape_cast %parallel_loop3A_490 : vector<1x16xf32> to vector<16xf32>
      %parallel_loop3A_492 = vector.extract_strided_slice %parallel_loop3A_239 {offsets = [10], sizes = [1], strides = [1]} : vector<16xf32> to vector<1xf32>
      %parallel_loop3A_493 = vector.extract %parallel_loop3A_492[0] : f32 from vector<1xf32>
      %parallel_loop3A_494 = vector.broadcast %parallel_loop3A_493 : f32 to vector<16xf32>
      %parallel_loop3A_495 = arith.mulf %parallel_loop3A_491, %parallel_loop3A_494 : vector<16xf32>
      %parallel_loop3A_496 = arith.maximumf %parallel_loop3A_485, %parallel_loop3A_495 : vector<16xf32>
      %parallel_loop3A_497 = arith.constant 11 : i32
      %parallel_loop3A_498 = arith.addi %parallel_loop3A_234, %parallel_loop3A_497 : i32
      %parallel_loop3A_499 = arith.index_cast %parallel_loop3A_498 : i32 to index
      %parallel_loop3A_500 = arith.constant 16 : index
      %parallel_loop3A_501 = tpu.vector_load %arg14[%parallel_loop3A_499, %parallel_loop3A_500] {strides = array<i32>} : memref<384x128xf32, #tpu.memory_space<vmem>>, vector<1x16xf32>,
      %parallel_loop3A_502 = vector.shape_cast %parallel_loop3A_501 : vector<1x16xf32> to vector<16xf32>
      %parallel_loop3A_503 = vector.extract_strided_slice %parallel_loop3A_239 {offsets = [11], sizes = [1], strides = [1]} : vector<16xf32> to vector<1xf32>
      %parallel_loop3A_504 = vector.extract %parallel_loop3A_503[0] : f32 from vector<1xf32>
      %parallel_loop3A_505 = vector.broadcast %parallel_loop3A_504 : f32 to vector<16xf32>
      %parallel_loop3A_506 = arith.mulf %parallel_loop3A_502, %parallel_loop3A_505 : vector<16xf32>
      %parallel_loop3A_507 = arith.maximumf %parallel_loop3A_496, %parallel_loop3A_506 : vector<16xf32>
      %parallel_loop3A_508 = arith.index_cast %parallel_loop3A_232 : i32 to index
      %parallel_loop3A_509 = arith.constant 16 : index
      %parallel_loop3A_510 = tpu.vector_load %arg15[%parallel_loop3A_508, %parallel_loop3A_509] {strides = array<i32>} : memref<32x128xf32, #tpu.memory_space<vmem>>, vector<1x16xf32>,
      %parallel_loop3A_511 = vector.shape_cast %parallel_loop3A_510 : vector<1x16xf32> to vector<16xf32>
      %parallel_loop3A_512 = arith.subf %parallel_loop3A_511, %parallel_loop3A_507 : vector<16xf32>
      %parallel_loop3A_513 = arith.index_cast %parallel_loop3A_232 : i32 to index
      %parallel_loop3A_514 = arith.constant 16 : index
      %parallel_loop3A_515 = tpu.vector_load %arg16[%parallel_loop3A_513, %parallel_loop3A_514] {strides = array<i32>} : memref<32x128xf32, #tpu.memory_space<vmem>>, vector<1x16xf32>,
      %parallel_loop3A_516 = vector.shape_cast %parallel_loop3A_515 : vector<1x16xf32> to vector<16xf32>
      %parallel_loop3A_517 = vector.shape_cast %parallel_loop3A_512 : vector<16xf32> to vector<1x16xf32>
      tpu.vector_store %arg16[%parallel_loop3A_513, %parallel_loop3A_514], %parallel_loop3A_517 {strides = array<i32>} : memref<32x128xf32, #tpu.memory_space<vmem>>, vector<1x16xf32>,
      %parallel_loop3A_518 = arith.index_cast %parallel_loop3A_234 : i32 to index
      %parallel_loop3A_519 = arith.constant 32 : index
      %parallel_loop3A_520 = tpu.vector_load %arg14[%parallel_loop3A_518, %parallel_loop3A_519] {strides = array<i32>} : memref<384x128xf32, #tpu.memory_space<vmem>>, vector<1x16xf32>,
      %parallel_loop3A_521 = vector.shape_cast %parallel_loop3A_520 : vector<1x16xf32> to vector<16xf32>
      %parallel_loop3A_522 = vector.extract_strided_slice %parallel_loop3A_239 {offsets = [0], sizes = [1], strides = [1]} : vector<16xf32> to vector<1xf32>
      %parallel_loop3A_523 = vector.extract %parallel_loop3A_522[0] : f32 from vector<1xf32>
      %parallel_loop3A_524 = vector.broadcast %parallel_loop3A_523 : f32 to vector<16xf32>
      %parallel_loop3A_525 = arith.mulf %parallel_loop3A_521, %parallel_loop3A_524 : vector<16xf32>
      %parallel_loop3A_526 = arith.constant 1 : i32
      %parallel_loop3A_527 = arith.addi %parallel_loop3A_234, %parallel_loop3A_526 : i32
      %parallel_loop3A_528 = arith.index_cast %parallel_loop3A_527 : i32 to index
      %parallel_loop3A_529 = arith.constant 32 : index
      %parallel_loop3A_530 = tpu.vector_load %arg14[%parallel_loop3A_528, %parallel_loop3A_529] {strides = array<i32>} : memref<384x128xf32, #tpu.memory_space<vmem>>, vector<1x16xf32>,
      %parallel_loop3A_531 = vector.shape_cast %parallel_loop3A_530 : vector<1x16xf32> to vector<16xf32>
      %parallel_loop3A_532 = vector.extract_strided_slice %parallel_loop3A_239 {offsets = [1], sizes = [1], strides = [1]} : vector<16xf32> to vector<1xf32>
      %parallel_loop3A_533 = vector.extract %parallel_loop3A_532[0] : f32 from vector<1xf32>
      %parallel_loop3A_534 = vector.broadcast %parallel_loop3A_533 : f32 to vector<16xf32>
      %parallel_loop3A_535 = arith.mulf %parallel_loop3A_531, %parallel_loop3A_534 : vector<16xf32>
      %parallel_loop3A_536 = arith.maximumf %parallel_loop3A_525, %parallel_loop3A_535 : vector<16xf32>
      %parallel_loop3A_537 = arith.constant 2 : i32
      %parallel_loop3A_538 = arith.addi %parallel_loop3A_234, %parallel_loop3A_537 : i32
      %parallel_loop3A_539 = arith.index_cast %parallel_loop3A_538 : i32 to index
      %parallel_loop3A_540 = arith.constant 32 : index
      %parallel_loop3A_541 = tpu.vector_load %arg14[%parallel_loop3A_539, %parallel_loop3A_540] {strides = array<i32>} : memref<384x128xf32, #tpu.memory_space<vmem>>, vector<1x16xf32>,
      %parallel_loop3A_542 = vector.shape_cast %parallel_loop3A_541 : vector<1x16xf32> to vector<16xf32>
      %parallel_loop3A_543 = vector.extract_strided_slice %parallel_loop3A_239 {offsets = [2], sizes = [1], strides = [1]} : vector<16xf32> to vector<1xf32>
      %parallel_loop3A_544 = vector.extract %parallel_loop3A_543[0] : f32 from vector<1xf32>
      %parallel_loop3A_545 = vector.broadcast %parallel_loop3A_544 : f32 to vector<16xf32>
      %parallel_loop3A_546 = arith.mulf %parallel_loop3A_542, %parallel_loop3A_545 : vector<16xf32>
      %parallel_loop3A_547 = arith.maximumf %parallel_loop3A_536, %parallel_loop3A_546 : vector<16xf32>
      %parallel_loop3A_548 = arith.constant 3 : i32
      %parallel_loop3A_549 = arith.addi %parallel_loop3A_234, %parallel_loop3A_548 : i32
      %parallel_loop3A_550 = arith.index_cast %parallel_loop3A_549 : i32 to index
      %parallel_loop3A_551 = arith.constant 32 : index
      %parallel_loop3A_552 = tpu.vector_load %arg14[%parallel_loop3A_550, %parallel_loop3A_551] {strides = array<i32>} : memref<384x128xf32, #tpu.memory_space<vmem>>, vector<1x16xf32>,
      %parallel_loop3A_553 = vector.shape_cast %parallel_loop3A_552 : vector<1x16xf32> to vector<16xf32>
      %parallel_loop3A_554 = vector.extract_strided_slice %parallel_loop3A_239 {offsets = [3], sizes = [1], strides = [1]} : vector<16xf32> to vector<1xf32>
      %parallel_loop3A_555 = vector.extract %parallel_loop3A_554[0] : f32 from vector<1xf32>
      %parallel_loop3A_556 = vector.broadcast %parallel_loop3A_555 : f32 to vector<16xf32>
      %parallel_loop3A_557 = arith.mulf %parallel_loop3A_553, %parallel_loop3A_556 : vector<16xf32>
      %parallel_loop3A_558 = arith.maximumf %parallel_loop3A_547, %parallel_loop3A_557 : vector<16xf32>
      %parallel_loop3A_559 = arith.constant 4 : i32
      %parallel_loop3A_560 = arith.addi %parallel_loop3A_234, %parallel_loop3A_559 : i32
      %parallel_loop3A_561 = arith.index_cast %parallel_loop3A_560 : i32 to index
      %parallel_loop3A_562 = arith.constant 32 : index
      %parallel_loop3A_563 = tpu.vector_load %arg14[%parallel_loop3A_561, %parallel_loop3A_562] {strides = array<i32>} : memref<384x128xf32, #tpu.memory_space<vmem>>, vector<1x16xf32>,
      %parallel_loop3A_564 = vector.shape_cast %parallel_loop3A_563 : vector<1x16xf32> to vector<16xf32>
      %parallel_loop3A_565 = vector.extract_strided_slice %parallel_loop3A_239 {offsets = [4], sizes = [1], strides = [1]} : vector<16xf32> to vector<1xf32>
      %parallel_loop3A_566 = vector.extract %parallel_loop3A_565[0] : f32 from vector<1xf32>
      %parallel_loop3A_567 = vector.broadcast %parallel_loop3A_566 : f32 to vector<16xf32>
      %parallel_loop3A_568 = arith.mulf %parallel_loop3A_564, %parallel_loop3A_567 : vector<16xf32>
      %parallel_loop3A_569 = arith.maximumf %parallel_loop3A_558, %parallel_loop3A_568 : vector<16xf32>
      %parallel_loop3A_570 = arith.constant 5 : i32
      %parallel_loop3A_571 = arith.addi %parallel_loop3A_234, %parallel_loop3A_570 : i32
      %parallel_loop3A_572 = arith.index_cast %parallel_loop3A_571 : i32 to index
      %parallel_loop3A_573 = arith.constant 32 : index
      %parallel_loop3A_574 = tpu.vector_load %arg14[%parallel_loop3A_572, %parallel_loop3A_573] {strides = array<i32>} : memref<384x128xf32, #tpu.memory_space<vmem>>, vector<1x16xf32>,
      %parallel_loop3A_575 = vector.shape_cast %parallel_loop3A_574 : vector<1x16xf32> to vector<16xf32>
      %parallel_loop3A_576 = vector.extract_strided_slice %parallel_loop3A_239 {offsets = [5], sizes = [1], strides = [1]} : vector<16xf32> to vector<1xf32>
      %parallel_loop3A_577 = vector.extract %parallel_loop3A_576[0] : f32 from vector<1xf32>
      %parallel_loop3A_578 = vector.broadcast %parallel_loop3A_577 : f32 to vector<16xf32>
      %parallel_loop3A_579 = arith.mulf %parallel_loop3A_575, %parallel_loop3A_578 : vector<16xf32>
      %parallel_loop3A_580 = arith.maximumf %parallel_loop3A_569, %parallel_loop3A_579 : vector<16xf32>
      %parallel_loop3A_581 = arith.constant 6 : i32
      %parallel_loop3A_582 = arith.addi %parallel_loop3A_234, %parallel_loop3A_581 : i32
      %parallel_loop3A_583 = arith.index_cast %parallel_loop3A_582 : i32 to index
      %parallel_loop3A_584 = arith.constant 32 : index
      %parallel_loop3A_585 = tpu.vector_load %arg14[%parallel_loop3A_583, %parallel_loop3A_584] {strides = array<i32>} : memref<384x128xf32, #tpu.memory_space<vmem>>, vector<1x16xf32>,
      %parallel_loop3A_586 = vector.shape_cast %parallel_loop3A_585 : vector<1x16xf32> to vector<16xf32>
      %parallel_loop3A_587 = vector.extract_strided_slice %parallel_loop3A_239 {offsets = [6], sizes = [1], strides = [1]} : vector<16xf32> to vector<1xf32>
      %parallel_loop3A_588 = vector.extract %parallel_loop3A_587[0] : f32 from vector<1xf32>
      %parallel_loop3A_589 = vector.broadcast %parallel_loop3A_588 : f32 to vector<16xf32>
      %parallel_loop3A_590 = arith.mulf %parallel_loop3A_586, %parallel_loop3A_589 : vector<16xf32>
      %parallel_loop3A_591 = arith.maximumf %parallel_loop3A_580, %parallel_loop3A_590 : vector<16xf32>
      %parallel_loop3A_592 = arith.constant 7 : i32
      %parallel_loop3A_593 = arith.addi %parallel_loop3A_234, %parallel_loop3A_592 : i32
      %parallel_loop3A_594 = arith.index_cast %parallel_loop3A_593 : i32 to index
      %parallel_loop3A_595 = arith.constant 32 : index
      %parallel_loop3A_596 = tpu.vector_load %arg14[%parallel_loop3A_594, %parallel_loop3A_595] {strides = array<i32>} : memref<384x128xf32, #tpu.memory_space<vmem>>, vector<1x16xf32>,
      %parallel_loop3A_597 = vector.shape_cast %parallel_loop3A_596 : vector<1x16xf32> to vector<16xf32>
      %parallel_loop3A_598 = vector.extract_strided_slice %parallel_loop3A_239 {offsets = [7], sizes = [1], strides = [1]} : vector<16xf32> to vector<1xf32>
      %parallel_loop3A_599 = vector.extract %parallel_loop3A_598[0] : f32 from vector<1xf32>
      %parallel_loop3A_600 = vector.broadcast %parallel_loop3A_599 : f32 to vector<16xf32>
      %parallel_loop3A_601 = arith.mulf %parallel_loop3A_597, %parallel_loop3A_600 : vector<16xf32>
      %parallel_loop3A_602 = arith.maximumf %parallel_loop3A_591, %parallel_loop3A_601 : vector<16xf32>
      %parallel_loop3A_603 = arith.constant 8 : i32
      %parallel_loop3A_604 = arith.addi %parallel_loop3A_234, %parallel_loop3A_603 : i32
      %parallel_loop3A_605 = arith.index_cast %parallel_loop3A_604 : i32 to index
      %parallel_loop3A_606 = arith.constant 32 : index
      %parallel_loop3A_607 = tpu.vector_load %arg14[%parallel_loop3A_605, %parallel_loop3A_606] {strides = array<i32>} : memref<384x128xf32, #tpu.memory_space<vmem>>, vector<1x16xf32>,
      %parallel_loop3A_608 = vector.shape_cast %parallel_loop3A_607 : vector<1x16xf32> to vector<16xf32>
      %parallel_loop3A_609 = vector.extract_strided_slice %parallel_loop3A_239 {offsets = [8], sizes = [1], strides = [1]} : vector<16xf32> to vector<1xf32>
      %parallel_loop3A_610 = vector.extract %parallel_loop3A_609[0] : f32 from vector<1xf32>
      %parallel_loop3A_611 = vector.broadcast %parallel_loop3A_610 : f32 to vector<16xf32>
      %parallel_loop3A_612 = arith.mulf %parallel_loop3A_608, %parallel_loop3A_611 : vector<16xf32>
      %parallel_loop3A_613 = arith.maximumf %parallel_loop3A_602, %parallel_loop3A_612 : vector<16xf32>
      %parallel_loop3A_614 = arith.constant 9 : i32
      %parallel_loop3A_615 = arith.addi %parallel_loop3A_234, %parallel_loop3A_614 : i32
      %parallel_loop3A_616 = arith.index_cast %parallel_loop3A_615 : i32 to index
      %parallel_loop3A_617 = arith.constant 32 : index
      %parallel_loop3A_618 = tpu.vector_load %arg14[%parallel_loop3A_616, %parallel_loop3A_617] {strides = array<i32>} : memref<384x128xf32, #tpu.memory_space<vmem>>, vector<1x16xf32>,
      %parallel_loop3A_619 = vector.shape_cast %parallel_loop3A_618 : vector<1x16xf32> to vector<16xf32>
      %parallel_loop3A_620 = vector.extract_strided_slice %parallel_loop3A_239 {offsets = [9], sizes = [1], strides = [1]} : vector<16xf32> to vector<1xf32>
      %parallel_loop3A_621 = vector.extract %parallel_loop3A_620[0] : f32 from vector<1xf32>
      %parallel_loop3A_622 = vector.broadcast %parallel_loop3A_621 : f32 to vector<16xf32>
      %parallel_loop3A_623 = arith.mulf %parallel_loop3A_619, %parallel_loop3A_622 : vector<16xf32>
      %parallel_loop3A_624 = arith.maximumf %parallel_loop3A_613, %parallel_loop3A_623 : vector<16xf32>
      %parallel_loop3A_625 = arith.constant 10 : i32
      %parallel_loop3A_626 = arith.addi %parallel_loop3A_234, %parallel_loop3A_625 : i32
      %parallel_loop3A_627 = arith.index_cast %parallel_loop3A_626 : i32 to index
      %parallel_loop3A_628 = arith.constant 32 : index
      %parallel_loop3A_629 = tpu.vector_load %arg14[%parallel_loop3A_627, %parallel_loop3A_628] {strides = array<i32>} : memref<384x128xf32, #tpu.memory_space<vmem>>, vector<1x16xf32>,
      %parallel_loop3A_630 = vector.shape_cast %parallel_loop3A_629 : vector<1x16xf32> to vector<16xf32>
      %parallel_loop3A_631 = vector.extract_strided_slice %parallel_loop3A_239 {offsets = [10], sizes = [1], strides = [1]} : vector<16xf32> to vector<1xf32>
      %parallel_loop3A_632 = vector.extract %parallel_loop3A_631[0] : f32 from vector<1xf32>
      %parallel_loop3A_633 = vector.broadcast %parallel_loop3A_632 : f32 to vector<16xf32>
      %parallel_loop3A_634 = arith.mulf %parallel_loop3A_630, %parallel_loop3A_633 : vector<16xf32>
      %parallel_loop3A_635 = arith.maximumf %parallel_loop3A_624, %parallel_loop3A_634 : vector<16xf32>
      %parallel_loop3A_636 = arith.constant 11 : i32
      %parallel_loop3A_637 = arith.addi %parallel_loop3A_234, %parallel_loop3A_636 : i32
      %parallel_loop3A_638 = arith.index_cast %parallel_loop3A_637 : i32 to index
      %parallel_loop3A_639 = arith.constant 32 : index
      %parallel_loop3A_640 = tpu.vector_load %arg14[%parallel_loop3A_638, %parallel_loop3A_639] {strides = array<i32>} : memref<384x128xf32, #tpu.memory_space<vmem>>, vector<1x16xf32>,
      %parallel_loop3A_641 = vector.shape_cast %parallel_loop3A_640 : vector<1x16xf32> to vector<16xf32>
      %parallel_loop3A_642 = vector.extract_strided_slice %parallel_loop3A_239 {offsets = [11], sizes = [1], strides = [1]} : vector<16xf32> to vector<1xf32>
      %parallel_loop3A_643 = vector.extract %parallel_loop3A_642[0] : f32 from vector<1xf32>
      %parallel_loop3A_644 = vector.broadcast %parallel_loop3A_643 : f32 to vector<16xf32>
      %parallel_loop3A_645 = arith.mulf %parallel_loop3A_641, %parallel_loop3A_644 : vector<16xf32>
      %parallel_loop3A_646 = arith.maximumf %parallel_loop3A_635, %parallel_loop3A_645 : vector<16xf32>
      %parallel_loop3A_647 = arith.index_cast %parallel_loop3A_232 : i32 to index
      %parallel_loop3A_648 = arith.constant 32 : index
      %parallel_loop3A_649 = tpu.vector_load %arg15[%parallel_loop3A_647, %parallel_loop3A_648] {strides = array<i32>} : memref<32x128xf32, #tpu.memory_space<vmem>>, vector<1x16xf32>,
      %parallel_loop3A_650 = vector.shape_cast %parallel_loop3A_649 : vector<1x16xf32> to vector<16xf32>
      %parallel_loop3A_651 = arith.subf %parallel_loop3A_650, %parallel_loop3A_646 : vector<16xf32>
      %parallel_loop3A_652 = arith.index_cast %parallel_loop3A_232 : i32 to index
      %parallel_loop3A_653 = arith.constant 32 : index
      %parallel_loop3A_654 = tpu.vector_load %arg16[%parallel_loop3A_652, %parallel_loop3A_653] {strides = array<i32>} : memref<32x128xf32, #tpu.memory_space<vmem>>, vector<1x16xf32>,
      %parallel_loop3A_655 = vector.shape_cast %parallel_loop3A_654 : vector<1x16xf32> to vector<16xf32>
      %parallel_loop3A_656 = vector.shape_cast %parallel_loop3A_651 : vector<16xf32> to vector<1x16xf32>
      tpu.vector_store %arg16[%parallel_loop3A_652, %parallel_loop3A_653], %parallel_loop3A_656 {strides = array<i32>} : memref<32x128xf32, #tpu.memory_space<vmem>>, vector<1x16xf32>,
      %parallel_loop3A_657 = arith.index_cast %parallel_loop3A_234 : i32 to index
      %parallel_loop3A_658 = arith.constant 48 : index
      %parallel_loop3A_659 = tpu.vector_load %arg14[%parallel_loop3A_657, %parallel_loop3A_658] {strides = array<i32>} : memref<384x128xf32, #tpu.memory_space<vmem>>, vector<1x16xf32>,
      %parallel_loop3A_660 = vector.shape_cast %parallel_loop3A_659 : vector<1x16xf32> to vector<16xf32>
      %parallel_loop3A_661 = vector.extract_strided_slice %parallel_loop3A_239 {offsets = [0], sizes = [1], strides = [1]} : vector<16xf32> to vector<1xf32>
      %parallel_loop3A_662 = vector.extract %parallel_loop3A_661[0] : f32 from vector<1xf32>
      %parallel_loop3A_663 = vector.broadcast %parallel_loop3A_662 : f32 to vector<16xf32>
      %parallel_loop3A_664 = arith.mulf %parallel_loop3A_660, %parallel_loop3A_663 : vector<16xf32>
      %parallel_loop3A_665 = arith.constant 1 : i32
      %parallel_loop3A_666 = arith.addi %parallel_loop3A_234, %parallel_loop3A_665 : i32
      %parallel_loop3A_667 = arith.index_cast %parallel_loop3A_666 : i32 to index
      %parallel_loop3A_668 = arith.constant 48 : index
      %parallel_loop3A_669 = tpu.vector_load %arg14[%parallel_loop3A_667, %parallel_loop3A_668] {strides = array<i32>} : memref<384x128xf32, #tpu.memory_space<vmem>>, vector<1x16xf32>,
      %parallel_loop3A_670 = vector.shape_cast %parallel_loop3A_669 : vector<1x16xf32> to vector<16xf32>
      %parallel_loop3A_671 = vector.extract_strided_slice %parallel_loop3A_239 {offsets = [1], sizes = [1], strides = [1]} : vector<16xf32> to vector<1xf32>
      %parallel_loop3A_672 = vector.extract %parallel_loop3A_671[0] : f32 from vector<1xf32>
      %parallel_loop3A_673 = vector.broadcast %parallel_loop3A_672 : f32 to vector<16xf32>
      %parallel_loop3A_674 = arith.mulf %parallel_loop3A_670, %parallel_loop3A_673 : vector<16xf32>
      %parallel_loop3A_675 = arith.maximumf %parallel_loop3A_664, %parallel_loop3A_674 : vector<16xf32>
      %parallel_loop3A_676 = arith.constant 2 : i32
      %parallel_loop3A_677 = arith.addi %parallel_loop3A_234, %parallel_loop3A_676 : i32
      %parallel_loop3A_678 = arith.index_cast %parallel_loop3A_677 : i32 to index
      %parallel_loop3A_679 = arith.constant 48 : index
      %parallel_loop3A_680 = tpu.vector_load %arg14[%parallel_loop3A_678, %parallel_loop3A_679] {strides = array<i32>} : memref<384x128xf32, #tpu.memory_space<vmem>>, vector<1x16xf32>,
      %parallel_loop3A_681 = vector.shape_cast %parallel_loop3A_680 : vector<1x16xf32> to vector<16xf32>
      %parallel_loop3A_682 = vector.extract_strided_slice %parallel_loop3A_239 {offsets = [2], sizes = [1], strides = [1]} : vector<16xf32> to vector<1xf32>
      %parallel_loop3A_683 = vector.extract %parallel_loop3A_682[0] : f32 from vector<1xf32>
      %parallel_loop3A_684 = vector.broadcast %parallel_loop3A_683 : f32 to vector<16xf32>
      %parallel_loop3A_685 = arith.mulf %parallel_loop3A_681, %parallel_loop3A_684 : vector<16xf32>
      %parallel_loop3A_686 = arith.maximumf %parallel_loop3A_675, %parallel_loop3A_685 : vector<16xf32>
      %parallel_loop3A_687 = arith.constant 3 : i32
      %parallel_loop3A_688 = arith.addi %parallel_loop3A_234, %parallel_loop3A_687 : i32
      %parallel_loop3A_689 = arith.index_cast %parallel_loop3A_688 : i32 to index
      %parallel_loop3A_690 = arith.constant 48 : index
      %parallel_loop3A_691 = tpu.vector_load %arg14[%parallel_loop3A_689, %parallel_loop3A_690] {strides = array<i32>} : memref<384x128xf32, #tpu.memory_space<vmem>>, vector<1x16xf32>,
      %parallel_loop3A_692 = vector.shape_cast %parallel_loop3A_691 : vector<1x16xf32> to vector<16xf32>
      %parallel_loop3A_693 = vector.extract_strided_slice %parallel_loop3A_239 {offsets = [3], sizes = [1], strides = [1]} : vector<16xf32> to vector<1xf32>
      %parallel_loop3A_694 = vector.extract %parallel_loop3A_693[0] : f32 from vector<1xf32>
      %parallel_loop3A_695 = vector.broadcast %parallel_loop3A_694 : f32 to vector<16xf32>
      %parallel_loop3A_696 = arith.mulf %parallel_loop3A_692, %parallel_loop3A_695 : vector<16xf32>
      %parallel_loop3A_697 = arith.maximumf %parallel_loop3A_686, %parallel_loop3A_696 : vector<16xf32>
      %parallel_loop3A_698 = arith.constant 4 : i32
      %parallel_loop3A_699 = arith.addi %parallel_loop3A_234, %parallel_loop3A_698 : i32
      %parallel_loop3A_700 = arith.index_cast %parallel_loop3A_699 : i32 to index
      %parallel_loop3A_701 = arith.constant 48 : index
      %parallel_loop3A_702 = tpu.vector_load %arg14[%parallel_loop3A_700, %parallel_loop3A_701] {strides = array<i32>} : memref<384x128xf32, #tpu.memory_space<vmem>>, vector<1x16xf32>,
      %parallel_loop3A_703 = vector.shape_cast %parallel_loop3A_702 : vector<1x16xf32> to vector<16xf32>
      %parallel_loop3A_704 = vector.extract_strided_slice %parallel_loop3A_239 {offsets = [4], sizes = [1], strides = [1]} : vector<16xf32> to vector<1xf32>
      %parallel_loop3A_705 = vector.extract %parallel_loop3A_704[0] : f32 from vector<1xf32>
      %parallel_loop3A_706 = vector.broadcast %parallel_loop3A_705 : f32 to vector<16xf32>
      %parallel_loop3A_707 = arith.mulf %parallel_loop3A_703, %parallel_loop3A_706 : vector<16xf32>
      %parallel_loop3A_708 = arith.maximumf %parallel_loop3A_697, %parallel_loop3A_707 : vector<16xf32>
      %parallel_loop3A_709 = arith.constant 5 : i32
      %parallel_loop3A_710 = arith.addi %parallel_loop3A_234, %parallel_loop3A_709 : i32
      %parallel_loop3A_711 = arith.index_cast %parallel_loop3A_710 : i32 to index
      %parallel_loop3A_712 = arith.constant 48 : index
      %parallel_loop3A_713 = tpu.vector_load %arg14[%parallel_loop3A_711, %parallel_loop3A_712] {strides = array<i32>} : memref<384x128xf32, #tpu.memory_space<vmem>>, vector<1x16xf32>,
      %parallel_loop3A_714 = vector.shape_cast %parallel_loop3A_713 : vector<1x16xf32> to vector<16xf32>
      %parallel_loop3A_715 = vector.extract_strided_slice %parallel_loop3A_239 {offsets = [5], sizes = [1], strides = [1]} : vector<16xf32> to vector<1xf32>
      %parallel_loop3A_716 = vector.extract %parallel_loop3A_715[0] : f32 from vector<1xf32>
      %parallel_loop3A_717 = vector.broadcast %parallel_loop3A_716 : f32 to vector<16xf32>
      %parallel_loop3A_718 = arith.mulf %parallel_loop3A_714, %parallel_loop3A_717 : vector<16xf32>
      %parallel_loop3A_719 = arith.maximumf %parallel_loop3A_708, %parallel_loop3A_718 : vector<16xf32>
      %parallel_loop3A_720 = arith.constant 6 : i32
      %parallel_loop3A_721 = arith.addi %parallel_loop3A_234, %parallel_loop3A_720 : i32
      %parallel_loop3A_722 = arith.index_cast %parallel_loop3A_721 : i32 to index
      %parallel_loop3A_723 = arith.constant 48 : index
      %parallel_loop3A_724 = tpu.vector_load %arg14[%parallel_loop3A_722, %parallel_loop3A_723] {strides = array<i32>} : memref<384x128xf32, #tpu.memory_space<vmem>>, vector<1x16xf32>,
      %parallel_loop3A_725 = vector.shape_cast %parallel_loop3A_724 : vector<1x16xf32> to vector<16xf32>
      %parallel_loop3A_726 = vector.extract_strided_slice %parallel_loop3A_239 {offsets = [6], sizes = [1], strides = [1]} : vector<16xf32> to vector<1xf32>
      %parallel_loop3A_727 = vector.extract %parallel_loop3A_726[0] : f32 from vector<1xf32>
      %parallel_loop3A_728 = vector.broadcast %parallel_loop3A_727 : f32 to vector<16xf32>
      %parallel_loop3A_729 = arith.mulf %parallel_loop3A_725, %parallel_loop3A_728 : vector<16xf32>
      %parallel_loop3A_730 = arith.maximumf %parallel_loop3A_719, %parallel_loop3A_729 : vector<16xf32>
      %parallel_loop3A_731 = arith.constant 7 : i32
      %parallel_loop3A_732 = arith.addi %parallel_loop3A_234, %parallel_loop3A_731 : i32
      %parallel_loop3A_733 = arith.index_cast %parallel_loop3A_732 : i32 to index
      %parallel_loop3A_734 = arith.constant 48 : index
      %parallel_loop3A_735 = tpu.vector_load %arg14[%parallel_loop3A_733, %parallel_loop3A_734] {strides = array<i32>} : memref<384x128xf32, #tpu.memory_space<vmem>>, vector<1x16xf32>,
      %parallel_loop3A_736 = vector.shape_cast %parallel_loop3A_735 : vector<1x16xf32> to vector<16xf32>
      %parallel_loop3A_737 = vector.extract_strided_slice %parallel_loop3A_239 {offsets = [7], sizes = [1], strides = [1]} : vector<16xf32> to vector<1xf32>
      %parallel_loop3A_738 = vector.extract %parallel_loop3A_737[0] : f32 from vector<1xf32>
      %parallel_loop3A_739 = vector.broadcast %parallel_loop3A_738 : f32 to vector<16xf32>
      %parallel_loop3A_740 = arith.mulf %parallel_loop3A_736, %parallel_loop3A_739 : vector<16xf32>
      %parallel_loop3A_741 = arith.maximumf %parallel_loop3A_730, %parallel_loop3A_740 : vector<16xf32>
      %parallel_loop3A_742 = arith.constant 8 : i32
      %parallel_loop3A_743 = arith.addi %parallel_loop3A_234, %parallel_loop3A_742 : i32
      %parallel_loop3A_744 = arith.index_cast %parallel_loop3A_743 : i32 to index
      %parallel_loop3A_745 = arith.constant 48 : index
      %parallel_loop3A_746 = tpu.vector_load %arg14[%parallel_loop3A_744, %parallel_loop3A_745] {strides = array<i32>} : memref<384x128xf32, #tpu.memory_space<vmem>>, vector<1x16xf32>,
      %parallel_loop3A_747 = vector.shape_cast %parallel_loop3A_746 : vector<1x16xf32> to vector<16xf32>
      %parallel_loop3A_748 = vector.extract_strided_slice %parallel_loop3A_239 {offsets = [8], sizes = [1], strides = [1]} : vector<16xf32> to vector<1xf32>
      %parallel_loop3A_749 = vector.extract %parallel_loop3A_748[0] : f32 from vector<1xf32>
      %parallel_loop3A_750 = vector.broadcast %parallel_loop3A_749 : f32 to vector<16xf32>
      %parallel_loop3A_751 = arith.mulf %parallel_loop3A_747, %parallel_loop3A_750 : vector<16xf32>
      %parallel_loop3A_752 = arith.maximumf %parallel_loop3A_741, %parallel_loop3A_751 : vector<16xf32>
      %parallel_loop3A_753 = arith.constant 9 : i32
      %parallel_loop3A_754 = arith.addi %parallel_loop3A_234, %parallel_loop3A_753 : i32
      %parallel_loop3A_755 = arith.index_cast %parallel_loop3A_754 : i32 to index
      %parallel_loop3A_756 = arith.constant 48 : index
      %parallel_loop3A_757 = tpu.vector_load %arg14[%parallel_loop3A_755, %parallel_loop3A_756] {strides = array<i32>} : memref<384x128xf32, #tpu.memory_space<vmem>>, vector<1x16xf32>,
      %parallel_loop3A_758 = vector.shape_cast %parallel_loop3A_757 : vector<1x16xf32> to vector<16xf32>
      %parallel_loop3A_759 = vector.extract_strided_slice %parallel_loop3A_239 {offsets = [9], sizes = [1], strides = [1]} : vector<16xf32> to vector<1xf32>
      %parallel_loop3A_760 = vector.extract %parallel_loop3A_759[0] : f32 from vector<1xf32>
      %parallel_loop3A_761 = vector.broadcast %parallel_loop3A_760 : f32 to vector<16xf32>
      %parallel_loop3A_762 = arith.mulf %parallel_loop3A_758, %parallel_loop3A_761 : vector<16xf32>
      %parallel_loop3A_763 = arith.maximumf %parallel_loop3A_752, %parallel_loop3A_762 : vector<16xf32>
      %parallel_loop3A_764 = arith.constant 10 : i32
      %parallel_loop3A_765 = arith.addi %parallel_loop3A_234, %parallel_loop3A_764 : i32
      %parallel_loop3A_766 = arith.index_cast %parallel_loop3A_765 : i32 to index
      %parallel_loop3A_767 = arith.constant 48 : index
      %parallel_loop3A_768 = tpu.vector_load %arg14[%parallel_loop3A_766, %parallel_loop3A_767] {strides = array<i32>} : memref<384x128xf32, #tpu.memory_space<vmem>>, vector<1x16xf32>,
      %parallel_loop3A_769 = vector.shape_cast %parallel_loop3A_768 : vector<1x16xf32> to vector<16xf32>
      %parallel_loop3A_770 = vector.extract_strided_slice %parallel_loop3A_239 {offsets = [10], sizes = [1], strides = [1]} : vector<16xf32> to vector<1xf32>
      %parallel_loop3A_771 = vector.extract %parallel_loop3A_770[0] : f32 from vector<1xf32>
      %parallel_loop3A_772 = vector.broadcast %parallel_loop3A_771 : f32 to vector<16xf32>
      %parallel_loop3A_773 = arith.mulf %parallel_loop3A_769, %parallel_loop3A_772 : vector<16xf32>
      %parallel_loop3A_774 = arith.maximumf %parallel_loop3A_763, %parallel_loop3A_773 : vector<16xf32>
      %parallel_loop3A_775 = arith.constant 11 : i32
      %parallel_loop3A_776 = arith.addi %parallel_loop3A_234, %parallel_loop3A_775 : i32
      %parallel_loop3A_777 = arith.index_cast %parallel_loop3A_776 : i32 to index
      %parallel_loop3A_778 = arith.constant 48 : index
      %parallel_loop3A_779 = tpu.vector_load %arg14[%parallel_loop3A_777, %parallel_loop3A_778] {strides = array<i32>} : memref<384x128xf32, #tpu.memory_space<vmem>>, vector<1x16xf32>,
      %parallel_loop3A_780 = vector.shape_cast %parallel_loop3A_779 : vector<1x16xf32> to vector<16xf32>
      %parallel_loop3A_781 = vector.extract_strided_slice %parallel_loop3A_239 {offsets = [11], sizes = [1], strides = [1]} : vector<16xf32> to vector<1xf32>
      %parallel_loop3A_782 = vector.extract %parallel_loop3A_781[0] : f32 from vector<1xf32>
      %parallel_loop3A_783 = vector.broadcast %parallel_loop3A_782 : f32 to vector<16xf32>
      %parallel_loop3A_784 = arith.mulf %parallel_loop3A_780, %parallel_loop3A_783 : vector<16xf32>
      %parallel_loop3A_785 = arith.maximumf %parallel_loop3A_774, %parallel_loop3A_784 : vector<16xf32>
      %parallel_loop3A_786 = arith.index_cast %parallel_loop3A_232 : i32 to index
      %parallel_loop3A_787 = arith.constant 48 : index
      %parallel_loop3A_788 = tpu.vector_load %arg15[%parallel_loop3A_786, %parallel_loop3A_787] {strides = array<i32>} : memref<32x128xf32, #tpu.memory_space<vmem>>, vector<1x16xf32>,
      %parallel_loop3A_789 = vector.shape_cast %parallel_loop3A_788 : vector<1x16xf32> to vector<16xf32>
      %parallel_loop3A_790 = arith.subf %parallel_loop3A_789, %parallel_loop3A_785 : vector<16xf32>
      %parallel_loop3A_791 = arith.index_cast %parallel_loop3A_232 : i32 to index
      %parallel_loop3A_792 = arith.constant 48 : index
      %parallel_loop3A_793 = tpu.vector_load %arg16[%parallel_loop3A_791, %parallel_loop3A_792] {strides = array<i32>} : memref<32x128xf32, #tpu.memory_space<vmem>>, vector<1x16xf32>,
      %parallel_loop3A_794 = vector.shape_cast %parallel_loop3A_793 : vector<1x16xf32> to vector<16xf32>
      %parallel_loop3A_795 = vector.shape_cast %parallel_loop3A_790 : vector<16xf32> to vector<1x16xf32>
      tpu.vector_store %arg16[%parallel_loop3A_791, %parallel_loop3A_792], %parallel_loop3A_795 {strides = array<i32>} : memref<32x128xf32, #tpu.memory_space<vmem>>, vector<1x16xf32>,
      %parallel_loop3A_796 = arith.index_cast %parallel_loop3A_234 : i32 to index
      %parallel_loop3A_797 = arith.constant 64 : index
      %parallel_loop3A_798 = tpu.vector_load %arg14[%parallel_loop3A_796, %parallel_loop3A_797] {strides = array<i32>} : memref<384x128xf32, #tpu.memory_space<vmem>>, vector<1x16xf32>,
      %parallel_loop3A_799 = vector.shape_cast %parallel_loop3A_798 : vector<1x16xf32> to vector<16xf32>
      %parallel_loop3A_800 = vector.extract_strided_slice %parallel_loop3A_239 {offsets = [0], sizes = [1], strides = [1]} : vector<16xf32> to vector<1xf32>
      %parallel_loop3A_801 = vector.extract %parallel_loop3A_800[0] : f32 from vector<1xf32>
      %parallel_loop3A_802 = vector.broadcast %parallel_loop3A_801 : f32 to vector<16xf32>
      %parallel_loop3A_803 = arith.mulf %parallel_loop3A_799, %parallel_loop3A_802 : vector<16xf32>
      %parallel_loop3A_804 = arith.constant 1 : i32
      %parallel_loop3A_805 = arith.addi %parallel_loop3A_234, %parallel_loop3A_804 : i32
      %parallel_loop3A_806 = arith.index_cast %parallel_loop3A_805 : i32 to index
      %parallel_loop3A_807 = arith.constant 64 : index
      %parallel_loop3A_808 = tpu.vector_load %arg14[%parallel_loop3A_806, %parallel_loop3A_807] {strides = array<i32>} : memref<384x128xf32, #tpu.memory_space<vmem>>, vector<1x16xf32>,
      %parallel_loop3A_809 = vector.shape_cast %parallel_loop3A_808 : vector<1x16xf32> to vector<16xf32>
      %parallel_loop3A_810 = vector.extract_strided_slice %parallel_loop3A_239 {offsets = [1], sizes = [1], strides = [1]} : vector<16xf32> to vector<1xf32>
      %parallel_loop3A_811 = vector.extract %parallel_loop3A_810[0] : f32 from vector<1xf32>
      %parallel_loop3A_812 = vector.broadcast %parallel_loop3A_811 : f32 to vector<16xf32>
      %parallel_loop3A_813 = arith.mulf %parallel_loop3A_809, %parallel_loop3A_812 : vector<16xf32>
      %parallel_loop3A_814 = arith.maximumf %parallel_loop3A_803, %parallel_loop3A_813 : vector<16xf32>
      %parallel_loop3A_815 = arith.constant 2 : i32
      %parallel_loop3A_816 = arith.addi %parallel_loop3A_234, %parallel_loop3A_815 : i32
      %parallel_loop3A_817 = arith.index_cast %parallel_loop3A_816 : i32 to index
      %parallel_loop3A_818 = arith.constant 64 : index
      %parallel_loop3A_819 = tpu.vector_load %arg14[%parallel_loop3A_817, %parallel_loop3A_818] {strides = array<i32>} : memref<384x128xf32, #tpu.memory_space<vmem>>, vector<1x16xf32>,
      %parallel_loop3A_820 = vector.shape_cast %parallel_loop3A_819 : vector<1x16xf32> to vector<16xf32>
      %parallel_loop3A_821 = vector.extract_strided_slice %parallel_loop3A_239 {offsets = [2], sizes = [1], strides = [1]} : vector<16xf32> to vector<1xf32>
      %parallel_loop3A_822 = vector.extract %parallel_loop3A_821[0] : f32 from vector<1xf32>
      %parallel_loop3A_823 = vector.broadcast %parallel_loop3A_822 : f32 to vector<16xf32>
      %parallel_loop3A_824 = arith.mulf %parallel_loop3A_820, %parallel_loop3A_823 : vector<16xf32>
      %parallel_loop3A_825 = arith.maximumf %parallel_loop3A_814, %parallel_loop3A_824 : vector<16xf32>
      %parallel_loop3A_826 = arith.constant 3 : i32
      %parallel_loop3A_827 = arith.addi %parallel_loop3A_234, %parallel_loop3A_826 : i32
      %parallel_loop3A_828 = arith.index_cast %parallel_loop3A_827 : i32 to index
      %parallel_loop3A_829 = arith.constant 64 : index
      %parallel_loop3A_830 = tpu.vector_load %arg14[%parallel_loop3A_828, %parallel_loop3A_829] {strides = array<i32>} : memref<384x128xf32, #tpu.memory_space<vmem>>, vector<1x16xf32>,
      %parallel_loop3A_831 = vector.shape_cast %parallel_loop3A_830 : vector<1x16xf32> to vector<16xf32>
      %parallel_loop3A_832 = vector.extract_strided_slice %parallel_loop3A_239 {offsets = [3], sizes = [1], strides = [1]} : vector<16xf32> to vector<1xf32>
      %parallel_loop3A_833 = vector.extract %parallel_loop3A_832[0] : f32 from vector<1xf32>
      %parallel_loop3A_834 = vector.broadcast %parallel_loop3A_833 : f32 to vector<16xf32>
      %parallel_loop3A_835 = arith.mulf %parallel_loop3A_831, %parallel_loop3A_834 : vector<16xf32>
      %parallel_loop3A_836 = arith.maximumf %parallel_loop3A_825, %parallel_loop3A_835 : vector<16xf32>
      %parallel_loop3A_837 = arith.constant 4 : i32
      %parallel_loop3A_838 = arith.addi %parallel_loop3A_234, %parallel_loop3A_837 : i32
      %parallel_loop3A_839 = arith.index_cast %parallel_loop3A_838 : i32 to index
      %parallel_loop3A_840 = arith.constant 64 : index
      %parallel_loop3A_841 = tpu.vector_load %arg14[%parallel_loop3A_839, %parallel_loop3A_840] {strides = array<i32>} : memref<384x128xf32, #tpu.memory_space<vmem>>, vector<1x16xf32>,
      %parallel_loop3A_842 = vector.shape_cast %parallel_loop3A_841 : vector<1x16xf32> to vector<16xf32>
      %parallel_loop3A_843 = vector.extract_strided_slice %parallel_loop3A_239 {offsets = [4], sizes = [1], strides = [1]} : vector<16xf32> to vector<1xf32>
      %parallel_loop3A_844 = vector.extract %parallel_loop3A_843[0] : f32 from vector<1xf32>
      %parallel_loop3A_845 = vector.broadcast %parallel_loop3A_844 : f32 to vector<16xf32>
      %parallel_loop3A_846 = arith.mulf %parallel_loop3A_842, %parallel_loop3A_845 : vector<16xf32>
      %parallel_loop3A_847 = arith.maximumf %parallel_loop3A_836, %parallel_loop3A_846 : vector<16xf32>
      %parallel_loop3A_848 = arith.constant 5 : i32
      %parallel_loop3A_849 = arith.addi %parallel_loop3A_234, %parallel_loop3A_848 : i32
      %parallel_loop3A_850 = arith.index_cast %parallel_loop3A_849 : i32 to index
      %parallel_loop3A_851 = arith.constant 64 : index
      %parallel_loop3A_852 = tpu.vector_load %arg14[%parallel_loop3A_850, %parallel_loop3A_851] {strides = array<i32>} : memref<384x128xf32, #tpu.memory_space<vmem>>, vector<1x16xf32>,
      %parallel_loop3A_853 = vector.shape_cast %parallel_loop3A_852 : vector<1x16xf32> to vector<16xf32>
      %parallel_loop3A_854 = vector.extract_strided_slice %parallel_loop3A_239 {offsets = [5], sizes = [1], strides = [1]} : vector<16xf32> to vector<1xf32>
      %parallel_loop3A_855 = vector.extract %parallel_loop3A_854[0] : f32 from vector<1xf32>
      %parallel_loop3A_856 = vector.broadcast %parallel_loop3A_855 : f32 to vector<16xf32>
      %parallel_loop3A_857 = arith.mulf %parallel_loop3A_853, %parallel_loop3A_856 : vector<16xf32>
      %parallel_loop3A_858 = arith.maximumf %parallel_loop3A_847, %parallel_loop3A_857 : vector<16xf32>
      %parallel_loop3A_859 = arith.constant 6 : i32
      %parallel_loop3A_860 = arith.addi %parallel_loop3A_234, %parallel_loop3A_859 : i32
      %parallel_loop3A_861 = arith.index_cast %parallel_loop3A_860 : i32 to index
      %parallel_loop3A_862 = arith.constant 64 : index
      %parallel_loop3A_863 = tpu.vector_load %arg14[%parallel_loop3A_861, %parallel_loop3A_862] {strides = array<i32>} : memref<384x128xf32, #tpu.memory_space<vmem>>, vector<1x16xf32>,
      %parallel_loop3A_864 = vector.shape_cast %parallel_loop3A_863 : vector<1x16xf32> to vector<16xf32>
      %parallel_loop3A_865 = vector.extract_strided_slice %parallel_loop3A_239 {offsets = [6], sizes = [1], strides = [1]} : vector<16xf32> to vector<1xf32>
      %parallel_loop3A_866 = vector.extract %parallel_loop3A_865[0] : f32 from vector<1xf32>
      %parallel_loop3A_867 = vector.broadcast %parallel_loop3A_866 : f32 to vector<16xf32>
      %parallel_loop3A_868 = arith.mulf %parallel_loop3A_864, %parallel_loop3A_867 : vector<16xf32>
      %parallel_loop3A_869 = arith.maximumf %parallel_loop3A_858, %parallel_loop3A_868 : vector<16xf32>
      %parallel_loop3A_870 = arith.constant 7 : i32
      %parallel_loop3A_871 = arith.addi %parallel_loop3A_234, %parallel_loop3A_870 : i32
      %parallel_loop3A_872 = arith.index_cast %parallel_loop3A_871 : i32 to index
      %parallel_loop3A_873 = arith.constant 64 : index
      %parallel_loop3A_874 = tpu.vector_load %arg14[%parallel_loop3A_872, %parallel_loop3A_873] {strides = array<i32>} : memref<384x128xf32, #tpu.memory_space<vmem>>, vector<1x16xf32>,
      %parallel_loop3A_875 = vector.shape_cast %parallel_loop3A_874 : vector<1x16xf32> to vector<16xf32>
      %parallel_loop3A_876 = vector.extract_strided_slice %parallel_loop3A_239 {offsets = [7], sizes = [1], strides = [1]} : vector<16xf32> to vector<1xf32>
      %parallel_loop3A_877 = vector.extract %parallel_loop3A_876[0] : f32 from vector<1xf32>
      %parallel_loop3A_878 = vector.broadcast %parallel_loop3A_877 : f32 to vector<16xf32>
      %parallel_loop3A_879 = arith.mulf %parallel_loop3A_875, %parallel_loop3A_878 : vector<16xf32>
      %parallel_loop3A_880 = arith.maximumf %parallel_loop3A_869, %parallel_loop3A_879 : vector<16xf32>
      %parallel_loop3A_881 = arith.constant 8 : i32
      %parallel_loop3A_882 = arith.addi %parallel_loop3A_234, %parallel_loop3A_881 : i32
      %parallel_loop3A_883 = arith.index_cast %parallel_loop3A_882 : i32 to index
      %parallel_loop3A_884 = arith.constant 64 : index
      %parallel_loop3A_885 = tpu.vector_load %arg14[%parallel_loop3A_883, %parallel_loop3A_884] {strides = array<i32>} : memref<384x128xf32, #tpu.memory_space<vmem>>, vector<1x16xf32>,
      %parallel_loop3A_886 = vector.shape_cast %parallel_loop3A_885 : vector<1x16xf32> to vector<16xf32>
      %parallel_loop3A_887 = vector.extract_strided_slice %parallel_loop3A_239 {offsets = [8], sizes = [1], strides = [1]} : vector<16xf32> to vector<1xf32>
      %parallel_loop3A_888 = vector.extract %parallel_loop3A_887[0] : f32 from vector<1xf32>
      %parallel_loop3A_889 = vector.broadcast %parallel_loop3A_888 : f32 to vector<16xf32>
      %parallel_loop3A_890 = arith.mulf %parallel_loop3A_886, %parallel_loop3A_889 : vector<16xf32>
      %parallel_loop3A_891 = arith.maximumf %parallel_loop3A_880, %parallel_loop3A_890 : vector<16xf32>
      %parallel_loop3A_892 = arith.constant 9 : i32
      %parallel_loop3A_893 = arith.addi %parallel_loop3A_234, %parallel_loop3A_892 : i32
      %parallel_loop3A_894 = arith.index_cast %parallel_loop3A_893 : i32 to index
      %parallel_loop3A_895 = arith.constant 64 : index
      %parallel_loop3A_896 = tpu.vector_load %arg14[%parallel_loop3A_894, %parallel_loop3A_895] {strides = array<i32>} : memref<384x128xf32, #tpu.memory_space<vmem>>, vector<1x16xf32>,
      %parallel_loop3A_897 = vector.shape_cast %parallel_loop3A_896 : vector<1x16xf32> to vector<16xf32>
      %parallel_loop3A_898 = vector.extract_strided_slice %parallel_loop3A_239 {offsets = [9], sizes = [1], strides = [1]} : vector<16xf32> to vector<1xf32>
      %parallel_loop3A_899 = vector.extract %parallel_loop3A_898[0] : f32 from vector<1xf32>
      %parallel_loop3A_900 = vector.broadcast %parallel_loop3A_899 : f32 to vector<16xf32>
      %parallel_loop3A_901 = arith.mulf %parallel_loop3A_897, %parallel_loop3A_900 : vector<16xf32>
      %parallel_loop3A_902 = arith.maximumf %parallel_loop3A_891, %parallel_loop3A_901 : vector<16xf32>
      %parallel_loop3A_903 = arith.constant 10 : i32
      %parallel_loop3A_904 = arith.addi %parallel_loop3A_234, %parallel_loop3A_903 : i32
      %parallel_loop3A_905 = arith.index_cast %parallel_loop3A_904 : i32 to index
      %parallel_loop3A_906 = arith.constant 64 : index
      %parallel_loop3A_907 = tpu.vector_load %arg14[%parallel_loop3A_905, %parallel_loop3A_906] {strides = array<i32>} : memref<384x128xf32, #tpu.memory_space<vmem>>, vector<1x16xf32>,
      %parallel_loop3A_908 = vector.shape_cast %parallel_loop3A_907 : vector<1x16xf32> to vector<16xf32>
      %parallel_loop3A_909 = vector.extract_strided_slice %parallel_loop3A_239 {offsets = [10], sizes = [1], strides = [1]} : vector<16xf32> to vector<1xf32>
      %parallel_loop3A_910 = vector.extract %parallel_loop3A_909[0] : f32 from vector<1xf32>
      %parallel_loop3A_911 = vector.broadcast %parallel_loop3A_910 : f32 to vector<16xf32>
      %parallel_loop3A_912 = arith.mulf %parallel_loop3A_908, %parallel_loop3A_911 : vector<16xf32>
      %parallel_loop3A_913 = arith.maximumf %parallel_loop3A_902, %parallel_loop3A_912 : vector<16xf32>
      %parallel_loop3A_914 = arith.constant 11 : i32
      %parallel_loop3A_915 = arith.addi %parallel_loop3A_234, %parallel_loop3A_914 : i32
      %parallel_loop3A_916 = arith.index_cast %parallel_loop3A_915 : i32 to index
      %parallel_loop3A_917 = arith.constant 64 : index
      %parallel_loop3A_918 = tpu.vector_load %arg14[%parallel_loop3A_916, %parallel_loop3A_917] {strides = array<i32>} : memref<384x128xf32, #tpu.memory_space<vmem>>, vector<1x16xf32>,
      %parallel_loop3A_919 = vector.shape_cast %parallel_loop3A_918 : vector<1x16xf32> to vector<16xf32>
      %parallel_loop3A_920 = vector.extract_strided_slice %parallel_loop3A_239 {offsets = [11], sizes = [1], strides = [1]} : vector<16xf32> to vector<1xf32>
      %parallel_loop3A_921 = vector.extract %parallel_loop3A_920[0] : f32 from vector<1xf32>
      %parallel_loop3A_922 = vector.broadcast %parallel_loop3A_921 : f32 to vector<16xf32>
      %parallel_loop3A_923 = arith.mulf %parallel_loop3A_919, %parallel_loop3A_922 : vector<16xf32>
      %parallel_loop3A_924 = arith.maximumf %parallel_loop3A_913, %parallel_loop3A_923 : vector<16xf32>
      %parallel_loop3A_925 = arith.index_cast %parallel_loop3A_232 : i32 to index
      %parallel_loop3A_926 = arith.constant 64 : index
      %parallel_loop3A_927 = tpu.vector_load %arg15[%parallel_loop3A_925, %parallel_loop3A_926] {strides = array<i32>} : memref<32x128xf32, #tpu.memory_space<vmem>>, vector<1x16xf32>,
      %parallel_loop3A_928 = vector.shape_cast %parallel_loop3A_927 : vector<1x16xf32> to vector<16xf32>
      %parallel_loop3A_929 = arith.subf %parallel_loop3A_928, %parallel_loop3A_924 : vector<16xf32>
      %parallel_loop3A_930 = arith.index_cast %parallel_loop3A_232 : i32 to index
      %parallel_loop3A_931 = arith.constant 64 : index
      %parallel_loop3A_932 = tpu.vector_load %arg16[%parallel_loop3A_930, %parallel_loop3A_931] {strides = array<i32>} : memref<32x128xf32, #tpu.memory_space<vmem>>, vector<1x16xf32>,
      %parallel_loop3A_933 = vector.shape_cast %parallel_loop3A_932 : vector<1x16xf32> to vector<16xf32>
      %parallel_loop3A_934 = vector.shape_cast %parallel_loop3A_929 : vector<16xf32> to vector<1x16xf32>
      tpu.vector_store %arg16[%parallel_loop3A_930, %parallel_loop3A_931], %parallel_loop3A_934 {strides = array<i32>} : memref<32x128xf32, #tpu.memory_space<vmem>>, vector<1x16xf32>,
      %parallel_loop3A_935 = arith.index_cast %parallel_loop3A_234 : i32 to index
      %parallel_loop3A_936 = arith.constant 80 : index
      %parallel_loop3A_937 = tpu.vector_load %arg14[%parallel_loop3A_935, %parallel_loop3A_936] {strides = array<i32>} : memref<384x128xf32, #tpu.memory_space<vmem>>, vector<1x16xf32>,
      %parallel_loop3A_938 = vector.shape_cast %parallel_loop3A_937 : vector<1x16xf32> to vector<16xf32>
      %parallel_loop3A_939 = vector.extract_strided_slice %parallel_loop3A_239 {offsets = [0], sizes = [1], strides = [1]} : vector<16xf32> to vector<1xf32>
      %parallel_loop3A_940 = vector.extract %parallel_loop3A_939[0] : f32 from vector<1xf32>
      %parallel_loop3A_941 = vector.broadcast %parallel_loop3A_940 : f32 to vector<16xf32>
      %parallel_loop3A_942 = arith.mulf %parallel_loop3A_938, %parallel_loop3A_941 : vector<16xf32>
      %parallel_loop3A_943 = arith.constant 1 : i32
      %parallel_loop3A_944 = arith.addi %parallel_loop3A_234, %parallel_loop3A_943 : i32
      %parallel_loop3A_945 = arith.index_cast %parallel_loop3A_944 : i32 to index
      %parallel_loop3A_946 = arith.constant 80 : index
      %parallel_loop3A_947 = tpu.vector_load %arg14[%parallel_loop3A_945, %parallel_loop3A_946] {strides = array<i32>} : memref<384x128xf32, #tpu.memory_space<vmem>>, vector<1x16xf32>,
      %parallel_loop3A_948 = vector.shape_cast %parallel_loop3A_947 : vector<1x16xf32> to vector<16xf32>
      %parallel_loop3A_949 = vector.extract_strided_slice %parallel_loop3A_239 {offsets = [1], sizes = [1], strides = [1]} : vector<16xf32> to vector<1xf32>
      %parallel_loop3A_950 = vector.extract %parallel_loop3A_949[0] : f32 from vector<1xf32>
      %parallel_loop3A_951 = vector.broadcast %parallel_loop3A_950 : f32 to vector<16xf32>
      %parallel_loop3A_952 = arith.mulf %parallel_loop3A_948, %parallel_loop3A_951 : vector<16xf32>
      %parallel_loop3A_953 = arith.maximumf %parallel_loop3A_942, %parallel_loop3A_952 : vector<16xf32>
      %parallel_loop3A_954 = arith.constant 2 : i32
      %parallel_loop3A_955 = arith.addi %parallel_loop3A_234, %parallel_loop3A_954 : i32
      %parallel_loop3A_956 = arith.index_cast %parallel_loop3A_955 : i32 to index
      %parallel_loop3A_957 = arith.constant 80 : index
      %parallel_loop3A_958 = tpu.vector_load %arg14[%parallel_loop3A_956, %parallel_loop3A_957] {strides = array<i32>} : memref<384x128xf32, #tpu.memory_space<vmem>>, vector<1x16xf32>,
      %parallel_loop3A_959 = vector.shape_cast %parallel_loop3A_958 : vector<1x16xf32> to vector<16xf32>
      %parallel_loop3A_960 = vector.extract_strided_slice %parallel_loop3A_239 {offsets = [2], sizes = [1], strides = [1]} : vector<16xf32> to vector<1xf32>
      %parallel_loop3A_961 = vector.extract %parallel_loop3A_960[0] : f32 from vector<1xf32>
      %parallel_loop3A_962 = vector.broadcast %parallel_loop3A_961 : f32 to vector<16xf32>
      %parallel_loop3A_963 = arith.mulf %parallel_loop3A_959, %parallel_loop3A_962 : vector<16xf32>
      %parallel_loop3A_964 = arith.maximumf %parallel_loop3A_953, %parallel_loop3A_963 : vector<16xf32>
      %parallel_loop3A_965 = arith.constant 3 : i32
      %parallel_loop3A_966 = arith.addi %parallel_loop3A_234, %parallel_loop3A_965 : i32
      %parallel_loop3A_967 = arith.index_cast %parallel_loop3A_966 : i32 to index
      %parallel_loop3A_968 = arith.constant 80 : index
      %parallel_loop3A_969 = tpu.vector_load %arg14[%parallel_loop3A_967, %parallel_loop3A_968] {strides = array<i32>} : memref<384x128xf32, #tpu.memory_space<vmem>>, vector<1x16xf32>,
      %parallel_loop3A_970 = vector.shape_cast %parallel_loop3A_969 : vector<1x16xf32> to vector<16xf32>
      %parallel_loop3A_971 = vector.extract_strided_slice %parallel_loop3A_239 {offsets = [3], sizes = [1], strides = [1]} : vector<16xf32> to vector<1xf32>
      %parallel_loop3A_972 = vector.extract %parallel_loop3A_971[0] : f32 from vector<1xf32>
      %parallel_loop3A_973 = vector.broadcast %parallel_loop3A_972 : f32 to vector<16xf32>
      %parallel_loop3A_974 = arith.mulf %parallel_loop3A_970, %parallel_loop3A_973 : vector<16xf32>
      %parallel_loop3A_975 = arith.maximumf %parallel_loop3A_964, %parallel_loop3A_974 : vector<16xf32>
      %parallel_loop3A_976 = arith.constant 4 : i32
      %parallel_loop3A_977 = arith.addi %parallel_loop3A_234, %parallel_loop3A_976 : i32
      %parallel_loop3A_978 = arith.index_cast %parallel_loop3A_977 : i32 to index
      %parallel_loop3A_979 = arith.constant 80 : index
      %parallel_loop3A_980 = tpu.vector_load %arg14[%parallel_loop3A_978, %parallel_loop3A_979] {strides = array<i32>} : memref<384x128xf32, #tpu.memory_space<vmem>>, vector<1x16xf32>,
      %parallel_loop3A_981 = vector.shape_cast %parallel_loop3A_980 : vector<1x16xf32> to vector<16xf32>
      %parallel_loop3A_982 = vector.extract_strided_slice %parallel_loop3A_239 {offsets = [4], sizes = [1], strides = [1]} : vector<16xf32> to vector<1xf32>
      %parallel_loop3A_983 = vector.extract %parallel_loop3A_982[0] : f32 from vector<1xf32>
      %parallel_loop3A_984 = vector.broadcast %parallel_loop3A_983 : f32 to vector<16xf32>
      %parallel_loop3A_985 = arith.mulf %parallel_loop3A_981, %parallel_loop3A_984 : vector<16xf32>
      %parallel_loop3A_986 = arith.maximumf %parallel_loop3A_975, %parallel_loop3A_985 : vector<16xf32>
      %parallel_loop3A_987 = arith.constant 5 : i32
      %parallel_loop3A_988 = arith.addi %parallel_loop3A_234, %parallel_loop3A_987 : i32
      %parallel_loop3A_989 = arith.index_cast %parallel_loop3A_988 : i32 to index
      %parallel_loop3A_990 = arith.constant 80 : index
      %parallel_loop3A_991 = tpu.vector_load %arg14[%parallel_loop3A_989, %parallel_loop3A_990] {strides = array<i32>} : memref<384x128xf32, #tpu.memory_space<vmem>>, vector<1x16xf32>,
      %parallel_loop3A_992 = vector.shape_cast %parallel_loop3A_991 : vector<1x16xf32> to vector<16xf32>
      %parallel_loop3A_993 = vector.extract_strided_slice %parallel_loop3A_239 {offsets = [5], sizes = [1], strides = [1]} : vector<16xf32> to vector<1xf32>
      %parallel_loop3A_994 = vector.extract %parallel_loop3A_993[0] : f32 from vector<1xf32>
      %parallel_loop3A_995 = vector.broadcast %parallel_loop3A_994 : f32 to vector<16xf32>
      %parallel_loop3A_996 = arith.mulf %parallel_loop3A_992, %parallel_loop3A_995 : vector<16xf32>
      %parallel_loop3A_997 = arith.maximumf %parallel_loop3A_986, %parallel_loop3A_996 : vector<16xf32>
      %parallel_loop3A_998 = arith.constant 6 : i32
      %parallel_loop3A_999 = arith.addi %parallel_loop3A_234, %parallel_loop3A_998 : i32
      %parallel_loop3A_1000 = arith.index_cast %parallel_loop3A_999 : i32 to index
      %parallel_loop3A_1001 = arith.constant 80 : index
      %parallel_loop3A_1002 = tpu.vector_load %arg14[%parallel_loop3A_1000, %parallel_loop3A_1001] {strides = array<i32>} : memref<384x128xf32, #tpu.memory_space<vmem>>, vector<1x16xf32>,
      %parallel_loop3A_1003 = vector.shape_cast %parallel_loop3A_1002 : vector<1x16xf32> to vector<16xf32>
      %parallel_loop3A_1004 = vector.extract_strided_slice %parallel_loop3A_239 {offsets = [6], sizes = [1], strides = [1]} : vector<16xf32> to vector<1xf32>
      %parallel_loop3A_1005 = vector.extract %parallel_loop3A_1004[0] : f32 from vector<1xf32>
      %parallel_loop3A_1006 = vector.broadcast %parallel_loop3A_1005 : f32 to vector<16xf32>
      %parallel_loop3A_1007 = arith.mulf %parallel_loop3A_1003, %parallel_loop3A_1006 : vector<16xf32>
      %parallel_loop3A_1008 = arith.maximumf %parallel_loop3A_997, %parallel_loop3A_1007 : vector<16xf32>
      %parallel_loop3A_1009 = arith.constant 7 : i32
      %parallel_loop3A_1010 = arith.addi %parallel_loop3A_234, %parallel_loop3A_1009 : i32
      %parallel_loop3A_1011 = arith.index_cast %parallel_loop3A_1010 : i32 to index
      %parallel_loop3A_1012 = arith.constant 80 : index
      %parallel_loop3A_1013 = tpu.vector_load %arg14[%parallel_loop3A_1011, %parallel_loop3A_1012] {strides = array<i32>} : memref<384x128xf32, #tpu.memory_space<vmem>>, vector<1x16xf32>,
      %parallel_loop3A_1014 = vector.shape_cast %parallel_loop3A_1013 : vector<1x16xf32> to vector<16xf32>
      %parallel_loop3A_1015 = vector.extract_strided_slice %parallel_loop3A_239 {offsets = [7], sizes = [1], strides = [1]} : vector<16xf32> to vector<1xf32>
      %parallel_loop3A_1016 = vector.extract %parallel_loop3A_1015[0] : f32 from vector<1xf32>
      %parallel_loop3A_1017 = vector.broadcast %parallel_loop3A_1016 : f32 to vector<16xf32>
      %parallel_loop3A_1018 = arith.mulf %parallel_loop3A_1014, %parallel_loop3A_1017 : vector<16xf32>
      %parallel_loop3A_1019 = arith.maximumf %parallel_loop3A_1008, %parallel_loop3A_1018 : vector<16xf32>
      %parallel_loop3A_1020 = arith.constant 8 : i32
      %parallel_loop3A_1021 = arith.addi %parallel_loop3A_234, %parallel_loop3A_1020 : i32
      %parallel_loop3A_1022 = arith.index_cast %parallel_loop3A_1021 : i32 to index
      %parallel_loop3A_1023 = arith.constant 80 : index
      %parallel_loop3A_1024 = tpu.vector_load %arg14[%parallel_loop3A_1022, %parallel_loop3A_1023] {strides = array<i32>} : memref<384x128xf32, #tpu.memory_space<vmem>>, vector<1x16xf32>,
      %parallel_loop3A_1025 = vector.shape_cast %parallel_loop3A_1024 : vector<1x16xf32> to vector<16xf32>
      %parallel_loop3A_1026 = vector.extract_strided_slice %parallel_loop3A_239 {offsets = [8], sizes = [1], strides = [1]} : vector<16xf32> to vector<1xf32>
      %parallel_loop3A_1027 = vector.extract %parallel_loop3A_1026[0] : f32 from vector<1xf32>
      %parallel_loop3A_1028 = vector.broadcast %parallel_loop3A_1027 : f32 to vector<16xf32>
      %parallel_loop3A_1029 = arith.mulf %parallel_loop3A_1025, %parallel_loop3A_1028 : vector<16xf32>
      %parallel_loop3A_1030 = arith.maximumf %parallel_loop3A_1019, %parallel_loop3A_1029 : vector<16xf32>
      %parallel_loop3A_1031 = arith.constant 9 : i32
      %parallel_loop3A_1032 = arith.addi %parallel_loop3A_234, %parallel_loop3A_1031 : i32
      %parallel_loop3A_1033 = arith.index_cast %parallel_loop3A_1032 : i32 to index
      %parallel_loop3A_1034 = arith.constant 80 : index
      %parallel_loop3A_1035 = tpu.vector_load %arg14[%parallel_loop3A_1033, %parallel_loop3A_1034] {strides = array<i32>} : memref<384x128xf32, #tpu.memory_space<vmem>>, vector<1x16xf32>,
      %parallel_loop3A_1036 = vector.shape_cast %parallel_loop3A_1035 : vector<1x16xf32> to vector<16xf32>
      %parallel_loop3A_1037 = vector.extract_strided_slice %parallel_loop3A_239 {offsets = [9], sizes = [1], strides = [1]} : vector<16xf32> to vector<1xf32>
      %parallel_loop3A_1038 = vector.extract %parallel_loop3A_1037[0] : f32 from vector<1xf32>
      %parallel_loop3A_1039 = vector.broadcast %parallel_loop3A_1038 : f32 to vector<16xf32>
      %parallel_loop3A_1040 = arith.mulf %parallel_loop3A_1036, %parallel_loop3A_1039 : vector<16xf32>
      %parallel_loop3A_1041 = arith.maximumf %parallel_loop3A_1030, %parallel_loop3A_1040 : vector<16xf32>
      %parallel_loop3A_1042 = arith.constant 10 : i32
      %parallel_loop3A_1043 = arith.addi %parallel_loop3A_234, %parallel_loop3A_1042 : i32
      %parallel_loop3A_1044 = arith.index_cast %parallel_loop3A_1043 : i32 to index
      %parallel_loop3A_1045 = arith.constant 80 : index
      %parallel_loop3A_1046 = tpu.vector_load %arg14[%parallel_loop3A_1044, %parallel_loop3A_1045] {strides = array<i32>} : memref<384x128xf32, #tpu.memory_space<vmem>>, vector<1x16xf32>,
      %parallel_loop3A_1047 = vector.shape_cast %parallel_loop3A_1046 : vector<1x16xf32> to vector<16xf32>
      %parallel_loop3A_1048 = vector.extract_strided_slice %parallel_loop3A_239 {offsets = [10], sizes = [1], strides = [1]} : vector<16xf32> to vector<1xf32>
      %parallel_loop3A_1049 = vector.extract %parallel_loop3A_1048[0] : f32 from vector<1xf32>
      %parallel_loop3A_1050 = vector.broadcast %parallel_loop3A_1049 : f32 to vector<16xf32>
      %parallel_loop3A_1051 = arith.mulf %parallel_loop3A_1047, %parallel_loop3A_1050 : vector<16xf32>
      %parallel_loop3A_1052 = arith.maximumf %parallel_loop3A_1041, %parallel_loop3A_1051 : vector<16xf32>
      %parallel_loop3A_1053 = arith.constant 11 : i32
      %parallel_loop3A_1054 = arith.addi %parallel_loop3A_234, %parallel_loop3A_1053 : i32
      %parallel_loop3A_1055 = arith.index_cast %parallel_loop3A_1054 : i32 to index
      %parallel_loop3A_1056 = arith.constant 80 : index
      %parallel_loop3A_1057 = tpu.vector_load %arg14[%parallel_loop3A_1055, %parallel_loop3A_1056] {strides = array<i32>} : memref<384x128xf32, #tpu.memory_space<vmem>>, vector<1x16xf32>,
      %parallel_loop3A_1058 = vector.shape_cast %parallel_loop3A_1057 : vector<1x16xf32> to vector<16xf32>
      %parallel_loop3A_1059 = vector.extract_strided_slice %parallel_loop3A_239 {offsets = [11], sizes = [1], strides = [1]} : vector<16xf32> to vector<1xf32>
      %parallel_loop3A_1060 = vector.extract %parallel_loop3A_1059[0] : f32 from vector<1xf32>
      %parallel_loop3A_1061 = vector.broadcast %parallel_loop3A_1060 : f32 to vector<16xf32>
      %parallel_loop3A_1062 = arith.mulf %parallel_loop3A_1058, %parallel_loop3A_1061 : vector<16xf32>
      %parallel_loop3A_1063 = arith.maximumf %parallel_loop3A_1052, %parallel_loop3A_1062 : vector<16xf32>
      %parallel_loop3A_1064 = arith.index_cast %parallel_loop3A_232 : i32 to index
      %parallel_loop3A_1065 = arith.constant 80 : index
      %parallel_loop3A_1066 = tpu.vector_load %arg15[%parallel_loop3A_1064, %parallel_loop3A_1065] {strides = array<i32>} : memref<32x128xf32, #tpu.memory_space<vmem>>, vector<1x16xf32>,
      %parallel_loop3A_1067 = vector.shape_cast %parallel_loop3A_1066 : vector<1x16xf32> to vector<16xf32>
      %parallel_loop3A_1068 = arith.subf %parallel_loop3A_1067, %parallel_loop3A_1063 : vector<16xf32>
      %parallel_loop3A_1069 = arith.index_cast %parallel_loop3A_232 : i32 to index
      %parallel_loop3A_1070 = arith.constant 80 : index
      %parallel_loop3A_1071 = tpu.vector_load %arg16[%parallel_loop3A_1069, %parallel_loop3A_1070] {strides = array<i32>} : memref<32x128xf32, #tpu.memory_space<vmem>>, vector<1x16xf32>,
      %parallel_loop3A_1072 = vector.shape_cast %parallel_loop3A_1071 : vector<1x16xf32> to vector<16xf32>
      %parallel_loop3A_1073 = vector.shape_cast %parallel_loop3A_1068 : vector<16xf32> to vector<1x16xf32>
      tpu.vector_store %arg16[%parallel_loop3A_1069, %parallel_loop3A_1070], %parallel_loop3A_1073 {strides = array<i32>} : memref<32x128xf32, #tpu.memory_space<vmem>>, vector<1x16xf32>,
      %parallel_loop3A_1074 = arith.index_cast %parallel_loop3A_234 : i32 to index
      %parallel_loop3A_1075 = arith.constant 96 : index
      %parallel_loop3A_1076 = tpu.vector_load %arg14[%parallel_loop3A_1074, %parallel_loop3A_1075] {strides = array<i32>} : memref<384x128xf32, #tpu.memory_space<vmem>>, vector<1x16xf32>,
      %parallel_loop3A_1077 = vector.shape_cast %parallel_loop3A_1076 : vector<1x16xf32> to vector<16xf32>
      %parallel_loop3A_1078 = vector.extract_strided_slice %parallel_loop3A_239 {offsets = [0], sizes = [1], strides = [1]} : vector<16xf32> to vector<1xf32>
      %parallel_loop3A_1079 = vector.extract %parallel_loop3A_1078[0] : f32 from vector<1xf32>
      %parallel_loop3A_1080 = vector.broadcast %parallel_loop3A_1079 : f32 to vector<16xf32>
      %parallel_loop3A_1081 = arith.mulf %parallel_loop3A_1077, %parallel_loop3A_1080 : vector<16xf32>
      %parallel_loop3A_1082 = arith.constant 1 : i32
      %parallel_loop3A_1083 = arith.addi %parallel_loop3A_234, %parallel_loop3A_1082 : i32
      %parallel_loop3A_1084 = arith.index_cast %parallel_loop3A_1083 : i32 to index
      %parallel_loop3A_1085 = arith.constant 96 : index
      %parallel_loop3A_1086 = tpu.vector_load %arg14[%parallel_loop3A_1084, %parallel_loop3A_1085] {strides = array<i32>} : memref<384x128xf32, #tpu.memory_space<vmem>>, vector<1x16xf32>,
      %parallel_loop3A_1087 = vector.shape_cast %parallel_loop3A_1086 : vector<1x16xf32> to vector<16xf32>
      %parallel_loop3A_1088 = vector.extract_strided_slice %parallel_loop3A_239 {offsets = [1], sizes = [1], strides = [1]} : vector<16xf32> to vector<1xf32>
      %parallel_loop3A_1089 = vector.extract %parallel_loop3A_1088[0] : f32 from vector<1xf32>
      %parallel_loop3A_1090 = vector.broadcast %parallel_loop3A_1089 : f32 to vector<16xf32>
      %parallel_loop3A_1091 = arith.mulf %parallel_loop3A_1087, %parallel_loop3A_1090 : vector<16xf32>
      %parallel_loop3A_1092 = arith.maximumf %parallel_loop3A_1081, %parallel_loop3A_1091 : vector<16xf32>
      %parallel_loop3A_1093 = arith.constant 2 : i32
      %parallel_loop3A_1094 = arith.addi %parallel_loop3A_234, %parallel_loop3A_1093 : i32
      %parallel_loop3A_1095 = arith.index_cast %parallel_loop3A_1094 : i32 to index
      %parallel_loop3A_1096 = arith.constant 96 : index
      %parallel_loop3A_1097 = tpu.vector_load %arg14[%parallel_loop3A_1095, %parallel_loop3A_1096] {strides = array<i32>} : memref<384x128xf32, #tpu.memory_space<vmem>>, vector<1x16xf32>,
      %parallel_loop3A_1098 = vector.shape_cast %parallel_loop3A_1097 : vector<1x16xf32> to vector<16xf32>
      %parallel_loop3A_1099 = vector.extract_strided_slice %parallel_loop3A_239 {offsets = [2], sizes = [1], strides = [1]} : vector<16xf32> to vector<1xf32>
      %parallel_loop3A_1100 = vector.extract %parallel_loop3A_1099[0] : f32 from vector<1xf32>
      %parallel_loop3A_1101 = vector.broadcast %parallel_loop3A_1100 : f32 to vector<16xf32>
      %parallel_loop3A_1102 = arith.mulf %parallel_loop3A_1098, %parallel_loop3A_1101 : vector<16xf32>
      %parallel_loop3A_1103 = arith.maximumf %parallel_loop3A_1092, %parallel_loop3A_1102 : vector<16xf32>
      %parallel_loop3A_1104 = arith.constant 3 : i32
      %parallel_loop3A_1105 = arith.addi %parallel_loop3A_234, %parallel_loop3A_1104 : i32
      %parallel_loop3A_1106 = arith.index_cast %parallel_loop3A_1105 : i32 to index
      %parallel_loop3A_1107 = arith.constant 96 : index
      %parallel_loop3A_1108 = tpu.vector_load %arg14[%parallel_loop3A_1106, %parallel_loop3A_1107] {strides = array<i32>} : memref<384x128xf32, #tpu.memory_space<vmem>>, vector<1x16xf32>,
      %parallel_loop3A_1109 = vector.shape_cast %parallel_loop3A_1108 : vector<1x16xf32> to vector<16xf32>
      %parallel_loop3A_1110 = vector.extract_strided_slice %parallel_loop3A_239 {offsets = [3], sizes = [1], strides = [1]} : vector<16xf32> to vector<1xf32>
      %parallel_loop3A_1111 = vector.extract %parallel_loop3A_1110[0] : f32 from vector<1xf32>
      %parallel_loop3A_1112 = vector.broadcast %parallel_loop3A_1111 : f32 to vector<16xf32>
      %parallel_loop3A_1113 = arith.mulf %parallel_loop3A_1109, %parallel_loop3A_1112 : vector<16xf32>
      %parallel_loop3A_1114 = arith.maximumf %parallel_loop3A_1103, %parallel_loop3A_1113 : vector<16xf32>
      %parallel_loop3A_1115 = arith.constant 4 : i32
      %parallel_loop3A_1116 = arith.addi %parallel_loop3A_234, %parallel_loop3A_1115 : i32
      %parallel_loop3A_1117 = arith.index_cast %parallel_loop3A_1116 : i32 to index
      %parallel_loop3A_1118 = arith.constant 96 : index
      %parallel_loop3A_1119 = tpu.vector_load %arg14[%parallel_loop3A_1117, %parallel_loop3A_1118] {strides = array<i32>} : memref<384x128xf32, #tpu.memory_space<vmem>>, vector<1x16xf32>,
      %parallel_loop3A_1120 = vector.shape_cast %parallel_loop3A_1119 : vector<1x16xf32> to vector<16xf32>
      %parallel_loop3A_1121 = vector.extract_strided_slice %parallel_loop3A_239 {offsets = [4], sizes = [1], strides = [1]} : vector<16xf32> to vector<1xf32>
      %parallel_loop3A_1122 = vector.extract %parallel_loop3A_1121[0] : f32 from vector<1xf32>
      %parallel_loop3A_1123 = vector.broadcast %parallel_loop3A_1122 : f32 to vector<16xf32>
      %parallel_loop3A_1124 = arith.mulf %parallel_loop3A_1120, %parallel_loop3A_1123 : vector<16xf32>
      %parallel_loop3A_1125 = arith.maximumf %parallel_loop3A_1114, %parallel_loop3A_1124 : vector<16xf32>
      %parallel_loop3A_1126 = arith.constant 5 : i32
      %parallel_loop3A_1127 = arith.addi %parallel_loop3A_234, %parallel_loop3A_1126 : i32
      %parallel_loop3A_1128 = arith.index_cast %parallel_loop3A_1127 : i32 to index
      %parallel_loop3A_1129 = arith.constant 96 : index
      %parallel_loop3A_1130 = tpu.vector_load %arg14[%parallel_loop3A_1128, %parallel_loop3A_1129] {strides = array<i32>} : memref<384x128xf32, #tpu.memory_space<vmem>>, vector<1x16xf32>,
      %parallel_loop3A_1131 = vector.shape_cast %parallel_loop3A_1130 : vector<1x16xf32> to vector<16xf32>
      %parallel_loop3A_1132 = vector.extract_strided_slice %parallel_loop3A_239 {offsets = [5], sizes = [1], strides = [1]} : vector<16xf32> to vector<1xf32>
      %parallel_loop3A_1133 = vector.extract %parallel_loop3A_1132[0] : f32 from vector<1xf32>
      %parallel_loop3A_1134 = vector.broadcast %parallel_loop3A_1133 : f32 to vector<16xf32>
      %parallel_loop3A_1135 = arith.mulf %parallel_loop3A_1131, %parallel_loop3A_1134 : vector<16xf32>
      %parallel_loop3A_1136 = arith.maximumf %parallel_loop3A_1125, %parallel_loop3A_1135 : vector<16xf32>
      %parallel_loop3A_1137 = arith.constant 6 : i32
      %parallel_loop3A_1138 = arith.addi %parallel_loop3A_234, %parallel_loop3A_1137 : i32
      %parallel_loop3A_1139 = arith.index_cast %parallel_loop3A_1138 : i32 to index
      %parallel_loop3A_1140 = arith.constant 96 : index
      %parallel_loop3A_1141 = tpu.vector_load %arg14[%parallel_loop3A_1139, %parallel_loop3A_1140] {strides = array<i32>} : memref<384x128xf32, #tpu.memory_space<vmem>>, vector<1x16xf32>,
      %parallel_loop3A_1142 = vector.shape_cast %parallel_loop3A_1141 : vector<1x16xf32> to vector<16xf32>
      %parallel_loop3A_1143 = vector.extract_strided_slice %parallel_loop3A_239 {offsets = [6], sizes = [1], strides = [1]} : vector<16xf32> to vector<1xf32>
      %parallel_loop3A_1144 = vector.extract %parallel_loop3A_1143[0] : f32 from vector<1xf32>
      %parallel_loop3A_1145 = vector.broadcast %parallel_loop3A_1144 : f32 to vector<16xf32>
      %parallel_loop3A_1146 = arith.mulf %parallel_loop3A_1142, %parallel_loop3A_1145 : vector<16xf32>
      %parallel_loop3A_1147 = arith.maximumf %parallel_loop3A_1136, %parallel_loop3A_1146 : vector<16xf32>
      %parallel_loop3A_1148 = arith.constant 7 : i32
      %parallel_loop3A_1149 = arith.addi %parallel_loop3A_234, %parallel_loop3A_1148 : i32
      %parallel_loop3A_1150 = arith.index_cast %parallel_loop3A_1149 : i32 to index
      %parallel_loop3A_1151 = arith.constant 96 : index
      %parallel_loop3A_1152 = tpu.vector_load %arg14[%parallel_loop3A_1150, %parallel_loop3A_1151] {strides = array<i32>} : memref<384x128xf32, #tpu.memory_space<vmem>>, vector<1x16xf32>,
      %parallel_loop3A_1153 = vector.shape_cast %parallel_loop3A_1152 : vector<1x16xf32> to vector<16xf32>
      %parallel_loop3A_1154 = vector.extract_strided_slice %parallel_loop3A_239 {offsets = [7], sizes = [1], strides = [1]} : vector<16xf32> to vector<1xf32>
      %parallel_loop3A_1155 = vector.extract %parallel_loop3A_1154[0] : f32 from vector<1xf32>
      %parallel_loop3A_1156 = vector.broadcast %parallel_loop3A_1155 : f32 to vector<16xf32>
      %parallel_loop3A_1157 = arith.mulf %parallel_loop3A_1153, %parallel_loop3A_1156 : vector<16xf32>
      %parallel_loop3A_1158 = arith.maximumf %parallel_loop3A_1147, %parallel_loop3A_1157 : vector<16xf32>
      %parallel_loop3A_1159 = arith.constant 8 : i32
      %parallel_loop3A_1160 = arith.addi %parallel_loop3A_234, %parallel_loop3A_1159 : i32
      %parallel_loop3A_1161 = arith.index_cast %parallel_loop3A_1160 : i32 to index
      %parallel_loop3A_1162 = arith.constant 96 : index
      %parallel_loop3A_1163 = tpu.vector_load %arg14[%parallel_loop3A_1161, %parallel_loop3A_1162] {strides = array<i32>} : memref<384x128xf32, #tpu.memory_space<vmem>>, vector<1x16xf32>,
      %parallel_loop3A_1164 = vector.shape_cast %parallel_loop3A_1163 : vector<1x16xf32> to vector<16xf32>
      %parallel_loop3A_1165 = vector.extract_strided_slice %parallel_loop3A_239 {offsets = [8], sizes = [1], strides = [1]} : vector<16xf32> to vector<1xf32>
      %parallel_loop3A_1166 = vector.extract %parallel_loop3A_1165[0] : f32 from vector<1xf32>
      %parallel_loop3A_1167 = vector.broadcast %parallel_loop3A_1166 : f32 to vector<16xf32>
      %parallel_loop3A_1168 = arith.mulf %parallel_loop3A_1164, %parallel_loop3A_1167 : vector<16xf32>
      %parallel_loop3A_1169 = arith.maximumf %parallel_loop3A_1158, %parallel_loop3A_1168 : vector<16xf32>
      %parallel_loop3A_1170 = arith.constant 9 : i32
      %parallel_loop3A_1171 = arith.addi %parallel_loop3A_234, %parallel_loop3A_1170 : i32
      %parallel_loop3A_1172 = arith.index_cast %parallel_loop3A_1171 : i32 to index
      %parallel_loop3A_1173 = arith.constant 96 : index
      %parallel_loop3A_1174 = tpu.vector_load %arg14[%parallel_loop3A_1172, %parallel_loop3A_1173] {strides = array<i32>} : memref<384x128xf32, #tpu.memory_space<vmem>>, vector<1x16xf32>,
      %parallel_loop3A_1175 = vector.shape_cast %parallel_loop3A_1174 : vector<1x16xf32> to vector<16xf32>
      %parallel_loop3A_1176 = vector.extract_strided_slice %parallel_loop3A_239 {offsets = [9], sizes = [1], strides = [1]} : vector<16xf32> to vector<1xf32>
      %parallel_loop3A_1177 = vector.extract %parallel_loop3A_1176[0] : f32 from vector<1xf32>
      %parallel_loop3A_1178 = vector.broadcast %parallel_loop3A_1177 : f32 to vector<16xf32>
      %parallel_loop3A_1179 = arith.mulf %parallel_loop3A_1175, %parallel_loop3A_1178 : vector<16xf32>
      %parallel_loop3A_1180 = arith.maximumf %parallel_loop3A_1169, %parallel_loop3A_1179 : vector<16xf32>
      %parallel_loop3A_1181 = arith.constant 10 : i32
      %parallel_loop3A_1182 = arith.addi %parallel_loop3A_234, %parallel_loop3A_1181 : i32
      %parallel_loop3A_1183 = arith.index_cast %parallel_loop3A_1182 : i32 to index
      %parallel_loop3A_1184 = arith.constant 96 : index
      %parallel_loop3A_1185 = tpu.vector_load %arg14[%parallel_loop3A_1183, %parallel_loop3A_1184] {strides = array<i32>} : memref<384x128xf32, #tpu.memory_space<vmem>>, vector<1x16xf32>,
      %parallel_loop3A_1186 = vector.shape_cast %parallel_loop3A_1185 : vector<1x16xf32> to vector<16xf32>
      %parallel_loop3A_1187 = vector.extract_strided_slice %parallel_loop3A_239 {offsets = [10], sizes = [1], strides = [1]} : vector<16xf32> to vector<1xf32>
      %parallel_loop3A_1188 = vector.extract %parallel_loop3A_1187[0] : f32 from vector<1xf32>
      %parallel_loop3A_1189 = vector.broadcast %parallel_loop3A_1188 : f32 to vector<16xf32>
      %parallel_loop3A_1190 = arith.mulf %parallel_loop3A_1186, %parallel_loop3A_1189 : vector<16xf32>
      %parallel_loop3A_1191 = arith.maximumf %parallel_loop3A_1180, %parallel_loop3A_1190 : vector<16xf32>
      %parallel_loop3A_1192 = arith.constant 11 : i32
      %parallel_loop3A_1193 = arith.addi %parallel_loop3A_234, %parallel_loop3A_1192 : i32
      %parallel_loop3A_1194 = arith.index_cast %parallel_loop3A_1193 : i32 to index
      %parallel_loop3A_1195 = arith.constant 96 : index
      %parallel_loop3A_1196 = tpu.vector_load %arg14[%parallel_loop3A_1194, %parallel_loop3A_1195] {strides = array<i32>} : memref<384x128xf32, #tpu.memory_space<vmem>>, vector<1x16xf32>,
      %parallel_loop3A_1197 = vector.shape_cast %parallel_loop3A_1196 : vector<1x16xf32> to vector<16xf32>
      %parallel_loop3A_1198 = vector.extract_strided_slice %parallel_loop3A_239 {offsets = [11], sizes = [1], strides = [1]} : vector<16xf32> to vector<1xf32>
      %parallel_loop3A_1199 = vector.extract %parallel_loop3A_1198[0] : f32 from vector<1xf32>
      %parallel_loop3A_1200 = vector.broadcast %parallel_loop3A_1199 : f32 to vector<16xf32>
      %parallel_loop3A_1201 = arith.mulf %parallel_loop3A_1197, %parallel_loop3A_1200 : vector<16xf32>
      %parallel_loop3A_1202 = arith.maximumf %parallel_loop3A_1191, %parallel_loop3A_1201 : vector<16xf32>
      %parallel_loop3A_1203 = arith.index_cast %parallel_loop3A_232 : i32 to index
      %parallel_loop3A_1204 = arith.constant 96 : index
      %parallel_loop3A_1205 = tpu.vector_load %arg15[%parallel_loop3A_1203, %parallel_loop3A_1204] {strides = array<i32>} : memref<32x128xf32, #tpu.memory_space<vmem>>, vector<1x16xf32>,
      %parallel_loop3A_1206 = vector.shape_cast %parallel_loop3A_1205 : vector<1x16xf32> to vector<16xf32>
      %parallel_loop3A_1207 = arith.subf %parallel_loop3A_1206, %parallel_loop3A_1202 : vector<16xf32>
      %parallel_loop3A_1208 = arith.index_cast %parallel_loop3A_232 : i32 to index
      %parallel_loop3A_1209 = arith.constant 96 : index
      %parallel_loop3A_1210 = tpu.vector_load %arg16[%parallel_loop3A_1208, %parallel_loop3A_1209] {strides = array<i32>} : memref<32x128xf32, #tpu.memory_space<vmem>>, vector<1x16xf32>,
      %parallel_loop3A_1211 = vector.shape_cast %parallel_loop3A_1210 : vector<1x16xf32> to vector<16xf32>
      %parallel_loop3A_1212 = vector.shape_cast %parallel_loop3A_1207 : vector<16xf32> to vector<1x16xf32>
      tpu.vector_store %arg16[%parallel_loop3A_1208, %parallel_loop3A_1209], %parallel_loop3A_1212 {strides = array<i32>} : memref<32x128xf32, #tpu.memory_space<vmem>>, vector<1x16xf32>,
      %parallel_loop3A_1213 = arith.index_cast %parallel_loop3A_234 : i32 to index
      %parallel_loop3A_1214 = arith.constant 112 : index
      %parallel_loop3A_1215 = tpu.vector_load %arg14[%parallel_loop3A_1213, %parallel_loop3A_1214] {strides = array<i32>} : memref<384x128xf32, #tpu.memory_space<vmem>>, vector<1x16xf32>,
      %parallel_loop3A_1216 = vector.shape_cast %parallel_loop3A_1215 : vector<1x16xf32> to vector<16xf32>
      %parallel_loop3A_1217 = vector.extract_strided_slice %parallel_loop3A_239 {offsets = [0], sizes = [1], strides = [1]} : vector<16xf32> to vector<1xf32>
      %parallel_loop3A_1218 = vector.extract %parallel_loop3A_1217[0] : f32 from vector<1xf32>
      %parallel_loop3A_1219 = vector.broadcast %parallel_loop3A_1218 : f32 to vector<16xf32>
      %parallel_loop3A_1220 = arith.mulf %parallel_loop3A_1216, %parallel_loop3A_1219 : vector<16xf32>
      %parallel_loop3A_1221 = arith.constant 1 : i32
      %parallel_loop3A_1222 = arith.addi %parallel_loop3A_234, %parallel_loop3A_1221 : i32
      %parallel_loop3A_1223 = arith.index_cast %parallel_loop3A_1222 : i32 to index
      %parallel_loop3A_1224 = arith.constant 112 : index
      %parallel_loop3A_1225 = tpu.vector_load %arg14[%parallel_loop3A_1223, %parallel_loop3A_1224] {strides = array<i32>} : memref<384x128xf32, #tpu.memory_space<vmem>>, vector<1x16xf32>,
      %parallel_loop3A_1226 = vector.shape_cast %parallel_loop3A_1225 : vector<1x16xf32> to vector<16xf32>
      %parallel_loop3A_1227 = vector.extract_strided_slice %parallel_loop3A_239 {offsets = [1], sizes = [1], strides = [1]} : vector<16xf32> to vector<1xf32>
      %parallel_loop3A_1228 = vector.extract %parallel_loop3A_1227[0] : f32 from vector<1xf32>
      %parallel_loop3A_1229 = vector.broadcast %parallel_loop3A_1228 : f32 to vector<16xf32>
      %parallel_loop3A_1230 = arith.mulf %parallel_loop3A_1226, %parallel_loop3A_1229 : vector<16xf32>
      %parallel_loop3A_1231 = arith.maximumf %parallel_loop3A_1220, %parallel_loop3A_1230 : vector<16xf32>
      %parallel_loop3A_1232 = arith.constant 2 : i32
      %parallel_loop3A_1233 = arith.addi %parallel_loop3A_234, %parallel_loop3A_1232 : i32
      %parallel_loop3A_1234 = arith.index_cast %parallel_loop3A_1233 : i32 to index
      %parallel_loop3A_1235 = arith.constant 112 : index
      %parallel_loop3A_1236 = tpu.vector_load %arg14[%parallel_loop3A_1234, %parallel_loop3A_1235] {strides = array<i32>} : memref<384x128xf32, #tpu.memory_space<vmem>>, vector<1x16xf32>,
      %parallel_loop3A_1237 = vector.shape_cast %parallel_loop3A_1236 : vector<1x16xf32> to vector<16xf32>
      %parallel_loop3A_1238 = vector.extract_strided_slice %parallel_loop3A_239 {offsets = [2], sizes = [1], strides = [1]} : vector<16xf32> to vector<1xf32>
      %parallel_loop3A_1239 = vector.extract %parallel_loop3A_1238[0] : f32 from vector<1xf32>
      %parallel_loop3A_1240 = vector.broadcast %parallel_loop3A_1239 : f32 to vector<16xf32>
      %parallel_loop3A_1241 = arith.mulf %parallel_loop3A_1237, %parallel_loop3A_1240 : vector<16xf32>
      %parallel_loop3A_1242 = arith.maximumf %parallel_loop3A_1231, %parallel_loop3A_1241 : vector<16xf32>
      %parallel_loop3A_1243 = arith.constant 3 : i32
      %parallel_loop3A_1244 = arith.addi %parallel_loop3A_234, %parallel_loop3A_1243 : i32
      %parallel_loop3A_1245 = arith.index_cast %parallel_loop3A_1244 : i32 to index
      %parallel_loop3A_1246 = arith.constant 112 : index
      %parallel_loop3A_1247 = tpu.vector_load %arg14[%parallel_loop3A_1245, %parallel_loop3A_1246] {strides = array<i32>} : memref<384x128xf32, #tpu.memory_space<vmem>>, vector<1x16xf32>,
      %parallel_loop3A_1248 = vector.shape_cast %parallel_loop3A_1247 : vector<1x16xf32> to vector<16xf32>
      %parallel_loop3A_1249 = vector.extract_strided_slice %parallel_loop3A_239 {offsets = [3], sizes = [1], strides = [1]} : vector<16xf32> to vector<1xf32>
      %parallel_loop3A_1250 = vector.extract %parallel_loop3A_1249[0] : f32 from vector<1xf32>
      %parallel_loop3A_1251 = vector.broadcast %parallel_loop3A_1250 : f32 to vector<16xf32>
      %parallel_loop3A_1252 = arith.mulf %parallel_loop3A_1248, %parallel_loop3A_1251 : vector<16xf32>
      %parallel_loop3A_1253 = arith.maximumf %parallel_loop3A_1242, %parallel_loop3A_1252 : vector<16xf32>
      %parallel_loop3A_1254 = arith.constant 4 : i32
      %parallel_loop3A_1255 = arith.addi %parallel_loop3A_234, %parallel_loop3A_1254 : i32
      %parallel_loop3A_1256 = arith.index_cast %parallel_loop3A_1255 : i32 to index
      %parallel_loop3A_1257 = arith.constant 112 : index
      %parallel_loop3A_1258 = tpu.vector_load %arg14[%parallel_loop3A_1256, %parallel_loop3A_1257] {strides = array<i32>} : memref<384x128xf32, #tpu.memory_space<vmem>>, vector<1x16xf32>,
      %parallel_loop3A_1259 = vector.shape_cast %parallel_loop3A_1258 : vector<1x16xf32> to vector<16xf32>
      %parallel_loop3A_1260 = vector.extract_strided_slice %parallel_loop3A_239 {offsets = [4], sizes = [1], strides = [1]} : vector<16xf32> to vector<1xf32>
      %parallel_loop3A_1261 = vector.extract %parallel_loop3A_1260[0] : f32 from vector<1xf32>
      %parallel_loop3A_1262 = vector.broadcast %parallel_loop3A_1261 : f32 to vector<16xf32>
      %parallel_loop3A_1263 = arith.mulf %parallel_loop3A_1259, %parallel_loop3A_1262 : vector<16xf32>
      %parallel_loop3A_1264 = arith.maximumf %parallel_loop3A_1253, %parallel_loop3A_1263 : vector<16xf32>
      %parallel_loop3A_1265 = arith.constant 5 : i32
      %parallel_loop3A_1266 = arith.addi %parallel_loop3A_234, %parallel_loop3A_1265 : i32
      %parallel_loop3A_1267 = arith.index_cast %parallel_loop3A_1266 : i32 to index
      %parallel_loop3A_1268 = arith.constant 112 : index
      %parallel_loop3A_1269 = tpu.vector_load %arg14[%parallel_loop3A_1267, %parallel_loop3A_1268] {strides = array<i32>} : memref<384x128xf32, #tpu.memory_space<vmem>>, vector<1x16xf32>,
      %parallel_loop3A_1270 = vector.shape_cast %parallel_loop3A_1269 : vector<1x16xf32> to vector<16xf32>
      %parallel_loop3A_1271 = vector.extract_strided_slice %parallel_loop3A_239 {offsets = [5], sizes = [1], strides = [1]} : vector<16xf32> to vector<1xf32>
      %parallel_loop3A_1272 = vector.extract %parallel_loop3A_1271[0] : f32 from vector<1xf32>
      %parallel_loop3A_1273 = vector.broadcast %parallel_loop3A_1272 : f32 to vector<16xf32>
      %parallel_loop3A_1274 = arith.mulf %parallel_loop3A_1270, %parallel_loop3A_1273 : vector<16xf32>
      %parallel_loop3A_1275 = arith.maximumf %parallel_loop3A_1264, %parallel_loop3A_1274 : vector<16xf32>
      %parallel_loop3A_1276 = arith.constant 6 : i32
      %parallel_loop3A_1277 = arith.addi %parallel_loop3A_234, %parallel_loop3A_1276 : i32
      %parallel_loop3A_1278 = arith.index_cast %parallel_loop3A_1277 : i32 to index
      %parallel_loop3A_1279 = arith.constant 112 : index
      %parallel_loop3A_1280 = tpu.vector_load %arg14[%parallel_loop3A_1278, %parallel_loop3A_1279] {strides = array<i32>} : memref<384x128xf32, #tpu.memory_space<vmem>>, vector<1x16xf32>,
      %parallel_loop3A_1281 = vector.shape_cast %parallel_loop3A_1280 : vector<1x16xf32> to vector<16xf32>
      %parallel_loop3A_1282 = vector.extract_strided_slice %parallel_loop3A_239 {offsets = [6], sizes = [1], strides = [1]} : vector<16xf32> to vector<1xf32>
      %parallel_loop3A_1283 = vector.extract %parallel_loop3A_1282[0] : f32 from vector<1xf32>
      %parallel_loop3A_1284 = vector.broadcast %parallel_loop3A_1283 : f32 to vector<16xf32>
      %parallel_loop3A_1285 = arith.mulf %parallel_loop3A_1281, %parallel_loop3A_1284 : vector<16xf32>
      %parallel_loop3A_1286 = arith.maximumf %parallel_loop3A_1275, %parallel_loop3A_1285 : vector<16xf32>
      %parallel_loop3A_1287 = arith.constant 7 : i32
      %parallel_loop3A_1288 = arith.addi %parallel_loop3A_234, %parallel_loop3A_1287 : i32
      %parallel_loop3A_1289 = arith.index_cast %parallel_loop3A_1288 : i32 to index
      %parallel_loop3A_1290 = arith.constant 112 : index
      %parallel_loop3A_1291 = tpu.vector_load %arg14[%parallel_loop3A_1289, %parallel_loop3A_1290] {strides = array<i32>} : memref<384x128xf32, #tpu.memory_space<vmem>>, vector<1x16xf32>,
      %parallel_loop3A_1292 = vector.shape_cast %parallel_loop3A_1291 : vector<1x16xf32> to vector<16xf32>
      %parallel_loop3A_1293 = vector.extract_strided_slice %parallel_loop3A_239 {offsets = [7], sizes = [1], strides = [1]} : vector<16xf32> to vector<1xf32>
      %parallel_loop3A_1294 = vector.extract %parallel_loop3A_1293[0] : f32 from vector<1xf32>
      %parallel_loop3A_1295 = vector.broadcast %parallel_loop3A_1294 : f32 to vector<16xf32>
      %parallel_loop3A_1296 = arith.mulf %parallel_loop3A_1292, %parallel_loop3A_1295 : vector<16xf32>
      %parallel_loop3A_1297 = arith.maximumf %parallel_loop3A_1286, %parallel_loop3A_1296 : vector<16xf32>
      %parallel_loop3A_1298 = arith.constant 8 : i32
      %parallel_loop3A_1299 = arith.addi %parallel_loop3A_234, %parallel_loop3A_1298 : i32
      %parallel_loop3A_1300 = arith.index_cast %parallel_loop3A_1299 : i32 to index
      %parallel_loop3A_1301 = arith.constant 112 : index
      %parallel_loop3A_1302 = tpu.vector_load %arg14[%parallel_loop3A_1300, %parallel_loop3A_1301] {strides = array<i32>} : memref<384x128xf32, #tpu.memory_space<vmem>>, vector<1x16xf32>,
      %parallel_loop3A_1303 = vector.shape_cast %parallel_loop3A_1302 : vector<1x16xf32> to vector<16xf32>
      %parallel_loop3A_1304 = vector.extract_strided_slice %parallel_loop3A_239 {offsets = [8], sizes = [1], strides = [1]} : vector<16xf32> to vector<1xf32>
      %parallel_loop3A_1305 = vector.extract %parallel_loop3A_1304[0] : f32 from vector<1xf32>
      %parallel_loop3A_1306 = vector.broadcast %parallel_loop3A_1305 : f32 to vector<16xf32>
      %parallel_loop3A_1307 = arith.mulf %parallel_loop3A_1303, %parallel_loop3A_1306 : vector<16xf32>
      %parallel_loop3A_1308 = arith.maximumf %parallel_loop3A_1297, %parallel_loop3A_1307 : vector<16xf32>
      %parallel_loop3A_1309 = arith.constant 9 : i32
      %parallel_loop3A_1310 = arith.addi %parallel_loop3A_234, %parallel_loop3A_1309 : i32
      %parallel_loop3A_1311 = arith.index_cast %parallel_loop3A_1310 : i32 to index
      %parallel_loop3A_1312 = arith.constant 112 : index
      %parallel_loop3A_1313 = tpu.vector_load %arg14[%parallel_loop3A_1311, %parallel_loop3A_1312] {strides = array<i32>} : memref<384x128xf32, #tpu.memory_space<vmem>>, vector<1x16xf32>,
      %parallel_loop3A_1314 = vector.shape_cast %parallel_loop3A_1313 : vector<1x16xf32> to vector<16xf32>
      %parallel_loop3A_1315 = vector.extract_strided_slice %parallel_loop3A_239 {offsets = [9], sizes = [1], strides = [1]} : vector<16xf32> to vector<1xf32>
      %parallel_loop3A_1316 = vector.extract %parallel_loop3A_1315[0] : f32 from vector<1xf32>
      %parallel_loop3A_1317 = vector.broadcast %parallel_loop3A_1316 : f32 to vector<16xf32>
      %parallel_loop3A_1318 = arith.mulf %parallel_loop3A_1314, %parallel_loop3A_1317 : vector<16xf32>
      %parallel_loop3A_1319 = arith.maximumf %parallel_loop3A_1308, %parallel_loop3A_1318 : vector<16xf32>
      %parallel_loop3A_1320 = arith.constant 10 : i32
      %parallel_loop3A_1321 = arith.addi %parallel_loop3A_234, %parallel_loop3A_1320 : i32
      %parallel_loop3A_1322 = arith.index_cast %parallel_loop3A_1321 : i32 to index
      %parallel_loop3A_1323 = arith.constant 112 : index
      %parallel_loop3A_1324 = tpu.vector_load %arg14[%parallel_loop3A_1322, %parallel_loop3A_1323] {strides = array<i32>} : memref<384x128xf32, #tpu.memory_space<vmem>>, vector<1x16xf32>,
      %parallel_loop3A_1325 = vector.shape_cast %parallel_loop3A_1324 : vector<1x16xf32> to vector<16xf32>
      %parallel_loop3A_1326 = vector.extract_strided_slice %parallel_loop3A_239 {offsets = [10], sizes = [1], strides = [1]} : vector<16xf32> to vector<1xf32>
      %parallel_loop3A_1327 = vector.extract %parallel_loop3A_1326[0] : f32 from vector<1xf32>
      %parallel_loop3A_1328 = vector.broadcast %parallel_loop3A_1327 : f32 to vector<16xf32>
      %parallel_loop3A_1329 = arith.mulf %parallel_loop3A_1325, %parallel_loop3A_1328 : vector<16xf32>
      %parallel_loop3A_1330 = arith.maximumf %parallel_loop3A_1319, %parallel_loop3A_1329 : vector<16xf32>
      %parallel_loop3A_1331 = arith.constant 11 : i32
      %parallel_loop3A_1332 = arith.addi %parallel_loop3A_234, %parallel_loop3A_1331 : i32
      %parallel_loop3A_1333 = arith.index_cast %parallel_loop3A_1332 : i32 to index
      %parallel_loop3A_1334 = arith.constant 112 : index
      %parallel_loop3A_1335 = tpu.vector_load %arg14[%parallel_loop3A_1333, %parallel_loop3A_1334] {strides = array<i32>} : memref<384x128xf32, #tpu.memory_space<vmem>>, vector<1x16xf32>,
      %parallel_loop3A_1336 = vector.shape_cast %parallel_loop3A_1335 : vector<1x16xf32> to vector<16xf32>
      %parallel_loop3A_1337 = vector.extract_strided_slice %parallel_loop3A_239 {offsets = [11], sizes = [1], strides = [1]} : vector<16xf32> to vector<1xf32>
      %parallel_loop3A_1338 = vector.extract %parallel_loop3A_1337[0] : f32 from vector<1xf32>
      %parallel_loop3A_1339 = vector.broadcast %parallel_loop3A_1338 : f32 to vector<16xf32>
      %parallel_loop3A_1340 = arith.mulf %parallel_loop3A_1336, %parallel_loop3A_1339 : vector<16xf32>
      %parallel_loop3A_1341 = arith.maximumf %parallel_loop3A_1330, %parallel_loop3A_1340 : vector<16xf32>
      %parallel_loop3A_1342 = arith.index_cast %parallel_loop3A_232 : i32 to index
      %parallel_loop3A_1343 = arith.constant 112 : index
      %parallel_loop3A_1344 = tpu.vector_load %arg15[%parallel_loop3A_1342, %parallel_loop3A_1343] {strides = array<i32>} : memref<32x128xf32, #tpu.memory_space<vmem>>, vector<1x16xf32>,
      %parallel_loop3A_1345 = vector.shape_cast %parallel_loop3A_1344 : vector<1x16xf32> to vector<16xf32>
      %parallel_loop3A_1346 = arith.subf %parallel_loop3A_1345, %parallel_loop3A_1341 : vector<16xf32>
      %parallel_loop3A_1347 = arith.index_cast %parallel_loop3A_232 : i32 to index
      %parallel_loop3A_1348 = arith.constant 112 : index
      %parallel_loop3A_1349 = tpu.vector_load %arg16[%parallel_loop3A_1347, %parallel_loop3A_1348] {strides = array<i32>} : memref<32x128xf32, #tpu.memory_space<vmem>>, vector<1x16xf32>,
      %parallel_loop3A_1350 = vector.shape_cast %parallel_loop3A_1349 : vector<1x16xf32> to vector<16xf32>
      %parallel_loop3A_1351 = vector.shape_cast %parallel_loop3A_1346 : vector<16xf32> to vector<1x16xf32>
      tpu.vector_store %arg16[%parallel_loop3A_1347, %parallel_loop3A_1348], %parallel_loop3A_1351 {strides = array<i32>} : memref<32x128xf32, #tpu.memory_space<vmem>>, vector<1x16xf32>,
    } {sc.loop_unroll_factor = 2 : i64, sc.parallel_access}
    "tpu.region"() ({
      %run_scoped3A = tpu.sem_alloc : memref<!tpu.dma_semaphore, #tpu.memory_space<semaphore_mem>>
      %dma_start3A_232 = arith.constant 0 : i32
      %dma_start3A_233 = tpu.memref_slice %arg18[%mul3A_0, %dma_start3A_232] : memref<512x128xf32, #tpu.memory_space<vmem_shared>> -> memref<32x128xf32, #tpu.memory_space<vmem_shared>>
      %dma_start3A_234 = arith.constant 0 : i32
      %dma_start3A_235 = tpu.memref_slice %arg18[%mul3A_0, %dma_start3A_234] : memref<512x128xf32, #tpu.memory_space<vmem_shared>> -> memref<32x128xf32, #tpu.memory_space<vmem_shared>>
      tpu.enqueue_dma source(%arg16 : memref<32x128xf32, #tpu.memory_space<vmem>>) target(%dma_start3A_235 : memref<32x128xf32, #tpu.memory_space<vmem_shared>>) target_semaphore(%run_scoped3A : memref<!tpu.dma_semaphore, #tpu.memory_space<semaphore_mem>>)
      %dma_wait3A_236 = arith.constant 0 : i32
      %dma_wait3A_237 = tpu.memref_slice %arg18[%mul3A_0, %dma_wait3A_236] : memref<512x128xf32, #tpu.memory_space<vmem_shared>> -> memref<32x128xf32, #tpu.memory_space<vmem_shared>>
      %dma_wait3A_238 = arith.constant 0 : i32
      %dma_wait3A_239 = tpu.memref_slice %arg18[%mul3A_0, %dma_wait3A_238] : memref<512x128xf32, #tpu.memory_space<vmem_shared>> -> memref<32x128xf32, #tpu.memory_space<vmem_shared>>
      tpu.wait_dma2 semaphore(%run_scoped3A : memref<!tpu.dma_semaphore, #tpu.memory_space<semaphore_mem>>) src(%arg16 : memref<32x128xf32, #tpu.memory_space<vmem>>) dst(%dma_wait3A_239 : memref<32x128xf32, #tpu.memory_space<vmem_shared>>)
      tpu.yield
    }) : () -> ()
    %dma_start3A_125 = arith.constant 0 : i32
    %dma_start3A_126 = arith.constant 0 : i32
    %dma_start3A_127 = tpu.memref_slice %arg8[%arg0, %dma_start3A_125, %dma_start3A_126] : memref<2x512x128xf32, #tpu.memory_space<hbm>> -> memref<1x512x128xf32, #tpu.memory_space<hbm>>
    %dma_start3A_128 = tpu.memref_squeeze %dma_start3A_127 : memref<1x512x128xf32, #tpu.memory_space<hbm>> -> memref<512x128xf32, #tpu.memory_space<hbm>>
    %dma_start3A_129 = arith.constant 0 : i32
    %dma_start3A_130 = tpu.memref_slice %dma_start3A_128[%mul3A_0, %dma_start3A_129] : memref<512x128xf32, #tpu.memory_space<hbm>> -> memref<32x128xf32, #tpu.memory_space<hbm>>
    %dma_start3A_131 = arith.constant 0 : i32
    %dma_start3A_132 = arith.constant 0 : i32
    %dma_start3A_133 = tpu.memref_slice %arg8[%arg0, %dma_start3A_131, %dma_start3A_132] : memref<2x512x128xf32, #tpu.memory_space<hbm>> -> memref<1x512x128xf32, #tpu.memory_space<hbm>>
    %dma_start3A_134 = tpu.memref_squeeze %dma_start3A_133 : memref<1x512x128xf32, #tpu.memory_space<hbm>> -> memref<512x128xf32, #tpu.memory_space<hbm>>
    %dma_start3A_135 = arith.constant 0 : i32
    %dma_start3A_136 = tpu.memref_slice %dma_start3A_134[%mul3A_0, %dma_start3A_135] : memref<512x128xf32, #tpu.memory_space<hbm>> -> memref<32x128xf32, #tpu.memory_space<hbm>>
    tpu.enqueue_dma source(%arg16 : memref<32x128xf32, #tpu.memory_space<vmem>>) target(%dma_start3A_136 : memref<32x128xf32, #tpu.memory_space<hbm>>) target_semaphore(%arg20 : memref<!tpu.dma_semaphore, #tpu.memory_space<semaphore_mem>>)
    %barrier3A = arith.constant 0 : index
    tpu.barrier barrier_id(%barrier3A)
    %dma_start3A_137 = arith.constant 0 : i32
    %dma_start3A_138 = arith.constant 0 : i32
    %dma_start3A_139 = arith.constant 0 : i32
    %dma_start3A_140 = tpu.memref_slice %arg14[%dma_start3A_138, %dma_start3A_139] : memref<384x128xf32, #tpu.memory_space<vmem>> -> memref<96x128xf32, #tpu.memory_space<vmem>>
    %dma_start3A_141 = arith.constant 0 : i32
    %dma_start3A_142 = tpu.memref_slice %arg12[%dma_start3A_137, %dma_start3A_141] : memref<4x96xi32, #tpu.memory_space<vmem>> -> memref<1x96xi32, #tpu.memory_space<vmem>>
    %dma_start3A_143 = tpu.memref_squeeze %dma_start3A_142 : memref<1x96xi32, #tpu.memory_space<vmem>> -> memref<96xi32, #tpu.memory_space<vmem>>
    %dma_start3A_144 = arith.constant 0 : i32
    %dma_start3A_145 = arith.constant 0 : i32
    %dma_start3A_146 = tpu.memref_slice %arg18[%dma_start3A_144, %dma_start3A_145] : memref<512x128xf32, #tpu.memory_space<vmem_shared>> -> memref<512x128xf32, #tpu.memory_space<vmem_shared>>
    tpu.enqueue_indirect_dma source(%dma_start3A_146 : memref<512x128xf32, #tpu.memory_space<vmem_shared>>) target(%dma_start3A_140 : memref<96x128xf32, #tpu.memory_space<vmem>>) offsets(%dma_start3A_143 : memref<96xi32, #tpu.memory_space<vmem>>) semaphore(%arg19 : memref<!tpu.dma_semaphore, #tpu.memory_space<semaphore_mem>>)
    %dma_start3A_147 = arith.constant 1 : i32
    %dma_start3A_148 = arith.constant 96 : i32
    %dma_start3A_149 = arith.constant 0 : i32
    %dma_start3A_150 = tpu.memref_slice %arg14[%dma_start3A_148, %dma_start3A_149] : memref<384x128xf32, #tpu.memory_space<vmem>> -> memref<96x128xf32, #tpu.memory_space<vmem>>
    %dma_start3A_151 = arith.constant 0 : i32
    %dma_start3A_152 = tpu.memref_slice %arg12[%dma_start3A_147, %dma_start3A_151] : memref<4x96xi32, #tpu.memory_space<vmem>> -> memref<1x96xi32, #tpu.memory_space<vmem>>
    %dma_start3A_153 = tpu.memref_squeeze %dma_start3A_152 : memref<1x96xi32, #tpu.memory_space<vmem>> -> memref<96xi32, #tpu.memory_space<vmem>>
    %dma_start3A_154 = arith.constant 0 : i32
    %dma_start3A_155 = arith.constant 0 : i32
    %dma_start3A_156 = tpu.memref_slice %arg18[%dma_start3A_154, %dma_start3A_155] : memref<512x128xf32, #tpu.memory_space<vmem_shared>> -> memref<512x128xf32, #tpu.memory_space<vmem_shared>>
    tpu.enqueue_indirect_dma source(%dma_start3A_156 : memref<512x128xf32, #tpu.memory_space<vmem_shared>>) target(%dma_start3A_150 : memref<96x128xf32, #tpu.memory_space<vmem>>) offsets(%dma_start3A_153 : memref<96xi32, #tpu.memory_space<vmem>>) semaphore(%arg19 : memref<!tpu.dma_semaphore, #tpu.memory_space<semaphore_mem>>)
    %dma_start3A_157 = arith.constant 2 : i32
    %dma_start3A_158 = arith.constant 192 : i32
    %dma_start3A_159 = arith.constant 0 : i32
    %dma_start3A_160 = tpu.memref_slice %arg14[%dma_start3A_158, %dma_start3A_159] : memref<384x128xf32, #tpu.memory_space<vmem>> -> memref<96x128xf32, #tpu.memory_space<vmem>>
    %dma_start3A_161 = arith.constant 0 : i32
    %dma_start3A_162 = tpu.memref_slice %arg12[%dma_start3A_157, %dma_start3A_161] : memref<4x96xi32, #tpu.memory_space<vmem>> -> memref<1x96xi32, #tpu.memory_space<vmem>>
    %dma_start3A_163 = tpu.memref_squeeze %dma_start3A_162 : memref<1x96xi32, #tpu.memory_space<vmem>> -> memref<96xi32, #tpu.memory_space<vmem>>
    %dma_start3A_164 = arith.constant 0 : i32
    %dma_start3A_165 = arith.constant 0 : i32
    %dma_start3A_166 = tpu.memref_slice %arg18[%dma_start3A_164, %dma_start3A_165] : memref<512x128xf32, #tpu.memory_space<vmem_shared>> -> memref<512x128xf32, #tpu.memory_space<vmem_shared>>
    tpu.enqueue_indirect_dma source(%dma_start3A_166 : memref<512x128xf32, #tpu.memory_space<vmem_shared>>) target(%dma_start3A_160 : memref<96x128xf32, #tpu.memory_space<vmem>>) offsets(%dma_start3A_163 : memref<96xi32, #tpu.memory_space<vmem>>) semaphore(%arg19 : memref<!tpu.dma_semaphore, #tpu.memory_space<semaphore_mem>>)
    %dma_start3A_167 = arith.constant 3 : i32
    %dma_start3A_168 = arith.constant 288 : i32
    %dma_start3A_169 = arith.constant 0 : i32
    %dma_start3A_170 = tpu.memref_slice %arg14[%dma_start3A_168, %dma_start3A_169] : memref<384x128xf32, #tpu.memory_space<vmem>> -> memref<96x128xf32, #tpu.memory_space<vmem>>
    %dma_start3A_171 = arith.constant 0 : i32
    %dma_start3A_172 = tpu.memref_slice %arg12[%dma_start3A_167, %dma_start3A_171] : memref<4x96xi32, #tpu.memory_space<vmem>> -> memref<1x96xi32, #tpu.memory_space<vmem>>
    %dma_start3A_173 = tpu.memref_squeeze %dma_start3A_172 : memref<1x96xi32, #tpu.memory_space<vmem>> -> memref<96xi32, #tpu.memory_space<vmem>>
    %dma_start3A_174 = arith.constant 0 : i32
    %dma_start3A_175 = arith.constant 0 : i32
    %dma_start3A_176 = tpu.memref_slice %arg18[%dma_start3A_174, %dma_start3A_175] : memref<512x128xf32, #tpu.memory_space<vmem_shared>> -> memref<512x128xf32, #tpu.memory_space<vmem_shared>>
    tpu.enqueue_indirect_dma source(%dma_start3A_176 : memref<512x128xf32, #tpu.memory_space<vmem_shared>>) target(%dma_start3A_170 : memref<96x128xf32, #tpu.memory_space<vmem>>) offsets(%dma_start3A_173 : memref<96xi32, #tpu.memory_space<vmem>>) semaphore(%arg19 : memref<!tpu.dma_semaphore, #tpu.memory_space<semaphore_mem>>)
    %dma_wait3A_177 = arith.constant 0 : i32
    %dma_wait3A_178 = arith.constant 0 : i32
    %dma_wait3A_179 = arith.constant 0 : i32
    %dma_wait3A_180 = tpu.memref_slice %arg14[%dma_wait3A_178, %dma_wait3A_179] : memref<384x128xf32, #tpu.memory_space<vmem>> -> memref<96x128xf32, #tpu.memory_space<vmem>>
    %dma_wait3A_181 = arith.constant 0 : i32
    %dma_wait3A_182 = tpu.memref_slice %arg12[%dma_wait3A_177, %dma_wait3A_181] : memref<4x96xi32, #tpu.memory_space<vmem>> -> memref<1x96xi32, #tpu.memory_space<vmem>>
    %dma_wait3A_183 = tpu.memref_squeeze %dma_wait3A_182 : memref<1x96xi32, #tpu.memory_space<vmem>> -> memref<96xi32, #tpu.memory_space<vmem>>
    %dma_wait3A_184 = arith.constant 0 : i32
    %dma_wait3A_185 = arith.constant 0 : i32
    %dma_wait3A_186 = tpu.memref_slice %arg18[%dma_wait3A_184, %dma_wait3A_185] : memref<512x128xf32, #tpu.memory_space<vmem_shared>> -> memref<512x128xf32, #tpu.memory_space<vmem_shared>>
    tpu.wait_indirect_dma semaphore(%arg19 : memref<!tpu.dma_semaphore, #tpu.memory_space<semaphore_mem>>) src(%dma_wait3A_186 : memref<512x128xf32, #tpu.memory_space<vmem_shared>>) dst(%dma_wait3A_180 : memref<96x128xf32, #tpu.memory_space<vmem>>)
    %dma_wait3A_187 = arith.constant 1 : i32
    %dma_wait3A_188 = arith.constant 96 : i32
    %dma_wait3A_189 = arith.constant 0 : i32
    %dma_wait3A_190 = tpu.memref_slice %arg14[%dma_wait3A_188, %dma_wait3A_189] : memref<384x128xf32, #tpu.memory_space<vmem>> -> memref<96x128xf32, #tpu.memory_space<vmem>>
    %dma_wait3A_191 = arith.constant 0 : i32
    %dma_wait3A_192 = tpu.memref_slice %arg12[%dma_wait3A_187, %dma_wait3A_191] : memref<4x96xi32, #tpu.memory_space<vmem>> -> memref<1x96xi32, #tpu.memory_space<vmem>>
    %dma_wait3A_193 = tpu.memref_squeeze %dma_wait3A_192 : memref<1x96xi32, #tpu.memory_space<vmem>> -> memref<96xi32, #tpu.memory_space<vmem>>
    %dma_wait3A_194 = arith.constant 0 : i32
    %dma_wait3A_195 = arith.constant 0 : i32
    %dma_wait3A_196 = tpu.memref_slice %arg18[%dma_wait3A_194, %dma_wait3A_195] : memref<512x128xf32, #tpu.memory_space<vmem_shared>> -> memref<512x128xf32, #tpu.memory_space<vmem_shared>>
    tpu.wait_indirect_dma semaphore(%arg19 : memref<!tpu.dma_semaphore, #tpu.memory_space<semaphore_mem>>) src(%dma_wait3A_196 : memref<512x128xf32, #tpu.memory_space<vmem_shared>>) dst(%dma_wait3A_190 : memref<96x128xf32, #tpu.memory_space<vmem>>)
    %dma_wait3A_197 = arith.constant 2 : i32
    %dma_wait3A_198 = arith.constant 192 : i32
    %dma_wait3A_199 = arith.constant 0 : i32
    %dma_wait3A_200 = tpu.memref_slice %arg14[%dma_wait3A_198, %dma_wait3A_199] : memref<384x128xf32, #tpu.memory_space<vmem>> -> memref<96x128xf32, #tpu.memory_space<vmem>>
    %dma_wait3A_201 = arith.constant 0 : i32
    %dma_wait3A_202 = tpu.memref_slice %arg12[%dma_wait3A_197, %dma_wait3A_201] : memref<4x96xi32, #tpu.memory_space<vmem>> -> memref<1x96xi32, #tpu.memory_space<vmem>>
    %dma_wait3A_203 = tpu.memref_squeeze %dma_wait3A_202 : memref<1x96xi32, #tpu.memory_space<vmem>> -> memref<96xi32, #tpu.memory_space<vmem>>
    %dma_wait3A_204 = arith.constant 0 : i32
    %dma_wait3A_205 = arith.constant 0 : i32
    %dma_wait3A_206 = tpu.memref_slice %arg18[%dma_wait3A_204, %dma_wait3A_205] : memref<512x128xf32, #tpu.memory_space<vmem_shared>> -> memref<512x128xf32, #tpu.memory_space<vmem_shared>>
    tpu.wait_indirect_dma semaphore(%arg19 : memref<!tpu.dma_semaphore, #tpu.memory_space<semaphore_mem>>) src(%dma_wait3A_206 : memref<512x128xf32, #tpu.memory_space<vmem_shared>>) dst(%dma_wait3A_200 : memref<96x128xf32, #tpu.memory_space<vmem>>)
    %dma_wait3A_207 = arith.constant 3 : i32
    %dma_wait3A_208 = arith.constant 288 : i32
    %dma_wait3A_209 = arith.constant 0 : i32
    %dma_wait3A_210 = tpu.memref_slice %arg14[%dma_wait3A_208, %dma_wait3A_209] : memref<384x128xf32, #tpu.memory_space<vmem>> -> memref<96x128xf32, #tpu.memory_space<vmem>>
    %dma_wait3A_211 = arith.constant 0 : i32
    %dma_wait3A_212 = tpu.memref_slice %arg12[%dma_wait3A_207, %dma_wait3A_211] : memref<4x96xi32, #tpu.memory_space<vmem>> -> memref<1x96xi32, #tpu.memory_space<vmem>>
    %dma_wait3A_213 = tpu.memref_squeeze %dma_wait3A_212 : memref<1x96xi32, #tpu.memory_space<vmem>> -> memref<96xi32, #tpu.memory_space<vmem>>
    %dma_wait3A_214 = arith.constant 0 : i32
    %dma_wait3A_215 = arith.constant 0 : i32
    %dma_wait3A_216 = tpu.memref_slice %arg18[%dma_wait3A_214, %dma_wait3A_215] : memref<512x128xf32, #tpu.memory_space<vmem_shared>> -> memref<512x128xf32, #tpu.memory_space<vmem_shared>>
    tpu.wait_indirect_dma semaphore(%arg19 : memref<!tpu.dma_semaphore, #tpu.memory_space<semaphore_mem>>) src(%dma_wait3A_216 : memref<512x128xf32, #tpu.memory_space<vmem_shared>>) dst(%dma_wait3A_210 : memref<96x128xf32, #tpu.memory_space<vmem>>)
    %parallel_loop3A_217 = arith.constant 0 : i32
    %parallel_loop3A_218 = arith.constant 32 : i32
    %parallel_loop3A_219 = arith.constant 1 : i32
    scf.for %parallel_loop3A_232 = %parallel_loop3A_217 to %parallel_loop3A_218 step %parallel_loop3A_219  : i32 {
      %parallel_loop3A_233 = arith.constant 12 : i32
      %parallel_loop3A_234 = arith.muli %parallel_loop3A_232, %parallel_loop3A_233 : i32
      %parallel_loop3A_235 = arith.constant 16 : i32
      %parallel_loop3A_236 = arith.muli %parallel_loop3A_232, %parallel_loop3A_235 : i32
      %parallel_loop3A_237 = arith.index_cast %parallel_loop3A_236 : i32 to index
      %parallel_loop3A_238 = tpu.vector_load %arg13[%parallel_loop3A_237] {strides = array<i32>} : memref<512xf32, #tpu.memory_space<vmem>>, vector<16xf32>,
      %parallel_loop3A_239 = vector.shape_cast %parallel_loop3A_238 : vector<16xf32> to vector<16xf32>
      %parallel_loop3A_240 = arith.index_cast %parallel_loop3A_234 : i32 to index
      %parallel_loop3A_241 = arith.constant 0 : index
      %parallel_loop3A_242 = tpu.vector_load %arg14[%parallel_loop3A_240, %parallel_loop3A_241] {strides = array<i32>} : memref<384x128xf32, #tpu.memory_space<vmem>>, vector<1x16xf32>,
      %parallel_loop3A_243 = vector.shape_cast %parallel_loop3A_242 : vector<1x16xf32> to vector<16xf32>
      %parallel_loop3A_244 = vector.extract_strided_slice %parallel_loop3A_239 {offsets = [0], sizes = [1], strides = [1]} : vector<16xf32> to vector<1xf32>
      %parallel_loop3A_245 = vector.extract %parallel_loop3A_244[0] : f32 from vector<1xf32>
      %parallel_loop3A_246 = vector.broadcast %parallel_loop3A_245 : f32 to vector<16xf32>
      %parallel_loop3A_247 = arith.mulf %parallel_loop3A_243, %parallel_loop3A_246 : vector<16xf32>
      %parallel_loop3A_248 = arith.constant 1 : i32
      %parallel_loop3A_249 = arith.addi %parallel_loop3A_234, %parallel_loop3A_248 : i32
      %parallel_loop3A_250 = arith.index_cast %parallel_loop3A_249 : i32 to index
      %parallel_loop3A_251 = arith.constant 0 : index
      %parallel_loop3A_252 = tpu.vector_load %arg14[%parallel_loop3A_250, %parallel_loop3A_251] {strides = array<i32>} : memref<384x128xf32, #tpu.memory_space<vmem>>, vector<1x16xf32>,
      %parallel_loop3A_253 = vector.shape_cast %parallel_loop3A_252 : vector<1x16xf32> to vector<16xf32>
      %parallel_loop3A_254 = vector.extract_strided_slice %parallel_loop3A_239 {offsets = [1], sizes = [1], strides = [1]} : vector<16xf32> to vector<1xf32>
      %parallel_loop3A_255 = vector.extract %parallel_loop3A_254[0] : f32 from vector<1xf32>
      %parallel_loop3A_256 = vector.broadcast %parallel_loop3A_255 : f32 to vector<16xf32>
      %parallel_loop3A_257 = arith.mulf %parallel_loop3A_253, %parallel_loop3A_256 : vector<16xf32>
      %parallel_loop3A_258 = arith.maximumf %parallel_loop3A_247, %parallel_loop3A_257 : vector<16xf32>
      %parallel_loop3A_259 = arith.constant 2 : i32
      %parallel_loop3A_260 = arith.addi %parallel_loop3A_234, %parallel_loop3A_259 : i32
      %parallel_loop3A_261 = arith.index_cast %parallel_loop3A_260 : i32 to index
      %parallel_loop3A_262 = arith.constant 0 : index
      %parallel_loop3A_263 = tpu.vector_load %arg14[%parallel_loop3A_261, %parallel_loop3A_262] {strides = array<i32>} : memref<384x128xf32, #tpu.memory_space<vmem>>, vector<1x16xf32>,
      %parallel_loop3A_264 = vector.shape_cast %parallel_loop3A_263 : vector<1x16xf32> to vector<16xf32>
      %parallel_loop3A_265 = vector.extract_strided_slice %parallel_loop3A_239 {offsets = [2], sizes = [1], strides = [1]} : vector<16xf32> to vector<1xf32>
      %parallel_loop3A_266 = vector.extract %parallel_loop3A_265[0] : f32 from vector<1xf32>
      %parallel_loop3A_267 = vector.broadcast %parallel_loop3A_266 : f32 to vector<16xf32>
      %parallel_loop3A_268 = arith.mulf %parallel_loop3A_264, %parallel_loop3A_267 : vector<16xf32>
      %parallel_loop3A_269 = arith.maximumf %parallel_loop3A_258, %parallel_loop3A_268 : vector<16xf32>
      %parallel_loop3A_270 = arith.constant 3 : i32
      %parallel_loop3A_271 = arith.addi %parallel_loop3A_234, %parallel_loop3A_270 : i32
      %parallel_loop3A_272 = arith.index_cast %parallel_loop3A_271 : i32 to index
      %parallel_loop3A_273 = arith.constant 0 : index
      %parallel_loop3A_274 = tpu.vector_load %arg14[%parallel_loop3A_272, %parallel_loop3A_273] {strides = array<i32>} : memref<384x128xf32, #tpu.memory_space<vmem>>, vector<1x16xf32>,
      %parallel_loop3A_275 = vector.shape_cast %parallel_loop3A_274 : vector<1x16xf32> to vector<16xf32>
      %parallel_loop3A_276 = vector.extract_strided_slice %parallel_loop3A_239 {offsets = [3], sizes = [1], strides = [1]} : vector<16xf32> to vector<1xf32>
      %parallel_loop3A_277 = vector.extract %parallel_loop3A_276[0] : f32 from vector<1xf32>
      %parallel_loop3A_278 = vector.broadcast %parallel_loop3A_277 : f32 to vector<16xf32>
      %parallel_loop3A_279 = arith.mulf %parallel_loop3A_275, %parallel_loop3A_278 : vector<16xf32>
      %parallel_loop3A_280 = arith.maximumf %parallel_loop3A_269, %parallel_loop3A_279 : vector<16xf32>
      %parallel_loop3A_281 = arith.constant 4 : i32
      %parallel_loop3A_282 = arith.addi %parallel_loop3A_234, %parallel_loop3A_281 : i32
      %parallel_loop3A_283 = arith.index_cast %parallel_loop3A_282 : i32 to index
      %parallel_loop3A_284 = arith.constant 0 : index
      %parallel_loop3A_285 = tpu.vector_load %arg14[%parallel_loop3A_283, %parallel_loop3A_284] {strides = array<i32>} : memref<384x128xf32, #tpu.memory_space<vmem>>, vector<1x16xf32>,
      %parallel_loop3A_286 = vector.shape_cast %parallel_loop3A_285 : vector<1x16xf32> to vector<16xf32>
      %parallel_loop3A_287 = vector.extract_strided_slice %parallel_loop3A_239 {offsets = [4], sizes = [1], strides = [1]} : vector<16xf32> to vector<1xf32>
      %parallel_loop3A_288 = vector.extract %parallel_loop3A_287[0] : f32 from vector<1xf32>
      %parallel_loop3A_289 = vector.broadcast %parallel_loop3A_288 : f32 to vector<16xf32>
      %parallel_loop3A_290 = arith.mulf %parallel_loop3A_286, %parallel_loop3A_289 : vector<16xf32>
      %parallel_loop3A_291 = arith.maximumf %parallel_loop3A_280, %parallel_loop3A_290 : vector<16xf32>
      %parallel_loop3A_292 = arith.constant 5 : i32
      %parallel_loop3A_293 = arith.addi %parallel_loop3A_234, %parallel_loop3A_292 : i32
      %parallel_loop3A_294 = arith.index_cast %parallel_loop3A_293 : i32 to index
      %parallel_loop3A_295 = arith.constant 0 : index
      %parallel_loop3A_296 = tpu.vector_load %arg14[%parallel_loop3A_294, %parallel_loop3A_295] {strides = array<i32>} : memref<384x128xf32, #tpu.memory_space<vmem>>, vector<1x16xf32>,
      %parallel_loop3A_297 = vector.shape_cast %parallel_loop3A_296 : vector<1x16xf32> to vector<16xf32>
      %parallel_loop3A_298 = vector.extract_strided_slice %parallel_loop3A_239 {offsets = [5], sizes = [1], strides = [1]} : vector<16xf32> to vector<1xf32>
      %parallel_loop3A_299 = vector.extract %parallel_loop3A_298[0] : f32 from vector<1xf32>
      %parallel_loop3A_300 = vector.broadcast %parallel_loop3A_299 : f32 to vector<16xf32>
      %parallel_loop3A_301 = arith.mulf %parallel_loop3A_297, %parallel_loop3A_300 : vector<16xf32>
      %parallel_loop3A_302 = arith.maximumf %parallel_loop3A_291, %parallel_loop3A_301 : vector<16xf32>
      %parallel_loop3A_303 = arith.constant 6 : i32
      %parallel_loop3A_304 = arith.addi %parallel_loop3A_234, %parallel_loop3A_303 : i32
      %parallel_loop3A_305 = arith.index_cast %parallel_loop3A_304 : i32 to index
      %parallel_loop3A_306 = arith.constant 0 : index
      %parallel_loop3A_307 = tpu.vector_load %arg14[%parallel_loop3A_305, %parallel_loop3A_306] {strides = array<i32>} : memref<384x128xf32, #tpu.memory_space<vmem>>, vector<1x16xf32>,
      %parallel_loop3A_308 = vector.shape_cast %parallel_loop3A_307 : vector<1x16xf32> to vector<16xf32>
      %parallel_loop3A_309 = vector.extract_strided_slice %parallel_loop3A_239 {offsets = [6], sizes = [1], strides = [1]} : vector<16xf32> to vector<1xf32>
      %parallel_loop3A_310 = vector.extract %parallel_loop3A_309[0] : f32 from vector<1xf32>
      %parallel_loop3A_311 = vector.broadcast %parallel_loop3A_310 : f32 to vector<16xf32>
      %parallel_loop3A_312 = arith.mulf %parallel_loop3A_308, %parallel_loop3A_311 : vector<16xf32>
      %parallel_loop3A_313 = arith.maximumf %parallel_loop3A_302, %parallel_loop3A_312 : vector<16xf32>
      %parallel_loop3A_314 = arith.constant 7 : i32
      %parallel_loop3A_315 = arith.addi %parallel_loop3A_234, %parallel_loop3A_314 : i32
      %parallel_loop3A_316 = arith.index_cast %parallel_loop3A_315 : i32 to index
      %parallel_loop3A_317 = arith.constant 0 : index
      %parallel_loop3A_318 = tpu.vector_load %arg14[%parallel_loop3A_316, %parallel_loop3A_317] {strides = array<i32>} : memref<384x128xf32, #tpu.memory_space<vmem>>, vector<1x16xf32>,
      %parallel_loop3A_319 = vector.shape_cast %parallel_loop3A_318 : vector<1x16xf32> to vector<16xf32>
      %parallel_loop3A_320 = vector.extract_strided_slice %parallel_loop3A_239 {offsets = [7], sizes = [1], strides = [1]} : vector<16xf32> to vector<1xf32>
      %parallel_loop3A_321 = vector.extract %parallel_loop3A_320[0] : f32 from vector<1xf32>
      %parallel_loop3A_322 = vector.broadcast %parallel_loop3A_321 : f32 to vector<16xf32>
      %parallel_loop3A_323 = arith.mulf %parallel_loop3A_319, %parallel_loop3A_322 : vector<16xf32>
      %parallel_loop3A_324 = arith.maximumf %parallel_loop3A_313, %parallel_loop3A_323 : vector<16xf32>
      %parallel_loop3A_325 = arith.constant 8 : i32
      %parallel_loop3A_326 = arith.addi %parallel_loop3A_234, %parallel_loop3A_325 : i32
      %parallel_loop3A_327 = arith.index_cast %parallel_loop3A_326 : i32 to index
      %parallel_loop3A_328 = arith.constant 0 : index
      %parallel_loop3A_329 = tpu.vector_load %arg14[%parallel_loop3A_327, %parallel_loop3A_328] {strides = array<i32>} : memref<384x128xf32, #tpu.memory_space<vmem>>, vector<1x16xf32>,
      %parallel_loop3A_330 = vector.shape_cast %parallel_loop3A_329 : vector<1x16xf32> to vector<16xf32>
      %parallel_loop3A_331 = vector.extract_strided_slice %parallel_loop3A_239 {offsets = [8], sizes = [1], strides = [1]} : vector<16xf32> to vector<1xf32>
      %parallel_loop3A_332 = vector.extract %parallel_loop3A_331[0] : f32 from vector<1xf32>
      %parallel_loop3A_333 = vector.broadcast %parallel_loop3A_332 : f32 to vector<16xf32>
      %parallel_loop3A_334 = arith.mulf %parallel_loop3A_330, %parallel_loop3A_333 : vector<16xf32>
      %parallel_loop3A_335 = arith.maximumf %parallel_loop3A_324, %parallel_loop3A_334 : vector<16xf32>
      %parallel_loop3A_336 = arith.constant 9 : i32
      %parallel_loop3A_337 = arith.addi %parallel_loop3A_234, %parallel_loop3A_336 : i32
      %parallel_loop3A_338 = arith.index_cast %parallel_loop3A_337 : i32 to index
      %parallel_loop3A_339 = arith.constant 0 : index
      %parallel_loop3A_340 = tpu.vector_load %arg14[%parallel_loop3A_338, %parallel_loop3A_339] {strides = array<i32>} : memref<384x128xf32, #tpu.memory_space<vmem>>, vector<1x16xf32>,
      %parallel_loop3A_341 = vector.shape_cast %parallel_loop3A_340 : vector<1x16xf32> to vector<16xf32>
      %parallel_loop3A_342 = vector.extract_strided_slice %parallel_loop3A_239 {offsets = [9], sizes = [1], strides = [1]} : vector<16xf32> to vector<1xf32>
      %parallel_loop3A_343 = vector.extract %parallel_loop3A_342[0] : f32 from vector<1xf32>
      %parallel_loop3A_344 = vector.broadcast %parallel_loop3A_343 : f32 to vector<16xf32>
      %parallel_loop3A_345 = arith.mulf %parallel_loop3A_341, %parallel_loop3A_344 : vector<16xf32>
      %parallel_loop3A_346 = arith.maximumf %parallel_loop3A_335, %parallel_loop3A_345 : vector<16xf32>
      %parallel_loop3A_347 = arith.constant 10 : i32
      %parallel_loop3A_348 = arith.addi %parallel_loop3A_234, %parallel_loop3A_347 : i32
      %parallel_loop3A_349 = arith.index_cast %parallel_loop3A_348 : i32 to index
      %parallel_loop3A_350 = arith.constant 0 : index
      %parallel_loop3A_351 = tpu.vector_load %arg14[%parallel_loop3A_349, %parallel_loop3A_350] {strides = array<i32>} : memref<384x128xf32, #tpu.memory_space<vmem>>, vector<1x16xf32>,
      %parallel_loop3A_352 = vector.shape_cast %parallel_loop3A_351 : vector<1x16xf32> to vector<16xf32>
      %parallel_loop3A_353 = vector.extract_strided_slice %parallel_loop3A_239 {offsets = [10], sizes = [1], strides = [1]} : vector<16xf32> to vector<1xf32>
      %parallel_loop3A_354 = vector.extract %parallel_loop3A_353[0] : f32 from vector<1xf32>
      %parallel_loop3A_355 = vector.broadcast %parallel_loop3A_354 : f32 to vector<16xf32>
      %parallel_loop3A_356 = arith.mulf %parallel_loop3A_352, %parallel_loop3A_355 : vector<16xf32>
      %parallel_loop3A_357 = arith.maximumf %parallel_loop3A_346, %parallel_loop3A_356 : vector<16xf32>
      %parallel_loop3A_358 = arith.constant 11 : i32
      %parallel_loop3A_359 = arith.addi %parallel_loop3A_234, %parallel_loop3A_358 : i32
      %parallel_loop3A_360 = arith.index_cast %parallel_loop3A_359 : i32 to index
      %parallel_loop3A_361 = arith.constant 0 : index
      %parallel_loop3A_362 = tpu.vector_load %arg14[%parallel_loop3A_360, %parallel_loop3A_361] {strides = array<i32>} : memref<384x128xf32, #tpu.memory_space<vmem>>, vector<1x16xf32>,
      %parallel_loop3A_363 = vector.shape_cast %parallel_loop3A_362 : vector<1x16xf32> to vector<16xf32>
      %parallel_loop3A_364 = vector.extract_strided_slice %parallel_loop3A_239 {offsets = [11], sizes = [1], strides = [1]} : vector<16xf32> to vector<1xf32>
      %parallel_loop3A_365 = vector.extract %parallel_loop3A_364[0] : f32 from vector<1xf32>
      %parallel_loop3A_366 = vector.broadcast %parallel_loop3A_365 : f32 to vector<16xf32>
      %parallel_loop3A_367 = arith.mulf %parallel_loop3A_363, %parallel_loop3A_366 : vector<16xf32>
      %parallel_loop3A_368 = arith.maximumf %parallel_loop3A_357, %parallel_loop3A_367 : vector<16xf32>
      %parallel_loop3A_369 = arith.index_cast %parallel_loop3A_232 : i32 to index
      %parallel_loop3A_370 = arith.constant 0 : index
      %parallel_loop3A_371 = tpu.vector_load %arg17[%parallel_loop3A_369, %parallel_loop3A_370] {strides = array<i32>} : memref<32x128xf32, #tpu.memory_space<vmem>>, vector<1x16xf32>,
      %parallel_loop3A_372 = vector.shape_cast %parallel_loop3A_371 : vector<1x16xf32> to vector<16xf32>
      %parallel_loop3A_373 = vector.shape_cast %parallel_loop3A_368 : vector<16xf32> to vector<1x16xf32>
      tpu.vector_store %arg17[%parallel_loop3A_369, %parallel_loop3A_370], %parallel_loop3A_373 {strides = array<i32>} : memref<32x128xf32, #tpu.memory_space<vmem>>, vector<1x16xf32>,
      %parallel_loop3A_374 = arith.index_cast %parallel_loop3A_234 : i32 to index
      %parallel_loop3A_375 = arith.constant 16 : index
      %parallel_loop3A_376 = tpu.vector_load %arg14[%parallel_loop3A_374, %parallel_loop3A_375] {strides = array<i32>} : memref<384x128xf32, #tpu.memory_space<vmem>>, vector<1x16xf32>,
      %parallel_loop3A_377 = vector.shape_cast %parallel_loop3A_376 : vector<1x16xf32> to vector<16xf32>
      %parallel_loop3A_378 = vector.extract_strided_slice %parallel_loop3A_239 {offsets = [0], sizes = [1], strides = [1]} : vector<16xf32> to vector<1xf32>
      %parallel_loop3A_379 = vector.extract %parallel_loop3A_378[0] : f32 from vector<1xf32>
      %parallel_loop3A_380 = vector.broadcast %parallel_loop3A_379 : f32 to vector<16xf32>
      %parallel_loop3A_381 = arith.mulf %parallel_loop3A_377, %parallel_loop3A_380 : vector<16xf32>
      %parallel_loop3A_382 = arith.constant 1 : i32
      %parallel_loop3A_383 = arith.addi %parallel_loop3A_234, %parallel_loop3A_382 : i32
      %parallel_loop3A_384 = arith.index_cast %parallel_loop3A_383 : i32 to index
      %parallel_loop3A_385 = arith.constant 16 : index
      %parallel_loop3A_386 = tpu.vector_load %arg14[%parallel_loop3A_384, %parallel_loop3A_385] {strides = array<i32>} : memref<384x128xf32, #tpu.memory_space<vmem>>, vector<1x16xf32>,
      %parallel_loop3A_387 = vector.shape_cast %parallel_loop3A_386 : vector<1x16xf32> to vector<16xf32>
      %parallel_loop3A_388 = vector.extract_strided_slice %parallel_loop3A_239 {offsets = [1], sizes = [1], strides = [1]} : vector<16xf32> to vector<1xf32>
      %parallel_loop3A_389 = vector.extract %parallel_loop3A_388[0] : f32 from vector<1xf32>
      %parallel_loop3A_390 = vector.broadcast %parallel_loop3A_389 : f32 to vector<16xf32>
      %parallel_loop3A_391 = arith.mulf %parallel_loop3A_387, %parallel_loop3A_390 : vector<16xf32>
      %parallel_loop3A_392 = arith.maximumf %parallel_loop3A_381, %parallel_loop3A_391 : vector<16xf32>
      %parallel_loop3A_393 = arith.constant 2 : i32
      %parallel_loop3A_394 = arith.addi %parallel_loop3A_234, %parallel_loop3A_393 : i32
      %parallel_loop3A_395 = arith.index_cast %parallel_loop3A_394 : i32 to index
      %parallel_loop3A_396 = arith.constant 16 : index
      %parallel_loop3A_397 = tpu.vector_load %arg14[%parallel_loop3A_395, %parallel_loop3A_396] {strides = array<i32>} : memref<384x128xf32, #tpu.memory_space<vmem>>, vector<1x16xf32>,
      %parallel_loop3A_398 = vector.shape_cast %parallel_loop3A_397 : vector<1x16xf32> to vector<16xf32>
      %parallel_loop3A_399 = vector.extract_strided_slice %parallel_loop3A_239 {offsets = [2], sizes = [1], strides = [1]} : vector<16xf32> to vector<1xf32>
      %parallel_loop3A_400 = vector.extract %parallel_loop3A_399[0] : f32 from vector<1xf32>
      %parallel_loop3A_401 = vector.broadcast %parallel_loop3A_400 : f32 to vector<16xf32>
      %parallel_loop3A_402 = arith.mulf %parallel_loop3A_398, %parallel_loop3A_401 : vector<16xf32>
      %parallel_loop3A_403 = arith.maximumf %parallel_loop3A_392, %parallel_loop3A_402 : vector<16xf32>
      %parallel_loop3A_404 = arith.constant 3 : i32
      %parallel_loop3A_405 = arith.addi %parallel_loop3A_234, %parallel_loop3A_404 : i32
      %parallel_loop3A_406 = arith.index_cast %parallel_loop3A_405 : i32 to index
      %parallel_loop3A_407 = arith.constant 16 : index
      %parallel_loop3A_408 = tpu.vector_load %arg14[%parallel_loop3A_406, %parallel_loop3A_407] {strides = array<i32>} : memref<384x128xf32, #tpu.memory_space<vmem>>, vector<1x16xf32>,
      %parallel_loop3A_409 = vector.shape_cast %parallel_loop3A_408 : vector<1x16xf32> to vector<16xf32>
      %parallel_loop3A_410 = vector.extract_strided_slice %parallel_loop3A_239 {offsets = [3], sizes = [1], strides = [1]} : vector<16xf32> to vector<1xf32>
      %parallel_loop3A_411 = vector.extract %parallel_loop3A_410[0] : f32 from vector<1xf32>
      %parallel_loop3A_412 = vector.broadcast %parallel_loop3A_411 : f32 to vector<16xf32>
      %parallel_loop3A_413 = arith.mulf %parallel_loop3A_409, %parallel_loop3A_412 : vector<16xf32>
      %parallel_loop3A_414 = arith.maximumf %parallel_loop3A_403, %parallel_loop3A_413 : vector<16xf32>
      %parallel_loop3A_415 = arith.constant 4 : i32
      %parallel_loop3A_416 = arith.addi %parallel_loop3A_234, %parallel_loop3A_415 : i32
      %parallel_loop3A_417 = arith.index_cast %parallel_loop3A_416 : i32 to index
      %parallel_loop3A_418 = arith.constant 16 : index
      %parallel_loop3A_419 = tpu.vector_load %arg14[%parallel_loop3A_417, %parallel_loop3A_418] {strides = array<i32>} : memref<384x128xf32, #tpu.memory_space<vmem>>, vector<1x16xf32>,
      %parallel_loop3A_420 = vector.shape_cast %parallel_loop3A_419 : vector<1x16xf32> to vector<16xf32>
      %parallel_loop3A_421 = vector.extract_strided_slice %parallel_loop3A_239 {offsets = [4], sizes = [1], strides = [1]} : vector<16xf32> to vector<1xf32>
      %parallel_loop3A_422 = vector.extract %parallel_loop3A_421[0] : f32 from vector<1xf32>
      %parallel_loop3A_423 = vector.broadcast %parallel_loop3A_422 : f32 to vector<16xf32>
      %parallel_loop3A_424 = arith.mulf %parallel_loop3A_420, %parallel_loop3A_423 : vector<16xf32>
      %parallel_loop3A_425 = arith.maximumf %parallel_loop3A_414, %parallel_loop3A_424 : vector<16xf32>
      %parallel_loop3A_426 = arith.constant 5 : i32
      %parallel_loop3A_427 = arith.addi %parallel_loop3A_234, %parallel_loop3A_426 : i32
      %parallel_loop3A_428 = arith.index_cast %parallel_loop3A_427 : i32 to index
      %parallel_loop3A_429 = arith.constant 16 : index
      %parallel_loop3A_430 = tpu.vector_load %arg14[%parallel_loop3A_428, %parallel_loop3A_429] {strides = array<i32>} : memref<384x128xf32, #tpu.memory_space<vmem>>, vector<1x16xf32>,
      %parallel_loop3A_431 = vector.shape_cast %parallel_loop3A_430 : vector<1x16xf32> to vector<16xf32>
      %parallel_loop3A_432 = vector.extract_strided_slice %parallel_loop3A_239 {offsets = [5], sizes = [1], strides = [1]} : vector<16xf32> to vector<1xf32>
      %parallel_loop3A_433 = vector.extract %parallel_loop3A_432[0] : f32 from vector<1xf32>
      %parallel_loop3A_434 = vector.broadcast %parallel_loop3A_433 : f32 to vector<16xf32>
      %parallel_loop3A_435 = arith.mulf %parallel_loop3A_431, %parallel_loop3A_434 : vector<16xf32>
      %parallel_loop3A_436 = arith.maximumf %parallel_loop3A_425, %parallel_loop3A_435 : vector<16xf32>
      %parallel_loop3A_437 = arith.constant 6 : i32
      %parallel_loop3A_438 = arith.addi %parallel_loop3A_234, %parallel_loop3A_437 : i32
      %parallel_loop3A_439 = arith.index_cast %parallel_loop3A_438 : i32 to index
      %parallel_loop3A_440 = arith.constant 16 : index
      %parallel_loop3A_441 = tpu.vector_load %arg14[%parallel_loop3A_439, %parallel_loop3A_440] {strides = array<i32>} : memref<384x128xf32, #tpu.memory_space<vmem>>, vector<1x16xf32>,
      %parallel_loop3A_442 = vector.shape_cast %parallel_loop3A_441 : vector<1x16xf32> to vector<16xf32>
      %parallel_loop3A_443 = vector.extract_strided_slice %parallel_loop3A_239 {offsets = [6], sizes = [1], strides = [1]} : vector<16xf32> to vector<1xf32>
      %parallel_loop3A_444 = vector.extract %parallel_loop3A_443[0] : f32 from vector<1xf32>
      %parallel_loop3A_445 = vector.broadcast %parallel_loop3A_444 : f32 to vector<16xf32>
      %parallel_loop3A_446 = arith.mulf %parallel_loop3A_442, %parallel_loop3A_445 : vector<16xf32>
      %parallel_loop3A_447 = arith.maximumf %parallel_loop3A_436, %parallel_loop3A_446 : vector<16xf32>
      %parallel_loop3A_448 = arith.constant 7 : i32
      %parallel_loop3A_449 = arith.addi %parallel_loop3A_234, %parallel_loop3A_448 : i32
      %parallel_loop3A_450 = arith.index_cast %parallel_loop3A_449 : i32 to index
      %parallel_loop3A_451 = arith.constant 16 : index
      %parallel_loop3A_452 = tpu.vector_load %arg14[%parallel_loop3A_450, %parallel_loop3A_451] {strides = array<i32>} : memref<384x128xf32, #tpu.memory_space<vmem>>, vector<1x16xf32>,
      %parallel_loop3A_453 = vector.shape_cast %parallel_loop3A_452 : vector<1x16xf32> to vector<16xf32>
      %parallel_loop3A_454 = vector.extract_strided_slice %parallel_loop3A_239 {offsets = [7], sizes = [1], strides = [1]} : vector<16xf32> to vector<1xf32>
      %parallel_loop3A_455 = vector.extract %parallel_loop3A_454[0] : f32 from vector<1xf32>
      %parallel_loop3A_456 = vector.broadcast %parallel_loop3A_455 : f32 to vector<16xf32>
      %parallel_loop3A_457 = arith.mulf %parallel_loop3A_453, %parallel_loop3A_456 : vector<16xf32>
      %parallel_loop3A_458 = arith.maximumf %parallel_loop3A_447, %parallel_loop3A_457 : vector<16xf32>
      %parallel_loop3A_459 = arith.constant 8 : i32
      %parallel_loop3A_460 = arith.addi %parallel_loop3A_234, %parallel_loop3A_459 : i32
      %parallel_loop3A_461 = arith.index_cast %parallel_loop3A_460 : i32 to index
      %parallel_loop3A_462 = arith.constant 16 : index
      %parallel_loop3A_463 = tpu.vector_load %arg14[%parallel_loop3A_461, %parallel_loop3A_462] {strides = array<i32>} : memref<384x128xf32, #tpu.memory_space<vmem>>, vector<1x16xf32>,
      %parallel_loop3A_464 = vector.shape_cast %parallel_loop3A_463 : vector<1x16xf32> to vector<16xf32>
      %parallel_loop3A_465 = vector.extract_strided_slice %parallel_loop3A_239 {offsets = [8], sizes = [1], strides = [1]} : vector<16xf32> to vector<1xf32>
      %parallel_loop3A_466 = vector.extract %parallel_loop3A_465[0] : f32 from vector<1xf32>
      %parallel_loop3A_467 = vector.broadcast %parallel_loop3A_466 : f32 to vector<16xf32>
      %parallel_loop3A_468 = arith.mulf %parallel_loop3A_464, %parallel_loop3A_467 : vector<16xf32>
      %parallel_loop3A_469 = arith.maximumf %parallel_loop3A_458, %parallel_loop3A_468 : vector<16xf32>
      %parallel_loop3A_470 = arith.constant 9 : i32
      %parallel_loop3A_471 = arith.addi %parallel_loop3A_234, %parallel_loop3A_470 : i32
      %parallel_loop3A_472 = arith.index_cast %parallel_loop3A_471 : i32 to index
      %parallel_loop3A_473 = arith.constant 16 : index
      %parallel_loop3A_474 = tpu.vector_load %arg14[%parallel_loop3A_472, %parallel_loop3A_473] {strides = array<i32>} : memref<384x128xf32, #tpu.memory_space<vmem>>, vector<1x16xf32>,
      %parallel_loop3A_475 = vector.shape_cast %parallel_loop3A_474 : vector<1x16xf32> to vector<16xf32>
      %parallel_loop3A_476 = vector.extract_strided_slice %parallel_loop3A_239 {offsets = [9], sizes = [1], strides = [1]} : vector<16xf32> to vector<1xf32>
      %parallel_loop3A_477 = vector.extract %parallel_loop3A_476[0] : f32 from vector<1xf32>
      %parallel_loop3A_478 = vector.broadcast %parallel_loop3A_477 : f32 to vector<16xf32>
      %parallel_loop3A_479 = arith.mulf %parallel_loop3A_475, %parallel_loop3A_478 : vector<16xf32>
      %parallel_loop3A_480 = arith.maximumf %parallel_loop3A_469, %parallel_loop3A_479 : vector<16xf32>
      %parallel_loop3A_481 = arith.constant 10 : i32
      %parallel_loop3A_482 = arith.addi %parallel_loop3A_234, %parallel_loop3A_481 : i32
      %parallel_loop3A_483 = arith.index_cast %parallel_loop3A_482 : i32 to index
      %parallel_loop3A_484 = arith.constant 16 : index
      %parallel_loop3A_485 = tpu.vector_load %arg14[%parallel_loop3A_483, %parallel_loop3A_484] {strides = array<i32>} : memref<384x128xf32, #tpu.memory_space<vmem>>, vector<1x16xf32>,
      %parallel_loop3A_486 = vector.shape_cast %parallel_loop3A_485 : vector<1x16xf32> to vector<16xf32>
      %parallel_loop3A_487 = vector.extract_strided_slice %parallel_loop3A_239 {offsets = [10], sizes = [1], strides = [1]} : vector<16xf32> to vector<1xf32>
      %parallel_loop3A_488 = vector.extract %parallel_loop3A_487[0] : f32 from vector<1xf32>
      %parallel_loop3A_489 = vector.broadcast %parallel_loop3A_488 : f32 to vector<16xf32>
      %parallel_loop3A_490 = arith.mulf %parallel_loop3A_486, %parallel_loop3A_489 : vector<16xf32>
      %parallel_loop3A_491 = arith.maximumf %parallel_loop3A_480, %parallel_loop3A_490 : vector<16xf32>
      %parallel_loop3A_492 = arith.constant 11 : i32
      %parallel_loop3A_493 = arith.addi %parallel_loop3A_234, %parallel_loop3A_492 : i32
      %parallel_loop3A_494 = arith.index_cast %parallel_loop3A_493 : i32 to index
      %parallel_loop3A_495 = arith.constant 16 : index
      %parallel_loop3A_496 = tpu.vector_load %arg14[%parallel_loop3A_494, %parallel_loop3A_495] {strides = array<i32>} : memref<384x128xf32, #tpu.memory_space<vmem>>, vector<1x16xf32>,
      %parallel_loop3A_497 = vector.shape_cast %parallel_loop3A_496 : vector<1x16xf32> to vector<16xf32>
      %parallel_loop3A_498 = vector.extract_strided_slice %parallel_loop3A_239 {offsets = [11], sizes = [1], strides = [1]} : vector<16xf32> to vector<1xf32>
      %parallel_loop3A_499 = vector.extract %parallel_loop3A_498[0] : f32 from vector<1xf32>
      %parallel_loop3A_500 = vector.broadcast %parallel_loop3A_499 : f32 to vector<16xf32>
      %parallel_loop3A_501 = arith.mulf %parallel_loop3A_497, %parallel_loop3A_500 : vector<16xf32>
      %parallel_loop3A_502 = arith.maximumf %parallel_loop3A_491, %parallel_loop3A_501 : vector<16xf32>
      %parallel_loop3A_503 = arith.index_cast %parallel_loop3A_232 : i32 to index
      %parallel_loop3A_504 = arith.constant 16 : index
      %parallel_loop3A_505 = tpu.vector_load %arg17[%parallel_loop3A_503, %parallel_loop3A_504] {strides = array<i32>} : memref<32x128xf32, #tpu.memory_space<vmem>>, vector<1x16xf32>,
      %parallel_loop3A_506 = vector.shape_cast %parallel_loop3A_505 : vector<1x16xf32> to vector<16xf32>
      %parallel_loop3A_507 = vector.shape_cast %parallel_loop3A_502 : vector<16xf32> to vector<1x16xf32>
      tpu.vector_store %arg17[%parallel_loop3A_503, %parallel_loop3A_504], %parallel_loop3A_507 {strides = array<i32>} : memref<32x128xf32, #tpu.memory_space<vmem>>, vector<1x16xf32>,
      %parallel_loop3A_508 = arith.index_cast %parallel_loop3A_234 : i32 to index
      %parallel_loop3A_509 = arith.constant 32 : index
      %parallel_loop3A_510 = tpu.vector_load %arg14[%parallel_loop3A_508, %parallel_loop3A_509] {strides = array<i32>} : memref<384x128xf32, #tpu.memory_space<vmem>>, vector<1x16xf32>,
      %parallel_loop3A_511 = vector.shape_cast %parallel_loop3A_510 : vector<1x16xf32> to vector<16xf32>
      %parallel_loop3A_512 = vector.extract_strided_slice %parallel_loop3A_239 {offsets = [0], sizes = [1], strides = [1]} : vector<16xf32> to vector<1xf32>
      %parallel_loop3A_513 = vector.extract %parallel_loop3A_512[0] : f32 from vector<1xf32>
      %parallel_loop3A_514 = vector.broadcast %parallel_loop3A_513 : f32 to vector<16xf32>
      %parallel_loop3A_515 = arith.mulf %parallel_loop3A_511, %parallel_loop3A_514 : vector<16xf32>
      %parallel_loop3A_516 = arith.constant 1 : i32
      %parallel_loop3A_517 = arith.addi %parallel_loop3A_234, %parallel_loop3A_516 : i32
      %parallel_loop3A_518 = arith.index_cast %parallel_loop3A_517 : i32 to index
      %parallel_loop3A_519 = arith.constant 32 : index
      %parallel_loop3A_520 = tpu.vector_load %arg14[%parallel_loop3A_518, %parallel_loop3A_519] {strides = array<i32>} : memref<384x128xf32, #tpu.memory_space<vmem>>, vector<1x16xf32>,
      %parallel_loop3A_521 = vector.shape_cast %parallel_loop3A_520 : vector<1x16xf32> to vector<16xf32>
      %parallel_loop3A_522 = vector.extract_strided_slice %parallel_loop3A_239 {offsets = [1], sizes = [1], strides = [1]} : vector<16xf32> to vector<1xf32>
      %parallel_loop3A_523 = vector.extract %parallel_loop3A_522[0] : f32 from vector<1xf32>
      %parallel_loop3A_524 = vector.broadcast %parallel_loop3A_523 : f32 to vector<16xf32>
      %parallel_loop3A_525 = arith.mulf %parallel_loop3A_521, %parallel_loop3A_524 : vector<16xf32>
      %parallel_loop3A_526 = arith.maximumf %parallel_loop3A_515, %parallel_loop3A_525 : vector<16xf32>
      %parallel_loop3A_527 = arith.constant 2 : i32
      %parallel_loop3A_528 = arith.addi %parallel_loop3A_234, %parallel_loop3A_527 : i32
      %parallel_loop3A_529 = arith.index_cast %parallel_loop3A_528 : i32 to index
      %parallel_loop3A_530 = arith.constant 32 : index
      %parallel_loop3A_531 = tpu.vector_load %arg14[%parallel_loop3A_529, %parallel_loop3A_530] {strides = array<i32>} : memref<384x128xf32, #tpu.memory_space<vmem>>, vector<1x16xf32>,
      %parallel_loop3A_532 = vector.shape_cast %parallel_loop3A_531 : vector<1x16xf32> to vector<16xf32>
      %parallel_loop3A_533 = vector.extract_strided_slice %parallel_loop3A_239 {offsets = [2], sizes = [1], strides = [1]} : vector<16xf32> to vector<1xf32>
      %parallel_loop3A_534 = vector.extract %parallel_loop3A_533[0] : f32 from vector<1xf32>
      %parallel_loop3A_535 = vector.broadcast %parallel_loop3A_534 : f32 to vector<16xf32>
      %parallel_loop3A_536 = arith.mulf %parallel_loop3A_532, %parallel_loop3A_535 : vector<16xf32>
      %parallel_loop3A_537 = arith.maximumf %parallel_loop3A_526, %parallel_loop3A_536 : vector<16xf32>
      %parallel_loop3A_538 = arith.constant 3 : i32
      %parallel_loop3A_539 = arith.addi %parallel_loop3A_234, %parallel_loop3A_538 : i32
      %parallel_loop3A_540 = arith.index_cast %parallel_loop3A_539 : i32 to index
      %parallel_loop3A_541 = arith.constant 32 : index
      %parallel_loop3A_542 = tpu.vector_load %arg14[%parallel_loop3A_540, %parallel_loop3A_541] {strides = array<i32>} : memref<384x128xf32, #tpu.memory_space<vmem>>, vector<1x16xf32>,
      %parallel_loop3A_543 = vector.shape_cast %parallel_loop3A_542 : vector<1x16xf32> to vector<16xf32>
      %parallel_loop3A_544 = vector.extract_strided_slice %parallel_loop3A_239 {offsets = [3], sizes = [1], strides = [1]} : vector<16xf32> to vector<1xf32>
      %parallel_loop3A_545 = vector.extract %parallel_loop3A_544[0] : f32 from vector<1xf32>
      %parallel_loop3A_546 = vector.broadcast %parallel_loop3A_545 : f32 to vector<16xf32>
      %parallel_loop3A_547 = arith.mulf %parallel_loop3A_543, %parallel_loop3A_546 : vector<16xf32>
      %parallel_loop3A_548 = arith.maximumf %parallel_loop3A_537, %parallel_loop3A_547 : vector<16xf32>
      %parallel_loop3A_549 = arith.constant 4 : i32
      %parallel_loop3A_550 = arith.addi %parallel_loop3A_234, %parallel_loop3A_549 : i32
      %parallel_loop3A_551 = arith.index_cast %parallel_loop3A_550 : i32 to index
      %parallel_loop3A_552 = arith.constant 32 : index
      %parallel_loop3A_553 = tpu.vector_load %arg14[%parallel_loop3A_551, %parallel_loop3A_552] {strides = array<i32>} : memref<384x128xf32, #tpu.memory_space<vmem>>, vector<1x16xf32>,
      %parallel_loop3A_554 = vector.shape_cast %parallel_loop3A_553 : vector<1x16xf32> to vector<16xf32>
      %parallel_loop3A_555 = vector.extract_strided_slice %parallel_loop3A_239 {offsets = [4], sizes = [1], strides = [1]} : vector<16xf32> to vector<1xf32>
      %parallel_loop3A_556 = vector.extract %parallel_loop3A_555[0] : f32 from vector<1xf32>
      %parallel_loop3A_557 = vector.broadcast %parallel_loop3A_556 : f32 to vector<16xf32>
      %parallel_loop3A_558 = arith.mulf %parallel_loop3A_554, %parallel_loop3A_557 : vector<16xf32>
      %parallel_loop3A_559 = arith.maximumf %parallel_loop3A_548, %parallel_loop3A_558 : vector<16xf32>
      %parallel_loop3A_560 = arith.constant 5 : i32
      %parallel_loop3A_561 = arith.addi %parallel_loop3A_234, %parallel_loop3A_560 : i32
      %parallel_loop3A_562 = arith.index_cast %parallel_loop3A_561 : i32 to index
      %parallel_loop3A_563 = arith.constant 32 : index
      %parallel_loop3A_564 = tpu.vector_load %arg14[%parallel_loop3A_562, %parallel_loop3A_563] {strides = array<i32>} : memref<384x128xf32, #tpu.memory_space<vmem>>, vector<1x16xf32>,
      %parallel_loop3A_565 = vector.shape_cast %parallel_loop3A_564 : vector<1x16xf32> to vector<16xf32>
      %parallel_loop3A_566 = vector.extract_strided_slice %parallel_loop3A_239 {offsets = [5], sizes = [1], strides = [1]} : vector<16xf32> to vector<1xf32>
      %parallel_loop3A_567 = vector.extract %parallel_loop3A_566[0] : f32 from vector<1xf32>
      %parallel_loop3A_568 = vector.broadcast %parallel_loop3A_567 : f32 to vector<16xf32>
      %parallel_loop3A_569 = arith.mulf %parallel_loop3A_565, %parallel_loop3A_568 : vector<16xf32>
      %parallel_loop3A_570 = arith.maximumf %parallel_loop3A_559, %parallel_loop3A_569 : vector<16xf32>
      %parallel_loop3A_571 = arith.constant 6 : i32
      %parallel_loop3A_572 = arith.addi %parallel_loop3A_234, %parallel_loop3A_571 : i32
      %parallel_loop3A_573 = arith.index_cast %parallel_loop3A_572 : i32 to index
      %parallel_loop3A_574 = arith.constant 32 : index
      %parallel_loop3A_575 = tpu.vector_load %arg14[%parallel_loop3A_573, %parallel_loop3A_574] {strides = array<i32>} : memref<384x128xf32, #tpu.memory_space<vmem>>, vector<1x16xf32>,
      %parallel_loop3A_576 = vector.shape_cast %parallel_loop3A_575 : vector<1x16xf32> to vector<16xf32>
      %parallel_loop3A_577 = vector.extract_strided_slice %parallel_loop3A_239 {offsets = [6], sizes = [1], strides = [1]} : vector<16xf32> to vector<1xf32>
      %parallel_loop3A_578 = vector.extract %parallel_loop3A_577[0] : f32 from vector<1xf32>
      %parallel_loop3A_579 = vector.broadcast %parallel_loop3A_578 : f32 to vector<16xf32>
      %parallel_loop3A_580 = arith.mulf %parallel_loop3A_576, %parallel_loop3A_579 : vector<16xf32>
      %parallel_loop3A_581 = arith.maximumf %parallel_loop3A_570, %parallel_loop3A_580 : vector<16xf32>
      %parallel_loop3A_582 = arith.constant 7 : i32
      %parallel_loop3A_583 = arith.addi %parallel_loop3A_234, %parallel_loop3A_582 : i32
      %parallel_loop3A_584 = arith.index_cast %parallel_loop3A_583 : i32 to index
      %parallel_loop3A_585 = arith.constant 32 : index
      %parallel_loop3A_586 = tpu.vector_load %arg14[%parallel_loop3A_584, %parallel_loop3A_585] {strides = array<i32>} : memref<384x128xf32, #tpu.memory_space<vmem>>, vector<1x16xf32>,
      %parallel_loop3A_587 = vector.shape_cast %parallel_loop3A_586 : vector<1x16xf32> to vector<16xf32>
      %parallel_loop3A_588 = vector.extract_strided_slice %parallel_loop3A_239 {offsets = [7], sizes = [1], strides = [1]} : vector<16xf32> to vector<1xf32>
      %parallel_loop3A_589 = vector.extract %parallel_loop3A_588[0] : f32 from vector<1xf32>
      %parallel_loop3A_590 = vector.broadcast %parallel_loop3A_589 : f32 to vector<16xf32>
      %parallel_loop3A_591 = arith.mulf %parallel_loop3A_587, %parallel_loop3A_590 : vector<16xf32>
      %parallel_loop3A_592 = arith.maximumf %parallel_loop3A_581, %parallel_loop3A_591 : vector<16xf32>
      %parallel_loop3A_593 = arith.constant 8 : i32
      %parallel_loop3A_594 = arith.addi %parallel_loop3A_234, %parallel_loop3A_593 : i32
      %parallel_loop3A_595 = arith.index_cast %parallel_loop3A_594 : i32 to index
      %parallel_loop3A_596 = arith.constant 32 : index
      %parallel_loop3A_597 = tpu.vector_load %arg14[%parallel_loop3A_595, %parallel_loop3A_596] {strides = array<i32>} : memref<384x128xf32, #tpu.memory_space<vmem>>, vector<1x16xf32>,
      %parallel_loop3A_598 = vector.shape_cast %parallel_loop3A_597 : vector<1x16xf32> to vector<16xf32>
      %parallel_loop3A_599 = vector.extract_strided_slice %parallel_loop3A_239 {offsets = [8], sizes = [1], strides = [1]} : vector<16xf32> to vector<1xf32>
      %parallel_loop3A_600 = vector.extract %parallel_loop3A_599[0] : f32 from vector<1xf32>
      %parallel_loop3A_601 = vector.broadcast %parallel_loop3A_600 : f32 to vector<16xf32>
      %parallel_loop3A_602 = arith.mulf %parallel_loop3A_598, %parallel_loop3A_601 : vector<16xf32>
      %parallel_loop3A_603 = arith.maximumf %parallel_loop3A_592, %parallel_loop3A_602 : vector<16xf32>
      %parallel_loop3A_604 = arith.constant 9 : i32
      %parallel_loop3A_605 = arith.addi %parallel_loop3A_234, %parallel_loop3A_604 : i32
      %parallel_loop3A_606 = arith.index_cast %parallel_loop3A_605 : i32 to index
      %parallel_loop3A_607 = arith.constant 32 : index
      %parallel_loop3A_608 = tpu.vector_load %arg14[%parallel_loop3A_606, %parallel_loop3A_607] {strides = array<i32>} : memref<384x128xf32, #tpu.memory_space<vmem>>, vector<1x16xf32>,
      %parallel_loop3A_609 = vector.shape_cast %parallel_loop3A_608 : vector<1x16xf32> to vector<16xf32>
      %parallel_loop3A_610 = vector.extract_strided_slice %parallel_loop3A_239 {offsets = [9], sizes = [1], strides = [1]} : vector<16xf32> to vector<1xf32>
      %parallel_loop3A_611 = vector.extract %parallel_loop3A_610[0] : f32 from vector<1xf32>
      %parallel_loop3A_612 = vector.broadcast %parallel_loop3A_611 : f32 to vector<16xf32>
      %parallel_loop3A_613 = arith.mulf %parallel_loop3A_609, %parallel_loop3A_612 : vector<16xf32>
      %parallel_loop3A_614 = arith.maximumf %parallel_loop3A_603, %parallel_loop3A_613 : vector<16xf32>
      %parallel_loop3A_615 = arith.constant 10 : i32
      %parallel_loop3A_616 = arith.addi %parallel_loop3A_234, %parallel_loop3A_615 : i32
      %parallel_loop3A_617 = arith.index_cast %parallel_loop3A_616 : i32 to index
      %parallel_loop3A_618 = arith.constant 32 : index
      %parallel_loop3A_619 = tpu.vector_load %arg14[%parallel_loop3A_617, %parallel_loop3A_618] {strides = array<i32>} : memref<384x128xf32, #tpu.memory_space<vmem>>, vector<1x16xf32>,
      %parallel_loop3A_620 = vector.shape_cast %parallel_loop3A_619 : vector<1x16xf32> to vector<16xf32>
      %parallel_loop3A_621 = vector.extract_strided_slice %parallel_loop3A_239 {offsets = [10], sizes = [1], strides = [1]} : vector<16xf32> to vector<1xf32>
      %parallel_loop3A_622 = vector.extract %parallel_loop3A_621[0] : f32 from vector<1xf32>
      %parallel_loop3A_623 = vector.broadcast %parallel_loop3A_622 : f32 to vector<16xf32>
      %parallel_loop3A_624 = arith.mulf %parallel_loop3A_620, %parallel_loop3A_623 : vector<16xf32>
      %parallel_loop3A_625 = arith.maximumf %parallel_loop3A_614, %parallel_loop3A_624 : vector<16xf32>
      %parallel_loop3A_626 = arith.constant 11 : i32
      %parallel_loop3A_627 = arith.addi %parallel_loop3A_234, %parallel_loop3A_626 : i32
      %parallel_loop3A_628 = arith.index_cast %parallel_loop3A_627 : i32 to index
      %parallel_loop3A_629 = arith.constant 32 : index
      %parallel_loop3A_630 = tpu.vector_load %arg14[%parallel_loop3A_628, %parallel_loop3A_629] {strides = array<i32>} : memref<384x128xf32, #tpu.memory_space<vmem>>, vector<1x16xf32>,
      %parallel_loop3A_631 = vector.shape_cast %parallel_loop3A_630 : vector<1x16xf32> to vector<16xf32>
      %parallel_loop3A_632 = vector.extract_strided_slice %parallel_loop3A_239 {offsets = [11], sizes = [1], strides = [1]} : vector<16xf32> to vector<1xf32>
      %parallel_loop3A_633 = vector.extract %parallel_loop3A_632[0] : f32 from vector<1xf32>
      %parallel_loop3A_634 = vector.broadcast %parallel_loop3A_633 : f32 to vector<16xf32>
      %parallel_loop3A_635 = arith.mulf %parallel_loop3A_631, %parallel_loop3A_634 : vector<16xf32>
      %parallel_loop3A_636 = arith.maximumf %parallel_loop3A_625, %parallel_loop3A_635 : vector<16xf32>
      %parallel_loop3A_637 = arith.index_cast %parallel_loop3A_232 : i32 to index
      %parallel_loop3A_638 = arith.constant 32 : index
      %parallel_loop3A_639 = tpu.vector_load %arg17[%parallel_loop3A_637, %parallel_loop3A_638] {strides = array<i32>} : memref<32x128xf32, #tpu.memory_space<vmem>>, vector<1x16xf32>,
      %parallel_loop3A_640 = vector.shape_cast %parallel_loop3A_639 : vector<1x16xf32> to vector<16xf32>
      %parallel_loop3A_641 = vector.shape_cast %parallel_loop3A_636 : vector<16xf32> to vector<1x16xf32>
      tpu.vector_store %arg17[%parallel_loop3A_637, %parallel_loop3A_638], %parallel_loop3A_641 {strides = array<i32>} : memref<32x128xf32, #tpu.memory_space<vmem>>, vector<1x16xf32>,
      %parallel_loop3A_642 = arith.index_cast %parallel_loop3A_234 : i32 to index
      %parallel_loop3A_643 = arith.constant 48 : index
      %parallel_loop3A_644 = tpu.vector_load %arg14[%parallel_loop3A_642, %parallel_loop3A_643] {strides = array<i32>} : memref<384x128xf32, #tpu.memory_space<vmem>>, vector<1x16xf32>,
      %parallel_loop3A_645 = vector.shape_cast %parallel_loop3A_644 : vector<1x16xf32> to vector<16xf32>
      %parallel_loop3A_646 = vector.extract_strided_slice %parallel_loop3A_239 {offsets = [0], sizes = [1], strides = [1]} : vector<16xf32> to vector<1xf32>
      %parallel_loop3A_647 = vector.extract %parallel_loop3A_646[0] : f32 from vector<1xf32>
      %parallel_loop3A_648 = vector.broadcast %parallel_loop3A_647 : f32 to vector<16xf32>
      %parallel_loop3A_649 = arith.mulf %parallel_loop3A_645, %parallel_loop3A_648 : vector<16xf32>
      %parallel_loop3A_650 = arith.constant 1 : i32
      %parallel_loop3A_651 = arith.addi %parallel_loop3A_234, %parallel_loop3A_650 : i32
      %parallel_loop3A_652 = arith.index_cast %parallel_loop3A_651 : i32 to index
      %parallel_loop3A_653 = arith.constant 48 : index
      %parallel_loop3A_654 = tpu.vector_load %arg14[%parallel_loop3A_652, %parallel_loop3A_653] {strides = array<i32>} : memref<384x128xf32, #tpu.memory_space<vmem>>, vector<1x16xf32>,
      %parallel_loop3A_655 = vector.shape_cast %parallel_loop3A_654 : vector<1x16xf32> to vector<16xf32>
      %parallel_loop3A_656 = vector.extract_strided_slice %parallel_loop3A_239 {offsets = [1], sizes = [1], strides = [1]} : vector<16xf32> to vector<1xf32>
      %parallel_loop3A_657 = vector.extract %parallel_loop3A_656[0] : f32 from vector<1xf32>
      %parallel_loop3A_658 = vector.broadcast %parallel_loop3A_657 : f32 to vector<16xf32>
      %parallel_loop3A_659 = arith.mulf %parallel_loop3A_655, %parallel_loop3A_658 : vector<16xf32>
      %parallel_loop3A_660 = arith.maximumf %parallel_loop3A_649, %parallel_loop3A_659 : vector<16xf32>
      %parallel_loop3A_661 = arith.constant 2 : i32
      %parallel_loop3A_662 = arith.addi %parallel_loop3A_234, %parallel_loop3A_661 : i32
      %parallel_loop3A_663 = arith.index_cast %parallel_loop3A_662 : i32 to index
      %parallel_loop3A_664 = arith.constant 48 : index
      %parallel_loop3A_665 = tpu.vector_load %arg14[%parallel_loop3A_663, %parallel_loop3A_664] {strides = array<i32>} : memref<384x128xf32, #tpu.memory_space<vmem>>, vector<1x16xf32>,
      %parallel_loop3A_666 = vector.shape_cast %parallel_loop3A_665 : vector<1x16xf32> to vector<16xf32>
      %parallel_loop3A_667 = vector.extract_strided_slice %parallel_loop3A_239 {offsets = [2], sizes = [1], strides = [1]} : vector<16xf32> to vector<1xf32>
      %parallel_loop3A_668 = vector.extract %parallel_loop3A_667[0] : f32 from vector<1xf32>
      %parallel_loop3A_669 = vector.broadcast %parallel_loop3A_668 : f32 to vector<16xf32>
      %parallel_loop3A_670 = arith.mulf %parallel_loop3A_666, %parallel_loop3A_669 : vector<16xf32>
      %parallel_loop3A_671 = arith.maximumf %parallel_loop3A_660, %parallel_loop3A_670 : vector<16xf32>
      %parallel_loop3A_672 = arith.constant 3 : i32
      %parallel_loop3A_673 = arith.addi %parallel_loop3A_234, %parallel_loop3A_672 : i32
      %parallel_loop3A_674 = arith.index_cast %parallel_loop3A_673 : i32 to index
      %parallel_loop3A_675 = arith.constant 48 : index
      %parallel_loop3A_676 = tpu.vector_load %arg14[%parallel_loop3A_674, %parallel_loop3A_675] {strides = array<i32>} : memref<384x128xf32, #tpu.memory_space<vmem>>, vector<1x16xf32>,
      %parallel_loop3A_677 = vector.shape_cast %parallel_loop3A_676 : vector<1x16xf32> to vector<16xf32>
      %parallel_loop3A_678 = vector.extract_strided_slice %parallel_loop3A_239 {offsets = [3], sizes = [1], strides = [1]} : vector<16xf32> to vector<1xf32>
      %parallel_loop3A_679 = vector.extract %parallel_loop3A_678[0] : f32 from vector<1xf32>
      %parallel_loop3A_680 = vector.broadcast %parallel_loop3A_679 : f32 to vector<16xf32>
      %parallel_loop3A_681 = arith.mulf %parallel_loop3A_677, %parallel_loop3A_680 : vector<16xf32>
      %parallel_loop3A_682 = arith.maximumf %parallel_loop3A_671, %parallel_loop3A_681 : vector<16xf32>
      %parallel_loop3A_683 = arith.constant 4 : i32
      %parallel_loop3A_684 = arith.addi %parallel_loop3A_234, %parallel_loop3A_683 : i32
      %parallel_loop3A_685 = arith.index_cast %parallel_loop3A_684 : i32 to index
      %parallel_loop3A_686 = arith.constant 48 : index
      %parallel_loop3A_687 = tpu.vector_load %arg14[%parallel_loop3A_685, %parallel_loop3A_686] {strides = array<i32>} : memref<384x128xf32, #tpu.memory_space<vmem>>, vector<1x16xf32>,
      %parallel_loop3A_688 = vector.shape_cast %parallel_loop3A_687 : vector<1x16xf32> to vector<16xf32>
      %parallel_loop3A_689 = vector.extract_strided_slice %parallel_loop3A_239 {offsets = [4], sizes = [1], strides = [1]} : vector<16xf32> to vector<1xf32>
      %parallel_loop3A_690 = vector.extract %parallel_loop3A_689[0] : f32 from vector<1xf32>
      %parallel_loop3A_691 = vector.broadcast %parallel_loop3A_690 : f32 to vector<16xf32>
      %parallel_loop3A_692 = arith.mulf %parallel_loop3A_688, %parallel_loop3A_691 : vector<16xf32>
      %parallel_loop3A_693 = arith.maximumf %parallel_loop3A_682, %parallel_loop3A_692 : vector<16xf32>
      %parallel_loop3A_694 = arith.constant 5 : i32
      %parallel_loop3A_695 = arith.addi %parallel_loop3A_234, %parallel_loop3A_694 : i32
      %parallel_loop3A_696 = arith.index_cast %parallel_loop3A_695 : i32 to index
      %parallel_loop3A_697 = arith.constant 48 : index
      %parallel_loop3A_698 = tpu.vector_load %arg14[%parallel_loop3A_696, %parallel_loop3A_697] {strides = array<i32>} : memref<384x128xf32, #tpu.memory_space<vmem>>, vector<1x16xf32>,
      %parallel_loop3A_699 = vector.shape_cast %parallel_loop3A_698 : vector<1x16xf32> to vector<16xf32>
      %parallel_loop3A_700 = vector.extract_strided_slice %parallel_loop3A_239 {offsets = [5], sizes = [1], strides = [1]} : vector<16xf32> to vector<1xf32>
      %parallel_loop3A_701 = vector.extract %parallel_loop3A_700[0] : f32 from vector<1xf32>
      %parallel_loop3A_702 = vector.broadcast %parallel_loop3A_701 : f32 to vector<16xf32>
      %parallel_loop3A_703 = arith.mulf %parallel_loop3A_699, %parallel_loop3A_702 : vector<16xf32>
      %parallel_loop3A_704 = arith.maximumf %parallel_loop3A_693, %parallel_loop3A_703 : vector<16xf32>
      %parallel_loop3A_705 = arith.constant 6 : i32
      %parallel_loop3A_706 = arith.addi %parallel_loop3A_234, %parallel_loop3A_705 : i32
      %parallel_loop3A_707 = arith.index_cast %parallel_loop3A_706 : i32 to index
      %parallel_loop3A_708 = arith.constant 48 : index
      %parallel_loop3A_709 = tpu.vector_load %arg14[%parallel_loop3A_707, %parallel_loop3A_708] {strides = array<i32>} : memref<384x128xf32, #tpu.memory_space<vmem>>, vector<1x16xf32>,
      %parallel_loop3A_710 = vector.shape_cast %parallel_loop3A_709 : vector<1x16xf32> to vector<16xf32>
      %parallel_loop3A_711 = vector.extract_strided_slice %parallel_loop3A_239 {offsets = [6], sizes = [1], strides = [1]} : vector<16xf32> to vector<1xf32>
      %parallel_loop3A_712 = vector.extract %parallel_loop3A_711[0] : f32 from vector<1xf32>
      %parallel_loop3A_713 = vector.broadcast %parallel_loop3A_712 : f32 to vector<16xf32>
      %parallel_loop3A_714 = arith.mulf %parallel_loop3A_710, %parallel_loop3A_713 : vector<16xf32>
      %parallel_loop3A_715 = arith.maximumf %parallel_loop3A_704, %parallel_loop3A_714 : vector<16xf32>
      %parallel_loop3A_716 = arith.constant 7 : i32
      %parallel_loop3A_717 = arith.addi %parallel_loop3A_234, %parallel_loop3A_716 : i32
      %parallel_loop3A_718 = arith.index_cast %parallel_loop3A_717 : i32 to index
      %parallel_loop3A_719 = arith.constant 48 : index
      %parallel_loop3A_720 = tpu.vector_load %arg14[%parallel_loop3A_718, %parallel_loop3A_719] {strides = array<i32>} : memref<384x128xf32, #tpu.memory_space<vmem>>, vector<1x16xf32>,
      %parallel_loop3A_721 = vector.shape_cast %parallel_loop3A_720 : vector<1x16xf32> to vector<16xf32>
      %parallel_loop3A_722 = vector.extract_strided_slice %parallel_loop3A_239 {offsets = [7], sizes = [1], strides = [1]} : vector<16xf32> to vector<1xf32>
      %parallel_loop3A_723 = vector.extract %parallel_loop3A_722[0] : f32 from vector<1xf32>
      %parallel_loop3A_724 = vector.broadcast %parallel_loop3A_723 : f32 to vector<16xf32>
      %parallel_loop3A_725 = arith.mulf %parallel_loop3A_721, %parallel_loop3A_724 : vector<16xf32>
      %parallel_loop3A_726 = arith.maximumf %parallel_loop3A_715, %parallel_loop3A_725 : vector<16xf32>
      %parallel_loop3A_727 = arith.constant 8 : i32
      %parallel_loop3A_728 = arith.addi %parallel_loop3A_234, %parallel_loop3A_727 : i32
      %parallel_loop3A_729 = arith.index_cast %parallel_loop3A_728 : i32 to index
      %parallel_loop3A_730 = arith.constant 48 : index
      %parallel_loop3A_731 = tpu.vector_load %arg14[%parallel_loop3A_729, %parallel_loop3A_730] {strides = array<i32>} : memref<384x128xf32, #tpu.memory_space<vmem>>, vector<1x16xf32>,
      %parallel_loop3A_732 = vector.shape_cast %parallel_loop3A_731 : vector<1x16xf32> to vector<16xf32>
      %parallel_loop3A_733 = vector.extract_strided_slice %parallel_loop3A_239 {offsets = [8], sizes = [1], strides = [1]} : vector<16xf32> to vector<1xf32>
      %parallel_loop3A_734 = vector.extract %parallel_loop3A_733[0] : f32 from vector<1xf32>
      %parallel_loop3A_735 = vector.broadcast %parallel_loop3A_734 : f32 to vector<16xf32>
      %parallel_loop3A_736 = arith.mulf %parallel_loop3A_732, %parallel_loop3A_735 : vector<16xf32>
      %parallel_loop3A_737 = arith.maximumf %parallel_loop3A_726, %parallel_loop3A_736 : vector<16xf32>
      %parallel_loop3A_738 = arith.constant 9 : i32
      %parallel_loop3A_739 = arith.addi %parallel_loop3A_234, %parallel_loop3A_738 : i32
      %parallel_loop3A_740 = arith.index_cast %parallel_loop3A_739 : i32 to index
      %parallel_loop3A_741 = arith.constant 48 : index
      %parallel_loop3A_742 = tpu.vector_load %arg14[%parallel_loop3A_740, %parallel_loop3A_741] {strides = array<i32>} : memref<384x128xf32, #tpu.memory_space<vmem>>, vector<1x16xf32>,
      %parallel_loop3A_743 = vector.shape_cast %parallel_loop3A_742 : vector<1x16xf32> to vector<16xf32>
      %parallel_loop3A_744 = vector.extract_strided_slice %parallel_loop3A_239 {offsets = [9], sizes = [1], strides = [1]} : vector<16xf32> to vector<1xf32>
      %parallel_loop3A_745 = vector.extract %parallel_loop3A_744[0] : f32 from vector<1xf32>
      %parallel_loop3A_746 = vector.broadcast %parallel_loop3A_745 : f32 to vector<16xf32>
      %parallel_loop3A_747 = arith.mulf %parallel_loop3A_743, %parallel_loop3A_746 : vector<16xf32>
      %parallel_loop3A_748 = arith.maximumf %parallel_loop3A_737, %parallel_loop3A_747 : vector<16xf32>
      %parallel_loop3A_749 = arith.constant 10 : i32
      %parallel_loop3A_750 = arith.addi %parallel_loop3A_234, %parallel_loop3A_749 : i32
      %parallel_loop3A_751 = arith.index_cast %parallel_loop3A_750 : i32 to index
      %parallel_loop3A_752 = arith.constant 48 : index
      %parallel_loop3A_753 = tpu.vector_load %arg14[%parallel_loop3A_751, %parallel_loop3A_752] {strides = array<i32>} : memref<384x128xf32, #tpu.memory_space<vmem>>, vector<1x16xf32>,
      %parallel_loop3A_754 = vector.shape_cast %parallel_loop3A_753 : vector<1x16xf32> to vector<16xf32>
      %parallel_loop3A_755 = vector.extract_strided_slice %parallel_loop3A_239 {offsets = [10], sizes = [1], strides = [1]} : vector<16xf32> to vector<1xf32>
      %parallel_loop3A_756 = vector.extract %parallel_loop3A_755[0] : f32 from vector<1xf32>
      %parallel_loop3A_757 = vector.broadcast %parallel_loop3A_756 : f32 to vector<16xf32>
      %parallel_loop3A_758 = arith.mulf %parallel_loop3A_754, %parallel_loop3A_757 : vector<16xf32>
      %parallel_loop3A_759 = arith.maximumf %parallel_loop3A_748, %parallel_loop3A_758 : vector<16xf32>
      %parallel_loop3A_760 = arith.constant 11 : i32
      %parallel_loop3A_761 = arith.addi %parallel_loop3A_234, %parallel_loop3A_760 : i32
      %parallel_loop3A_762 = arith.index_cast %parallel_loop3A_761 : i32 to index
      %parallel_loop3A_763 = arith.constant 48 : index
      %parallel_loop3A_764 = tpu.vector_load %arg14[%parallel_loop3A_762, %parallel_loop3A_763] {strides = array<i32>} : memref<384x128xf32, #tpu.memory_space<vmem>>, vector<1x16xf32>,
      %parallel_loop3A_765 = vector.shape_cast %parallel_loop3A_764 : vector<1x16xf32> to vector<16xf32>
      %parallel_loop3A_766 = vector.extract_strided_slice %parallel_loop3A_239 {offsets = [11], sizes = [1], strides = [1]} : vector<16xf32> to vector<1xf32>
      %parallel_loop3A_767 = vector.extract %parallel_loop3A_766[0] : f32 from vector<1xf32>
      %parallel_loop3A_768 = vector.broadcast %parallel_loop3A_767 : f32 to vector<16xf32>
      %parallel_loop3A_769 = arith.mulf %parallel_loop3A_765, %parallel_loop3A_768 : vector<16xf32>
      %parallel_loop3A_770 = arith.maximumf %parallel_loop3A_759, %parallel_loop3A_769 : vector<16xf32>
      %parallel_loop3A_771 = arith.index_cast %parallel_loop3A_232 : i32 to index
      %parallel_loop3A_772 = arith.constant 48 : index
      %parallel_loop3A_773 = tpu.vector_load %arg17[%parallel_loop3A_771, %parallel_loop3A_772] {strides = array<i32>} : memref<32x128xf32, #tpu.memory_space<vmem>>, vector<1x16xf32>,
      %parallel_loop3A_774 = vector.shape_cast %parallel_loop3A_773 : vector<1x16xf32> to vector<16xf32>
      %parallel_loop3A_775 = vector.shape_cast %parallel_loop3A_770 : vector<16xf32> to vector<1x16xf32>
      tpu.vector_store %arg17[%parallel_loop3A_771, %parallel_loop3A_772], %parallel_loop3A_775 {strides = array<i32>} : memref<32x128xf32, #tpu.memory_space<vmem>>, vector<1x16xf32>,
      %parallel_loop3A_776 = arith.index_cast %parallel_loop3A_234 : i32 to index
      %parallel_loop3A_777 = arith.constant 64 : index
      %parallel_loop3A_778 = tpu.vector_load %arg14[%parallel_loop3A_776, %parallel_loop3A_777] {strides = array<i32>} : memref<384x128xf32, #tpu.memory_space<vmem>>, vector<1x16xf32>,
      %parallel_loop3A_779 = vector.shape_cast %parallel_loop3A_778 : vector<1x16xf32> to vector<16xf32>
      %parallel_loop3A_780 = vector.extract_strided_slice %parallel_loop3A_239 {offsets = [0], sizes = [1], strides = [1]} : vector<16xf32> to vector<1xf32>
      %parallel_loop3A_781 = vector.extract %parallel_loop3A_780[0] : f32 from vector<1xf32>
      %parallel_loop3A_782 = vector.broadcast %parallel_loop3A_781 : f32 to vector<16xf32>
      %parallel_loop3A_783 = arith.mulf %parallel_loop3A_779, %parallel_loop3A_782 : vector<16xf32>
      %parallel_loop3A_784 = arith.constant 1 : i32
      %parallel_loop3A_785 = arith.addi %parallel_loop3A_234, %parallel_loop3A_784 : i32
      %parallel_loop3A_786 = arith.index_cast %parallel_loop3A_785 : i32 to index
      %parallel_loop3A_787 = arith.constant 64 : index
      %parallel_loop3A_788 = tpu.vector_load %arg14[%parallel_loop3A_786, %parallel_loop3A_787] {strides = array<i32>} : memref<384x128xf32, #tpu.memory_space<vmem>>, vector<1x16xf32>,
      %parallel_loop3A_789 = vector.shape_cast %parallel_loop3A_788 : vector<1x16xf32> to vector<16xf32>
      %parallel_loop3A_790 = vector.extract_strided_slice %parallel_loop3A_239 {offsets = [1], sizes = [1], strides = [1]} : vector<16xf32> to vector<1xf32>
      %parallel_loop3A_791 = vector.extract %parallel_loop3A_790[0] : f32 from vector<1xf32>
      %parallel_loop3A_792 = vector.broadcast %parallel_loop3A_791 : f32 to vector<16xf32>
      %parallel_loop3A_793 = arith.mulf %parallel_loop3A_789, %parallel_loop3A_792 : vector<16xf32>
      %parallel_loop3A_794 = arith.maximumf %parallel_loop3A_783, %parallel_loop3A_793 : vector<16xf32>
      %parallel_loop3A_795 = arith.constant 2 : i32
      %parallel_loop3A_796 = arith.addi %parallel_loop3A_234, %parallel_loop3A_795 : i32
      %parallel_loop3A_797 = arith.index_cast %parallel_loop3A_796 : i32 to index
      %parallel_loop3A_798 = arith.constant 64 : index
      %parallel_loop3A_799 = tpu.vector_load %arg14[%parallel_loop3A_797, %parallel_loop3A_798] {strides = array<i32>} : memref<384x128xf32, #tpu.memory_space<vmem>>, vector<1x16xf32>,
      %parallel_loop3A_800 = vector.shape_cast %parallel_loop3A_799 : vector<1x16xf32> to vector<16xf32>
      %parallel_loop3A_801 = vector.extract_strided_slice %parallel_loop3A_239 {offsets = [2], sizes = [1], strides = [1]} : vector<16xf32> to vector<1xf32>
      %parallel_loop3A_802 = vector.extract %parallel_loop3A_801[0] : f32 from vector<1xf32>
      %parallel_loop3A_803 = vector.broadcast %parallel_loop3A_802 : f32 to vector<16xf32>
      %parallel_loop3A_804 = arith.mulf %parallel_loop3A_800, %parallel_loop3A_803 : vector<16xf32>
      %parallel_loop3A_805 = arith.maximumf %parallel_loop3A_794, %parallel_loop3A_804 : vector<16xf32>
      %parallel_loop3A_806 = arith.constant 3 : i32
      %parallel_loop3A_807 = arith.addi %parallel_loop3A_234, %parallel_loop3A_806 : i32
      %parallel_loop3A_808 = arith.index_cast %parallel_loop3A_807 : i32 to index
      %parallel_loop3A_809 = arith.constant 64 : index
      %parallel_loop3A_810 = tpu.vector_load %arg14[%parallel_loop3A_808, %parallel_loop3A_809] {strides = array<i32>} : memref<384x128xf32, #tpu.memory_space<vmem>>, vector<1x16xf32>,
      %parallel_loop3A_811 = vector.shape_cast %parallel_loop3A_810 : vector<1x16xf32> to vector<16xf32>
      %parallel_loop3A_812 = vector.extract_strided_slice %parallel_loop3A_239 {offsets = [3], sizes = [1], strides = [1]} : vector<16xf32> to vector<1xf32>
      %parallel_loop3A_813 = vector.extract %parallel_loop3A_812[0] : f32 from vector<1xf32>
      %parallel_loop3A_814 = vector.broadcast %parallel_loop3A_813 : f32 to vector<16xf32>
      %parallel_loop3A_815 = arith.mulf %parallel_loop3A_811, %parallel_loop3A_814 : vector<16xf32>
      %parallel_loop3A_816 = arith.maximumf %parallel_loop3A_805, %parallel_loop3A_815 : vector<16xf32>
      %parallel_loop3A_817 = arith.constant 4 : i32
      %parallel_loop3A_818 = arith.addi %parallel_loop3A_234, %parallel_loop3A_817 : i32
      %parallel_loop3A_819 = arith.index_cast %parallel_loop3A_818 : i32 to index
      %parallel_loop3A_820 = arith.constant 64 : index
      %parallel_loop3A_821 = tpu.vector_load %arg14[%parallel_loop3A_819, %parallel_loop3A_820] {strides = array<i32>} : memref<384x128xf32, #tpu.memory_space<vmem>>, vector<1x16xf32>,
      %parallel_loop3A_822 = vector.shape_cast %parallel_loop3A_821 : vector<1x16xf32> to vector<16xf32>
      %parallel_loop3A_823 = vector.extract_strided_slice %parallel_loop3A_239 {offsets = [4], sizes = [1], strides = [1]} : vector<16xf32> to vector<1xf32>
      %parallel_loop3A_824 = vector.extract %parallel_loop3A_823[0] : f32 from vector<1xf32>
      %parallel_loop3A_825 = vector.broadcast %parallel_loop3A_824 : f32 to vector<16xf32>
      %parallel_loop3A_826 = arith.mulf %parallel_loop3A_822, %parallel_loop3A_825 : vector<16xf32>
      %parallel_loop3A_827 = arith.maximumf %parallel_loop3A_816, %parallel_loop3A_826 : vector<16xf32>
      %parallel_loop3A_828 = arith.constant 5 : i32
      %parallel_loop3A_829 = arith.addi %parallel_loop3A_234, %parallel_loop3A_828 : i32
      %parallel_loop3A_830 = arith.index_cast %parallel_loop3A_829 : i32 to index
      %parallel_loop3A_831 = arith.constant 64 : index
      %parallel_loop3A_832 = tpu.vector_load %arg14[%parallel_loop3A_830, %parallel_loop3A_831] {strides = array<i32>} : memref<384x128xf32, #tpu.memory_space<vmem>>, vector<1x16xf32>,
      %parallel_loop3A_833 = vector.shape_cast %parallel_loop3A_832 : vector<1x16xf32> to vector<16xf32>
      %parallel_loop3A_834 = vector.extract_strided_slice %parallel_loop3A_239 {offsets = [5], sizes = [1], strides = [1]} : vector<16xf32> to vector<1xf32>
      %parallel_loop3A_835 = vector.extract %parallel_loop3A_834[0] : f32 from vector<1xf32>
      %parallel_loop3A_836 = vector.broadcast %parallel_loop3A_835 : f32 to vector<16xf32>
      %parallel_loop3A_837 = arith.mulf %parallel_loop3A_833, %parallel_loop3A_836 : vector<16xf32>
      %parallel_loop3A_838 = arith.maximumf %parallel_loop3A_827, %parallel_loop3A_837 : vector<16xf32>
      %parallel_loop3A_839 = arith.constant 6 : i32
      %parallel_loop3A_840 = arith.addi %parallel_loop3A_234, %parallel_loop3A_839 : i32
      %parallel_loop3A_841 = arith.index_cast %parallel_loop3A_840 : i32 to index
      %parallel_loop3A_842 = arith.constant 64 : index
      %parallel_loop3A_843 = tpu.vector_load %arg14[%parallel_loop3A_841, %parallel_loop3A_842] {strides = array<i32>} : memref<384x128xf32, #tpu.memory_space<vmem>>, vector<1x16xf32>,
      %parallel_loop3A_844 = vector.shape_cast %parallel_loop3A_843 : vector<1x16xf32> to vector<16xf32>
      %parallel_loop3A_845 = vector.extract_strided_slice %parallel_loop3A_239 {offsets = [6], sizes = [1], strides = [1]} : vector<16xf32> to vector<1xf32>
      %parallel_loop3A_846 = vector.extract %parallel_loop3A_845[0] : f32 from vector<1xf32>
      %parallel_loop3A_847 = vector.broadcast %parallel_loop3A_846 : f32 to vector<16xf32>
      %parallel_loop3A_848 = arith.mulf %parallel_loop3A_844, %parallel_loop3A_847 : vector<16xf32>
      %parallel_loop3A_849 = arith.maximumf %parallel_loop3A_838, %parallel_loop3A_848 : vector<16xf32>
      %parallel_loop3A_850 = arith.constant 7 : i32
      %parallel_loop3A_851 = arith.addi %parallel_loop3A_234, %parallel_loop3A_850 : i32
      %parallel_loop3A_852 = arith.index_cast %parallel_loop3A_851 : i32 to index
      %parallel_loop3A_853 = arith.constant 64 : index
      %parallel_loop3A_854 = tpu.vector_load %arg14[%parallel_loop3A_852, %parallel_loop3A_853] {strides = array<i32>} : memref<384x128xf32, #tpu.memory_space<vmem>>, vector<1x16xf32>,
      %parallel_loop3A_855 = vector.shape_cast %parallel_loop3A_854 : vector<1x16xf32> to vector<16xf32>
      %parallel_loop3A_856 = vector.extract_strided_slice %parallel_loop3A_239 {offsets = [7], sizes = [1], strides = [1]} : vector<16xf32> to vector<1xf32>
      %parallel_loop3A_857 = vector.extract %parallel_loop3A_856[0] : f32 from vector<1xf32>
      %parallel_loop3A_858 = vector.broadcast %parallel_loop3A_857 : f32 to vector<16xf32>
      %parallel_loop3A_859 = arith.mulf %parallel_loop3A_855, %parallel_loop3A_858 : vector<16xf32>
      %parallel_loop3A_860 = arith.maximumf %parallel_loop3A_849, %parallel_loop3A_859 : vector<16xf32>
      %parallel_loop3A_861 = arith.constant 8 : i32
      %parallel_loop3A_862 = arith.addi %parallel_loop3A_234, %parallel_loop3A_861 : i32
      %parallel_loop3A_863 = arith.index_cast %parallel_loop3A_862 : i32 to index
      %parallel_loop3A_864 = arith.constant 64 : index
      %parallel_loop3A_865 = tpu.vector_load %arg14[%parallel_loop3A_863, %parallel_loop3A_864] {strides = array<i32>} : memref<384x128xf32, #tpu.memory_space<vmem>>, vector<1x16xf32>,
      %parallel_loop3A_866 = vector.shape_cast %parallel_loop3A_865 : vector<1x16xf32> to vector<16xf32>
      %parallel_loop3A_867 = vector.extract_strided_slice %parallel_loop3A_239 {offsets = [8], sizes = [1], strides = [1]} : vector<16xf32> to vector<1xf32>
      %parallel_loop3A_868 = vector.extract %parallel_loop3A_867[0] : f32 from vector<1xf32>
      %parallel_loop3A_869 = vector.broadcast %parallel_loop3A_868 : f32 to vector<16xf32>
      %parallel_loop3A_870 = arith.mulf %parallel_loop3A_866, %parallel_loop3A_869 : vector<16xf32>
      %parallel_loop3A_871 = arith.maximumf %parallel_loop3A_860, %parallel_loop3A_870 : vector<16xf32>
      %parallel_loop3A_872 = arith.constant 9 : i32
      %parallel_loop3A_873 = arith.addi %parallel_loop3A_234, %parallel_loop3A_872 : i32
      %parallel_loop3A_874 = arith.index_cast %parallel_loop3A_873 : i32 to index
      %parallel_loop3A_875 = arith.constant 64 : index
      %parallel_loop3A_876 = tpu.vector_load %arg14[%parallel_loop3A_874, %parallel_loop3A_875] {strides = array<i32>} : memref<384x128xf32, #tpu.memory_space<vmem>>, vector<1x16xf32>,
      %parallel_loop3A_877 = vector.shape_cast %parallel_loop3A_876 : vector<1x16xf32> to vector<16xf32>
      %parallel_loop3A_878 = vector.extract_strided_slice %parallel_loop3A_239 {offsets = [9], sizes = [1], strides = [1]} : vector<16xf32> to vector<1xf32>
      %parallel_loop3A_879 = vector.extract %parallel_loop3A_878[0] : f32 from vector<1xf32>
      %parallel_loop3A_880 = vector.broadcast %parallel_loop3A_879 : f32 to vector<16xf32>
      %parallel_loop3A_881 = arith.mulf %parallel_loop3A_877, %parallel_loop3A_880 : vector<16xf32>
      %parallel_loop3A_882 = arith.maximumf %parallel_loop3A_871, %parallel_loop3A_881 : vector<16xf32>
      %parallel_loop3A_883 = arith.constant 10 : i32
      %parallel_loop3A_884 = arith.addi %parallel_loop3A_234, %parallel_loop3A_883 : i32
      %parallel_loop3A_885 = arith.index_cast %parallel_loop3A_884 : i32 to index
      %parallel_loop3A_886 = arith.constant 64 : index
      %parallel_loop3A_887 = tpu.vector_load %arg14[%parallel_loop3A_885, %parallel_loop3A_886] {strides = array<i32>} : memref<384x128xf32, #tpu.memory_space<vmem>>, vector<1x16xf32>,
      %parallel_loop3A_888 = vector.shape_cast %parallel_loop3A_887 : vector<1x16xf32> to vector<16xf32>
      %parallel_loop3A_889 = vector.extract_strided_slice %parallel_loop3A_239 {offsets = [10], sizes = [1], strides = [1]} : vector<16xf32> to vector<1xf32>
      %parallel_loop3A_890 = vector.extract %parallel_loop3A_889[0] : f32 from vector<1xf32>
      %parallel_loop3A_891 = vector.broadcast %parallel_loop3A_890 : f32 to vector<16xf32>
      %parallel_loop3A_892 = arith.mulf %parallel_loop3A_888, %parallel_loop3A_891 : vector<16xf32>
      %parallel_loop3A_893 = arith.maximumf %parallel_loop3A_882, %parallel_loop3A_892 : vector<16xf32>
      %parallel_loop3A_894 = arith.constant 11 : i32
      %parallel_loop3A_895 = arith.addi %parallel_loop3A_234, %parallel_loop3A_894 : i32
      %parallel_loop3A_896 = arith.index_cast %parallel_loop3A_895 : i32 to index
      %parallel_loop3A_897 = arith.constant 64 : index
      %parallel_loop3A_898 = tpu.vector_load %arg14[%parallel_loop3A_896, %parallel_loop3A_897] {strides = array<i32>} : memref<384x128xf32, #tpu.memory_space<vmem>>, vector<1x16xf32>,
      %parallel_loop3A_899 = vector.shape_cast %parallel_loop3A_898 : vector<1x16xf32> to vector<16xf32>
      %parallel_loop3A_900 = vector.extract_strided_slice %parallel_loop3A_239 {offsets = [11], sizes = [1], strides = [1]} : vector<16xf32> to vector<1xf32>
      %parallel_loop3A_901 = vector.extract %parallel_loop3A_900[0] : f32 from vector<1xf32>
      %parallel_loop3A_902 = vector.broadcast %parallel_loop3A_901 : f32 to vector<16xf32>
      %parallel_loop3A_903 = arith.mulf %parallel_loop3A_899, %parallel_loop3A_902 : vector<16xf32>
      %parallel_loop3A_904 = arith.maximumf %parallel_loop3A_893, %parallel_loop3A_903 : vector<16xf32>
      %parallel_loop3A_905 = arith.index_cast %parallel_loop3A_232 : i32 to index
      %parallel_loop3A_906 = arith.constant 64 : index
      %parallel_loop3A_907 = tpu.vector_load %arg17[%parallel_loop3A_905, %parallel_loop3A_906] {strides = array<i32>} : memref<32x128xf32, #tpu.memory_space<vmem>>, vector<1x16xf32>,
      %parallel_loop3A_908 = vector.shape_cast %parallel_loop3A_907 : vector<1x16xf32> to vector<16xf32>
      %parallel_loop3A_909 = vector.shape_cast %parallel_loop3A_904 : vector<16xf32> to vector<1x16xf32>
      tpu.vector_store %arg17[%parallel_loop3A_905, %parallel_loop3A_906], %parallel_loop3A_909 {strides = array<i32>} : memref<32x128xf32, #tpu.memory_space<vmem>>, vector<1x16xf32>,
      %parallel_loop3A_910 = arith.index_cast %parallel_loop3A_234 : i32 to index
      %parallel_loop3A_911 = arith.constant 80 : index
      %parallel_loop3A_912 = tpu.vector_load %arg14[%parallel_loop3A_910, %parallel_loop3A_911] {strides = array<i32>} : memref<384x128xf32, #tpu.memory_space<vmem>>, vector<1x16xf32>,
      %parallel_loop3A_913 = vector.shape_cast %parallel_loop3A_912 : vector<1x16xf32> to vector<16xf32>
      %parallel_loop3A_914 = vector.extract_strided_slice %parallel_loop3A_239 {offsets = [0], sizes = [1], strides = [1]} : vector<16xf32> to vector<1xf32>
      %parallel_loop3A_915 = vector.extract %parallel_loop3A_914[0] : f32 from vector<1xf32>
      %parallel_loop3A_916 = vector.broadcast %parallel_loop3A_915 : f32 to vector<16xf32>
      %parallel_loop3A_917 = arith.mulf %parallel_loop3A_913, %parallel_loop3A_916 : vector<16xf32>
      %parallel_loop3A_918 = arith.constant 1 : i32
      %parallel_loop3A_919 = arith.addi %parallel_loop3A_234, %parallel_loop3A_918 : i32
      %parallel_loop3A_920 = arith.index_cast %parallel_loop3A_919 : i32 to index
      %parallel_loop3A_921 = arith.constant 80 : index
      %parallel_loop3A_922 = tpu.vector_load %arg14[%parallel_loop3A_920, %parallel_loop3A_921] {strides = array<i32>} : memref<384x128xf32, #tpu.memory_space<vmem>>, vector<1x16xf32>,
      %parallel_loop3A_923 = vector.shape_cast %parallel_loop3A_922 : vector<1x16xf32> to vector<16xf32>
      %parallel_loop3A_924 = vector.extract_strided_slice %parallel_loop3A_239 {offsets = [1], sizes = [1], strides = [1]} : vector<16xf32> to vector<1xf32>
      %parallel_loop3A_925 = vector.extract %parallel_loop3A_924[0] : f32 from vector<1xf32>
      %parallel_loop3A_926 = vector.broadcast %parallel_loop3A_925 : f32 to vector<16xf32>
      %parallel_loop3A_927 = arith.mulf %parallel_loop3A_923, %parallel_loop3A_926 : vector<16xf32>
      %parallel_loop3A_928 = arith.maximumf %parallel_loop3A_917, %parallel_loop3A_927 : vector<16xf32>
      %parallel_loop3A_929 = arith.constant 2 : i32
      %parallel_loop3A_930 = arith.addi %parallel_loop3A_234, %parallel_loop3A_929 : i32
      %parallel_loop3A_931 = arith.index_cast %parallel_loop3A_930 : i32 to index
      %parallel_loop3A_932 = arith.constant 80 : index
      %parallel_loop3A_933 = tpu.vector_load %arg14[%parallel_loop3A_931, %parallel_loop3A_932] {strides = array<i32>} : memref<384x128xf32, #tpu.memory_space<vmem>>, vector<1x16xf32>,
      %parallel_loop3A_934 = vector.shape_cast %parallel_loop3A_933 : vector<1x16xf32> to vector<16xf32>
      %parallel_loop3A_935 = vector.extract_strided_slice %parallel_loop3A_239 {offsets = [2], sizes = [1], strides = [1]} : vector<16xf32> to vector<1xf32>
      %parallel_loop3A_936 = vector.extract %parallel_loop3A_935[0] : f32 from vector<1xf32>
      %parallel_loop3A_937 = vector.broadcast %parallel_loop3A_936 : f32 to vector<16xf32>
      %parallel_loop3A_938 = arith.mulf %parallel_loop3A_934, %parallel_loop3A_937 : vector<16xf32>
      %parallel_loop3A_939 = arith.maximumf %parallel_loop3A_928, %parallel_loop3A_938 : vector<16xf32>
      %parallel_loop3A_940 = arith.constant 3 : i32
      %parallel_loop3A_941 = arith.addi %parallel_loop3A_234, %parallel_loop3A_940 : i32
      %parallel_loop3A_942 = arith.index_cast %parallel_loop3A_941 : i32 to index
      %parallel_loop3A_943 = arith.constant 80 : index
      %parallel_loop3A_944 = tpu.vector_load %arg14[%parallel_loop3A_942, %parallel_loop3A_943] {strides = array<i32>} : memref<384x128xf32, #tpu.memory_space<vmem>>, vector<1x16xf32>,
      %parallel_loop3A_945 = vector.shape_cast %parallel_loop3A_944 : vector<1x16xf32> to vector<16xf32>
      %parallel_loop3A_946 = vector.extract_strided_slice %parallel_loop3A_239 {offsets = [3], sizes = [1], strides = [1]} : vector<16xf32> to vector<1xf32>
      %parallel_loop3A_947 = vector.extract %parallel_loop3A_946[0] : f32 from vector<1xf32>
      %parallel_loop3A_948 = vector.broadcast %parallel_loop3A_947 : f32 to vector<16xf32>
      %parallel_loop3A_949 = arith.mulf %parallel_loop3A_945, %parallel_loop3A_948 : vector<16xf32>
      %parallel_loop3A_950 = arith.maximumf %parallel_loop3A_939, %parallel_loop3A_949 : vector<16xf32>
      %parallel_loop3A_951 = arith.constant 4 : i32
      %parallel_loop3A_952 = arith.addi %parallel_loop3A_234, %parallel_loop3A_951 : i32
      %parallel_loop3A_953 = arith.index_cast %parallel_loop3A_952 : i32 to index
      %parallel_loop3A_954 = arith.constant 80 : index
      %parallel_loop3A_955 = tpu.vector_load %arg14[%parallel_loop3A_953, %parallel_loop3A_954] {strides = array<i32>} : memref<384x128xf32, #tpu.memory_space<vmem>>, vector<1x16xf32>,
      %parallel_loop3A_956 = vector.shape_cast %parallel_loop3A_955 : vector<1x16xf32> to vector<16xf32>
      %parallel_loop3A_957 = vector.extract_strided_slice %parallel_loop3A_239 {offsets = [4], sizes = [1], strides = [1]} : vector<16xf32> to vector<1xf32>
      %parallel_loop3A_958 = vector.extract %parallel_loop3A_957[0] : f32 from vector<1xf32>
      %parallel_loop3A_959 = vector.broadcast %parallel_loop3A_958 : f32 to vector<16xf32>
      %parallel_loop3A_960 = arith.mulf %parallel_loop3A_956, %parallel_loop3A_959 : vector<16xf32>
      %parallel_loop3A_961 = arith.maximumf %parallel_loop3A_950, %parallel_loop3A_960 : vector<16xf32>
      %parallel_loop3A_962 = arith.constant 5 : i32
      %parallel_loop3A_963 = arith.addi %parallel_loop3A_234, %parallel_loop3A_962 : i32
      %parallel_loop3A_964 = arith.index_cast %parallel_loop3A_963 : i32 to index
      %parallel_loop3A_965 = arith.constant 80 : index
      %parallel_loop3A_966 = tpu.vector_load %arg14[%parallel_loop3A_964, %parallel_loop3A_965] {strides = array<i32>} : memref<384x128xf32, #tpu.memory_space<vmem>>, vector<1x16xf32>,
      %parallel_loop3A_967 = vector.shape_cast %parallel_loop3A_966 : vector<1x16xf32> to vector<16xf32>
      %parallel_loop3A_968 = vector.extract_strided_slice %parallel_loop3A_239 {offsets = [5], sizes = [1], strides = [1]} : vector<16xf32> to vector<1xf32>
      %parallel_loop3A_969 = vector.extract %parallel_loop3A_968[0] : f32 from vector<1xf32>
      %parallel_loop3A_970 = vector.broadcast %parallel_loop3A_969 : f32 to vector<16xf32>
      %parallel_loop3A_971 = arith.mulf %parallel_loop3A_967, %parallel_loop3A_970 : vector<16xf32>
      %parallel_loop3A_972 = arith.maximumf %parallel_loop3A_961, %parallel_loop3A_971 : vector<16xf32>
      %parallel_loop3A_973 = arith.constant 6 : i32
      %parallel_loop3A_974 = arith.addi %parallel_loop3A_234, %parallel_loop3A_973 : i32
      %parallel_loop3A_975 = arith.index_cast %parallel_loop3A_974 : i32 to index
      %parallel_loop3A_976 = arith.constant 80 : index
      %parallel_loop3A_977 = tpu.vector_load %arg14[%parallel_loop3A_975, %parallel_loop3A_976] {strides = array<i32>} : memref<384x128xf32, #tpu.memory_space<vmem>>, vector<1x16xf32>,
      %parallel_loop3A_978 = vector.shape_cast %parallel_loop3A_977 : vector<1x16xf32> to vector<16xf32>
      %parallel_loop3A_979 = vector.extract_strided_slice %parallel_loop3A_239 {offsets = [6], sizes = [1], strides = [1]} : vector<16xf32> to vector<1xf32>
      %parallel_loop3A_980 = vector.extract %parallel_loop3A_979[0] : f32 from vector<1xf32>
      %parallel_loop3A_981 = vector.broadcast %parallel_loop3A_980 : f32 to vector<16xf32>
      %parallel_loop3A_982 = arith.mulf %parallel_loop3A_978, %parallel_loop3A_981 : vector<16xf32>
      %parallel_loop3A_983 = arith.maximumf %parallel_loop3A_972, %parallel_loop3A_982 : vector<16xf32>
      %parallel_loop3A_984 = arith.constant 7 : i32
      %parallel_loop3A_985 = arith.addi %parallel_loop3A_234, %parallel_loop3A_984 : i32
      %parallel_loop3A_986 = arith.index_cast %parallel_loop3A_985 : i32 to index
      %parallel_loop3A_987 = arith.constant 80 : index
      %parallel_loop3A_988 = tpu.vector_load %arg14[%parallel_loop3A_986, %parallel_loop3A_987] {strides = array<i32>} : memref<384x128xf32, #tpu.memory_space<vmem>>, vector<1x16xf32>,
      %parallel_loop3A_989 = vector.shape_cast %parallel_loop3A_988 : vector<1x16xf32> to vector<16xf32>
      %parallel_loop3A_990 = vector.extract_strided_slice %parallel_loop3A_239 {offsets = [7], sizes = [1], strides = [1]} : vector<16xf32> to vector<1xf32>
      %parallel_loop3A_991 = vector.extract %parallel_loop3A_990[0] : f32 from vector<1xf32>
      %parallel_loop3A_992 = vector.broadcast %parallel_loop3A_991 : f32 to vector<16xf32>
      %parallel_loop3A_993 = arith.mulf %parallel_loop3A_989, %parallel_loop3A_992 : vector<16xf32>
      %parallel_loop3A_994 = arith.maximumf %parallel_loop3A_983, %parallel_loop3A_993 : vector<16xf32>
      %parallel_loop3A_995 = arith.constant 8 : i32
      %parallel_loop3A_996 = arith.addi %parallel_loop3A_234, %parallel_loop3A_995 : i32
      %parallel_loop3A_997 = arith.index_cast %parallel_loop3A_996 : i32 to index
      %parallel_loop3A_998 = arith.constant 80 : index
      %parallel_loop3A_999 = tpu.vector_load %arg14[%parallel_loop3A_997, %parallel_loop3A_998] {strides = array<i32>} : memref<384x128xf32, #tpu.memory_space<vmem>>, vector<1x16xf32>,
      %parallel_loop3A_1000 = vector.shape_cast %parallel_loop3A_999 : vector<1x16xf32> to vector<16xf32>
      %parallel_loop3A_1001 = vector.extract_strided_slice %parallel_loop3A_239 {offsets = [8], sizes = [1], strides = [1]} : vector<16xf32> to vector<1xf32>
      %parallel_loop3A_1002 = vector.extract %parallel_loop3A_1001[0] : f32 from vector<1xf32>
      %parallel_loop3A_1003 = vector.broadcast %parallel_loop3A_1002 : f32 to vector<16xf32>
      %parallel_loop3A_1004 = arith.mulf %parallel_loop3A_1000, %parallel_loop3A_1003 : vector<16xf32>
      %parallel_loop3A_1005 = arith.maximumf %parallel_loop3A_994, %parallel_loop3A_1004 : vector<16xf32>
      %parallel_loop3A_1006 = arith.constant 9 : i32
      %parallel_loop3A_1007 = arith.addi %parallel_loop3A_234, %parallel_loop3A_1006 : i32
      %parallel_loop3A_1008 = arith.index_cast %parallel_loop3A_1007 : i32 to index
      %parallel_loop3A_1009 = arith.constant 80 : index
      %parallel_loop3A_1010 = tpu.vector_load %arg14[%parallel_loop3A_1008, %parallel_loop3A_1009] {strides = array<i32>} : memref<384x128xf32, #tpu.memory_space<vmem>>, vector<1x16xf32>,
      %parallel_loop3A_1011 = vector.shape_cast %parallel_loop3A_1010 : vector<1x16xf32> to vector<16xf32>
      %parallel_loop3A_1012 = vector.extract_strided_slice %parallel_loop3A_239 {offsets = [9], sizes = [1], strides = [1]} : vector<16xf32> to vector<1xf32>
      %parallel_loop3A_1013 = vector.extract %parallel_loop3A_1012[0] : f32 from vector<1xf32>
      %parallel_loop3A_1014 = vector.broadcast %parallel_loop3A_1013 : f32 to vector<16xf32>
      %parallel_loop3A_1015 = arith.mulf %parallel_loop3A_1011, %parallel_loop3A_1014 : vector<16xf32>
      %parallel_loop3A_1016 = arith.maximumf %parallel_loop3A_1005, %parallel_loop3A_1015 : vector<16xf32>
      %parallel_loop3A_1017 = arith.constant 10 : i32
      %parallel_loop3A_1018 = arith.addi %parallel_loop3A_234, %parallel_loop3A_1017 : i32
      %parallel_loop3A_1019 = arith.index_cast %parallel_loop3A_1018 : i32 to index
      %parallel_loop3A_1020 = arith.constant 80 : index
      %parallel_loop3A_1021 = tpu.vector_load %arg14[%parallel_loop3A_1019, %parallel_loop3A_1020] {strides = array<i32>} : memref<384x128xf32, #tpu.memory_space<vmem>>, vector<1x16xf32>,
      %parallel_loop3A_1022 = vector.shape_cast %parallel_loop3A_1021 : vector<1x16xf32> to vector<16xf32>
      %parallel_loop3A_1023 = vector.extract_strided_slice %parallel_loop3A_239 {offsets = [10], sizes = [1], strides = [1]} : vector<16xf32> to vector<1xf32>
      %parallel_loop3A_1024 = vector.extract %parallel_loop3A_1023[0] : f32 from vector<1xf32>
      %parallel_loop3A_1025 = vector.broadcast %parallel_loop3A_1024 : f32 to vector<16xf32>
      %parallel_loop3A_1026 = arith.mulf %parallel_loop3A_1022, %parallel_loop3A_1025 : vector<16xf32>
      %parallel_loop3A_1027 = arith.maximumf %parallel_loop3A_1016, %parallel_loop3A_1026 : vector<16xf32>
      %parallel_loop3A_1028 = arith.constant 11 : i32
      %parallel_loop3A_1029 = arith.addi %parallel_loop3A_234, %parallel_loop3A_1028 : i32
      %parallel_loop3A_1030 = arith.index_cast %parallel_loop3A_1029 : i32 to index
      %parallel_loop3A_1031 = arith.constant 80 : index
      %parallel_loop3A_1032 = tpu.vector_load %arg14[%parallel_loop3A_1030, %parallel_loop3A_1031] {strides = array<i32>} : memref<384x128xf32, #tpu.memory_space<vmem>>, vector<1x16xf32>,
      %parallel_loop3A_1033 = vector.shape_cast %parallel_loop3A_1032 : vector<1x16xf32> to vector<16xf32>
      %parallel_loop3A_1034 = vector.extract_strided_slice %parallel_loop3A_239 {offsets = [11], sizes = [1], strides = [1]} : vector<16xf32> to vector<1xf32>
      %parallel_loop3A_1035 = vector.extract %parallel_loop3A_1034[0] : f32 from vector<1xf32>
      %parallel_loop3A_1036 = vector.broadcast %parallel_loop3A_1035 : f32 to vector<16xf32>
      %parallel_loop3A_1037 = arith.mulf %parallel_loop3A_1033, %parallel_loop3A_1036 : vector<16xf32>
      %parallel_loop3A_1038 = arith.maximumf %parallel_loop3A_1027, %parallel_loop3A_1037 : vector<16xf32>
      %parallel_loop3A_1039 = arith.index_cast %parallel_loop3A_232 : i32 to index
      %parallel_loop3A_1040 = arith.constant 80 : index
      %parallel_loop3A_1041 = tpu.vector_load %arg17[%parallel_loop3A_1039, %parallel_loop3A_1040] {strides = array<i32>} : memref<32x128xf32, #tpu.memory_space<vmem>>, vector<1x16xf32>,
      %parallel_loop3A_1042 = vector.shape_cast %parallel_loop3A_1041 : vector<1x16xf32> to vector<16xf32>
      %parallel_loop3A_1043 = vector.shape_cast %parallel_loop3A_1038 : vector<16xf32> to vector<1x16xf32>
      tpu.vector_store %arg17[%parallel_loop3A_1039, %parallel_loop3A_1040], %parallel_loop3A_1043 {strides = array<i32>} : memref<32x128xf32, #tpu.memory_space<vmem>>, vector<1x16xf32>,
      %parallel_loop3A_1044 = arith.index_cast %parallel_loop3A_234 : i32 to index
      %parallel_loop3A_1045 = arith.constant 96 : index
      %parallel_loop3A_1046 = tpu.vector_load %arg14[%parallel_loop3A_1044, %parallel_loop3A_1045] {strides = array<i32>} : memref<384x128xf32, #tpu.memory_space<vmem>>, vector<1x16xf32>,
      %parallel_loop3A_1047 = vector.shape_cast %parallel_loop3A_1046 : vector<1x16xf32> to vector<16xf32>
      %parallel_loop3A_1048 = vector.extract_strided_slice %parallel_loop3A_239 {offsets = [0], sizes = [1], strides = [1]} : vector<16xf32> to vector<1xf32>
      %parallel_loop3A_1049 = vector.extract %parallel_loop3A_1048[0] : f32 from vector<1xf32>
      %parallel_loop3A_1050 = vector.broadcast %parallel_loop3A_1049 : f32 to vector<16xf32>
      %parallel_loop3A_1051 = arith.mulf %parallel_loop3A_1047, %parallel_loop3A_1050 : vector<16xf32>
      %parallel_loop3A_1052 = arith.constant 1 : i32
      %parallel_loop3A_1053 = arith.addi %parallel_loop3A_234, %parallel_loop3A_1052 : i32
      %parallel_loop3A_1054 = arith.index_cast %parallel_loop3A_1053 : i32 to index
      %parallel_loop3A_1055 = arith.constant 96 : index
      %parallel_loop3A_1056 = tpu.vector_load %arg14[%parallel_loop3A_1054, %parallel_loop3A_1055] {strides = array<i32>} : memref<384x128xf32, #tpu.memory_space<vmem>>, vector<1x16xf32>,
      %parallel_loop3A_1057 = vector.shape_cast %parallel_loop3A_1056 : vector<1x16xf32> to vector<16xf32>
      %parallel_loop3A_1058 = vector.extract_strided_slice %parallel_loop3A_239 {offsets = [1], sizes = [1], strides = [1]} : vector<16xf32> to vector<1xf32>
      %parallel_loop3A_1059 = vector.extract %parallel_loop3A_1058[0] : f32 from vector<1xf32>
      %parallel_loop3A_1060 = vector.broadcast %parallel_loop3A_1059 : f32 to vector<16xf32>
      %parallel_loop3A_1061 = arith.mulf %parallel_loop3A_1057, %parallel_loop3A_1060 : vector<16xf32>
      %parallel_loop3A_1062 = arith.maximumf %parallel_loop3A_1051, %parallel_loop3A_1061 : vector<16xf32>
      %parallel_loop3A_1063 = arith.constant 2 : i32
      %parallel_loop3A_1064 = arith.addi %parallel_loop3A_234, %parallel_loop3A_1063 : i32
      %parallel_loop3A_1065 = arith.index_cast %parallel_loop3A_1064 : i32 to index
      %parallel_loop3A_1066 = arith.constant 96 : index
      %parallel_loop3A_1067 = tpu.vector_load %arg14[%parallel_loop3A_1065, %parallel_loop3A_1066] {strides = array<i32>} : memref<384x128xf32, #tpu.memory_space<vmem>>, vector<1x16xf32>,
      %parallel_loop3A_1068 = vector.shape_cast %parallel_loop3A_1067 : vector<1x16xf32> to vector<16xf32>
      %parallel_loop3A_1069 = vector.extract_strided_slice %parallel_loop3A_239 {offsets = [2], sizes = [1], strides = [1]} : vector<16xf32> to vector<1xf32>
      %parallel_loop3A_1070 = vector.extract %parallel_loop3A_1069[0] : f32 from vector<1xf32>
      %parallel_loop3A_1071 = vector.broadcast %parallel_loop3A_1070 : f32 to vector<16xf32>
      %parallel_loop3A_1072 = arith.mulf %parallel_loop3A_1068, %parallel_loop3A_1071 : vector<16xf32>
      %parallel_loop3A_1073 = arith.maximumf %parallel_loop3A_1062, %parallel_loop3A_1072 : vector<16xf32>
      %parallel_loop3A_1074 = arith.constant 3 : i32
      %parallel_loop3A_1075 = arith.addi %parallel_loop3A_234, %parallel_loop3A_1074 : i32
      %parallel_loop3A_1076 = arith.index_cast %parallel_loop3A_1075 : i32 to index
      %parallel_loop3A_1077 = arith.constant 96 : index
      %parallel_loop3A_1078 = tpu.vector_load %arg14[%parallel_loop3A_1076, %parallel_loop3A_1077] {strides = array<i32>} : memref<384x128xf32, #tpu.memory_space<vmem>>, vector<1x16xf32>,
      %parallel_loop3A_1079 = vector.shape_cast %parallel_loop3A_1078 : vector<1x16xf32> to vector<16xf32>
      %parallel_loop3A_1080 = vector.extract_strided_slice %parallel_loop3A_239 {offsets = [3], sizes = [1], strides = [1]} : vector<16xf32> to vector<1xf32>
      %parallel_loop3A_1081 = vector.extract %parallel_loop3A_1080[0] : f32 from vector<1xf32>
      %parallel_loop3A_1082 = vector.broadcast %parallel_loop3A_1081 : f32 to vector<16xf32>
      %parallel_loop3A_1083 = arith.mulf %parallel_loop3A_1079, %parallel_loop3A_1082 : vector<16xf32>
      %parallel_loop3A_1084 = arith.maximumf %parallel_loop3A_1073, %parallel_loop3A_1083 : vector<16xf32>
      %parallel_loop3A_1085 = arith.constant 4 : i32
      %parallel_loop3A_1086 = arith.addi %parallel_loop3A_234, %parallel_loop3A_1085 : i32
      %parallel_loop3A_1087 = arith.index_cast %parallel_loop3A_1086 : i32 to index
      %parallel_loop3A_1088 = arith.constant 96 : index
      %parallel_loop3A_1089 = tpu.vector_load %arg14[%parallel_loop3A_1087, %parallel_loop3A_1088] {strides = array<i32>} : memref<384x128xf32, #tpu.memory_space<vmem>>, vector<1x16xf32>,
      %parallel_loop3A_1090 = vector.shape_cast %parallel_loop3A_1089 : vector<1x16xf32> to vector<16xf32>
      %parallel_loop3A_1091 = vector.extract_strided_slice %parallel_loop3A_239 {offsets = [4], sizes = [1], strides = [1]} : vector<16xf32> to vector<1xf32>
      %parallel_loop3A_1092 = vector.extract %parallel_loop3A_1091[0] : f32 from vector<1xf32>
      %parallel_loop3A_1093 = vector.broadcast %parallel_loop3A_1092 : f32 to vector<16xf32>
      %parallel_loop3A_1094 = arith.mulf %parallel_loop3A_1090, %parallel_loop3A_1093 : vector<16xf32>
      %parallel_loop3A_1095 = arith.maximumf %parallel_loop3A_1084, %parallel_loop3A_1094 : vector<16xf32>
      %parallel_loop3A_1096 = arith.constant 5 : i32
      %parallel_loop3A_1097 = arith.addi %parallel_loop3A_234, %parallel_loop3A_1096 : i32
      %parallel_loop3A_1098 = arith.index_cast %parallel_loop3A_1097 : i32 to index
      %parallel_loop3A_1099 = arith.constant 96 : index
      %parallel_loop3A_1100 = tpu.vector_load %arg14[%parallel_loop3A_1098, %parallel_loop3A_1099] {strides = array<i32>} : memref<384x128xf32, #tpu.memory_space<vmem>>, vector<1x16xf32>,
      %parallel_loop3A_1101 = vector.shape_cast %parallel_loop3A_1100 : vector<1x16xf32> to vector<16xf32>
      %parallel_loop3A_1102 = vector.extract_strided_slice %parallel_loop3A_239 {offsets = [5], sizes = [1], strides = [1]} : vector<16xf32> to vector<1xf32>
      %parallel_loop3A_1103 = vector.extract %parallel_loop3A_1102[0] : f32 from vector<1xf32>
      %parallel_loop3A_1104 = vector.broadcast %parallel_loop3A_1103 : f32 to vector<16xf32>
      %parallel_loop3A_1105 = arith.mulf %parallel_loop3A_1101, %parallel_loop3A_1104 : vector<16xf32>
      %parallel_loop3A_1106 = arith.maximumf %parallel_loop3A_1095, %parallel_loop3A_1105 : vector<16xf32>
      %parallel_loop3A_1107 = arith.constant 6 : i32
      %parallel_loop3A_1108 = arith.addi %parallel_loop3A_234, %parallel_loop3A_1107 : i32
      %parallel_loop3A_1109 = arith.index_cast %parallel_loop3A_1108 : i32 to index
      %parallel_loop3A_1110 = arith.constant 96 : index
      %parallel_loop3A_1111 = tpu.vector_load %arg14[%parallel_loop3A_1109, %parallel_loop3A_1110] {strides = array<i32>} : memref<384x128xf32, #tpu.memory_space<vmem>>, vector<1x16xf32>,
      %parallel_loop3A_1112 = vector.shape_cast %parallel_loop3A_1111 : vector<1x16xf32> to vector<16xf32>
      %parallel_loop3A_1113 = vector.extract_strided_slice %parallel_loop3A_239 {offsets = [6], sizes = [1], strides = [1]} : vector<16xf32> to vector<1xf32>
      %parallel_loop3A_1114 = vector.extract %parallel_loop3A_1113[0] : f32 from vector<1xf32>
      %parallel_loop3A_1115 = vector.broadcast %parallel_loop3A_1114 : f32 to vector<16xf32>
      %parallel_loop3A_1116 = arith.mulf %parallel_loop3A_1112, %parallel_loop3A_1115 : vector<16xf32>
      %parallel_loop3A_1117 = arith.maximumf %parallel_loop3A_1106, %parallel_loop3A_1116 : vector<16xf32>
      %parallel_loop3A_1118 = arith.constant 7 : i32
      %parallel_loop3A_1119 = arith.addi %parallel_loop3A_234, %parallel_loop3A_1118 : i32
      %parallel_loop3A_1120 = arith.index_cast %parallel_loop3A_1119 : i32 to index
      %parallel_loop3A_1121 = arith.constant 96 : index
      %parallel_loop3A_1122 = tpu.vector_load %arg14[%parallel_loop3A_1120, %parallel_loop3A_1121] {strides = array<i32>} : memref<384x128xf32, #tpu.memory_space<vmem>>, vector<1x16xf32>,
      %parallel_loop3A_1123 = vector.shape_cast %parallel_loop3A_1122 : vector<1x16xf32> to vector<16xf32>
      %parallel_loop3A_1124 = vector.extract_strided_slice %parallel_loop3A_239 {offsets = [7], sizes = [1], strides = [1]} : vector<16xf32> to vector<1xf32>
      %parallel_loop3A_1125 = vector.extract %parallel_loop3A_1124[0] : f32 from vector<1xf32>
      %parallel_loop3A_1126 = vector.broadcast %parallel_loop3A_1125 : f32 to vector<16xf32>
      %parallel_loop3A_1127 = arith.mulf %parallel_loop3A_1123, %parallel_loop3A_1126 : vector<16xf32>
      %parallel_loop3A_1128 = arith.maximumf %parallel_loop3A_1117, %parallel_loop3A_1127 : vector<16xf32>
      %parallel_loop3A_1129 = arith.constant 8 : i32
      %parallel_loop3A_1130 = arith.addi %parallel_loop3A_234, %parallel_loop3A_1129 : i32
      %parallel_loop3A_1131 = arith.index_cast %parallel_loop3A_1130 : i32 to index
      %parallel_loop3A_1132 = arith.constant 96 : index
      %parallel_loop3A_1133 = tpu.vector_load %arg14[%parallel_loop3A_1131, %parallel_loop3A_1132] {strides = array<i32>} : memref<384x128xf32, #tpu.memory_space<vmem>>, vector<1x16xf32>,
      %parallel_loop3A_1134 = vector.shape_cast %parallel_loop3A_1133 : vector<1x16xf32> to vector<16xf32>
      %parallel_loop3A_1135 = vector.extract_strided_slice %parallel_loop3A_239 {offsets = [8], sizes = [1], strides = [1]} : vector<16xf32> to vector<1xf32>
      %parallel_loop3A_1136 = vector.extract %parallel_loop3A_1135[0] : f32 from vector<1xf32>
      %parallel_loop3A_1137 = vector.broadcast %parallel_loop3A_1136 : f32 to vector<16xf32>
      %parallel_loop3A_1138 = arith.mulf %parallel_loop3A_1134, %parallel_loop3A_1137 : vector<16xf32>
      %parallel_loop3A_1139 = arith.maximumf %parallel_loop3A_1128, %parallel_loop3A_1138 : vector<16xf32>
      %parallel_loop3A_1140 = arith.constant 9 : i32
      %parallel_loop3A_1141 = arith.addi %parallel_loop3A_234, %parallel_loop3A_1140 : i32
      %parallel_loop3A_1142 = arith.index_cast %parallel_loop3A_1141 : i32 to index
      %parallel_loop3A_1143 = arith.constant 96 : index
      %parallel_loop3A_1144 = tpu.vector_load %arg14[%parallel_loop3A_1142, %parallel_loop3A_1143] {strides = array<i32>} : memref<384x128xf32, #tpu.memory_space<vmem>>, vector<1x16xf32>,
      %parallel_loop3A_1145 = vector.shape_cast %parallel_loop3A_1144 : vector<1x16xf32> to vector<16xf32>
      %parallel_loop3A_1146 = vector.extract_strided_slice %parallel_loop3A_239 {offsets = [9], sizes = [1], strides = [1]} : vector<16xf32> to vector<1xf32>
      %parallel_loop3A_1147 = vector.extract %parallel_loop3A_1146[0] : f32 from vector<1xf32>
      %parallel_loop3A_1148 = vector.broadcast %parallel_loop3A_1147 : f32 to vector<16xf32>
      %parallel_loop3A_1149 = arith.mulf %parallel_loop3A_1145, %parallel_loop3A_1148 : vector<16xf32>
      %parallel_loop3A_1150 = arith.maximumf %parallel_loop3A_1139, %parallel_loop3A_1149 : vector<16xf32>
      %parallel_loop3A_1151 = arith.constant 10 : i32
      %parallel_loop3A_1152 = arith.addi %parallel_loop3A_234, %parallel_loop3A_1151 : i32
      %parallel_loop3A_1153 = arith.index_cast %parallel_loop3A_1152 : i32 to index
      %parallel_loop3A_1154 = arith.constant 96 : index
      %parallel_loop3A_1155 = tpu.vector_load %arg14[%parallel_loop3A_1153, %parallel_loop3A_1154] {strides = array<i32>} : memref<384x128xf32, #tpu.memory_space<vmem>>, vector<1x16xf32>,
      %parallel_loop3A_1156 = vector.shape_cast %parallel_loop3A_1155 : vector<1x16xf32> to vector<16xf32>
      %parallel_loop3A_1157 = vector.extract_strided_slice %parallel_loop3A_239 {offsets = [10], sizes = [1], strides = [1]} : vector<16xf32> to vector<1xf32>
      %parallel_loop3A_1158 = vector.extract %parallel_loop3A_1157[0] : f32 from vector<1xf32>
      %parallel_loop3A_1159 = vector.broadcast %parallel_loop3A_1158 : f32 to vector<16xf32>
      %parallel_loop3A_1160 = arith.mulf %parallel_loop3A_1156, %parallel_loop3A_1159 : vector<16xf32>
      %parallel_loop3A_1161 = arith.maximumf %parallel_loop3A_1150, %parallel_loop3A_1160 : vector<16xf32>
      %parallel_loop3A_1162 = arith.constant 11 : i32
      %parallel_loop3A_1163 = arith.addi %parallel_loop3A_234, %parallel_loop3A_1162 : i32
      %parallel_loop3A_1164 = arith.index_cast %parallel_loop3A_1163 : i32 to index
      %parallel_loop3A_1165 = arith.constant 96 : index
      %parallel_loop3A_1166 = tpu.vector_load %arg14[%parallel_loop3A_1164, %parallel_loop3A_1165] {strides = array<i32>} : memref<384x128xf32, #tpu.memory_space<vmem>>, vector<1x16xf32>,
      %parallel_loop3A_1167 = vector.shape_cast %parallel_loop3A_1166 : vector<1x16xf32> to vector<16xf32>
      %parallel_loop3A_1168 = vector.extract_strided_slice %parallel_loop3A_239 {offsets = [11], sizes = [1], strides = [1]} : vector<16xf32> to vector<1xf32>
      %parallel_loop3A_1169 = vector.extract %parallel_loop3A_1168[0] : f32 from vector<1xf32>
      %parallel_loop3A_1170 = vector.broadcast %parallel_loop3A_1169 : f32 to vector<16xf32>
      %parallel_loop3A_1171 = arith.mulf %parallel_loop3A_1167, %parallel_loop3A_1170 : vector<16xf32>
      %parallel_loop3A_1172 = arith.maximumf %parallel_loop3A_1161, %parallel_loop3A_1171 : vector<16xf32>
      %parallel_loop3A_1173 = arith.index_cast %parallel_loop3A_232 : i32 to index
      %parallel_loop3A_1174 = arith.constant 96 : index
      %parallel_loop3A_1175 = tpu.vector_load %arg17[%parallel_loop3A_1173, %parallel_loop3A_1174] {strides = array<i32>} : memref<32x128xf32, #tpu.memory_space<vmem>>, vector<1x16xf32>,
      %parallel_loop3A_1176 = vector.shape_cast %parallel_loop3A_1175 : vector<1x16xf32> to vector<16xf32>
      %parallel_loop3A_1177 = vector.shape_cast %parallel_loop3A_1172 : vector<16xf32> to vector<1x16xf32>
      tpu.vector_store %arg17[%parallel_loop3A_1173, %parallel_loop3A_1174], %parallel_loop3A_1177 {strides = array<i32>} : memref<32x128xf32, #tpu.memory_space<vmem>>, vector<1x16xf32>,
      %parallel_loop3A_1178 = arith.index_cast %parallel_loop3A_234 : i32 to index
      %parallel_loop3A_1179 = arith.constant 112 : index
      %parallel_loop3A_1180 = tpu.vector_load %arg14[%parallel_loop3A_1178, %parallel_loop3A_1179] {strides = array<i32>} : memref<384x128xf32, #tpu.memory_space<vmem>>, vector<1x16xf32>,
      %parallel_loop3A_1181 = vector.shape_cast %parallel_loop3A_1180 : vector<1x16xf32> to vector<16xf32>
      %parallel_loop3A_1182 = vector.extract_strided_slice %parallel_loop3A_239 {offsets = [0], sizes = [1], strides = [1]} : vector<16xf32> to vector<1xf32>
      %parallel_loop3A_1183 = vector.extract %parallel_loop3A_1182[0] : f32 from vector<1xf32>
      %parallel_loop3A_1184 = vector.broadcast %parallel_loop3A_1183 : f32 to vector<16xf32>
      %parallel_loop3A_1185 = arith.mulf %parallel_loop3A_1181, %parallel_loop3A_1184 : vector<16xf32>
      %parallel_loop3A_1186 = arith.constant 1 : i32
      %parallel_loop3A_1187 = arith.addi %parallel_loop3A_234, %parallel_loop3A_1186 : i32
      %parallel_loop3A_1188 = arith.index_cast %parallel_loop3A_1187 : i32 to index
      %parallel_loop3A_1189 = arith.constant 112 : index
      %parallel_loop3A_1190 = tpu.vector_load %arg14[%parallel_loop3A_1188, %parallel_loop3A_1189] {strides = array<i32>} : memref<384x128xf32, #tpu.memory_space<vmem>>, vector<1x16xf32>,
      %parallel_loop3A_1191 = vector.shape_cast %parallel_loop3A_1190 : vector<1x16xf32> to vector<16xf32>
      %parallel_loop3A_1192 = vector.extract_strided_slice %parallel_loop3A_239 {offsets = [1], sizes = [1], strides = [1]} : vector<16xf32> to vector<1xf32>
      %parallel_loop3A_1193 = vector.extract %parallel_loop3A_1192[0] : f32 from vector<1xf32>
      %parallel_loop3A_1194 = vector.broadcast %parallel_loop3A_1193 : f32 to vector<16xf32>
      %parallel_loop3A_1195 = arith.mulf %parallel_loop3A_1191, %parallel_loop3A_1194 : vector<16xf32>
      %parallel_loop3A_1196 = arith.maximumf %parallel_loop3A_1185, %parallel_loop3A_1195 : vector<16xf32>
      %parallel_loop3A_1197 = arith.constant 2 : i32
      %parallel_loop3A_1198 = arith.addi %parallel_loop3A_234, %parallel_loop3A_1197 : i32
      %parallel_loop3A_1199 = arith.index_cast %parallel_loop3A_1198 : i32 to index
      %parallel_loop3A_1200 = arith.constant 112 : index
      %parallel_loop3A_1201 = tpu.vector_load %arg14[%parallel_loop3A_1199, %parallel_loop3A_1200] {strides = array<i32>} : memref<384x128xf32, #tpu.memory_space<vmem>>, vector<1x16xf32>,
      %parallel_loop3A_1202 = vector.shape_cast %parallel_loop3A_1201 : vector<1x16xf32> to vector<16xf32>
      %parallel_loop3A_1203 = vector.extract_strided_slice %parallel_loop3A_239 {offsets = [2], sizes = [1], strides = [1]} : vector<16xf32> to vector<1xf32>
      %parallel_loop3A_1204 = vector.extract %parallel_loop3A_1203[0] : f32 from vector<1xf32>
      %parallel_loop3A_1205 = vector.broadcast %parallel_loop3A_1204 : f32 to vector<16xf32>
      %parallel_loop3A_1206 = arith.mulf %parallel_loop3A_1202, %parallel_loop3A_1205 : vector<16xf32>
      %parallel_loop3A_1207 = arith.maximumf %parallel_loop3A_1196, %parallel_loop3A_1206 : vector<16xf32>
      %parallel_loop3A_1208 = arith.constant 3 : i32
      %parallel_loop3A_1209 = arith.addi %parallel_loop3A_234, %parallel_loop3A_1208 : i32
      %parallel_loop3A_1210 = arith.index_cast %parallel_loop3A_1209 : i32 to index
      %parallel_loop3A_1211 = arith.constant 112 : index
      %parallel_loop3A_1212 = tpu.vector_load %arg14[%parallel_loop3A_1210, %parallel_loop3A_1211] {strides = array<i32>} : memref<384x128xf32, #tpu.memory_space<vmem>>, vector<1x16xf32>,
      %parallel_loop3A_1213 = vector.shape_cast %parallel_loop3A_1212 : vector<1x16xf32> to vector<16xf32>
      %parallel_loop3A_1214 = vector.extract_strided_slice %parallel_loop3A_239 {offsets = [3], sizes = [1], strides = [1]} : vector<16xf32> to vector<1xf32>
      %parallel_loop3A_1215 = vector.extract %parallel_loop3A_1214[0] : f32 from vector<1xf32>
      %parallel_loop3A_1216 = vector.broadcast %parallel_loop3A_1215 : f32 to vector<16xf32>
      %parallel_loop3A_1217 = arith.mulf %parallel_loop3A_1213, %parallel_loop3A_1216 : vector<16xf32>
      %parallel_loop3A_1218 = arith.maximumf %parallel_loop3A_1207, %parallel_loop3A_1217 : vector<16xf32>
      %parallel_loop3A_1219 = arith.constant 4 : i32
      %parallel_loop3A_1220 = arith.addi %parallel_loop3A_234, %parallel_loop3A_1219 : i32
      %parallel_loop3A_1221 = arith.index_cast %parallel_loop3A_1220 : i32 to index
      %parallel_loop3A_1222 = arith.constant 112 : index
      %parallel_loop3A_1223 = tpu.vector_load %arg14[%parallel_loop3A_1221, %parallel_loop3A_1222] {strides = array<i32>} : memref<384x128xf32, #tpu.memory_space<vmem>>, vector<1x16xf32>,
      %parallel_loop3A_1224 = vector.shape_cast %parallel_loop3A_1223 : vector<1x16xf32> to vector<16xf32>
      %parallel_loop3A_1225 = vector.extract_strided_slice %parallel_loop3A_239 {offsets = [4], sizes = [1], strides = [1]} : vector<16xf32> to vector<1xf32>
      %parallel_loop3A_1226 = vector.extract %parallel_loop3A_1225[0] : f32 from vector<1xf32>
      %parallel_loop3A_1227 = vector.broadcast %parallel_loop3A_1226 : f32 to vector<16xf32>
      %parallel_loop3A_1228 = arith.mulf %parallel_loop3A_1224, %parallel_loop3A_1227 : vector<16xf32>
      %parallel_loop3A_1229 = arith.maximumf %parallel_loop3A_1218, %parallel_loop3A_1228 : vector<16xf32>
      %parallel_loop3A_1230 = arith.constant 5 : i32
      %parallel_loop3A_1231 = arith.addi %parallel_loop3A_234, %parallel_loop3A_1230 : i32
      %parallel_loop3A_1232 = arith.index_cast %parallel_loop3A_1231 : i32 to index
      %parallel_loop3A_1233 = arith.constant 112 : index
      %parallel_loop3A_1234 = tpu.vector_load %arg14[%parallel_loop3A_1232, %parallel_loop3A_1233] {strides = array<i32>} : memref<384x128xf32, #tpu.memory_space<vmem>>, vector<1x16xf32>,
      %parallel_loop3A_1235 = vector.shape_cast %parallel_loop3A_1234 : vector<1x16xf32> to vector<16xf32>
      %parallel_loop3A_1236 = vector.extract_strided_slice %parallel_loop3A_239 {offsets = [5], sizes = [1], strides = [1]} : vector<16xf32> to vector<1xf32>
      %parallel_loop3A_1237 = vector.extract %parallel_loop3A_1236[0] : f32 from vector<1xf32>
      %parallel_loop3A_1238 = vector.broadcast %parallel_loop3A_1237 : f32 to vector<16xf32>
      %parallel_loop3A_1239 = arith.mulf %parallel_loop3A_1235, %parallel_loop3A_1238 : vector<16xf32>
      %parallel_loop3A_1240 = arith.maximumf %parallel_loop3A_1229, %parallel_loop3A_1239 : vector<16xf32>
      %parallel_loop3A_1241 = arith.constant 6 : i32
      %parallel_loop3A_1242 = arith.addi %parallel_loop3A_234, %parallel_loop3A_1241 : i32
      %parallel_loop3A_1243 = arith.index_cast %parallel_loop3A_1242 : i32 to index
      %parallel_loop3A_1244 = arith.constant 112 : index
      %parallel_loop3A_1245 = tpu.vector_load %arg14[%parallel_loop3A_1243, %parallel_loop3A_1244] {strides = array<i32>} : memref<384x128xf32, #tpu.memory_space<vmem>>, vector<1x16xf32>,
      %parallel_loop3A_1246 = vector.shape_cast %parallel_loop3A_1245 : vector<1x16xf32> to vector<16xf32>
      %parallel_loop3A_1247 = vector.extract_strided_slice %parallel_loop3A_239 {offsets = [6], sizes = [1], strides = [1]} : vector<16xf32> to vector<1xf32>
      %parallel_loop3A_1248 = vector.extract %parallel_loop3A_1247[0] : f32 from vector<1xf32>
      %parallel_loop3A_1249 = vector.broadcast %parallel_loop3A_1248 : f32 to vector<16xf32>
      %parallel_loop3A_1250 = arith.mulf %parallel_loop3A_1246, %parallel_loop3A_1249 : vector<16xf32>
      %parallel_loop3A_1251 = arith.maximumf %parallel_loop3A_1240, %parallel_loop3A_1250 : vector<16xf32>
      %parallel_loop3A_1252 = arith.constant 7 : i32
      %parallel_loop3A_1253 = arith.addi %parallel_loop3A_234, %parallel_loop3A_1252 : i32
      %parallel_loop3A_1254 = arith.index_cast %parallel_loop3A_1253 : i32 to index
      %parallel_loop3A_1255 = arith.constant 112 : index
      %parallel_loop3A_1256 = tpu.vector_load %arg14[%parallel_loop3A_1254, %parallel_loop3A_1255] {strides = array<i32>} : memref<384x128xf32, #tpu.memory_space<vmem>>, vector<1x16xf32>,
      %parallel_loop3A_1257 = vector.shape_cast %parallel_loop3A_1256 : vector<1x16xf32> to vector<16xf32>
      %parallel_loop3A_1258 = vector.extract_strided_slice %parallel_loop3A_239 {offsets = [7], sizes = [1], strides = [1]} : vector<16xf32> to vector<1xf32>
      %parallel_loop3A_1259 = vector.extract %parallel_loop3A_1258[0] : f32 from vector<1xf32>
      %parallel_loop3A_1260 = vector.broadcast %parallel_loop3A_1259 : f32 to vector<16xf32>
      %parallel_loop3A_1261 = arith.mulf %parallel_loop3A_1257, %parallel_loop3A_1260 : vector<16xf32>
      %parallel_loop3A_1262 = arith.maximumf %parallel_loop3A_1251, %parallel_loop3A_1261 : vector<16xf32>
      %parallel_loop3A_1263 = arith.constant 8 : i32
      %parallel_loop3A_1264 = arith.addi %parallel_loop3A_234, %parallel_loop3A_1263 : i32
      %parallel_loop3A_1265 = arith.index_cast %parallel_loop3A_1264 : i32 to index
      %parallel_loop3A_1266 = arith.constant 112 : index
      %parallel_loop3A_1267 = tpu.vector_load %arg14[%parallel_loop3A_1265, %parallel_loop3A_1266] {strides = array<i32>} : memref<384x128xf32, #tpu.memory_space<vmem>>, vector<1x16xf32>,
      %parallel_loop3A_1268 = vector.shape_cast %parallel_loop3A_1267 : vector<1x16xf32> to vector<16xf32>
      %parallel_loop3A_1269 = vector.extract_strided_slice %parallel_loop3A_239 {offsets = [8], sizes = [1], strides = [1]} : vector<16xf32> to vector<1xf32>
      %parallel_loop3A_1270 = vector.extract %parallel_loop3A_1269[0] : f32 from vector<1xf32>
      %parallel_loop3A_1271 = vector.broadcast %parallel_loop3A_1270 : f32 to vector<16xf32>
      %parallel_loop3A_1272 = arith.mulf %parallel_loop3A_1268, %parallel_loop3A_1271 : vector<16xf32>
      %parallel_loop3A_1273 = arith.maximumf %parallel_loop3A_1262, %parallel_loop3A_1272 : vector<16xf32>
      %parallel_loop3A_1274 = arith.constant 9 : i32
      %parallel_loop3A_1275 = arith.addi %parallel_loop3A_234, %parallel_loop3A_1274 : i32
      %parallel_loop3A_1276 = arith.index_cast %parallel_loop3A_1275 : i32 to index
      %parallel_loop3A_1277 = arith.constant 112 : index
      %parallel_loop3A_1278 = tpu.vector_load %arg14[%parallel_loop3A_1276, %parallel_loop3A_1277] {strides = array<i32>} : memref<384x128xf32, #tpu.memory_space<vmem>>, vector<1x16xf32>,
      %parallel_loop3A_1279 = vector.shape_cast %parallel_loop3A_1278 : vector<1x16xf32> to vector<16xf32>
      %parallel_loop3A_1280 = vector.extract_strided_slice %parallel_loop3A_239 {offsets = [9], sizes = [1], strides = [1]} : vector<16xf32> to vector<1xf32>
      %parallel_loop3A_1281 = vector.extract %parallel_loop3A_1280[0] : f32 from vector<1xf32>
      %parallel_loop3A_1282 = vector.broadcast %parallel_loop3A_1281 : f32 to vector<16xf32>
      %parallel_loop3A_1283 = arith.mulf %parallel_loop3A_1279, %parallel_loop3A_1282 : vector<16xf32>
      %parallel_loop3A_1284 = arith.maximumf %parallel_loop3A_1273, %parallel_loop3A_1283 : vector<16xf32>
      %parallel_loop3A_1285 = arith.constant 10 : i32
      %parallel_loop3A_1286 = arith.addi %parallel_loop3A_234, %parallel_loop3A_1285 : i32
      %parallel_loop3A_1287 = arith.index_cast %parallel_loop3A_1286 : i32 to index
      %parallel_loop3A_1288 = arith.constant 112 : index
      %parallel_loop3A_1289 = tpu.vector_load %arg14[%parallel_loop3A_1287, %parallel_loop3A_1288] {strides = array<i32>} : memref<384x128xf32, #tpu.memory_space<vmem>>, vector<1x16xf32>,
      %parallel_loop3A_1290 = vector.shape_cast %parallel_loop3A_1289 : vector<1x16xf32> to vector<16xf32>
      %parallel_loop3A_1291 = vector.extract_strided_slice %parallel_loop3A_239 {offsets = [10], sizes = [1], strides = [1]} : vector<16xf32> to vector<1xf32>
      %parallel_loop3A_1292 = vector.extract %parallel_loop3A_1291[0] : f32 from vector<1xf32>
      %parallel_loop3A_1293 = vector.broadcast %parallel_loop3A_1292 : f32 to vector<16xf32>
      %parallel_loop3A_1294 = arith.mulf %parallel_loop3A_1290, %parallel_loop3A_1293 : vector<16xf32>
      %parallel_loop3A_1295 = arith.maximumf %parallel_loop3A_1284, %parallel_loop3A_1294 : vector<16xf32>
      %parallel_loop3A_1296 = arith.constant 11 : i32
      %parallel_loop3A_1297 = arith.addi %parallel_loop3A_234, %parallel_loop3A_1296 : i32
      %parallel_loop3A_1298 = arith.index_cast %parallel_loop3A_1297 : i32 to index
      %parallel_loop3A_1299 = arith.constant 112 : index
      %parallel_loop3A_1300 = tpu.vector_load %arg14[%parallel_loop3A_1298, %parallel_loop3A_1299] {strides = array<i32>} : memref<384x128xf32, #tpu.memory_space<vmem>>, vector<1x16xf32>,
      %parallel_loop3A_1301 = vector.shape_cast %parallel_loop3A_1300 : vector<1x16xf32> to vector<16xf32>
      %parallel_loop3A_1302 = vector.extract_strided_slice %parallel_loop3A_239 {offsets = [11], sizes = [1], strides = [1]} : vector<16xf32> to vector<1xf32>
      %parallel_loop3A_1303 = vector.extract %parallel_loop3A_1302[0] : f32 from vector<1xf32>
      %parallel_loop3A_1304 = vector.broadcast %parallel_loop3A_1303 : f32 to vector<16xf32>
      %parallel_loop3A_1305 = arith.mulf %parallel_loop3A_1301, %parallel_loop3A_1304 : vector<16xf32>
      %parallel_loop3A_1306 = arith.maximumf %parallel_loop3A_1295, %parallel_loop3A_1305 : vector<16xf32>
      %parallel_loop3A_1307 = arith.index_cast %parallel_loop3A_232 : i32 to index
      %parallel_loop3A_1308 = arith.constant 112 : index
      %parallel_loop3A_1309 = tpu.vector_load %arg17[%parallel_loop3A_1307, %parallel_loop3A_1308] {strides = array<i32>} : memref<32x128xf32, #tpu.memory_space<vmem>>, vector<1x16xf32>,
      %parallel_loop3A_1310 = vector.shape_cast %parallel_loop3A_1309 : vector<1x16xf32> to vector<16xf32>
      %parallel_loop3A_1311 = vector.shape_cast %parallel_loop3A_1306 : vector<16xf32> to vector<1x16xf32>
      tpu.vector_store %arg17[%parallel_loop3A_1307, %parallel_loop3A_1308], %parallel_loop3A_1311 {strides = array<i32>} : memref<32x128xf32, #tpu.memory_space<vmem>>, vector<1x16xf32>,
    } {sc.loop_unroll_factor = 2 : i64, sc.parallel_access}
    "tpu.region"() ({
      %run_scoped3A = tpu.sem_alloc : memref<!tpu.dma_semaphore, #tpu.memory_space<semaphore_mem>>
      %dma_start3A_232 = arith.constant 0 : i32
      %dma_start3A_233 = arith.constant 0 : i32
      %dma_start3A_234 = tpu.memref_slice %arg9[%arg0, %dma_start3A_232, %dma_start3A_233] : memref<2x512x128xf32, #tpu.memory_space<hbm>> -> memref<1x512x128xf32, #tpu.memory_space<hbm>>
      %dma_start3A_235 = tpu.memref_squeeze %dma_start3A_234 : memref<1x512x128xf32, #tpu.memory_space<hbm>> -> memref<512x128xf32, #tpu.memory_space<hbm>>
      %dma_start3A_236 = arith.constant 0 : i32
      %dma_start3A_237 = tpu.memref_slice %dma_start3A_235[%mul3A_0, %dma_start3A_236] : memref<512x128xf32, #tpu.memory_space<hbm>> -> memref<32x128xf32, #tpu.memory_space<hbm>>
      %dma_start3A_238 = arith.constant 0 : i32
      %dma_start3A_239 = arith.constant 0 : i32
      %dma_start3A_240 = tpu.memref_slice %arg9[%arg0, %dma_start3A_238, %dma_start3A_239] : memref<2x512x128xf32, #tpu.memory_space<hbm>> -> memref<1x512x128xf32, #tpu.memory_space<hbm>>
      %dma_start3A_241 = tpu.memref_squeeze %dma_start3A_240 : memref<1x512x128xf32, #tpu.memory_space<hbm>> -> memref<512x128xf32, #tpu.memory_space<hbm>>
      %dma_start3A_242 = arith.constant 0 : i32
      %dma_start3A_243 = tpu.memref_slice %dma_start3A_241[%mul3A_0, %dma_start3A_242] : memref<512x128xf32, #tpu.memory_space<hbm>> -> memref<32x128xf32, #tpu.memory_space<hbm>>
      tpu.enqueue_dma source(%arg17 : memref<32x128xf32, #tpu.memory_space<vmem>>) target(%dma_start3A_243 : memref<32x128xf32, #tpu.memory_space<hbm>>) target_semaphore(%run_scoped3A : memref<!tpu.dma_semaphore, #tpu.memory_space<semaphore_mem>>)
      %dma_wait3A_244 = arith.constant 0 : i32
      %dma_wait3A_245 = arith.constant 0 : i32
      %dma_wait3A_246 = tpu.memref_slice %arg9[%arg0, %dma_wait3A_244, %dma_wait3A_245] : memref<2x512x128xf32, #tpu.memory_space<hbm>> -> memref<1x512x128xf32, #tpu.memory_space<hbm>>
      %dma_wait3A_247 = tpu.memref_squeeze %dma_wait3A_246 : memref<1x512x128xf32, #tpu.memory_space<hbm>> -> memref<512x128xf32, #tpu.memory_space<hbm>>
      %dma_wait3A_248 = arith.constant 0 : i32
      %dma_wait3A_249 = tpu.memref_slice %dma_wait3A_247[%mul3A_0, %dma_wait3A_248] : memref<512x128xf32, #tpu.memory_space<hbm>> -> memref<32x128xf32, #tpu.memory_space<hbm>>
      %dma_wait3A_250 = arith.constant 0 : i32
      %dma_wait3A_251 = arith.constant 0 : i32
      %dma_wait3A_252 = tpu.memref_slice %arg9[%arg0, %dma_wait3A_250, %dma_wait3A_251] : memref<2x512x128xf32, #tpu.memory_space<hbm>> -> memref<1x512x128xf32, #tpu.memory_space<hbm>>
      %dma_wait3A_253 = tpu.memref_squeeze %dma_wait3A_252 : memref<1x512x128xf32, #tpu.memory_space<hbm>> -> memref<512x128xf32, #tpu.memory_space<hbm>>
      %dma_wait3A_254 = arith.constant 0 : i32
      %dma_wait3A_255 = tpu.memref_slice %dma_wait3A_253[%mul3A_0, %dma_wait3A_254] : memref<512x128xf32, #tpu.memory_space<hbm>> -> memref<32x128xf32, #tpu.memory_space<hbm>>
      tpu.wait_dma2 semaphore(%run_scoped3A : memref<!tpu.dma_semaphore, #tpu.memory_space<semaphore_mem>>) src(%arg17 : memref<32x128xf32, #tpu.memory_space<vmem>>) dst(%dma_wait3A_255 : memref<32x128xf32, #tpu.memory_space<hbm>>)
      tpu.yield
    }) : () -> ()
    %dma_wait3A_220 = arith.constant 0 : i32
    %dma_wait3A_221 = arith.constant 0 : i32
    %dma_wait3A_222 = tpu.memref_slice %arg8[%arg0, %dma_wait3A_220, %dma_wait3A_221] : memref<2x512x128xf32, #tpu.memory_space<hbm>> -> memref<1x512x128xf32, #tpu.memory_space<hbm>>
    %dma_wait3A_223 = tpu.memref_squeeze %dma_wait3A_222 : memref<1x512x128xf32, #tpu.memory_space<hbm>> -> memref<512x128xf32, #tpu.memory_space<hbm>>
    %dma_wait3A_224 = arith.constant 0 : i32
    %dma_wait3A_225 = tpu.memref_slice %dma_wait3A_223[%mul3A_0, %dma_wait3A_224] : memref<512x128xf32, #tpu.memory_space<hbm>> -> memref<32x128xf32, #tpu.memory_space<hbm>>
    %dma_wait3A_226 = arith.constant 0 : i32
    %dma_wait3A_227 = arith.constant 0 : i32
    %dma_wait3A_228 = tpu.memref_slice %arg8[%arg0, %dma_wait3A_226, %dma_wait3A_227] : memref<2x512x128xf32, #tpu.memory_space<hbm>> -> memref<1x512x128xf32, #tpu.memory_space<hbm>>
    %dma_wait3A_229 = tpu.memref_squeeze %dma_wait3A_228 : memref<1x512x128xf32, #tpu.memory_space<hbm>> -> memref<512x128xf32, #tpu.memory_space<hbm>>
    %dma_wait3A_230 = arith.constant 0 : i32
    %dma_wait3A_231 = tpu.memref_slice %dma_wait3A_229[%mul3A_0, %dma_wait3A_230] : memref<512x128xf32, #tpu.memory_space<hbm>> -> memref<32x128xf32, #tpu.memory_space<hbm>>
    tpu.wait_dma2 semaphore(%arg20 : memref<!tpu.dma_semaphore, #tpu.memory_space<semaphore_mem>>) src(%arg16 : memref<32x128xf32, #tpu.memory_space<vmem>>) dst(%dma_wait3A_231 : memref<32x128xf32, #tpu.memory_space<hbm>>)
    return
  }
}

module attributes {stable_mosaic.version = 14 : i64} {
  func.func @_stage_a_body(%arg0: memref<1x32x500xf32, #tpu.memory_space<vmem>>, %arg1: memref<1x500x3xf32, #tpu.memory_space<vmem>>, %arg2: memref<1x32x500xf32, #tpu.memory_space<vmem>>, %arg3: memref<1x500x3xf32, #tpu.memory_space<vmem>>, %arg4: memref<64x32xf32, #tpu.memory_space<vmem>>, %arg5: memref<1x64xf32, #tpu.memory_space<vmem>>, %arg6: memref<128x64xf32, #tpu.memory_space<vmem>>, %arg7: memref<1x128xf32, #tpu.memory_space<vmem>>, %arg8: memref<64x3xf32, #tpu.memory_space<vmem>>, %arg9: memref<1x64xf32, #tpu.memory_space<vmem>>, %arg10: memref<128x64xf32, #tpu.memory_space<vmem>>, %arg11: memref<1x128xf32, #tpu.memory_space<vmem>>, %arg12: memref<2x512x128xf32, #tpu.memory_space<vmem>>, %arg13: memref<2x512x128xf32, #tpu.memory_space<vmem>>, %arg14: memref<512x12xi32, #tpu.memory_space<vmem>>, %arg15: memref<512x16xf32, #tpu.memory_space<vmem>>, %arg16: memref<512x12xi32, #tpu.memory_space<vmem>>, %arg17: memref<512x16xf32, #tpu.memory_space<vmem>>, %arg18: memref<4x512xi32, #tpu.memory_space<vmem>>) attributes {dimension_semantics = [], scalar_prefetch = 0 : i64, scratch_operands = 0 : i64, tpu.core_type = #tpu.core_type<tc>} {
    %broadcast_in_dim3A = arith.constant 0.000000e+00 : f32
    %broadcast_in_dim3A_0 = vector.broadcast %broadcast_in_dim3A : f32 to vector<12x32xf32>
    %broadcast_in_dim3A_1 = arith.constant 0.000000e+00 : f32
    %broadcast_in_dim3A_2 = vector.broadcast %broadcast_in_dim3A_1 : f32 to vector<12x3xf32>
    %get3A = arith.constant 0 : index
    %get3A_3 = arith.constant 0 : index
    %get3A_4 = arith.constant 0 : index
    %get3A_5 = vector.load %arg2[%get3A, %get3A_3, %get3A_4] : memref<1x32x500xf32, #tpu.memory_space<vmem>>, vector<1x32x500xf32>
    %get3A_6 = vector.shape_cast %get3A_5 : vector<1x32x500xf32> to vector<32x500xf32>
    %transpose3A = tpu.transpose %get3A_6, [1, 0] : vector<32x500xf32> -> vector<500x32xf32>
    %concatenate3A = tpu.concatenate %transpose3A, %broadcast_in_dim3A_0 in 0 : vector<500x32xf32>, vector<12x32xf32> -> vector<512x32xf32>
    %get3A_7 = arith.constant 0 : index
    %get3A_8 = arith.constant 0 : index
    %get3A_9 = arith.constant 0 : index
    %get3A_10 = vector.load %arg0[%get3A_7, %get3A_8, %get3A_9] : memref<1x32x500xf32, #tpu.memory_space<vmem>>, vector<1x32x500xf32>
    %get3A_11 = vector.shape_cast %get3A_10 : vector<1x32x500xf32> to vector<32x500xf32>
    %transpose3A_12 = tpu.transpose %get3A_11, [1, 0] : vector<32x500xf32> -> vector<500x32xf32>
    %concatenate3A_13 = tpu.concatenate %transpose3A_12, %broadcast_in_dim3A_0 in 0 : vector<500x32xf32>, vector<12x32xf32> -> vector<512x32xf32>
    %get3A_14 = arith.constant 0 : index
    %get3A_15 = arith.constant 0 : index
    %get3A_16 = arith.constant 0 : index
    %get3A_17 = vector.load %arg3[%get3A_14, %get3A_15, %get3A_16] : memref<1x500x3xf32, #tpu.memory_space<vmem>>, vector<1x500x3xf32>
    %get3A_18 = vector.shape_cast %get3A_17 : vector<1x500x3xf32> to vector<500x3xf32>
    %concatenate3A_19 = tpu.concatenate %get3A_18, %broadcast_in_dim3A_2 in 0 : vector<500x3xf32>, vector<12x3xf32> -> vector<512x3xf32>
    %get3A_20 = arith.constant 0 : index
    %get3A_21 = arith.constant 0 : index
    %get3A_22 = arith.constant 0 : index
    %get3A_23 = vector.load %arg1[%get3A_20, %get3A_21, %get3A_22] : memref<1x500x3xf32, #tpu.memory_space<vmem>>, vector<1x500x3xf32>
    %get3A_24 = vector.shape_cast %get3A_23 : vector<1x500x3xf32> to vector<500x3xf32>
    %concatenate3A_25 = tpu.concatenate %get3A_24, %broadcast_in_dim3A_2 in 0 : vector<500x3xf32>, vector<12x3xf32> -> vector<512x3xf32>
    %transpose3A_26 = tpu.transpose %concatenate3A_19, [1, 0] : vector<512x3xf32> -> vector<3x512xf32>
    %transpose3A_27 = tpu.transpose %concatenate3A_25, [1, 0] : vector<512x3xf32> -> vector<3x512xf32>
    %get3A_28 = arith.constant 0 : index
    %get3A_29 = arith.constant 0 : index
    %get3A_30 = vector.load %arg4[%get3A_28, %get3A_29] : memref<64x32xf32, #tpu.memory_space<vmem>>, vector<64x32xf32>
    %get3A_31 = arith.constant 0 : index
    %get3A_32 = arith.constant 0 : index
    %get3A_33 = vector.load %arg5[%get3A_31, %get3A_32] : memref<1x64xf32, #tpu.memory_space<vmem>>, vector<1x64xf32>
    %get3A_34 = arith.constant 0 : index
    %get3A_35 = arith.constant 0 : index
    %get3A_36 = vector.load %arg6[%get3A_34, %get3A_35] : memref<128x64xf32, #tpu.memory_space<vmem>>, vector<128x64xf32>
    %get3A_37 = arith.constant 0 : index
    %get3A_38 = arith.constant 0 : index
    %get3A_39 = vector.load %arg7[%get3A_37, %get3A_38] : memref<1x128xf32, #tpu.memory_space<vmem>>, vector<1x128xf32>
    %dot_general3A = arith.constant dense<0.000000e+00> : vector<512x64xf32>
    %dot_general3A_40 = tpu.matmul %concatenate3A, %get3A_30, %dot_general3A {dimension_numbers = #tpu.dot_dimension_numbers<[1], [1], [0], [0], [0, 0, 1, 0], [], []>, transpose_lhs_hint = false} : vector<512x32xf32>, vector<64x32xf32>, vector<512x64xf32> -> vector<512x64xf32>
    %add3A = vector.broadcast %get3A_33 : vector<1x64xf32> to vector<512x64xf32>
    %add3A_41 = arith.addf %dot_general3A_40, %add3A : vector<512x64xf32>
    %jit3A = arith.constant 0.00999999977 : f32
    %ge3A = arith.constant 0.000000e+00 : f32
    %ge3A_42 = vector.broadcast %ge3A : f32 to vector<512x64xf32>
    %ge3A_43 = arith.cmpf oge, %add3A_41, %ge3A_42 : vector<512x64xf32>
    %mul3A = vector.broadcast %jit3A : f32 to vector<512x64xf32>
    %mul3A_44 = arith.mulf %mul3A, %add3A_41 : vector<512x64xf32>
    %select_n3A = arith.select %ge3A_43, %add3A_41, %mul3A_44 : vector<512x64xi1>, vector<512x64xf32>
    %dot_general3A_45 = arith.constant dense<0.000000e+00> : vector<512x128xf32>
    %dot_general3A_46 = tpu.matmul %select_n3A, %get3A_36, %dot_general3A_45 {dimension_numbers = #tpu.dot_dimension_numbers<[1], [1], [0], [0], [0, 0, 1, 0], [], []>, transpose_lhs_hint = false} : vector<512x64xf32>, vector<128x64xf32>, vector<512x128xf32> -> vector<512x128xf32>
    %add3A_47 = vector.broadcast %get3A_39 : vector<1x128xf32> to vector<512x128xf32>
    %add3A_48 = arith.addf %dot_general3A_46, %add3A_47 : vector<512x128xf32>
    %swap3A = arith.constant 0 : index
    %swap3A_49 = arith.constant 0 : index
    %swap3A_50 = arith.constant 0 : index
    %swap3A_51 = vector.load %arg13[%swap3A, %swap3A_49, %swap3A_50] : memref<2x512x128xf32, #tpu.memory_space<vmem>>, vector<1x512x128xf32>
    %swap3A_52 = vector.shape_cast %swap3A_51 : vector<1x512x128xf32> to vector<512x128xf32>
    %swap3A_53 = vector.shape_cast %add3A_48 : vector<512x128xf32> to vector<1x512x128xf32>
    tpu.vector_store %arg13[%swap3A, %swap3A_49, %swap3A_50], %swap3A_53 {strides = array<i32>} : memref<2x512x128xf32, #tpu.memory_space<vmem>>, vector<1x512x128xf32>,
    %get3A_54 = arith.constant 0 : index
    %get3A_55 = arith.constant 0 : index
    %get3A_56 = vector.load %arg4[%get3A_54, %get3A_55] : memref<64x32xf32, #tpu.memory_space<vmem>>, vector<64x32xf32>
    %get3A_57 = arith.constant 0 : index
    %get3A_58 = arith.constant 0 : index
    %get3A_59 = vector.load %arg5[%get3A_57, %get3A_58] : memref<1x64xf32, #tpu.memory_space<vmem>>, vector<1x64xf32>
    %get3A_60 = arith.constant 0 : index
    %get3A_61 = arith.constant 0 : index
    %get3A_62 = vector.load %arg6[%get3A_60, %get3A_61] : memref<128x64xf32, #tpu.memory_space<vmem>>, vector<128x64xf32>
    %get3A_63 = arith.constant 0 : index
    %get3A_64 = arith.constant 0 : index
    %get3A_65 = vector.load %arg7[%get3A_63, %get3A_64] : memref<1x128xf32, #tpu.memory_space<vmem>>, vector<1x128xf32>
    %dot_general3A_66 = arith.constant dense<0.000000e+00> : vector<512x64xf32>
    %dot_general3A_67 = tpu.matmul %concatenate3A_13, %get3A_56, %dot_general3A_66 {dimension_numbers = #tpu.dot_dimension_numbers<[1], [1], [0], [0], [0, 0, 1, 0], [], []>, transpose_lhs_hint = false} : vector<512x32xf32>, vector<64x32xf32>, vector<512x64xf32> -> vector<512x64xf32>
    %add3A_68 = vector.broadcast %get3A_59 : vector<1x64xf32> to vector<512x64xf32>
    %add3A_69 = arith.addf %dot_general3A_67, %add3A_68 : vector<512x64xf32>
    %jit3A_70 = arith.constant 0.00999999977 : f32
    %ge3A_71 = arith.constant 0.000000e+00 : f32
    %ge3A_72 = vector.broadcast %ge3A_71 : f32 to vector<512x64xf32>
    %ge3A_73 = arith.cmpf oge, %add3A_69, %ge3A_72 : vector<512x64xf32>
    %mul3A_74 = vector.broadcast %jit3A_70 : f32 to vector<512x64xf32>
    %mul3A_75 = arith.mulf %mul3A_74, %add3A_69 : vector<512x64xf32>
    %select_n3A_76 = arith.select %ge3A_73, %add3A_69, %mul3A_75 : vector<512x64xi1>, vector<512x64xf32>
    %dot_general3A_77 = arith.constant dense<0.000000e+00> : vector<512x128xf32>
    %dot_general3A_78 = tpu.matmul %select_n3A_76, %get3A_62, %dot_general3A_77 {dimension_numbers = #tpu.dot_dimension_numbers<[1], [1], [0], [0], [0, 0, 1, 0], [], []>, transpose_lhs_hint = false} : vector<512x64xf32>, vector<128x64xf32>, vector<512x128xf32> -> vector<512x128xf32>
    %add3A_79 = vector.broadcast %get3A_65 : vector<1x128xf32> to vector<512x128xf32>
    %add3A_80 = arith.addf %dot_general3A_78, %add3A_79 : vector<512x128xf32>
    %swap3A_81 = arith.constant 0 : index
    %swap3A_82 = arith.constant 0 : index
    %swap3A_83 = arith.constant 0 : index
    %swap3A_84 = vector.load %arg12[%swap3A_81, %swap3A_82, %swap3A_83] : memref<2x512x128xf32, #tpu.memory_space<vmem>>, vector<1x512x128xf32>
    %swap3A_85 = vector.shape_cast %swap3A_84 : vector<1x512x128xf32> to vector<512x128xf32>
    %swap3A_86 = vector.shape_cast %add3A_80 : vector<512x128xf32> to vector<1x512x128xf32>
    tpu.vector_store %arg12[%swap3A_81, %swap3A_82, %swap3A_83], %swap3A_86 {strides = array<i32>} : memref<2x512x128xf32, #tpu.memory_space<vmem>>, vector<1x512x128xf32>,
    %get3A_87 = arith.constant 0 : index
    %get3A_88 = arith.constant 0 : index
    %get3A_89 = vector.load %arg8[%get3A_87, %get3A_88] : memref<64x3xf32, #tpu.memory_space<vmem>>, vector<64x3xf32>
    %get3A_90 = arith.constant 0 : index
    %get3A_91 = arith.constant 0 : index
    %get3A_92 = vector.load %arg9[%get3A_90, %get3A_91] : memref<1x64xf32, #tpu.memory_space<vmem>>, vector<1x64xf32>
    %get3A_93 = arith.constant 0 : index
    %get3A_94 = arith.constant 0 : index
    %get3A_95 = vector.load %arg10[%get3A_93, %get3A_94] : memref<128x64xf32, #tpu.memory_space<vmem>>, vector<128x64xf32>
    %get3A_96 = arith.constant 0 : index
    %get3A_97 = arith.constant 0 : index
    %get3A_98 = vector.load %arg11[%get3A_96, %get3A_97] : memref<1x128xf32, #tpu.memory_space<vmem>>, vector<1x128xf32>
    %dot_general3A_99 = arith.constant dense<0.000000e+00> : vector<512x64xf32>
    %dot_general3A_100 = tpu.matmul %concatenate3A_19, %get3A_89, %dot_general3A_99 {dimension_numbers = #tpu.dot_dimension_numbers<[1], [1], [0], [0], [0, 0, 1, 0], [], []>, transpose_lhs_hint = false} : vector<512x3xf32>, vector<64x3xf32>, vector<512x64xf32> -> vector<512x64xf32>
    %add3A_101 = vector.broadcast %get3A_92 : vector<1x64xf32> to vector<512x64xf32>
    %add3A_102 = arith.addf %dot_general3A_100, %add3A_101 : vector<512x64xf32>
    %jit3A_103 = arith.constant 0.00999999977 : f32
    %ge3A_104 = arith.constant 0.000000e+00 : f32
    %ge3A_105 = vector.broadcast %ge3A_104 : f32 to vector<512x64xf32>
    %ge3A_106 = arith.cmpf oge, %add3A_102, %ge3A_105 : vector<512x64xf32>
    %mul3A_107 = vector.broadcast %jit3A_103 : f32 to vector<512x64xf32>
    %mul3A_108 = arith.mulf %mul3A_107, %add3A_102 : vector<512x64xf32>
    %select_n3A_109 = arith.select %ge3A_106, %add3A_102, %mul3A_108 : vector<512x64xi1>, vector<512x64xf32>
    %dot_general3A_110 = arith.constant dense<0.000000e+00> : vector<512x128xf32>
    %dot_general3A_111 = tpu.matmul %select_n3A_109, %get3A_95, %dot_general3A_110 {dimension_numbers = #tpu.dot_dimension_numbers<[1], [1], [0], [0], [0, 0, 1, 0], [], []>, transpose_lhs_hint = false} : vector<512x64xf32>, vector<128x64xf32>, vector<512x128xf32> -> vector<512x128xf32>
    %add3A_112 = vector.broadcast %get3A_98 : vector<1x128xf32> to vector<512x128xf32>
    %add3A_113 = arith.addf %dot_general3A_111, %add3A_112 : vector<512x128xf32>
    %swap3A_114 = arith.constant 1 : index
    %swap3A_115 = arith.constant 0 : index
    %swap3A_116 = arith.constant 0 : index
    %swap3A_117 = vector.load %arg13[%swap3A_114, %swap3A_115, %swap3A_116] : memref<2x512x128xf32, #tpu.memory_space<vmem>>, vector<1x512x128xf32>
    %swap3A_118 = vector.shape_cast %swap3A_117 : vector<1x512x128xf32> to vector<512x128xf32>
    %swap3A_119 = vector.shape_cast %add3A_113 : vector<512x128xf32> to vector<1x512x128xf32>
    tpu.vector_store %arg13[%swap3A_114, %swap3A_115, %swap3A_116], %swap3A_119 {strides = array<i32>} : memref<2x512x128xf32, #tpu.memory_space<vmem>>, vector<1x512x128xf32>,
    %get3A_120 = arith.constant 0 : index
    %get3A_121 = arith.constant 0 : index
    %get3A_122 = vector.load %arg8[%get3A_120, %get3A_121] : memref<64x3xf32, #tpu.memory_space<vmem>>, vector<64x3xf32>
    %get3A_123 = arith.constant 0 : index
    %get3A_124 = arith.constant 0 : index
    %get3A_125 = vector.load %arg9[%get3A_123, %get3A_124] : memref<1x64xf32, #tpu.memory_space<vmem>>, vector<1x64xf32>
    %get3A_126 = arith.constant 0 : index
    %get3A_127 = arith.constant 0 : index
    %get3A_128 = vector.load %arg10[%get3A_126, %get3A_127] : memref<128x64xf32, #tpu.memory_space<vmem>>, vector<128x64xf32>
    %get3A_129 = arith.constant 0 : index
    %get3A_130 = arith.constant 0 : index
    %get3A_131 = vector.load %arg11[%get3A_129, %get3A_130] : memref<1x128xf32, #tpu.memory_space<vmem>>, vector<1x128xf32>
    %dot_general3A_132 = arith.constant dense<0.000000e+00> : vector<512x64xf32>
    %dot_general3A_133 = tpu.matmul %concatenate3A_25, %get3A_122, %dot_general3A_132 {dimension_numbers = #tpu.dot_dimension_numbers<[1], [1], [0], [0], [0, 0, 1, 0], [], []>, transpose_lhs_hint = false} : vector<512x3xf32>, vector<64x3xf32>, vector<512x64xf32> -> vector<512x64xf32>
    %add3A_134 = vector.broadcast %get3A_125 : vector<1x64xf32> to vector<512x64xf32>
    %add3A_135 = arith.addf %dot_general3A_133, %add3A_134 : vector<512x64xf32>
    %jit3A_136 = arith.constant 0.00999999977 : f32
    %ge3A_137 = arith.constant 0.000000e+00 : f32
    %ge3A_138 = vector.broadcast %ge3A_137 : f32 to vector<512x64xf32>
    %ge3A_139 = arith.cmpf oge, %add3A_135, %ge3A_138 : vector<512x64xf32>
    %mul3A_140 = vector.broadcast %jit3A_136 : f32 to vector<512x64xf32>
    %mul3A_141 = arith.mulf %mul3A_140, %add3A_135 : vector<512x64xf32>
    %select_n3A_142 = arith.select %ge3A_139, %add3A_135, %mul3A_141 : vector<512x64xi1>, vector<512x64xf32>
    %dot_general3A_143 = arith.constant dense<0.000000e+00> : vector<512x128xf32>
    %dot_general3A_144 = tpu.matmul %select_n3A_142, %get3A_128, %dot_general3A_143 {dimension_numbers = #tpu.dot_dimension_numbers<[1], [1], [0], [0], [0, 0, 1, 0], [], []>, transpose_lhs_hint = false} : vector<512x64xf32>, vector<128x64xf32>, vector<512x128xf32> -> vector<512x128xf32>
    %add3A_145 = vector.broadcast %get3A_131 : vector<1x128xf32> to vector<512x128xf32>
    %add3A_146 = arith.addf %dot_general3A_144, %add3A_145 : vector<512x128xf32>
    %swap3A_147 = arith.constant 1 : index
    %swap3A_148 = arith.constant 0 : index
    %swap3A_149 = arith.constant 0 : index
    %swap3A_150 = vector.load %arg12[%swap3A_147, %swap3A_148, %swap3A_149] : memref<2x512x128xf32, #tpu.memory_space<vmem>>, vector<1x512x128xf32>
    %swap3A_151 = vector.shape_cast %swap3A_150 : vector<1x512x128xf32> to vector<512x128xf32>
    %swap3A_152 = vector.shape_cast %add3A_146 : vector<512x128xf32> to vector<1x512x128xf32>
    tpu.vector_store %arg12[%swap3A_147, %swap3A_148, %swap3A_149], %swap3A_152 {strides = array<i32>} : memref<2x512x128xf32, #tpu.memory_space<vmem>>, vector<1x512x128xf32>,
    %iota3A = tpu.iota {dimensions = array<i32: 1>} : vector<512x512xi32>
    %iota3A_153 = tpu.iota {dimensions = array<i32: 0>} : vector<512x512xi32>
    %iota3A_154 = tpu.iota {dimensions = array<i32: 0>} : vector<512x1xi32>
    %lt3A = arith.constant 500 : i32
    %lt3A_155 = vector.broadcast %lt3A : i32 to vector<512x1xi32>
    %lt3A_156 = arith.cmpi slt, %iota3A_154, %lt3A_155 : vector<512x1xi32>
    %broadcast_in_dim3A_157 = arith.constant 0.000000e+00 : f32
    %broadcast_in_dim3A_158 = vector.broadcast %broadcast_in_dim3A_157 : f32 to vector<512x512xf32>
    %slice3A = vector.extract_strided_slice %concatenate3A_19 {offsets = [0, 0], sizes = [512, 1], strides = [1, 1]} : vector<512x3xf32> to vector<512x1xf32>
    %slice3A_159 = vector.extract_strided_slice %transpose3A_27 {offsets = [0, 0], sizes = [1, 512], strides = [1, 1]} : vector<3x512xf32> to vector<1x512xf32>
    %sub3A = vector.broadcast %slice3A : vector<512x1xf32> to vector<512x512xf32>
    %sub3A_160 = vector.broadcast %slice3A_159 : vector<1x512xf32> to vector<512x512xf32>
    %sub3A_161 = arith.subf %sub3A, %sub3A_160 : vector<512x512xf32>
    %mul3A_162 = arith.mulf %sub3A_161, %sub3A_161 : vector<512x512xf32>
    %add3A_163 = arith.addf %broadcast_in_dim3A_158, %mul3A_162 : vector<512x512xf32>
    %slice3A_164 = vector.extract_strided_slice %concatenate3A_19 {offsets = [0, 1], sizes = [512, 1], strides = [1, 1]} : vector<512x3xf32> to vector<512x1xf32>
    %slice3A_165 = vector.extract_strided_slice %transpose3A_27 {offsets = [1, 0], sizes = [1, 512], strides = [1, 1]} : vector<3x512xf32> to vector<1x512xf32>
    %sub3A_166 = vector.broadcast %slice3A_164 : vector<512x1xf32> to vector<512x512xf32>
    %sub3A_167 = vector.broadcast %slice3A_165 : vector<1x512xf32> to vector<512x512xf32>
    %sub3A_168 = arith.subf %sub3A_166, %sub3A_167 : vector<512x512xf32>
    %mul3A_169 = arith.mulf %sub3A_168, %sub3A_168 : vector<512x512xf32>
    %add3A_170 = arith.addf %add3A_163, %mul3A_169 : vector<512x512xf32>
    %slice3A_171 = vector.extract_strided_slice %concatenate3A_19 {offsets = [0, 2], sizes = [512, 1], strides = [1, 1]} : vector<512x3xf32> to vector<512x1xf32>
    %slice3A_172 = vector.extract_strided_slice %transpose3A_27 {offsets = [2, 0], sizes = [1, 512], strides = [1, 1]} : vector<3x512xf32> to vector<1x512xf32>
    %sub3A_173 = vector.broadcast %slice3A_171 : vector<512x1xf32> to vector<512x512xf32>
    %sub3A_174 = vector.broadcast %slice3A_172 : vector<1x512xf32> to vector<512x512xf32>
    %sub3A_175 = arith.subf %sub3A_173, %sub3A_174 : vector<512x512xf32>
    %mul3A_176 = arith.mulf %sub3A_175, %sub3A_175 : vector<512x512xf32>
    %add3A_177 = arith.addf %add3A_170, %mul3A_176 : vector<512x512xf32>
    %ge3A_178 = arith.constant 500 : i32
    %ge3A_179 = vector.broadcast %ge3A_178 : i32 to vector<512x512xi32>
    %ge3A_180 = arith.cmpi sge, %iota3A, %ge3A_179 : vector<512x512xi32>
    %jit3A_181 = arith.constant 0x7F800000 : f32
    %broadcast_in_dim3A_182 = vector.broadcast %jit3A_181 : f32 to vector<512x512xf32>
    %select_n3A_183 = arith.select %ge3A_180, %broadcast_in_dim3A_182, %add3A_177 : vector<512x512xi1>, vector<512x512xf32>
    %reduce_min3A = arith.constant dense<0x7F800000> : vector<512xf32>
    %reduce_min3A_184 = vector.multi_reduction <minimumf>, %select_n3A_183, %reduce_min3A [1] : vector<512x512xf32> to vector<512xf32>
    %broadcast_in_dim3A_185 = vector.shape_cast %reduce_min3A_184 : vector<512xf32> to vector<512x1xf32>
    %eq3A = vector.broadcast %broadcast_in_dim3A_185 : vector<512x1xf32> to vector<512x512xf32>
    %eq3A_186 = arith.cmpf oeq, %select_n3A_183, %eq3A : vector<512x512xf32>
    %jit3A_187 = arith.constant 512 : i32
    %broadcast_in_dim3A_188 = vector.broadcast %jit3A_187 : i32 to vector<512x512xi32>
    %select_n3A_189 = arith.select %eq3A_186, %iota3A, %broadcast_in_dim3A_188 : vector<512x512xi1>, vector<512x512xi32>
    %reduce_min3A_190 = arith.constant dense<2147483647> : vector<512xi32>
    %reduce_min3A_191 = vector.multi_reduction <minsi>, %select_n3A_189, %reduce_min3A_190 [1] : vector<512x512xi32> to vector<512xi32>
    %broadcast_in_dim3A_192 = vector.shape_cast %reduce_min3A_191 : vector<512xi32> to vector<512x1xi32>
    %eq3A_193 = vector.broadcast %broadcast_in_dim3A_192 : vector<512x1xi32> to vector<512x512xi32>
    %eq3A_194 = arith.cmpi eq, %iota3A, %eq3A_193 : vector<512x512xi32>
    %jit3A_195 = arith.constant 0x7F800000 : f32
    %broadcast_in_dim3A_196 = vector.broadcast %jit3A_195 : f32 to vector<512x512xf32>
    %select_n3A_197 = arith.select %eq3A_194, %broadcast_in_dim3A_196, %select_n3A_183 : vector<512x512xi1>, vector<512x512xf32>
    %reduce_min3A_198 = arith.constant dense<0x7F800000> : vector<512xf32>
    %reduce_min3A_199 = vector.multi_reduction <minimumf>, %select_n3A_197, %reduce_min3A_198 [1] : vector<512x512xf32> to vector<512xf32>
    %broadcast_in_dim3A_200 = vector.shape_cast %reduce_min3A_199 : vector<512xf32> to vector<512x1xf32>
    %eq3A_201 = vector.broadcast %broadcast_in_dim3A_200 : vector<512x1xf32> to vector<512x512xf32>
    %eq3A_202 = arith.cmpf oeq, %select_n3A_197, %eq3A_201 : vector<512x512xf32>
    %jit3A_203 = arith.constant 512 : i32
    %broadcast_in_dim3A_204 = vector.broadcast %jit3A_203 : i32 to vector<512x512xi32>
    %select_n3A_205 = arith.select %eq3A_202, %iota3A, %broadcast_in_dim3A_204 : vector<512x512xi1>, vector<512x512xi32>
    %reduce_min3A_206 = arith.constant dense<2147483647> : vector<512xi32>
    %reduce_min3A_207 = vector.multi_reduction <minsi>, %select_n3A_205, %reduce_min3A_206 [1] : vector<512x512xi32> to vector<512xi32>
    %broadcast_in_dim3A_208 = vector.shape_cast %reduce_min3A_207 : vector<512xi32> to vector<512x1xi32>
    %eq3A_209 = vector.broadcast %broadcast_in_dim3A_208 : vector<512x1xi32> to vector<512x512xi32>
    %eq3A_210 = arith.cmpi eq, %iota3A, %eq3A_209 : vector<512x512xi32>
    %jit3A_211 = arith.constant 0x7F800000 : f32
    %broadcast_in_dim3A_212 = vector.broadcast %jit3A_211 : f32 to vector<512x512xf32>
    %select_n3A_213 = arith.select %eq3A_210, %broadcast_in_dim3A_212, %select_n3A_197 : vector<512x512xi1>, vector<512x512xf32>
    %reduce_min3A_214 = arith.constant dense<0x7F800000> : vector<512xf32>
    %reduce_min3A_215 = vector.multi_reduction <minimumf>, %select_n3A_213, %reduce_min3A_214 [1] : vector<512x512xf32> to vector<512xf32>
    %broadcast_in_dim3A_216 = vector.shape_cast %reduce_min3A_215 : vector<512xf32> to vector<512x1xf32>
    %eq3A_217 = vector.broadcast %broadcast_in_dim3A_216 : vector<512x1xf32> to vector<512x512xf32>
    %eq3A_218 = arith.cmpf oeq, %select_n3A_213, %eq3A_217 : vector<512x512xf32>
    %jit3A_219 = arith.constant 512 : i32
    %broadcast_in_dim3A_220 = vector.broadcast %jit3A_219 : i32 to vector<512x512xi32>
    %select_n3A_221 = arith.select %eq3A_218, %iota3A, %broadcast_in_dim3A_220 : vector<512x512xi1>, vector<512x512xi32>
    %reduce_min3A_222 = arith.constant dense<2147483647> : vector<512xi32>
    %reduce_min3A_223 = vector.multi_reduction <minsi>, %select_n3A_221, %reduce_min3A_222 [1] : vector<512x512xi32> to vector<512xi32>
    %broadcast_in_dim3A_224 = vector.shape_cast %reduce_min3A_223 : vector<512xi32> to vector<512x1xi32>
    %eq3A_225 = vector.broadcast %broadcast_in_dim3A_224 : vector<512x1xi32> to vector<512x512xi32>
    %eq3A_226 = arith.cmpi eq, %iota3A, %eq3A_225 : vector<512x512xi32>
    %jit3A_227 = arith.constant 0x7F800000 : f32
    %broadcast_in_dim3A_228 = vector.broadcast %jit3A_227 : f32 to vector<512x512xf32>
    %select_n3A_229 = arith.select %eq3A_226, %broadcast_in_dim3A_228, %select_n3A_213 : vector<512x512xi1>, vector<512x512xf32>
    %reduce_min3A_230 = arith.constant dense<0x7F800000> : vector<512xf32>
    %reduce_min3A_231 = vector.multi_reduction <minimumf>, %select_n3A_229, %reduce_min3A_230 [1] : vector<512x512xf32> to vector<512xf32>
    %broadcast_in_dim3A_232 = vector.shape_cast %reduce_min3A_231 : vector<512xf32> to vector<512x1xf32>
    %eq3A_233 = vector.broadcast %broadcast_in_dim3A_232 : vector<512x1xf32> to vector<512x512xf32>
    %eq3A_234 = arith.cmpf oeq, %select_n3A_229, %eq3A_233 : vector<512x512xf32>
    %jit3A_235 = arith.constant 512 : i32
    %broadcast_in_dim3A_236 = vector.broadcast %jit3A_235 : i32 to vector<512x512xi32>
    %select_n3A_237 = arith.select %eq3A_234, %iota3A, %broadcast_in_dim3A_236 : vector<512x512xi1>, vector<512x512xi32>
    %reduce_min3A_238 = arith.constant dense<2147483647> : vector<512xi32>
    %reduce_min3A_239 = vector.multi_reduction <minsi>, %select_n3A_237, %reduce_min3A_238 [1] : vector<512x512xi32> to vector<512xi32>
    %broadcast_in_dim3A_240 = vector.shape_cast %reduce_min3A_239 : vector<512xi32> to vector<512x1xi32>
    %eq3A_241 = vector.broadcast %broadcast_in_dim3A_240 : vector<512x1xi32> to vector<512x512xi32>
    %eq3A_242 = arith.cmpi eq, %iota3A, %eq3A_241 : vector<512x512xi32>
    %jit3A_243 = arith.constant 0x7F800000 : f32
    %broadcast_in_dim3A_244 = vector.broadcast %jit3A_243 : f32 to vector<512x512xf32>
    %select_n3A_245 = arith.select %eq3A_242, %broadcast_in_dim3A_244, %select_n3A_229 : vector<512x512xi1>, vector<512x512xf32>
    %reduce_min3A_246 = arith.constant dense<0x7F800000> : vector<512xf32>
    %reduce_min3A_247 = vector.multi_reduction <minimumf>, %select_n3A_245, %reduce_min3A_246 [1] : vector<512x512xf32> to vector<512xf32>
    %broadcast_in_dim3A_248 = vector.shape_cast %reduce_min3A_247 : vector<512xf32> to vector<512x1xf32>
    %eq3A_249 = vector.broadcast %broadcast_in_dim3A_248 : vector<512x1xf32> to vector<512x512xf32>
    %eq3A_250 = arith.cmpf oeq, %select_n3A_245, %eq3A_249 : vector<512x512xf32>
    %jit3A_251 = arith.constant 512 : i32
    %broadcast_in_dim3A_252 = vector.broadcast %jit3A_251 : i32 to vector<512x512xi32>
    %select_n3A_253 = arith.select %eq3A_250, %iota3A, %broadcast_in_dim3A_252 : vector<512x512xi1>, vector<512x512xi32>
    %reduce_min3A_254 = arith.constant dense<2147483647> : vector<512xi32>
    %reduce_min3A_255 = vector.multi_reduction <minsi>, %select_n3A_253, %reduce_min3A_254 [1] : vector<512x512xi32> to vector<512xi32>
    %broadcast_in_dim3A_256 = vector.shape_cast %reduce_min3A_255 : vector<512xi32> to vector<512x1xi32>
    %eq3A_257 = vector.broadcast %broadcast_in_dim3A_256 : vector<512x1xi32> to vector<512x512xi32>
    %eq3A_258 = arith.cmpi eq, %iota3A, %eq3A_257 : vector<512x512xi32>
    %jit3A_259 = arith.constant 0x7F800000 : f32
    %broadcast_in_dim3A_260 = vector.broadcast %jit3A_259 : f32 to vector<512x512xf32>
    %select_n3A_261 = arith.select %eq3A_258, %broadcast_in_dim3A_260, %select_n3A_245 : vector<512x512xi1>, vector<512x512xf32>
    %reduce_min3A_262 = arith.constant dense<0x7F800000> : vector<512xf32>
    %reduce_min3A_263 = vector.multi_reduction <minimumf>, %select_n3A_261, %reduce_min3A_262 [1] : vector<512x512xf32> to vector<512xf32>
    %broadcast_in_dim3A_264 = vector.shape_cast %reduce_min3A_263 : vector<512xf32> to vector<512x1xf32>
    %eq3A_265 = vector.broadcast %broadcast_in_dim3A_264 : vector<512x1xf32> to vector<512x512xf32>
    %eq3A_266 = arith.cmpf oeq, %select_n3A_261, %eq3A_265 : vector<512x512xf32>
    %jit3A_267 = arith.constant 512 : i32
    %broadcast_in_dim3A_268 = vector.broadcast %jit3A_267 : i32 to vector<512x512xi32>
    %select_n3A_269 = arith.select %eq3A_266, %iota3A, %broadcast_in_dim3A_268 : vector<512x512xi1>, vector<512x512xi32>
    %reduce_min3A_270 = arith.constant dense<2147483647> : vector<512xi32>
    %reduce_min3A_271 = vector.multi_reduction <minsi>, %select_n3A_269, %reduce_min3A_270 [1] : vector<512x512xi32> to vector<512xi32>
    %broadcast_in_dim3A_272 = vector.shape_cast %reduce_min3A_271 : vector<512xi32> to vector<512x1xi32>
    %eq3A_273 = vector.broadcast %broadcast_in_dim3A_272 : vector<512x1xi32> to vector<512x512xi32>
    %eq3A_274 = arith.cmpi eq, %iota3A, %eq3A_273 : vector<512x512xi32>
    %jit3A_275 = arith.constant 0x7F800000 : f32
    %broadcast_in_dim3A_276 = vector.broadcast %jit3A_275 : f32 to vector<512x512xf32>
    %select_n3A_277 = arith.select %eq3A_274, %broadcast_in_dim3A_276, %select_n3A_261 : vector<512x512xi1>, vector<512x512xf32>
    %reduce_min3A_278 = arith.constant dense<0x7F800000> : vector<512xf32>
    %reduce_min3A_279 = vector.multi_reduction <minimumf>, %select_n3A_277, %reduce_min3A_278 [1] : vector<512x512xf32> to vector<512xf32>
    %broadcast_in_dim3A_280 = vector.shape_cast %reduce_min3A_279 : vector<512xf32> to vector<512x1xf32>
    %eq3A_281 = vector.broadcast %broadcast_in_dim3A_280 : vector<512x1xf32> to vector<512x512xf32>
    %eq3A_282 = arith.cmpf oeq, %select_n3A_277, %eq3A_281 : vector<512x512xf32>
    %jit3A_283 = arith.constant 512 : i32
    %broadcast_in_dim3A_284 = vector.broadcast %jit3A_283 : i32 to vector<512x512xi32>
    %select_n3A_285 = arith.select %eq3A_282, %iota3A, %broadcast_in_dim3A_284 : vector<512x512xi1>, vector<512x512xi32>
    %reduce_min3A_286 = arith.constant dense<2147483647> : vector<512xi32>
    %reduce_min3A_287 = vector.multi_reduction <minsi>, %select_n3A_285, %reduce_min3A_286 [1] : vector<512x512xi32> to vector<512xi32>
    %broadcast_in_dim3A_288 = vector.shape_cast %reduce_min3A_287 : vector<512xi32> to vector<512x1xi32>
    %eq3A_289 = vector.broadcast %broadcast_in_dim3A_288 : vector<512x1xi32> to vector<512x512xi32>
    %eq3A_290 = arith.cmpi eq, %iota3A, %eq3A_289 : vector<512x512xi32>
    %jit3A_291 = arith.constant 0x7F800000 : f32
    %broadcast_in_dim3A_292 = vector.broadcast %jit3A_291 : f32 to vector<512x512xf32>
    %select_n3A_293 = arith.select %eq3A_290, %broadcast_in_dim3A_292, %select_n3A_277 : vector<512x512xi1>, vector<512x512xf32>
    %reduce_min3A_294 = arith.constant dense<0x7F800000> : vector<512xf32>
    %reduce_min3A_295 = vector.multi_reduction <minimumf>, %select_n3A_293, %reduce_min3A_294 [1] : vector<512x512xf32> to vector<512xf32>
    %broadcast_in_dim3A_296 = vector.shape_cast %reduce_min3A_295 : vector<512xf32> to vector<512x1xf32>
    %eq3A_297 = vector.broadcast %broadcast_in_dim3A_296 : vector<512x1xf32> to vector<512x512xf32>
    %eq3A_298 = arith.cmpf oeq, %select_n3A_293, %eq3A_297 : vector<512x512xf32>
    %jit3A_299 = arith.constant 512 : i32
    %broadcast_in_dim3A_300 = vector.broadcast %jit3A_299 : i32 to vector<512x512xi32>
    %select_n3A_301 = arith.select %eq3A_298, %iota3A, %broadcast_in_dim3A_300 : vector<512x512xi1>, vector<512x512xi32>
    %reduce_min3A_302 = arith.constant dense<2147483647> : vector<512xi32>
    %reduce_min3A_303 = vector.multi_reduction <minsi>, %select_n3A_301, %reduce_min3A_302 [1] : vector<512x512xi32> to vector<512xi32>
    %broadcast_in_dim3A_304 = vector.shape_cast %reduce_min3A_303 : vector<512xi32> to vector<512x1xi32>
    %eq3A_305 = vector.broadcast %broadcast_in_dim3A_304 : vector<512x1xi32> to vector<512x512xi32>
    %eq3A_306 = arith.cmpi eq, %iota3A, %eq3A_305 : vector<512x512xi32>
    %jit3A_307 = arith.constant 0x7F800000 : f32
    %broadcast_in_dim3A_308 = vector.broadcast %jit3A_307 : f32 to vector<512x512xf32>
    %select_n3A_309 = arith.select %eq3A_306, %broadcast_in_dim3A_308, %select_n3A_293 : vector<512x512xi1>, vector<512x512xf32>
    %reduce_min3A_310 = arith.constant dense<0x7F800000> : vector<512xf32>
    %reduce_min3A_311 = vector.multi_reduction <minimumf>, %select_n3A_309, %reduce_min3A_310 [1] : vector<512x512xf32> to vector<512xf32>
    %broadcast_in_dim3A_312 = vector.shape_cast %reduce_min3A_311 : vector<512xf32> to vector<512x1xf32>
    %eq3A_313 = vector.broadcast %broadcast_in_dim3A_312 : vector<512x1xf32> to vector<512x512xf32>
    %eq3A_314 = arith.cmpf oeq, %select_n3A_309, %eq3A_313 : vector<512x512xf32>
    %jit3A_315 = arith.constant 512 : i32
    %broadcast_in_dim3A_316 = vector.broadcast %jit3A_315 : i32 to vector<512x512xi32>
    %select_n3A_317 = arith.select %eq3A_314, %iota3A, %broadcast_in_dim3A_316 : vector<512x512xi1>, vector<512x512xi32>
    %reduce_min3A_318 = arith.constant dense<2147483647> : vector<512xi32>
    %reduce_min3A_319 = vector.multi_reduction <minsi>, %select_n3A_317, %reduce_min3A_318 [1] : vector<512x512xi32> to vector<512xi32>
    %broadcast_in_dim3A_320 = vector.shape_cast %reduce_min3A_319 : vector<512xi32> to vector<512x1xi32>
    %eq3A_321 = vector.broadcast %broadcast_in_dim3A_320 : vector<512x1xi32> to vector<512x512xi32>
    %eq3A_322 = arith.cmpi eq, %iota3A, %eq3A_321 : vector<512x512xi32>
    %jit3A_323 = arith.constant 0x7F800000 : f32
    %broadcast_in_dim3A_324 = vector.broadcast %jit3A_323 : f32 to vector<512x512xf32>
    %select_n3A_325 = arith.select %eq3A_322, %broadcast_in_dim3A_324, %select_n3A_309 : vector<512x512xi1>, vector<512x512xf32>
    %reduce_min3A_326 = arith.constant dense<0x7F800000> : vector<512xf32>
    %reduce_min3A_327 = vector.multi_reduction <minimumf>, %select_n3A_325, %reduce_min3A_326 [1] : vector<512x512xf32> to vector<512xf32>
    %broadcast_in_dim3A_328 = vector.shape_cast %reduce_min3A_327 : vector<512xf32> to vector<512x1xf32>
    %eq3A_329 = vector.broadcast %broadcast_in_dim3A_328 : vector<512x1xf32> to vector<512x512xf32>
    %eq3A_330 = arith.cmpf oeq, %select_n3A_325, %eq3A_329 : vector<512x512xf32>
    %jit3A_331 = arith.constant 512 : i32
    %broadcast_in_dim3A_332 = vector.broadcast %jit3A_331 : i32 to vector<512x512xi32>
    %select_n3A_333 = arith.select %eq3A_330, %iota3A, %broadcast_in_dim3A_332 : vector<512x512xi1>, vector<512x512xi32>
    %reduce_min3A_334 = arith.constant dense<2147483647> : vector<512xi32>
    %reduce_min3A_335 = vector.multi_reduction <minsi>, %select_n3A_333, %reduce_min3A_334 [1] : vector<512x512xi32> to vector<512xi32>
    %broadcast_in_dim3A_336 = vector.shape_cast %reduce_min3A_335 : vector<512xi32> to vector<512x1xi32>
    %eq3A_337 = vector.broadcast %broadcast_in_dim3A_336 : vector<512x1xi32> to vector<512x512xi32>
    %eq3A_338 = arith.cmpi eq, %iota3A, %eq3A_337 : vector<512x512xi32>
    %jit3A_339 = arith.constant 0x7F800000 : f32
    %broadcast_in_dim3A_340 = vector.broadcast %jit3A_339 : f32 to vector<512x512xf32>
    %select_n3A_341 = arith.select %eq3A_338, %broadcast_in_dim3A_340, %select_n3A_325 : vector<512x512xi1>, vector<512x512xf32>
    %reduce_min3A_342 = arith.constant dense<0x7F800000> : vector<512xf32>
    %reduce_min3A_343 = vector.multi_reduction <minimumf>, %select_n3A_341, %reduce_min3A_342 [1] : vector<512x512xf32> to vector<512xf32>
    %broadcast_in_dim3A_344 = vector.shape_cast %reduce_min3A_343 : vector<512xf32> to vector<512x1xf32>
    %eq3A_345 = vector.broadcast %broadcast_in_dim3A_344 : vector<512x1xf32> to vector<512x512xf32>
    %eq3A_346 = arith.cmpf oeq, %select_n3A_341, %eq3A_345 : vector<512x512xf32>
    %jit3A_347 = arith.constant 512 : i32
    %broadcast_in_dim3A_348 = vector.broadcast %jit3A_347 : i32 to vector<512x512xi32>
    %select_n3A_349 = arith.select %eq3A_346, %iota3A, %broadcast_in_dim3A_348 : vector<512x512xi1>, vector<512x512xi32>
    %reduce_min3A_350 = arith.constant dense<2147483647> : vector<512xi32>
    %reduce_min3A_351 = vector.multi_reduction <minsi>, %select_n3A_349, %reduce_min3A_350 [1] : vector<512x512xi32> to vector<512xi32>
    %broadcast_in_dim3A_352 = vector.shape_cast %reduce_min3A_351 : vector<512xi32> to vector<512x1xi32>
    %eq3A_353 = vector.broadcast %broadcast_in_dim3A_352 : vector<512x1xi32> to vector<512x512xi32>
    %eq3A_354 = arith.cmpi eq, %iota3A, %eq3A_353 : vector<512x512xi32>
    %jit3A_355 = arith.constant 0x7F800000 : f32
    %broadcast_in_dim3A_356 = vector.broadcast %jit3A_355 : f32 to vector<512x512xf32>
    %select_n3A_357 = arith.select %eq3A_354, %broadcast_in_dim3A_356, %select_n3A_341 : vector<512x512xi1>, vector<512x512xf32>
    %reduce_min3A_358 = arith.constant dense<0x7F800000> : vector<512xf32>
    %reduce_min3A_359 = vector.multi_reduction <minimumf>, %select_n3A_357, %reduce_min3A_358 [1] : vector<512x512xf32> to vector<512xf32>
    %broadcast_in_dim3A_360 = vector.shape_cast %reduce_min3A_359 : vector<512xf32> to vector<512x1xf32>
    %eq3A_361 = vector.broadcast %broadcast_in_dim3A_360 : vector<512x1xf32> to vector<512x512xf32>
    %eq3A_362 = arith.cmpf oeq, %select_n3A_357, %eq3A_361 : vector<512x512xf32>
    %jit3A_363 = arith.constant 512 : i32
    %broadcast_in_dim3A_364 = vector.broadcast %jit3A_363 : i32 to vector<512x512xi32>
    %select_n3A_365 = arith.select %eq3A_362, %iota3A, %broadcast_in_dim3A_364 : vector<512x512xi1>, vector<512x512xi32>
    %reduce_min3A_366 = arith.constant dense<2147483647> : vector<512xi32>
    %reduce_min3A_367 = vector.multi_reduction <minsi>, %select_n3A_365, %reduce_min3A_366 [1] : vector<512x512xi32> to vector<512xi32>
    %broadcast_in_dim3A_368 = vector.shape_cast %reduce_min3A_367 : vector<512xi32> to vector<512x1xi32>
    %concatenate3A_369 = tpu.concatenate %broadcast_in_dim3A_192, %broadcast_in_dim3A_208, %broadcast_in_dim3A_224, %broadcast_in_dim3A_240, %broadcast_in_dim3A_256, %broadcast_in_dim3A_272, %broadcast_in_dim3A_288, %broadcast_in_dim3A_304, %broadcast_in_dim3A_320, %broadcast_in_dim3A_336, %broadcast_in_dim3A_352, %broadcast_in_dim3A_368 in 1 : vector<512x1xi32>, vector<512x1xi32>, vector<512x1xi32>, vector<512x1xi32>, vector<512x1xi32>, vector<512x1xi32>, vector<512x1xi32>, vector<512x1xi32>, vector<512x1xi32>, vector<512x1xi32>, vector<512x1xi32>, vector<512x1xi32> -> vector<512x12xi32>
    %concatenate3A_370 = tpu.concatenate %broadcast_in_dim3A_185, %broadcast_in_dim3A_200, %broadcast_in_dim3A_216, %broadcast_in_dim3A_232, %broadcast_in_dim3A_248, %broadcast_in_dim3A_264, %broadcast_in_dim3A_280, %broadcast_in_dim3A_296, %broadcast_in_dim3A_312, %broadcast_in_dim3A_328, %broadcast_in_dim3A_344, %broadcast_in_dim3A_360 in 1 : vector<512x1xf32>, vector<512x1xf32>, vector<512x1xf32>, vector<512x1xf32>, vector<512x1xf32>, vector<512x1xf32>, vector<512x1xf32>, vector<512x1xf32>, vector<512x1xf32>, vector<512x1xf32>, vector<512x1xf32>, vector<512x1xf32> -> vector<512x12xf32>
    %max3A = arith.constant 9.99999996E-13 : f32
    %max3A_371 = vector.broadcast %max3A : f32 to vector<512x12xf32>
    %max3A_372 = arith.maximumf %concatenate3A_370, %max3A_371 : vector<512x12xf32>
    %sqrt3A = math.sqrt %max3A_372 : vector<512x12xf32>
    %neg3A = arith.constant 0.000000e+00 : f32
    %neg3A_373 = vector.broadcast %neg3A : f32 to vector<512x12xf32>
    %neg3A_374 = arith.subf %neg3A_373, %sqrt3A : vector<512x12xf32>
    %jit3A_375 = arith.constant 0xFF800000 : f32
    %broadcast_in_dim3A_376 = vector.shape_cast %lt3A_156 : vector<512x1xi1> to vector<512x1xi1>
    %broadcast_in_dim3A_377 = vector.broadcast %broadcast_in_dim3A_376 : vector<512x1xi1> to vector<512x12xi1>
    %broadcast_in_dim3A_378 = vector.broadcast %jit3A_375 : f32 to vector<512x12xf32>
    %select_n3A_379 = arith.select %broadcast_in_dim3A_377, %neg3A_374, %broadcast_in_dim3A_378 : vector<512x12xi1>, vector<512x12xf32>
    %reduce_max3A = vector.shape_cast %select_n3A_379 : vector<512x12xf32> to vector<1x512x12xf32>
    %reduce_max3A_380 = arith.constant dense<0xFF800000> : vector<1xf32>
    %reduce_max3A_381 = vector.multi_reduction <maximumf>, %reduce_max3A, %reduce_max3A_380 [1, 2] : vector<1x512x12xf32> to vector<1xf32>
    %reduce_max3A_382 = vector.shape_cast %reduce_max3A_381 : vector<1xf32> to vector<1x1x1xf32>
    %reduce_max3A_383 = vector.extract %reduce_max3A_382[0, 0, 0] : f32 from vector<1x1x1xf32>
    %sub3A_384 = vector.broadcast %reduce_max3A_383 : f32 to vector<512x12xf32>
    %sub3A_385 = arith.subf %neg3A_374, %sub3A_384 : vector<512x12xf32>
    %exp3A = math.exp %sub3A_385 : vector<512x12xf32>
    %jit3A_386 = arith.constant 0.000000e+00 : f32
    %broadcast_in_dim3A_387 = vector.shape_cast %lt3A_156 : vector<512x1xi1> to vector<512x1xi1>
    %broadcast_in_dim3A_388 = vector.broadcast %broadcast_in_dim3A_387 : vector<512x1xi1> to vector<512x12xi1>
    %broadcast_in_dim3A_389 = vector.broadcast %jit3A_386 : f32 to vector<512x12xf32>
    %select_n3A_390 = arith.select %broadcast_in_dim3A_388, %exp3A, %broadcast_in_dim3A_389 : vector<512x12xi1>, vector<512x12xf32>
    %reduce_sum3A = vector.shape_cast %select_n3A_390 : vector<512x12xf32> to vector<1x512x12xf32>
    %reduce_sum3A_391 = arith.constant dense<0.000000e+00> : vector<1xf32>
    %reduce_sum3A_392 = vector.multi_reduction <add>, %reduce_sum3A, %reduce_sum3A_391 [1, 2] : vector<1x512x12xf32> to vector<1xf32>
    %reduce_sum3A_393 = vector.shape_cast %reduce_sum3A_392 : vector<1xf32> to vector<1x1x1xf32>
    %reduce_sum3A_394 = vector.extract %reduce_sum3A_393[0, 0, 0] : f32 from vector<1x1x1xf32>
    %div3A = vector.broadcast %reduce_sum3A_394 : f32 to vector<512x12xf32>
    %div3A_395 = arith.divf %select_n3A_390, %div3A : vector<512x12xf32>
    %broadcast_in_dim3A_396 = arith.constant 0.000000e+00 : f32
    %broadcast_in_dim3A_397 = vector.broadcast %broadcast_in_dim3A_396 : f32 to vector<512x4xf32>
    %swap3A_398 = arith.constant 0 : index
    %swap3A_399 = arith.constant 0 : index
    %swap3A_400 = vector.load %arg14[%swap3A_398, %swap3A_399] : memref<512x12xi32, #tpu.memory_space<vmem>>, vector<512x12xi32>
    tpu.vector_store %arg14[%swap3A_398, %swap3A_399], %concatenate3A_369 {strides = array<i32>} : memref<512x12xi32, #tpu.memory_space<vmem>>, vector<512x12xi32>,
    %concatenate3A_401 = tpu.concatenate %div3A_395, %broadcast_in_dim3A_397 in 1 : vector<512x12xf32>, vector<512x4xf32> -> vector<512x16xf32>
    %swap3A_402 = arith.constant 0 : index
    %swap3A_403 = arith.constant 0 : index
    %swap3A_404 = vector.load %arg15[%swap3A_402, %swap3A_403] : memref<512x16xf32, #tpu.memory_space<vmem>>, vector<512x16xf32>
    tpu.vector_store %arg15[%swap3A_402, %swap3A_403], %concatenate3A_401 {strides = array<i32>} : memref<512x16xf32, #tpu.memory_space<vmem>>, vector<512x16xf32>,
    %broadcast_in_dim3A_405 = arith.constant 0.000000e+00 : f32
    %broadcast_in_dim3A_406 = vector.broadcast %broadcast_in_dim3A_405 : f32 to vector<512x512xf32>
    %slice3A_407 = vector.extract_strided_slice %concatenate3A_19 {offsets = [0, 0], sizes = [512, 1], strides = [1, 1]} : vector<512x3xf32> to vector<512x1xf32>
    %slice3A_408 = vector.extract_strided_slice %transpose3A_26 {offsets = [0, 0], sizes = [1, 512], strides = [1, 1]} : vector<3x512xf32> to vector<1x512xf32>
    %sub3A_409 = vector.broadcast %slice3A_407 : vector<512x1xf32> to vector<512x512xf32>
    %sub3A_410 = vector.broadcast %slice3A_408 : vector<1x512xf32> to vector<512x512xf32>
    %sub3A_411 = arith.subf %sub3A_409, %sub3A_410 : vector<512x512xf32>
    %mul3A_412 = arith.mulf %sub3A_411, %sub3A_411 : vector<512x512xf32>
    %add3A_413 = arith.addf %broadcast_in_dim3A_406, %mul3A_412 : vector<512x512xf32>
    %slice3A_414 = vector.extract_strided_slice %concatenate3A_19 {offsets = [0, 1], sizes = [512, 1], strides = [1, 1]} : vector<512x3xf32> to vector<512x1xf32>
    %slice3A_415 = vector.extract_strided_slice %transpose3A_26 {offsets = [1, 0], sizes = [1, 512], strides = [1, 1]} : vector<3x512xf32> to vector<1x512xf32>
    %sub3A_416 = vector.broadcast %slice3A_414 : vector<512x1xf32> to vector<512x512xf32>
    %sub3A_417 = vector.broadcast %slice3A_415 : vector<1x512xf32> to vector<512x512xf32>
    %sub3A_418 = arith.subf %sub3A_416, %sub3A_417 : vector<512x512xf32>
    %mul3A_419 = arith.mulf %sub3A_418, %sub3A_418 : vector<512x512xf32>
    %add3A_420 = arith.addf %add3A_413, %mul3A_419 : vector<512x512xf32>
    %slice3A_421 = vector.extract_strided_slice %concatenate3A_19 {offsets = [0, 2], sizes = [512, 1], strides = [1, 1]} : vector<512x3xf32> to vector<512x1xf32>
    %slice3A_422 = vector.extract_strided_slice %transpose3A_26 {offsets = [2, 0], sizes = [1, 512], strides = [1, 1]} : vector<3x512xf32> to vector<1x512xf32>
    %sub3A_423 = vector.broadcast %slice3A_421 : vector<512x1xf32> to vector<512x512xf32>
    %sub3A_424 = vector.broadcast %slice3A_422 : vector<1x512xf32> to vector<512x512xf32>
    %sub3A_425 = arith.subf %sub3A_423, %sub3A_424 : vector<512x512xf32>
    %mul3A_426 = arith.mulf %sub3A_425, %sub3A_425 : vector<512x512xf32>
    %add3A_427 = arith.addf %add3A_420, %mul3A_426 : vector<512x512xf32>
    %ge3A_428 = arith.constant 500 : i32
    %ge3A_429 = vector.broadcast %ge3A_428 : i32 to vector<512x512xi32>
    %ge3A_430 = arith.cmpi sge, %iota3A, %ge3A_429 : vector<512x512xi32>
    %jit3A_431 = arith.constant 0x7F800000 : f32
    %broadcast_in_dim3A_432 = vector.broadcast %jit3A_431 : f32 to vector<512x512xf32>
    %select_n3A_433 = arith.select %ge3A_430, %broadcast_in_dim3A_432, %add3A_427 : vector<512x512xi1>, vector<512x512xf32>
    %reduce_min3A_434 = arith.constant dense<0x7F800000> : vector<512xf32>
    %reduce_min3A_435 = vector.multi_reduction <minimumf>, %select_n3A_433, %reduce_min3A_434 [1] : vector<512x512xf32> to vector<512xf32>
    %broadcast_in_dim3A_436 = vector.shape_cast %reduce_min3A_435 : vector<512xf32> to vector<512x1xf32>
    %eq3A_437 = vector.broadcast %broadcast_in_dim3A_436 : vector<512x1xf32> to vector<512x512xf32>
    %eq3A_438 = arith.cmpf oeq, %select_n3A_433, %eq3A_437 : vector<512x512xf32>
    %jit3A_439 = arith.constant 512 : i32
    %broadcast_in_dim3A_440 = vector.broadcast %jit3A_439 : i32 to vector<512x512xi32>
    %select_n3A_441 = arith.select %eq3A_438, %iota3A, %broadcast_in_dim3A_440 : vector<512x512xi1>, vector<512x512xi32>
    %reduce_min3A_442 = arith.constant dense<2147483647> : vector<512xi32>
    %reduce_min3A_443 = vector.multi_reduction <minsi>, %select_n3A_441, %reduce_min3A_442 [1] : vector<512x512xi32> to vector<512xi32>
    %broadcast_in_dim3A_444 = vector.shape_cast %reduce_min3A_443 : vector<512xi32> to vector<512x1xi32>
    %eq3A_445 = vector.broadcast %broadcast_in_dim3A_444 : vector<512x1xi32> to vector<512x512xi32>
    %eq3A_446 = arith.cmpi eq, %iota3A, %eq3A_445 : vector<512x512xi32>
    %jit3A_447 = arith.constant 0x7F800000 : f32
    %broadcast_in_dim3A_448 = vector.broadcast %jit3A_447 : f32 to vector<512x512xf32>
    %select_n3A_449 = arith.select %eq3A_446, %broadcast_in_dim3A_448, %select_n3A_433 : vector<512x512xi1>, vector<512x512xf32>
    %reduce_min3A_450 = arith.constant dense<0x7F800000> : vector<512xf32>
    %reduce_min3A_451 = vector.multi_reduction <minimumf>, %select_n3A_449, %reduce_min3A_450 [1] : vector<512x512xf32> to vector<512xf32>
    %broadcast_in_dim3A_452 = vector.shape_cast %reduce_min3A_451 : vector<512xf32> to vector<512x1xf32>
    %eq3A_453 = vector.broadcast %broadcast_in_dim3A_452 : vector<512x1xf32> to vector<512x512xf32>
    %eq3A_454 = arith.cmpf oeq, %select_n3A_449, %eq3A_453 : vector<512x512xf32>
    %jit3A_455 = arith.constant 512 : i32
    %broadcast_in_dim3A_456 = vector.broadcast %jit3A_455 : i32 to vector<512x512xi32>
    %select_n3A_457 = arith.select %eq3A_454, %iota3A, %broadcast_in_dim3A_456 : vector<512x512xi1>, vector<512x512xi32>
    %reduce_min3A_458 = arith.constant dense<2147483647> : vector<512xi32>
    %reduce_min3A_459 = vector.multi_reduction <minsi>, %select_n3A_457, %reduce_min3A_458 [1] : vector<512x512xi32> to vector<512xi32>
    %broadcast_in_dim3A_460 = vector.shape_cast %reduce_min3A_459 : vector<512xi32> to vector<512x1xi32>
    %eq3A_461 = vector.broadcast %broadcast_in_dim3A_460 : vector<512x1xi32> to vector<512x512xi32>
    %eq3A_462 = arith.cmpi eq, %iota3A, %eq3A_461 : vector<512x512xi32>
    %jit3A_463 = arith.constant 0x7F800000 : f32
    %broadcast_in_dim3A_464 = vector.broadcast %jit3A_463 : f32 to vector<512x512xf32>
    %select_n3A_465 = arith.select %eq3A_462, %broadcast_in_dim3A_464, %select_n3A_449 : vector<512x512xi1>, vector<512x512xf32>
    %reduce_min3A_466 = arith.constant dense<0x7F800000> : vector<512xf32>
    %reduce_min3A_467 = vector.multi_reduction <minimumf>, %select_n3A_465, %reduce_min3A_466 [1] : vector<512x512xf32> to vector<512xf32>
    %broadcast_in_dim3A_468 = vector.shape_cast %reduce_min3A_467 : vector<512xf32> to vector<512x1xf32>
    %eq3A_469 = vector.broadcast %broadcast_in_dim3A_468 : vector<512x1xf32> to vector<512x512xf32>
    %eq3A_470 = arith.cmpf oeq, %select_n3A_465, %eq3A_469 : vector<512x512xf32>
    %jit3A_471 = arith.constant 512 : i32
    %broadcast_in_dim3A_472 = vector.broadcast %jit3A_471 : i32 to vector<512x512xi32>
    %select_n3A_473 = arith.select %eq3A_470, %iota3A, %broadcast_in_dim3A_472 : vector<512x512xi1>, vector<512x512xi32>
    %reduce_min3A_474 = arith.constant dense<2147483647> : vector<512xi32>
    %reduce_min3A_475 = vector.multi_reduction <minsi>, %select_n3A_473, %reduce_min3A_474 [1] : vector<512x512xi32> to vector<512xi32>
    %broadcast_in_dim3A_476 = vector.shape_cast %reduce_min3A_475 : vector<512xi32> to vector<512x1xi32>
    %eq3A_477 = vector.broadcast %broadcast_in_dim3A_476 : vector<512x1xi32> to vector<512x512xi32>
    %eq3A_478 = arith.cmpi eq, %iota3A, %eq3A_477 : vector<512x512xi32>
    %jit3A_479 = arith.constant 0x7F800000 : f32
    %broadcast_in_dim3A_480 = vector.broadcast %jit3A_479 : f32 to vector<512x512xf32>
    %select_n3A_481 = arith.select %eq3A_478, %broadcast_in_dim3A_480, %select_n3A_465 : vector<512x512xi1>, vector<512x512xf32>
    %reduce_min3A_482 = arith.constant dense<0x7F800000> : vector<512xf32>
    %reduce_min3A_483 = vector.multi_reduction <minimumf>, %select_n3A_481, %reduce_min3A_482 [1] : vector<512x512xf32> to vector<512xf32>
    %broadcast_in_dim3A_484 = vector.shape_cast %reduce_min3A_483 : vector<512xf32> to vector<512x1xf32>
    %eq3A_485 = vector.broadcast %broadcast_in_dim3A_484 : vector<512x1xf32> to vector<512x512xf32>
    %eq3A_486 = arith.cmpf oeq, %select_n3A_481, %eq3A_485 : vector<512x512xf32>
    %jit3A_487 = arith.constant 512 : i32
    %broadcast_in_dim3A_488 = vector.broadcast %jit3A_487 : i32 to vector<512x512xi32>
    %select_n3A_489 = arith.select %eq3A_486, %iota3A, %broadcast_in_dim3A_488 : vector<512x512xi1>, vector<512x512xi32>
    %reduce_min3A_490 = arith.constant dense<2147483647> : vector<512xi32>
    %reduce_min3A_491 = vector.multi_reduction <minsi>, %select_n3A_489, %reduce_min3A_490 [1] : vector<512x512xi32> to vector<512xi32>
    %broadcast_in_dim3A_492 = vector.shape_cast %reduce_min3A_491 : vector<512xi32> to vector<512x1xi32>
    %eq3A_493 = vector.broadcast %broadcast_in_dim3A_492 : vector<512x1xi32> to vector<512x512xi32>
    %eq3A_494 = arith.cmpi eq, %iota3A, %eq3A_493 : vector<512x512xi32>
    %jit3A_495 = arith.constant 0x7F800000 : f32
    %broadcast_in_dim3A_496 = vector.broadcast %jit3A_495 : f32 to vector<512x512xf32>
    %select_n3A_497 = arith.select %eq3A_494, %broadcast_in_dim3A_496, %select_n3A_481 : vector<512x512xi1>, vector<512x512xf32>
    %reduce_min3A_498 = arith.constant dense<0x7F800000> : vector<512xf32>
    %reduce_min3A_499 = vector.multi_reduction <minimumf>, %select_n3A_497, %reduce_min3A_498 [1] : vector<512x512xf32> to vector<512xf32>
    %broadcast_in_dim3A_500 = vector.shape_cast %reduce_min3A_499 : vector<512xf32> to vector<512x1xf32>
    %eq3A_501 = vector.broadcast %broadcast_in_dim3A_500 : vector<512x1xf32> to vector<512x512xf32>
    %eq3A_502 = arith.cmpf oeq, %select_n3A_497, %eq3A_501 : vector<512x512xf32>
    %jit3A_503 = arith.constant 512 : i32
    %broadcast_in_dim3A_504 = vector.broadcast %jit3A_503 : i32 to vector<512x512xi32>
    %select_n3A_505 = arith.select %eq3A_502, %iota3A, %broadcast_in_dim3A_504 : vector<512x512xi1>, vector<512x512xi32>
    %reduce_min3A_506 = arith.constant dense<2147483647> : vector<512xi32>
    %reduce_min3A_507 = vector.multi_reduction <minsi>, %select_n3A_505, %reduce_min3A_506 [1] : vector<512x512xi32> to vector<512xi32>
    %broadcast_in_dim3A_508 = vector.shape_cast %reduce_min3A_507 : vector<512xi32> to vector<512x1xi32>
    %eq3A_509 = vector.broadcast %broadcast_in_dim3A_508 : vector<512x1xi32> to vector<512x512xi32>
    %eq3A_510 = arith.cmpi eq, %iota3A, %eq3A_509 : vector<512x512xi32>
    %jit3A_511 = arith.constant 0x7F800000 : f32
    %broadcast_in_dim3A_512 = vector.broadcast %jit3A_511 : f32 to vector<512x512xf32>
    %select_n3A_513 = arith.select %eq3A_510, %broadcast_in_dim3A_512, %select_n3A_497 : vector<512x512xi1>, vector<512x512xf32>
    %reduce_min3A_514 = arith.constant dense<0x7F800000> : vector<512xf32>
    %reduce_min3A_515 = vector.multi_reduction <minimumf>, %select_n3A_513, %reduce_min3A_514 [1] : vector<512x512xf32> to vector<512xf32>
    %broadcast_in_dim3A_516 = vector.shape_cast %reduce_min3A_515 : vector<512xf32> to vector<512x1xf32>
    %eq3A_517 = vector.broadcast %broadcast_in_dim3A_516 : vector<512x1xf32> to vector<512x512xf32>
    %eq3A_518 = arith.cmpf oeq, %select_n3A_513, %eq3A_517 : vector<512x512xf32>
    %jit3A_519 = arith.constant 512 : i32
    %broadcast_in_dim3A_520 = vector.broadcast %jit3A_519 : i32 to vector<512x512xi32>
    %select_n3A_521 = arith.select %eq3A_518, %iota3A, %broadcast_in_dim3A_520 : vector<512x512xi1>, vector<512x512xi32>
    %reduce_min3A_522 = arith.constant dense<2147483647> : vector<512xi32>
    %reduce_min3A_523 = vector.multi_reduction <minsi>, %select_n3A_521, %reduce_min3A_522 [1] : vector<512x512xi32> to vector<512xi32>
    %broadcast_in_dim3A_524 = vector.shape_cast %reduce_min3A_523 : vector<512xi32> to vector<512x1xi32>
    %eq3A_525 = vector.broadcast %broadcast_in_dim3A_524 : vector<512x1xi32> to vector<512x512xi32>
    %eq3A_526 = arith.cmpi eq, %iota3A, %eq3A_525 : vector<512x512xi32>
    %jit3A_527 = arith.constant 0x7F800000 : f32
    %broadcast_in_dim3A_528 = vector.broadcast %jit3A_527 : f32 to vector<512x512xf32>
    %select_n3A_529 = arith.select %eq3A_526, %broadcast_in_dim3A_528, %select_n3A_513 : vector<512x512xi1>, vector<512x512xf32>
    %reduce_min3A_530 = arith.constant dense<0x7F800000> : vector<512xf32>
    %reduce_min3A_531 = vector.multi_reduction <minimumf>, %select_n3A_529, %reduce_min3A_530 [1] : vector<512x512xf32> to vector<512xf32>
    %broadcast_in_dim3A_532 = vector.shape_cast %reduce_min3A_531 : vector<512xf32> to vector<512x1xf32>
    %eq3A_533 = vector.broadcast %broadcast_in_dim3A_532 : vector<512x1xf32> to vector<512x512xf32>
    %eq3A_534 = arith.cmpf oeq, %select_n3A_529, %eq3A_533 : vector<512x512xf32>
    %jit3A_535 = arith.constant 512 : i32
    %broadcast_in_dim3A_536 = vector.broadcast %jit3A_535 : i32 to vector<512x512xi32>
    %select_n3A_537 = arith.select %eq3A_534, %iota3A, %broadcast_in_dim3A_536 : vector<512x512xi1>, vector<512x512xi32>
    %reduce_min3A_538 = arith.constant dense<2147483647> : vector<512xi32>
    %reduce_min3A_539 = vector.multi_reduction <minsi>, %select_n3A_537, %reduce_min3A_538 [1] : vector<512x512xi32> to vector<512xi32>
    %broadcast_in_dim3A_540 = vector.shape_cast %reduce_min3A_539 : vector<512xi32> to vector<512x1xi32>
    %eq3A_541 = vector.broadcast %broadcast_in_dim3A_540 : vector<512x1xi32> to vector<512x512xi32>
    %eq3A_542 = arith.cmpi eq, %iota3A, %eq3A_541 : vector<512x512xi32>
    %jit3A_543 = arith.constant 0x7F800000 : f32
    %broadcast_in_dim3A_544 = vector.broadcast %jit3A_543 : f32 to vector<512x512xf32>
    %select_n3A_545 = arith.select %eq3A_542, %broadcast_in_dim3A_544, %select_n3A_529 : vector<512x512xi1>, vector<512x512xf32>
    %reduce_min3A_546 = arith.constant dense<0x7F800000> : vector<512xf32>
    %reduce_min3A_547 = vector.multi_reduction <minimumf>, %select_n3A_545, %reduce_min3A_546 [1] : vector<512x512xf32> to vector<512xf32>
    %broadcast_in_dim3A_548 = vector.shape_cast %reduce_min3A_547 : vector<512xf32> to vector<512x1xf32>
    %eq3A_549 = vector.broadcast %broadcast_in_dim3A_548 : vector<512x1xf32> to vector<512x512xf32>
    %eq3A_550 = arith.cmpf oeq, %select_n3A_545, %eq3A_549 : vector<512x512xf32>
    %jit3A_551 = arith.constant 512 : i32
    %broadcast_in_dim3A_552 = vector.broadcast %jit3A_551 : i32 to vector<512x512xi32>
    %select_n3A_553 = arith.select %eq3A_550, %iota3A, %broadcast_in_dim3A_552 : vector<512x512xi1>, vector<512x512xi32>
    %reduce_min3A_554 = arith.constant dense<2147483647> : vector<512xi32>
    %reduce_min3A_555 = vector.multi_reduction <minsi>, %select_n3A_553, %reduce_min3A_554 [1] : vector<512x512xi32> to vector<512xi32>
    %broadcast_in_dim3A_556 = vector.shape_cast %reduce_min3A_555 : vector<512xi32> to vector<512x1xi32>
    %eq3A_557 = vector.broadcast %broadcast_in_dim3A_556 : vector<512x1xi32> to vector<512x512xi32>
    %eq3A_558 = arith.cmpi eq, %iota3A, %eq3A_557 : vector<512x512xi32>
    %jit3A_559 = arith.constant 0x7F800000 : f32
    %broadcast_in_dim3A_560 = vector.broadcast %jit3A_559 : f32 to vector<512x512xf32>
    %select_n3A_561 = arith.select %eq3A_558, %broadcast_in_dim3A_560, %select_n3A_545 : vector<512x512xi1>, vector<512x512xf32>
    %reduce_min3A_562 = arith.constant dense<0x7F800000> : vector<512xf32>
    %reduce_min3A_563 = vector.multi_reduction <minimumf>, %select_n3A_561, %reduce_min3A_562 [1] : vector<512x512xf32> to vector<512xf32>
    %broadcast_in_dim3A_564 = vector.shape_cast %reduce_min3A_563 : vector<512xf32> to vector<512x1xf32>
    %eq3A_565 = vector.broadcast %broadcast_in_dim3A_564 : vector<512x1xf32> to vector<512x512xf32>
    %eq3A_566 = arith.cmpf oeq, %select_n3A_561, %eq3A_565 : vector<512x512xf32>
    %jit3A_567 = arith.constant 512 : i32
    %broadcast_in_dim3A_568 = vector.broadcast %jit3A_567 : i32 to vector<512x512xi32>
    %select_n3A_569 = arith.select %eq3A_566, %iota3A, %broadcast_in_dim3A_568 : vector<512x512xi1>, vector<512x512xi32>
    %reduce_min3A_570 = arith.constant dense<2147483647> : vector<512xi32>
    %reduce_min3A_571 = vector.multi_reduction <minsi>, %select_n3A_569, %reduce_min3A_570 [1] : vector<512x512xi32> to vector<512xi32>
    %broadcast_in_dim3A_572 = vector.shape_cast %reduce_min3A_571 : vector<512xi32> to vector<512x1xi32>
    %eq3A_573 = vector.broadcast %broadcast_in_dim3A_572 : vector<512x1xi32> to vector<512x512xi32>
    %eq3A_574 = arith.cmpi eq, %iota3A, %eq3A_573 : vector<512x512xi32>
    %jit3A_575 = arith.constant 0x7F800000 : f32
    %broadcast_in_dim3A_576 = vector.broadcast %jit3A_575 : f32 to vector<512x512xf32>
    %select_n3A_577 = arith.select %eq3A_574, %broadcast_in_dim3A_576, %select_n3A_561 : vector<512x512xi1>, vector<512x512xf32>
    %reduce_min3A_578 = arith.constant dense<0x7F800000> : vector<512xf32>
    %reduce_min3A_579 = vector.multi_reduction <minimumf>, %select_n3A_577, %reduce_min3A_578 [1] : vector<512x512xf32> to vector<512xf32>
    %broadcast_in_dim3A_580 = vector.shape_cast %reduce_min3A_579 : vector<512xf32> to vector<512x1xf32>
    %eq3A_581 = vector.broadcast %broadcast_in_dim3A_580 : vector<512x1xf32> to vector<512x512xf32>
    %eq3A_582 = arith.cmpf oeq, %select_n3A_577, %eq3A_581 : vector<512x512xf32>
    %jit3A_583 = arith.constant 512 : i32
    %broadcast_in_dim3A_584 = vector.broadcast %jit3A_583 : i32 to vector<512x512xi32>
    %select_n3A_585 = arith.select %eq3A_582, %iota3A, %broadcast_in_dim3A_584 : vector<512x512xi1>, vector<512x512xi32>
    %reduce_min3A_586 = arith.constant dense<2147483647> : vector<512xi32>
    %reduce_min3A_587 = vector.multi_reduction <minsi>, %select_n3A_585, %reduce_min3A_586 [1] : vector<512x512xi32> to vector<512xi32>
    %broadcast_in_dim3A_588 = vector.shape_cast %reduce_min3A_587 : vector<512xi32> to vector<512x1xi32>
    %eq3A_589 = vector.broadcast %broadcast_in_dim3A_588 : vector<512x1xi32> to vector<512x512xi32>
    %eq3A_590 = arith.cmpi eq, %iota3A, %eq3A_589 : vector<512x512xi32>
    %jit3A_591 = arith.constant 0x7F800000 : f32
    %broadcast_in_dim3A_592 = vector.broadcast %jit3A_591 : f32 to vector<512x512xf32>
    %select_n3A_593 = arith.select %eq3A_590, %broadcast_in_dim3A_592, %select_n3A_577 : vector<512x512xi1>, vector<512x512xf32>
    %reduce_min3A_594 = arith.constant dense<0x7F800000> : vector<512xf32>
    %reduce_min3A_595 = vector.multi_reduction <minimumf>, %select_n3A_593, %reduce_min3A_594 [1] : vector<512x512xf32> to vector<512xf32>
    %broadcast_in_dim3A_596 = vector.shape_cast %reduce_min3A_595 : vector<512xf32> to vector<512x1xf32>
    %eq3A_597 = vector.broadcast %broadcast_in_dim3A_596 : vector<512x1xf32> to vector<512x512xf32>
    %eq3A_598 = arith.cmpf oeq, %select_n3A_593, %eq3A_597 : vector<512x512xf32>
    %jit3A_599 = arith.constant 512 : i32
    %broadcast_in_dim3A_600 = vector.broadcast %jit3A_599 : i32 to vector<512x512xi32>
    %select_n3A_601 = arith.select %eq3A_598, %iota3A, %broadcast_in_dim3A_600 : vector<512x512xi1>, vector<512x512xi32>
    %reduce_min3A_602 = arith.constant dense<2147483647> : vector<512xi32>
    %reduce_min3A_603 = vector.multi_reduction <minsi>, %select_n3A_601, %reduce_min3A_602 [1] : vector<512x512xi32> to vector<512xi32>
    %broadcast_in_dim3A_604 = vector.shape_cast %reduce_min3A_603 : vector<512xi32> to vector<512x1xi32>
    %eq3A_605 = vector.broadcast %broadcast_in_dim3A_604 : vector<512x1xi32> to vector<512x512xi32>
    %eq3A_606 = arith.cmpi eq, %iota3A, %eq3A_605 : vector<512x512xi32>
    %jit3A_607 = arith.constant 0x7F800000 : f32
    %broadcast_in_dim3A_608 = vector.broadcast %jit3A_607 : f32 to vector<512x512xf32>
    %select_n3A_609 = arith.select %eq3A_606, %broadcast_in_dim3A_608, %select_n3A_593 : vector<512x512xi1>, vector<512x512xf32>
    %reduce_min3A_610 = arith.constant dense<0x7F800000> : vector<512xf32>
    %reduce_min3A_611 = vector.multi_reduction <minimumf>, %select_n3A_609, %reduce_min3A_610 [1] : vector<512x512xf32> to vector<512xf32>
    %broadcast_in_dim3A_612 = vector.shape_cast %reduce_min3A_611 : vector<512xf32> to vector<512x1xf32>
    %eq3A_613 = vector.broadcast %broadcast_in_dim3A_612 : vector<512x1xf32> to vector<512x512xf32>
    %eq3A_614 = arith.cmpf oeq, %select_n3A_609, %eq3A_613 : vector<512x512xf32>
    %jit3A_615 = arith.constant 512 : i32
    %broadcast_in_dim3A_616 = vector.broadcast %jit3A_615 : i32 to vector<512x512xi32>
    %select_n3A_617 = arith.select %eq3A_614, %iota3A, %broadcast_in_dim3A_616 : vector<512x512xi1>, vector<512x512xi32>
    %reduce_min3A_618 = arith.constant dense<2147483647> : vector<512xi32>
    %reduce_min3A_619 = vector.multi_reduction <minsi>, %select_n3A_617, %reduce_min3A_618 [1] : vector<512x512xi32> to vector<512xi32>
    %broadcast_in_dim3A_620 = vector.shape_cast %reduce_min3A_619 : vector<512xi32> to vector<512x1xi32>
    %concatenate3A_621 = tpu.concatenate %broadcast_in_dim3A_444, %broadcast_in_dim3A_460, %broadcast_in_dim3A_476, %broadcast_in_dim3A_492, %broadcast_in_dim3A_508, %broadcast_in_dim3A_524, %broadcast_in_dim3A_540, %broadcast_in_dim3A_556, %broadcast_in_dim3A_572, %broadcast_in_dim3A_588, %broadcast_in_dim3A_604, %broadcast_in_dim3A_620 in 1 : vector<512x1xi32>, vector<512x1xi32>, vector<512x1xi32>, vector<512x1xi32>, vector<512x1xi32>, vector<512x1xi32>, vector<512x1xi32>, vector<512x1xi32>, vector<512x1xi32>, vector<512x1xi32>, vector<512x1xi32>, vector<512x1xi32> -> vector<512x12xi32>
    %concatenate3A_622 = tpu.concatenate %broadcast_in_dim3A_436, %broadcast_in_dim3A_452, %broadcast_in_dim3A_468, %broadcast_in_dim3A_484, %broadcast_in_dim3A_500, %broadcast_in_dim3A_516, %broadcast_in_dim3A_532, %broadcast_in_dim3A_548, %broadcast_in_dim3A_564, %broadcast_in_dim3A_580, %broadcast_in_dim3A_596, %broadcast_in_dim3A_612 in 1 : vector<512x1xf32>, vector<512x1xf32>, vector<512x1xf32>, vector<512x1xf32>, vector<512x1xf32>, vector<512x1xf32>, vector<512x1xf32>, vector<512x1xf32>, vector<512x1xf32>, vector<512x1xf32>, vector<512x1xf32>, vector<512x1xf32> -> vector<512x12xf32>
    %max3A_623 = arith.constant 9.99999996E-13 : f32
    %max3A_624 = vector.broadcast %max3A_623 : f32 to vector<512x12xf32>
    %max3A_625 = arith.maximumf %concatenate3A_622, %max3A_624 : vector<512x12xf32>
    %sqrt3A_626 = math.sqrt %max3A_625 : vector<512x12xf32>
    %neg3A_627 = arith.constant 0.000000e+00 : f32
    %neg3A_628 = vector.broadcast %neg3A_627 : f32 to vector<512x12xf32>
    %neg3A_629 = arith.subf %neg3A_628, %sqrt3A_626 : vector<512x12xf32>
    %jit3A_630 = arith.constant 0xFF800000 : f32
    %broadcast_in_dim3A_631 = vector.shape_cast %lt3A_156 : vector<512x1xi1> to vector<512x1xi1>
    %broadcast_in_dim3A_632 = vector.broadcast %broadcast_in_dim3A_631 : vector<512x1xi1> to vector<512x12xi1>
    %broadcast_in_dim3A_633 = vector.broadcast %jit3A_630 : f32 to vector<512x12xf32>
    %select_n3A_634 = arith.select %broadcast_in_dim3A_632, %neg3A_629, %broadcast_in_dim3A_633 : vector<512x12xi1>, vector<512x12xf32>
    %reduce_max3A_635 = vector.shape_cast %select_n3A_634 : vector<512x12xf32> to vector<1x512x12xf32>
    %reduce_max3A_636 = arith.constant dense<0xFF800000> : vector<1xf32>
    %reduce_max3A_637 = vector.multi_reduction <maximumf>, %reduce_max3A_635, %reduce_max3A_636 [1, 2] : vector<1x512x12xf32> to vector<1xf32>
    %reduce_max3A_638 = vector.shape_cast %reduce_max3A_637 : vector<1xf32> to vector<1x1x1xf32>
    %reduce_max3A_639 = vector.extract %reduce_max3A_638[0, 0, 0] : f32 from vector<1x1x1xf32>
    %sub3A_640 = vector.broadcast %reduce_max3A_639 : f32 to vector<512x12xf32>
    %sub3A_641 = arith.subf %neg3A_629, %sub3A_640 : vector<512x12xf32>
    %exp3A_642 = math.exp %sub3A_641 : vector<512x12xf32>
    %jit3A_643 = arith.constant 0.000000e+00 : f32
    %broadcast_in_dim3A_644 = vector.shape_cast %lt3A_156 : vector<512x1xi1> to vector<512x1xi1>
    %broadcast_in_dim3A_645 = vector.broadcast %broadcast_in_dim3A_644 : vector<512x1xi1> to vector<512x12xi1>
    %broadcast_in_dim3A_646 = vector.broadcast %jit3A_643 : f32 to vector<512x12xf32>
    %select_n3A_647 = arith.select %broadcast_in_dim3A_645, %exp3A_642, %broadcast_in_dim3A_646 : vector<512x12xi1>, vector<512x12xf32>
    %reduce_sum3A_648 = vector.shape_cast %select_n3A_647 : vector<512x12xf32> to vector<1x512x12xf32>
    %reduce_sum3A_649 = arith.constant dense<0.000000e+00> : vector<1xf32>
    %reduce_sum3A_650 = vector.multi_reduction <add>, %reduce_sum3A_648, %reduce_sum3A_649 [1, 2] : vector<1x512x12xf32> to vector<1xf32>
    %reduce_sum3A_651 = vector.shape_cast %reduce_sum3A_650 : vector<1xf32> to vector<1x1x1xf32>
    %reduce_sum3A_652 = vector.extract %reduce_sum3A_651[0, 0, 0] : f32 from vector<1x1x1xf32>
    %div3A_653 = vector.broadcast %reduce_sum3A_652 : f32 to vector<512x12xf32>
    %div3A_654 = arith.divf %select_n3A_647, %div3A_653 : vector<512x12xf32>
    %broadcast_in_dim3A_655 = arith.constant 0.000000e+00 : f32
    %broadcast_in_dim3A_656 = vector.broadcast %broadcast_in_dim3A_655 : f32 to vector<512x4xf32>
    %swap3A_657 = arith.constant 0 : index
    %swap3A_658 = arith.constant 0 : index
    %swap3A_659 = vector.load %arg16[%swap3A_657, %swap3A_658] : memref<512x12xi32, #tpu.memory_space<vmem>>, vector<512x12xi32>
    tpu.vector_store %arg16[%swap3A_657, %swap3A_658], %concatenate3A_621 {strides = array<i32>} : memref<512x12xi32, #tpu.memory_space<vmem>>, vector<512x12xi32>,
    %concatenate3A_660 = tpu.concatenate %div3A_654, %broadcast_in_dim3A_656 in 1 : vector<512x12xf32>, vector<512x4xf32> -> vector<512x16xf32>
    %swap3A_661 = arith.constant 0 : index
    %swap3A_662 = arith.constant 0 : index
    %swap3A_663 = vector.load %arg17[%swap3A_661, %swap3A_662] : memref<512x16xf32, #tpu.memory_space<vmem>>, vector<512x16xf32>
    tpu.vector_store %arg17[%swap3A_661, %swap3A_662], %concatenate3A_660 {strides = array<i32>} : memref<512x16xf32, #tpu.memory_space<vmem>>, vector<512x16xf32>,
    %broadcast_in_dim3A_664 = arith.constant 0.000000e+00 : f32
    %broadcast_in_dim3A_665 = vector.broadcast %broadcast_in_dim3A_664 : f32 to vector<512x512xf32>
    %slice3A_666 = vector.extract_strided_slice %concatenate3A_19 {offsets = [0, 0], sizes = [512, 1], strides = [1, 1]} : vector<512x3xf32> to vector<512x1xf32>
    %slice3A_667 = vector.extract_strided_slice %transpose3A_27 {offsets = [0, 0], sizes = [1, 512], strides = [1, 1]} : vector<3x512xf32> to vector<1x512xf32>
    %sub3A_668 = vector.broadcast %slice3A_666 : vector<512x1xf32> to vector<512x512xf32>
    %sub3A_669 = vector.broadcast %slice3A_667 : vector<1x512xf32> to vector<512x512xf32>
    %sub3A_670 = arith.subf %sub3A_668, %sub3A_669 : vector<512x512xf32>
    %mul3A_671 = arith.mulf %sub3A_670, %sub3A_670 : vector<512x512xf32>
    %add3A_672 = arith.addf %broadcast_in_dim3A_665, %mul3A_671 : vector<512x512xf32>
    %slice3A_673 = vector.extract_strided_slice %concatenate3A_19 {offsets = [0, 1], sizes = [512, 1], strides = [1, 1]} : vector<512x3xf32> to vector<512x1xf32>
    %slice3A_674 = vector.extract_strided_slice %transpose3A_27 {offsets = [1, 0], sizes = [1, 512], strides = [1, 1]} : vector<3x512xf32> to vector<1x512xf32>
    %sub3A_675 = vector.broadcast %slice3A_673 : vector<512x1xf32> to vector<512x512xf32>
    %sub3A_676 = vector.broadcast %slice3A_674 : vector<1x512xf32> to vector<512x512xf32>
    %sub3A_677 = arith.subf %sub3A_675, %sub3A_676 : vector<512x512xf32>
    %mul3A_678 = arith.mulf %sub3A_677, %sub3A_677 : vector<512x512xf32>
    %add3A_679 = arith.addf %add3A_672, %mul3A_678 : vector<512x512xf32>
    %slice3A_680 = vector.extract_strided_slice %concatenate3A_19 {offsets = [0, 2], sizes = [512, 1], strides = [1, 1]} : vector<512x3xf32> to vector<512x1xf32>
    %slice3A_681 = vector.extract_strided_slice %transpose3A_27 {offsets = [2, 0], sizes = [1, 512], strides = [1, 1]} : vector<3x512xf32> to vector<1x512xf32>
    %sub3A_682 = vector.broadcast %slice3A_680 : vector<512x1xf32> to vector<512x512xf32>
    %sub3A_683 = vector.broadcast %slice3A_681 : vector<1x512xf32> to vector<512x512xf32>
    %sub3A_684 = arith.subf %sub3A_682, %sub3A_683 : vector<512x512xf32>
    %mul3A_685 = arith.mulf %sub3A_684, %sub3A_684 : vector<512x512xf32>
    %add3A_686 = arith.addf %add3A_679, %mul3A_685 : vector<512x512xf32>
    %ge3A_687 = arith.constant 500 : i32
    %ge3A_688 = vector.broadcast %ge3A_687 : i32 to vector<512x512xi32>
    %ge3A_689 = arith.cmpi sge, %iota3A_153, %ge3A_688 : vector<512x512xi32>
    %jit3A_690 = arith.constant 0x7F800000 : f32
    %broadcast_in_dim3A_691 = vector.broadcast %jit3A_690 : f32 to vector<512x512xf32>
    %select_n3A_692 = arith.select %ge3A_689, %broadcast_in_dim3A_691, %add3A_686 : vector<512x512xi1>, vector<512x512xf32>
    %reduce_min3A_693 = arith.constant dense<0x7F800000> : vector<512xf32>
    %reduce_min3A_694 = vector.multi_reduction <minimumf>, %select_n3A_692, %reduce_min3A_693 [0] : vector<512x512xf32> to vector<512xf32>
    %broadcast_in_dim3A_695 = vector.shape_cast %reduce_min3A_694 : vector<512xf32> to vector<1x512xf32>
    %eq3A_696 = vector.broadcast %broadcast_in_dim3A_695 : vector<1x512xf32> to vector<512x512xf32>
    %eq3A_697 = arith.cmpf oeq, %select_n3A_692, %eq3A_696 : vector<512x512xf32>
    %jit3A_698 = arith.constant 512 : i32
    %broadcast_in_dim3A_699 = vector.broadcast %jit3A_698 : i32 to vector<512x512xi32>
    %select_n3A_700 = arith.select %eq3A_697, %iota3A_153, %broadcast_in_dim3A_699 : vector<512x512xi1>, vector<512x512xi32>
    %reduce_min3A_701 = arith.constant dense<2147483647> : vector<512xi32>
    %reduce_min3A_702 = vector.multi_reduction <minsi>, %select_n3A_700, %reduce_min3A_701 [0] : vector<512x512xi32> to vector<512xi32>
    %broadcast_in_dim3A_703 = vector.shape_cast %reduce_min3A_702 : vector<512xi32> to vector<1x512xi32>
    %eq3A_704 = vector.broadcast %broadcast_in_dim3A_703 : vector<1x512xi32> to vector<512x512xi32>
    %eq3A_705 = arith.cmpi eq, %iota3A_153, %eq3A_704 : vector<512x512xi32>
    %jit3A_706 = arith.constant 0x7F800000 : f32
    %broadcast_in_dim3A_707 = vector.broadcast %jit3A_706 : f32 to vector<512x512xf32>
    %select_n3A_708 = arith.select %eq3A_705, %broadcast_in_dim3A_707, %select_n3A_692 : vector<512x512xi1>, vector<512x512xf32>
    %reduce_min3A_709 = arith.constant dense<0x7F800000> : vector<512xf32>
    %reduce_min3A_710 = vector.multi_reduction <minimumf>, %select_n3A_708, %reduce_min3A_709 [0] : vector<512x512xf32> to vector<512xf32>
    %broadcast_in_dim3A_711 = vector.shape_cast %reduce_min3A_710 : vector<512xf32> to vector<1x512xf32>
    %eq3A_712 = vector.broadcast %broadcast_in_dim3A_711 : vector<1x512xf32> to vector<512x512xf32>
    %eq3A_713 = arith.cmpf oeq, %select_n3A_708, %eq3A_712 : vector<512x512xf32>
    %jit3A_714 = arith.constant 512 : i32
    %broadcast_in_dim3A_715 = vector.broadcast %jit3A_714 : i32 to vector<512x512xi32>
    %select_n3A_716 = arith.select %eq3A_713, %iota3A_153, %broadcast_in_dim3A_715 : vector<512x512xi1>, vector<512x512xi32>
    %reduce_min3A_717 = arith.constant dense<2147483647> : vector<512xi32>
    %reduce_min3A_718 = vector.multi_reduction <minsi>, %select_n3A_716, %reduce_min3A_717 [0] : vector<512x512xi32> to vector<512xi32>
    %broadcast_in_dim3A_719 = vector.shape_cast %reduce_min3A_718 : vector<512xi32> to vector<1x512xi32>
    %eq3A_720 = vector.broadcast %broadcast_in_dim3A_719 : vector<1x512xi32> to vector<512x512xi32>
    %eq3A_721 = arith.cmpi eq, %iota3A_153, %eq3A_720 : vector<512x512xi32>
    %jit3A_722 = arith.constant 0x7F800000 : f32
    %broadcast_in_dim3A_723 = vector.broadcast %jit3A_722 : f32 to vector<512x512xf32>
    %select_n3A_724 = arith.select %eq3A_721, %broadcast_in_dim3A_723, %select_n3A_708 : vector<512x512xi1>, vector<512x512xf32>
    %reduce_min3A_725 = arith.constant dense<0x7F800000> : vector<512xf32>
    %reduce_min3A_726 = vector.multi_reduction <minimumf>, %select_n3A_724, %reduce_min3A_725 [0] : vector<512x512xf32> to vector<512xf32>
    %broadcast_in_dim3A_727 = vector.shape_cast %reduce_min3A_726 : vector<512xf32> to vector<1x512xf32>
    %eq3A_728 = vector.broadcast %broadcast_in_dim3A_727 : vector<1x512xf32> to vector<512x512xf32>
    %eq3A_729 = arith.cmpf oeq, %select_n3A_724, %eq3A_728 : vector<512x512xf32>
    %jit3A_730 = arith.constant 512 : i32
    %broadcast_in_dim3A_731 = vector.broadcast %jit3A_730 : i32 to vector<512x512xi32>
    %select_n3A_732 = arith.select %eq3A_729, %iota3A_153, %broadcast_in_dim3A_731 : vector<512x512xi1>, vector<512x512xi32>
    %reduce_min3A_733 = arith.constant dense<2147483647> : vector<512xi32>
    %reduce_min3A_734 = vector.multi_reduction <minsi>, %select_n3A_732, %reduce_min3A_733 [0] : vector<512x512xi32> to vector<512xi32>
    %broadcast_in_dim3A_735 = vector.shape_cast %reduce_min3A_734 : vector<512xi32> to vector<1x512xi32>
    %eq3A_736 = vector.broadcast %broadcast_in_dim3A_735 : vector<1x512xi32> to vector<512x512xi32>
    %eq3A_737 = arith.cmpi eq, %iota3A_153, %eq3A_736 : vector<512x512xi32>
    %jit3A_738 = arith.constant 0x7F800000 : f32
    %broadcast_in_dim3A_739 = vector.broadcast %jit3A_738 : f32 to vector<512x512xf32>
    %select_n3A_740 = arith.select %eq3A_737, %broadcast_in_dim3A_739, %select_n3A_724 : vector<512x512xi1>, vector<512x512xf32>
    %reduce_min3A_741 = arith.constant dense<0x7F800000> : vector<512xf32>
    %reduce_min3A_742 = vector.multi_reduction <minimumf>, %select_n3A_740, %reduce_min3A_741 [0] : vector<512x512xf32> to vector<512xf32>
    %broadcast_in_dim3A_743 = vector.shape_cast %reduce_min3A_742 : vector<512xf32> to vector<1x512xf32>
    %eq3A_744 = vector.broadcast %broadcast_in_dim3A_743 : vector<1x512xf32> to vector<512x512xf32>
    %eq3A_745 = arith.cmpf oeq, %select_n3A_740, %eq3A_744 : vector<512x512xf32>
    %jit3A_746 = arith.constant 512 : i32
    %broadcast_in_dim3A_747 = vector.broadcast %jit3A_746 : i32 to vector<512x512xi32>
    %select_n3A_748 = arith.select %eq3A_745, %iota3A_153, %broadcast_in_dim3A_747 : vector<512x512xi1>, vector<512x512xi32>
    %reduce_min3A_749 = arith.constant dense<2147483647> : vector<512xi32>
    %reduce_min3A_750 = vector.multi_reduction <minsi>, %select_n3A_748, %reduce_min3A_749 [0] : vector<512x512xi32> to vector<512xi32>
    %broadcast_in_dim3A_751 = vector.shape_cast %reduce_min3A_750 : vector<512xi32> to vector<1x512xi32>
    %concatenate3A_752 = tpu.concatenate %broadcast_in_dim3A_703, %broadcast_in_dim3A_719, %broadcast_in_dim3A_735, %broadcast_in_dim3A_751 in 0 : vector<1x512xi32>, vector<1x512xi32>, vector<1x512xi32>, vector<1x512xi32> -> vector<4x512xi32>
    %swap3A_753 = arith.constant 0 : index
    %swap3A_754 = arith.constant 0 : index
    %swap3A_755 = vector.load %arg18[%swap3A_753, %swap3A_754] : memref<4x512xi32, #tpu.memory_space<vmem>>, vector<4x512xi32>
    tpu.vector_store %arg18[%swap3A_753, %swap3A_754], %concatenate3A_752 {strides = array<i32>} : memref<4x512xi32, #tpu.memory_space<vmem>>, vector<4x512xi32>,
    return
  }
}

module attributes {stable_mosaic.version = 14 : i64} {
  func.func @_stage_e_body(%arg0: memref<2x512x128xf32, #tpu.memory_space<vmem>>, %arg1: memref<2x512x128xf32, #tpu.memory_space<vmem>>, %arg2: memref<1x160x500xf32, #tpu.memory_space<vmem>>, %arg3: memref<1x160x500xf32, #tpu.memory_space<vmem>>, %arg4: memref<4x512xi32, #tpu.memory_space<vmem>>, %arg5: memref<64x256xf32, #tpu.memory_space<vmem>>, %arg6: memref<1x64xf32, #tpu.memory_space<vmem>>, %arg7: memref<64x256xf32, #tpu.memory_space<vmem>>, %arg8: memref<1x64xf32, #tpu.memory_space<vmem>>, %arg9: memref<160x128xf32, #tpu.memory_space<vmem>>, %arg10: memref<1x160xf32, #tpu.memory_space<vmem>>, %arg11: memref<256x160xf32, #tpu.memory_space<vmem>>, %arg12: memref<1x256xf32, #tpu.memory_space<vmem>>, %arg13: memref<1024x256xf32, #tpu.memory_space<vmem>>, %arg14: memref<1x1024xf32, #tpu.memory_space<vmem>>, %arg15: memref<160x1024xf32, #tpu.memory_space<vmem>>, %arg16: memref<1x160xf32, #tpu.memory_space<vmem>>, %arg17: memref<160x500xf32, #tpu.memory_space<vmem>>) attributes {dimension_semantics = [], scalar_prefetch = 0 : i64, scratch_operands = 0 : i64, tpu.core_type = #tpu.core_type<tc>} {
    %get3A = arith.constant 0 : index
    %get3A_0 = arith.constant 0 : index
    %get3A_1 = arith.constant 0 : index
    %get3A_2 = vector.load %arg0[%get3A, %get3A_0, %get3A_1] : memref<2x512x128xf32, #tpu.memory_space<vmem>>, vector<1x512x128xf32>
    %get3A_3 = vector.shape_cast %get3A_2 : vector<1x512x128xf32> to vector<512x128xf32>
    %get3A_4 = arith.constant 1 : index
    %get3A_5 = arith.constant 0 : index
    %get3A_6 = arith.constant 0 : index
    %get3A_7 = vector.load %arg1[%get3A_4, %get3A_5, %get3A_6] : memref<2x512x128xf32, #tpu.memory_space<vmem>>, vector<1x512x128xf32>
    %get3A_8 = vector.shape_cast %get3A_7 : vector<1x512x128xf32> to vector<512x128xf32>
    %concatenate3A = tpu.concatenate %get3A_3, %get3A_8 in 1 : vector<512x128xf32>, vector<512x128xf32> -> vector<512x256xf32>
    %get3A_9 = arith.constant 0 : index
    %get3A_10 = arith.constant 0 : index
    %get3A_11 = vector.load %arg5[%get3A_9, %get3A_10] : memref<64x256xf32, #tpu.memory_space<vmem>>, vector<64x256xf32>
    %dot_general3A = arith.constant dense<0.000000e+00> : vector<512x64xf32>
    %dot_general3A_12 = tpu.matmul %concatenate3A, %get3A_11, %dot_general3A {dimension_numbers = #tpu.dot_dimension_numbers<[1], [1], [0], [0], [0, 0, 1, 0], [], []>, transpose_lhs_hint = false} : vector<512x256xf32>, vector<64x256xf32>, vector<512x64xf32> -> vector<512x64xf32>
    %get3A_13 = arith.constant 0 : index
    %get3A_14 = arith.constant 0 : index
    %get3A_15 = vector.load %arg6[%get3A_13, %get3A_14] : memref<1x64xf32, #tpu.memory_space<vmem>>, vector<1x64xf32>
    %add3A = vector.broadcast %get3A_15 : vector<1x64xf32> to vector<512x64xf32>
    %add3A_16 = arith.addf %dot_general3A_12, %add3A : vector<512x64xf32>
    %get3A_17 = arith.constant 1 : index
    %get3A_18 = arith.constant 0 : index
    %get3A_19 = arith.constant 0 : index
    %get3A_20 = vector.load %arg0[%get3A_17, %get3A_18, %get3A_19] : memref<2x512x128xf32, #tpu.memory_space<vmem>>, vector<1x512x128xf32>
    %get3A_21 = vector.shape_cast %get3A_20 : vector<1x512x128xf32> to vector<512x128xf32>
    %get3A_22 = arith.constant 0 : index
    %get3A_23 = arith.constant 0 : index
    %get3A_24 = arith.constant 0 : index
    %get3A_25 = vector.load %arg1[%get3A_22, %get3A_23, %get3A_24] : memref<2x512x128xf32, #tpu.memory_space<vmem>>, vector<1x512x128xf32>
    %get3A_26 = vector.shape_cast %get3A_25 : vector<1x512x128xf32> to vector<512x128xf32>
    %concatenate3A_27 = tpu.concatenate %get3A_21, %get3A_26 in 1 : vector<512x128xf32>, vector<512x128xf32> -> vector<512x256xf32>
    %get3A_28 = arith.constant 0 : index
    %get3A_29 = arith.constant 0 : index
    %get3A_30 = vector.load %arg7[%get3A_28, %get3A_29] : memref<64x256xf32, #tpu.memory_space<vmem>>, vector<64x256xf32>
    %dot_general3A_31 = arith.constant dense<0.000000e+00> : vector<512x64xf32>
    %dot_general3A_32 = tpu.matmul %concatenate3A_27, %get3A_30, %dot_general3A_31 {dimension_numbers = #tpu.dot_dimension_numbers<[1], [1], [0], [0], [0, 0, 1, 0], [], []>, transpose_lhs_hint = false} : vector<512x256xf32>, vector<64x256xf32>, vector<512x64xf32> -> vector<512x64xf32>
    %get3A_33 = arith.constant 0 : index
    %get3A_34 = arith.constant 0 : index
    %get3A_35 = vector.load %arg8[%get3A_33, %get3A_34] : memref<1x64xf32, #tpu.memory_space<vmem>>, vector<1x64xf32>
    %add3A_36 = vector.broadcast %get3A_35 : vector<1x64xf32> to vector<512x64xf32>
    %add3A_37 = arith.addf %dot_general3A_32, %add3A_36 : vector<512x64xf32>
    %concatenate3A_38 = tpu.concatenate %add3A_37, %add3A_16 in 1 : vector<512x64xf32>, vector<512x64xf32> -> vector<512x128xf32>
    %get3A_39 = arith.constant 0 : index
    %get3A_40 = arith.constant 0 : index
    %get3A_41 = vector.load %arg9[%get3A_39, %get3A_40] : memref<160x128xf32, #tpu.memory_space<vmem>>, vector<160x128xf32>
    %dot_general3A_42 = arith.constant dense<0.000000e+00> : vector<512x160xf32>
    %dot_general3A_43 = tpu.matmul %concatenate3A_38, %get3A_41, %dot_general3A_42 {dimension_numbers = #tpu.dot_dimension_numbers<[1], [1], [0], [0], [0, 0, 1, 0], [], []>, transpose_lhs_hint = false} : vector<512x128xf32>, vector<160x128xf32>, vector<512x160xf32> -> vector<512x160xf32>
    %get3A_44 = arith.constant 0 : index
    %get3A_45 = arith.constant 0 : index
    %get3A_46 = vector.load %arg10[%get3A_44, %get3A_45] : memref<1x160xf32, #tpu.memory_space<vmem>>, vector<1x160xf32>
    %add3A_47 = vector.broadcast %get3A_46 : vector<1x160xf32> to vector<512x160xf32>
    %add3A_48 = arith.addf %dot_general3A_43, %add3A_47 : vector<512x160xf32>
    %get3A_49 = arith.constant 0 : index
    %get3A_50 = arith.constant 0 : index
    %get3A_51 = vector.load %arg11[%get3A_49, %get3A_50] : memref<256x160xf32, #tpu.memory_space<vmem>>, vector<256x160xf32>
    %dot_general3A_52 = arith.constant dense<0.000000e+00> : vector<512x256xf32>
    %dot_general3A_53 = tpu.matmul %add3A_48, %get3A_51, %dot_general3A_52 {dimension_numbers = #tpu.dot_dimension_numbers<[1], [1], [0], [0], [0, 0, 1, 0], [], []>, transpose_lhs_hint = false} : vector<512x160xf32>, vector<256x160xf32>, vector<512x256xf32> -> vector<512x256xf32>
    %get3A_54 = arith.constant 0 : index
    %get3A_55 = arith.constant 0 : index
    %get3A_56 = vector.load %arg12[%get3A_54, %get3A_55] : memref<1x256xf32, #tpu.memory_space<vmem>>, vector<1x256xf32>
    %add3A_57 = vector.broadcast %get3A_56 : vector<1x256xf32> to vector<512x256xf32>
    %add3A_58 = arith.addf %dot_general3A_53, %add3A_57 : vector<512x256xf32>
    %get3A_59 = arith.constant 0 : index
    %get3A_60 = arith.constant 0 : index
    %get3A_61 = vector.load %arg13[%get3A_59, %get3A_60] : memref<1024x256xf32, #tpu.memory_space<vmem>>, vector<1024x256xf32>
    %dot_general3A_62 = arith.constant dense<0.000000e+00> : vector<512x1024xf32>
    %dot_general3A_63 = tpu.matmul %add3A_58, %get3A_61, %dot_general3A_62 {dimension_numbers = #tpu.dot_dimension_numbers<[1], [1], [0], [0], [0, 0, 1, 0], [], []>, transpose_lhs_hint = false} : vector<512x256xf32>, vector<1024x256xf32>, vector<512x1024xf32> -> vector<512x1024xf32>
    %get3A_64 = arith.constant 0 : index
    %get3A_65 = arith.constant 0 : index
    %get3A_66 = vector.load %arg14[%get3A_64, %get3A_65] : memref<1x1024xf32, #tpu.memory_space<vmem>>, vector<1x1024xf32>
    %add3A_67 = vector.broadcast %get3A_66 : vector<1x1024xf32> to vector<512x1024xf32>
    %add3A_68 = arith.addf %dot_general3A_63, %add3A_67 : vector<512x1024xf32>
    %jit3A = arith.constant 0.00999999977 : f32
    %ge3A = arith.constant 0.000000e+00 : f32
    %ge3A_69 = vector.broadcast %ge3A : f32 to vector<512x1024xf32>
    %ge3A_70 = arith.cmpf oge, %add3A_68, %ge3A_69 : vector<512x1024xf32>
    %mul3A = vector.broadcast %jit3A : f32 to vector<512x1024xf32>
    %mul3A_71 = arith.mulf %mul3A, %add3A_68 : vector<512x1024xf32>
    %select_n3A = arith.select %ge3A_70, %add3A_68, %mul3A_71 : vector<512x1024xi1>, vector<512x1024xf32>
    %get3A_72 = arith.constant 0 : index
    %get3A_73 = arith.constant 0 : index
    %get3A_74 = vector.load %arg15[%get3A_72, %get3A_73] : memref<160x1024xf32, #tpu.memory_space<vmem>>, vector<160x1024xf32>
    %dot_general3A_75 = arith.constant dense<0.000000e+00> : vector<512x160xf32>
    %dot_general3A_76 = tpu.matmul %select_n3A, %get3A_74, %dot_general3A_75 {dimension_numbers = #tpu.dot_dimension_numbers<[1], [1], [0], [0], [0, 0, 1, 0], [], []>, transpose_lhs_hint = false} : vector<512x1024xf32>, vector<160x1024xf32>, vector<512x160xf32> -> vector<512x160xf32>
    %get3A_77 = arith.constant 0 : index
    %get3A_78 = arith.constant 0 : index
    %get3A_79 = vector.load %arg16[%get3A_77, %get3A_78] : memref<1x160xf32, #tpu.memory_space<vmem>>, vector<1x160xf32>
    %add3A_80 = vector.broadcast %get3A_79 : vector<1x160xf32> to vector<512x160xf32>
    %add3A_81 = arith.addf %dot_general3A_76, %add3A_80 : vector<512x160xf32>
    %transpose3A = tpu.transpose %add3A_81, [1, 0] : vector<512x160xf32> -> vector<160x512xf32>
    %get3A_82 = arith.constant 0 : index
    %get3A_83 = arith.constant 0 : index
    %get3A_84 = arith.constant 0 : index
    %get3A_85 = vector.load %arg2[%get3A_82, %get3A_83, %get3A_84] : memref<1x160x500xf32, #tpu.memory_space<vmem>>, vector<1x160x500xf32>
    %get3A_86 = vector.shape_cast %get3A_85 : vector<1x160x500xf32> to vector<160x500xf32>
    %slice3A = vector.extract_strided_slice %transpose3A {offsets = [0, 0], sizes = [160, 500], strides = [1, 1]} : vector<160x512xf32> to vector<160x500xf32>
    %mul3A_87 = arith.mulf %get3A_86, %slice3A : vector<160x500xf32>
    %broadcast_in_dim3A = arith.constant 0.000000e+00 : f32
    %broadcast_in_dim3A_88 = vector.broadcast %broadcast_in_dim3A : f32 to vector<160x12xf32>
    %concatenate3A_89 = tpu.concatenate %mul3A_87, %broadcast_in_dim3A_88 in 1 : vector<160x500xf32>, vector<160x12xf32> -> vector<160x512xf32>
    %iota3A = tpu.iota {dimensions = array<i32: 0>} : vector<512x512xi32>
    %get3A_90 = arith.constant 0 : index
    %get3A_91 = arith.constant 0 : index
    %get3A_92 = vector.load %arg4[%get3A_90, %get3A_91] : memref<4x512xi32, #tpu.memory_space<vmem>>, vector<4x512xi32>
    %broadcast_in_dim3A_93 = arith.constant 0.000000e+00 : f32
    %broadcast_in_dim3A_94 = vector.broadcast %broadcast_in_dim3A_93 : f32 to vector<512x512xf32>
    %slice3A_95 = vector.extract_strided_slice %get3A_92 {offsets = [0, 0], sizes = [1, 512], strides = [1, 1]} : vector<4x512xi32> to vector<1x512xi32>
    %eq3A = vector.broadcast %slice3A_95 : vector<1x512xi32> to vector<512x512xi32>
    %eq3A_96 = arith.cmpi eq, %iota3A, %eq3A : vector<512x512xi32>
    %jit3A_97 = arith.constant 1.000000e+00 : f32
    %jit3A_98 = arith.constant 0.000000e+00 : f32
    %broadcast_in_dim3A_99 = vector.broadcast %jit3A_97 : f32 to vector<512x512xf32>
    %broadcast_in_dim3A_100 = vector.broadcast %jit3A_98 : f32 to vector<512x512xf32>
    %select_n3A_101 = arith.select %eq3A_96, %broadcast_in_dim3A_99, %broadcast_in_dim3A_100 : vector<512x512xi1>, vector<512x512xf32>
    %add3A_102 = arith.addf %broadcast_in_dim3A_94, %select_n3A_101 : vector<512x512xf32>
    %slice3A_103 = vector.extract_strided_slice %get3A_92 {offsets = [1, 0], sizes = [1, 512], strides = [1, 1]} : vector<4x512xi32> to vector<1x512xi32>
    %eq3A_104 = vector.broadcast %slice3A_103 : vector<1x512xi32> to vector<512x512xi32>
    %eq3A_105 = arith.cmpi eq, %iota3A, %eq3A_104 : vector<512x512xi32>
    %jit3A_106 = arith.constant 1.000000e+00 : f32
    %jit3A_107 = arith.constant 0.000000e+00 : f32
    %broadcast_in_dim3A_108 = vector.broadcast %jit3A_106 : f32 to vector<512x512xf32>
    %broadcast_in_dim3A_109 = vector.broadcast %jit3A_107 : f32 to vector<512x512xf32>
    %select_n3A_110 = arith.select %eq3A_105, %broadcast_in_dim3A_108, %broadcast_in_dim3A_109 : vector<512x512xi1>, vector<512x512xf32>
    %add3A_111 = arith.addf %add3A_102, %select_n3A_110 : vector<512x512xf32>
    %slice3A_112 = vector.extract_strided_slice %get3A_92 {offsets = [2, 0], sizes = [1, 512], strides = [1, 1]} : vector<4x512xi32> to vector<1x512xi32>
    %eq3A_113 = vector.broadcast %slice3A_112 : vector<1x512xi32> to vector<512x512xi32>
    %eq3A_114 = arith.cmpi eq, %iota3A, %eq3A_113 : vector<512x512xi32>
    %jit3A_115 = arith.constant 1.000000e+00 : f32
    %jit3A_116 = arith.constant 0.000000e+00 : f32
    %broadcast_in_dim3A_117 = vector.broadcast %jit3A_115 : f32 to vector<512x512xf32>
    %broadcast_in_dim3A_118 = vector.broadcast %jit3A_116 : f32 to vector<512x512xf32>
    %select_n3A_119 = arith.select %eq3A_114, %broadcast_in_dim3A_117, %broadcast_in_dim3A_118 : vector<512x512xi1>, vector<512x512xf32>
    %add3A_120 = arith.addf %add3A_111, %select_n3A_119 : vector<512x512xf32>
    %slice3A_121 = vector.extract_strided_slice %get3A_92 {offsets = [3, 0], sizes = [1, 512], strides = [1, 1]} : vector<4x512xi32> to vector<1x512xi32>
    %eq3A_122 = vector.broadcast %slice3A_121 : vector<1x512xi32> to vector<512x512xi32>
    %eq3A_123 = arith.cmpi eq, %iota3A, %eq3A_122 : vector<512x512xi32>
    %jit3A_124 = arith.constant 1.000000e+00 : f32
    %jit3A_125 = arith.constant 0.000000e+00 : f32
    %broadcast_in_dim3A_126 = vector.broadcast %jit3A_124 : f32 to vector<512x512xf32>
    %broadcast_in_dim3A_127 = vector.broadcast %jit3A_125 : f32 to vector<512x512xf32>
    %select_n3A_128 = arith.select %eq3A_123, %broadcast_in_dim3A_126, %broadcast_in_dim3A_127 : vector<512x512xi1>, vector<512x512xf32>
    %add3A_129 = arith.addf %add3A_120, %select_n3A_128 : vector<512x512xf32>
    %dot_general3A_130 = arith.constant dense<0.000000e+00> : vector<160x512xf32>
    %dot_general3A_131 = tpu.matmul %concatenate3A_89, %add3A_129, %dot_general3A_130 {dimension_numbers = #tpu.dot_dimension_numbers<[1], [0], [0], [1], [0, 0, 1, 1], [], []>, transpose_lhs_hint = false} : vector<160x512xf32>, vector<512x512xf32>, vector<160x512xf32> -> vector<160x512xf32>
    %get3A_132 = arith.constant 0 : index
    %get3A_133 = arith.constant 0 : index
    %get3A_134 = arith.constant 0 : index
    %get3A_135 = vector.load %arg3[%get3A_132, %get3A_133, %get3A_134] : memref<1x160x500xf32, #tpu.memory_space<vmem>>, vector<1x160x500xf32>
    %get3A_136 = vector.shape_cast %get3A_135 : vector<1x160x500xf32> to vector<160x500xf32>
    %slice3A_137 = vector.extract_strided_slice %dot_general3A_131 {offsets = [0, 0], sizes = [160, 500], strides = [1, 1]} : vector<160x512xf32> to vector<160x500xf32>
    %mul3A_138 = arith.constant 2.500000e-01 : f32
    %mul3A_139 = vector.broadcast %mul3A_138 : f32 to vector<160x500xf32>
    %mul3A_140 = arith.mulf %mul3A_139, %slice3A_137 : vector<160x500xf32>
    %add3A_141 = arith.addf %get3A_136, %mul3A_140 : vector<160x500xf32>
    %swap3A = arith.constant 0 : index
    %swap3A_142 = arith.constant 0 : index
    %swap3A_143 = vector.load %arg17[%swap3A, %swap3A_142] : memref<160x500xf32, #tpu.memory_space<vmem>>, vector<160x500xf32>
    tpu.vector_store %arg17[%swap3A, %swap3A_142], %add3A_141 {strides = array<i32>} : memref<160x500xf32, #tpu.memory_space<vmem>>, vector<160x500xf32>,
    return
  }
}

</mosaic_0001>

<sc_bundles>
// kernel: kernel.5.cloned.1.call-start
scs
__scs_entry_jumppad:
0x0: {  	(pc) =	sbr.rel $0x88, $3  }
0x1: {  	(tag) =	ssettag $0x0;
	lr =	simm.s32 $0x1  }
0x2: {  	[smem:$0x3F87] =	sst lr;
	_ =	strace $0xD0000000  }
0x3: {  	_ = 	snop  }
0x4: {  	_ = 	snop  }
0x5: {  	_ = 	snop  }
0x6: {  	_ = 	snop  }
0x7: {  	_ = 	snop  }
__scs_overlays_trampoline_lowered:
0x8: {  	[smem:$0x3F96] =	sst s0  }
0x9: {  	[smem:$0x3F97] =	sst s1  }
0xa: {  	[smem:$0x3F98] =	sst s2  }
0xb: {  	[smem:$0x3F99] =	sst s3  }
0xc: {  	[smem:$0x3F9A] =	sst s4  }
0xd: {  	[smem:$0x3F9B] =	sst s5  }
0xe: {  	[smem:$0x3F9C] =	sst s6  }
0xf: {  	[smem:$0x3F9D] =	sst s7  }
0x10: {  	[smem:$0x3F9E] =	sst s8  }
0x11: {  	[smem:$0x3F9F] =	sst s9;
	s0 =	simm.s32 @!p0 $0x0  }
0x12: {  	s1 =	sld [smem:$0x3F85];
	s0 =	simm.s32 @p0 $0x1  }
0x13: {  	[smem:$0x3FA0] =	sst s0;
	s0 =	simm.s32 @!p1 $0x0  }
0x14: {  	s2 =	sld [smem:$0x3F84];
	s0 =	simm.s32 @p1 $0x1  }
0x15: {  	[smem:$0x3FA1] =	sst s0;
	s0 =	simm.s32 @!p2 $0x0  }
0x16: {  	s3 =	sld [smem:$0x3FDB];
	s0 =	simm.s32 @p2 $0x1  }
0x17: {  	s4 =	simm.s32 $0x1BF5;
	[smem:$0x3FA3] =	sst s0  }
0x18: {  	s0 =	sld [smem:$0x3F86];
	_ =	swait.ge [sflag:s4], $0x0  }
0x19: {  	s7 =	sld [smem:$0x3F87]  }
0x1a: {  	s8 =	sadd.s32 $0xFFFFE003, lr  }
0x1b: {  	s9 =	sadd.s32 $0xFFFFFEF7, lr;
	s5 =	simm.s32 $0xFFFFFFFF;
	p2 =	slt.u32 s8, $0xFFFFF086  }
0x1c: {  	p1 =	slt.u32 s9, $0xF7A;
	s5 =	simm.s32 @!p2 $0x0  }
0x1d: {  	s5 =	simm.s32 @p1 $0x1;
	p0 =	seq.s32 s7, s2  }
0x1e: {  	s7 =	smul.u32 @!p0 $0xF7A, s2;
	p2 =	seq.s32 @!p0 s5, $0x0  }
0x1f: {  	s9 =	smul.u32 $0xF7A, s1;
	s8 =	simm.s32 @!p0 $0x1BF5;
	p2 =	por !p2, p0  }
0x20: {  	[sflag:s8] =	ssyncset.s32 @!p0 $0xFFFFF086;
	s6 =	sadd.s32 @!p0 s3, s7;
	s7 =	simm.s32 @!p0 $0x108  }
0x21: {  	s3 =	sadd.s32 s3, s9;
	s6 =	sadd.s32 @!p0 $0x88, s6;
	s7 =	simm.s32 @p2 $0x1082  }
0x22: {  	[simem:s7], [sflag:s8] =	dma.local @!p0 [hbm:s6], $0xF7A  }
0x23: {  	s9 =	sor.u32 $0xD0000000, s2;
	s6 =	simm.s32 $0x108;
	_ =	swait.ge @!p0 [sflag:s8], $0x0  }
0x24: {  	s3 =	sadd.s32 $0x88, s3;
	s6 =	simm.s32 @!p1 $0x1082;
	[sflag:s4] =	ssyncset.s32 $0xFFFFF086  }
0x25: {  	[simem:s6], [sflag:s4] =	dma.local [hbm:s3], $0xF7A  }
0x26: {  	[smem:$0x3F87] =	sst s1;
	(tag) =	ssettag s2;
	_ =	strace s9  }
0x27: {  	s1 =	sld [smem:$0x3F97]  }
0x28: {  	s2 =	sld [smem:$0x3F98]  }
0x29: {  	s4 =	sld [smem:$0x3F9A]  }
0x2a: {  	p0 =	seq.s32 s5, $0x0;
	s5 =	sld [smem:$0x3F9B]  }
0x2b: {  	s6 =	sld [smem:$0x3F9C]  }
0x2c: {  	s7 =	sld [smem:$0x3F9D]  }
0x2d: {  	s3 =	simm.s32 $0x108;
	s8 =	sld [smem:$0x3F9E]  }
0x2e: {  	s3 =	simm.s32 @!p0 $0x1082;
	s9 =	sld [smem:$0x3F9F]  }
0x2f: {  	lr =	sadd.s32 s0, s3;
	s0 =	sld [smem:$0x3F96]  }
0x30: {  	s3 =	sld [smem:$0x3F99]  }
0x31: {  	[smem:$0x3FA2] =	sst s10  }
0x32: {  	s10 =	sld [smem:$0x3FA0];
	_ =	sdelay $0x3  }
0x33: {  	p0 =	seq.s32 s10, $0x1;
	s10 =	sld [smem:$0x3FA2];
	_ =	sdelay $0x3  }
0x34: {  	[smem:$0x3FA2] =	sst s10  }
0x35: {  	s10 =	sld [smem:$0x3FA1];
	_ =	sdelay $0x3  }
0x36: {  	p1 =	seq.s32 s10, $0x1;
	s10 =	sld [smem:$0x3FA2];
	_ =	sdelay $0x3  }
0x37: {  	[smem:$0x3FA2] =	sst s10  }
0x38: {  	s10 =	sld [smem:$0x3FA3]  }
0x39: {  	_ = 	snop;
	(pc) =	sbr.ind lr, $3  }
0x3a: {  	_ = 	snop  }
0x3b: {  	_ = 	snop  }
0x3c: {  	p2 =	seq.s32 s10, $0x1;
	s10 =	sld [smem:$0x3FA2]  }
0x3d: {  	_ =	shalt  }
0x3e: {  	_ =	shalt  }
0x3f: {  	_ =	shalt  }
0x40: {  	_ =	shalt  }
0x41: {  	_ =	shalt  }
0x42: {  	_ =	shalt  }
0x43: {  	_ =	shalt  }
0x44: {  	_ =	shalt  }
0x45: {  	_ =	shalt  }
0x46: {  	_ =	shalt  }
0x47: {  	_ =	shalt  }
0x48: {  	_ =	shalt  }
0x49: {  	_ =	shalt  }
0x4a: {  	_ =	shalt  }
0x4b: {  	_ =	shalt  }
0x4c: {  	_ =	shalt  }
0x4d: {  	_ =	shalt  }
0x4e: {  	_ =	shalt  }
0x4f: {  	_ =	shalt  }
0x50: {  	_ =	shalt  }
0x51: {  	_ =	shalt  }
0x52: {  	_ =	shalt  }
0x53: {  	_ =	shalt  }
0x54: {  	_ =	shalt  }
0x55: {  	_ =	shalt  }
0x56: {  	_ =	shalt  }
0x57: {  	_ =	shalt  }
0x58: {  	_ =	shalt  }
0x59: {  	_ =	shalt  }
0x5a: {  	_ =	shalt  }
0x5b: {  	_ =	shalt  }
0x5c: {  	_ =	shalt  }
0x5d: {  	_ =	shalt  }
0x5e: {  	_ =	shalt  }
0x5f: {  	_ =	shalt  }
0x60: {  	_ =	shalt  }
0x61: {  	_ =	shalt  }
0x62: {  	_ =	shalt  }
0x63: {  	_ =	shalt  }
0x64: {  	_ =	shalt  }
0x65: {  	_ =	shalt  }
0x66: {  	_ =	shalt  }
0x67: {  	_ =	shalt  }
0x68: {  	_ =	shalt  }
0x69: {  	_ =	shalt  }
0x6a: {  	_ =	shalt  }
0x6b: {  	_ =	shalt  }
0x6c: {  	_ =	shalt  }
0x6d: {  	_ =	shalt  }
0x6e: {  	_ =	shalt  }
0x6f: {  	_ =	shalt  }
0x70: {  	_ =	shalt  }
0x71: {  	_ =	shalt  }
0x72: {  	_ =	shalt  }
0x73: {  	_ =	shalt  }
0x74: {  	_ =	shalt  }
0x75: {  	_ =	shalt  }
0x76: {  	_ =	shalt  }
0x77: {  	_ =	shalt  }
0x78: {  	_ =	shalt  }
0x79: {  	_ =	shalt  }
0x7a: {  	_ =	shalt  }
0x7b: {  	_ =	shalt  }
0x7c: {  	_ =	shalt  }
0x7d: {  	_ =	shalt  }
0x7e: {  	_ =	shalt  }
0x7f: {  	_ =	shalt  }
0x80: {  	_ =	shalt  }
0x81: {  	_ =	shalt  }
0x82: {  	_ =	shalt  }
0x83: {  	_ =	shalt  }
0x84: {  	_ =	shalt  }
0x85: {  	_ =	shalt  }
0x86: {  	_ =	shalt  }
0x87: {  	_ =	shalt  }
.Lfunc_end0:
.L_simem_size_0:
called_computation_lowered:
.L_overlay_start_0:
0x88: {  	s2 =	sld [smem:$0x3FD9]  }
0x89: {  	s3 =	sld [smem:$0x3FFE];
	_ =	sdelay $0x1  }
0x8a: {  	s1 =	srdreg.scid  }
0x8b: {  	s0 =	sand.u32 $0x1, s1  }
0x8c: {  	s17 =	sshll.u32 s0, $0xA;
	s2 =	sadd.s32 s3, s2  }
0x8d: {  	s2 =	sadd.s32 s2, s17  }
0x8e: {  	[smem:$0x3FAE] =	sst s2  }
0x8f: {  	_ = 	snop  }
0x90: {  	s2 =	sld [smem:$0x3FD0];
	(tm) =	ssettm $0x1  }
0x91: {  	s18 =	sld [smem:$0x3FFB];
	_ =	sdelay $0x3  }
0x92: {  	_ =	strace s18  }
0x93: {  	s3 =	sld [smem:$0x3FFC];
	_ =	sdelay $0x3  }
0x94: {  	_ =	strace s3  }
0x95: {  	s3 =	sld [smem:$0x3FFD];
	_ =	sdelay $0x3  }
0x96: {  	_ =	strace s3  }
0x97: {  	_ =	strace $0x8FFFFFFF  }
0x98: {  	s19 =	sld [smem:$0x3FDB];
	_ =	sdelay $0x1  }
0x99: {  	s4 =	simm.s32 $_scs_section_size  }
0x9a: {  	s5 =	simm.s32 $_size__tile_overlayer_lowered;
	s6 =	simm.s32 $_tile_overlayer_lowered  }
0x9b: {  	s22 =	simm.s32 $0x1BFF;
	s21 =	sshll.u32 s6, $0x1;
	s3 =	sadd.s32 s4, s19  }
0x9c: {  	s7 =	simm.s32 $0x0;
	s20 =	sshll.u32 s5, $0x1;
	s5 =	sadd.s32 s21, s3  }
0x9d: {  	[timem:s7], [sflag:s22] =	dma.local [hbm:s5], s20  }
0x9e: {  	_ =	swait.ge [sflag:s22], s20  }
0x9f: {  	s4 =	ssub.s32 $0x0, s20;
	[sflag:s22] =	ssyncset.done $0x0  }
0xa0: {  	[sflag:s22] =	ssyncadd.s32 s4;
	_ =	sdelay $0x1  }
0xa1: {  	s23 =	simm.s32 $0x1B8B  }
0xa2: {  	_ =	swait.ge [sflag:s23], $0x1  }
0xa3: {  	[sflag:s23] =	ssyncset.done $0x0  }
0xa4: {  	s25 =	simm.s32 $0x1B8E;
	s24 =	sld [smem:$0x3FFE];
	[sflag:s23] =	ssyncadd.s32 $0xFFFFFFFF  }
0xa5: {  	s26 =	simm.s32 $execute0_lowered;
	[smem:$0x3FD2] =	sst s25  }
0xa6: {  	s5 =	sshll.u32 s26, $0x1;
	_ =	strace $0x80000046;
	[dreg:$0x1] =	wrdreg $0xFFFFFFFF  }
0xa7: {  	s28 =	simm.s32 $_size_execute0_lowered;
	s3 =	sadd.s32 s3, s5;
	[dreg:$0x0] =	wrdreg $0x0  }
0xa8: {  	s5 =	sshll.u32 s28, $0x1;
	[dreg:$0x2] =	wrdreg s3  }
0xa9: {  	[dreg:$0x3] =	wrdreg s5  }
0xaa: {  	[dreg:$0x4] =	wrdreg $0xC0  }
0xab: {  	_ =	task [dreg:s7], $0x5FFFF  }
0xac: {  	[dreg:$0x1] =	wrdreg $0xFFFFFFFF  }
0xad: {  	[dreg:$0x0] =	wrdreg $0x60  }
0xae: {  	[dreg:$0x2] =	wrdreg s2  }
0xaf: {  	[dreg:$0x3] =	wrdreg s24  }
0xb0: {  	[dreg:$0x4] =	wrdreg $0xF8000  }
0xb1: {  	[dreg:$0x5] =	wrdreg $0x9  }
0xb2: {  	_ =	task.clear_ibuf [dreg:s7], $0x6FFFF;
	_ =	strace $0x90000046  }
0xb3: {  	s29 =	simm.s32 $0x9;
	_ =	strace $0x80000048  }
0xb4: {  	_ =	swait.ge [sflag:s29], $0x1  }
0xb5: {  	[sflag:s29] =	ssyncadd.s32 $0xFFFFFFFF  }
0xb6: {  	_ =	strace $0x90000048  }
0xb7: {  	_ =	sfence  }
0xb8: {  	s30 =	sld [smem:$0x0];
	_ =	sdelay $0x2  }
0xb9: {  	s31 =	sshll.u32 s1, $0xD;
	s1 =	sshrl.u32 s1, $0x2  }
0xba: {  	s3 =	sand.u32 $0x4000, s31;
	s1 =	sadd.s32 s1, s30  }
0xbb: {  	s0 =	sor.u32 s3, s0;
	s1 =	sshll.u32 s1, $0x11  }
0xbc: {  	s0 =	sor.u32 s1, s0  }
0xbd: {  	s0 =	sadd.s32 $0x8F2B, s0  }
0xbe: {  	[sflag:s0] =	ssyncadd.remote.s32 $0x1  }
0xbf: {  	_ =	sfence.sel $0xFFFF  }
0xc0: {  	[dreg:$0x0] =	wrdreg $0xFFFFFFFF;
	(pc) =	sbr.abs _section_cstart, $3  }
0xc1: {  	[dreg:$0x1] =	wrdreg $0xFFFFFFFF  }
0xc2: {  	_ =	task.clear_ibuf [dreg:s7], $0x2FFFF;
	_ =	strace $0x9FFFFFFF  }
0xc3: {  	(tm) =	ssettm $0x7FFFFFFF  }
tec
execute0_lowered:
.L_overlay_start_1:
0x0: {  	(tag) =	ssettag $0x1  }
0x1: {  	s0 =	rddreg [dreg:$0x0]  }
0x2: {  	s3 =	rddreg [dreg:$0x1]  }
0x3: {  	s1 =	rddreg [dreg:$0x2]  }
0x4: {  	s2 =	simm.s32 $0x0;
	s4 =	srdreg.scid;
	s9 =	stileid.u32  }
0x5: {  	s11 =	simm.s32 $0x3;
	s13 =	simm.s32 $0x60;
	s14 =	simm.s32 $0x800  }
0x6: {  	s16 =	simm.s32 $0x3800;
	s18 =	simm.s32 $0x6800;
	s20 =	simm.s32 $0x9800  }
0x7: {  	s25 =	simm.s32 $0x400;
	s28 =	simm.s32 $0x1;
	s29 =	simm.s32 $0xD800  }
0x8: {  	s31 =	simm.s32 $0x500;
	[smem:$0x7FF] =	sst s2;
	s4 =	sand.u32 $0x1, s4  }
0x9: {  	s6 =	sshll.u32 s9, $0x6;
	s12 =	sshll.u32 s9, $0x9;
	s9 =	sshll.u32 s9, $0xC  }
0xa: {  	_ =	strace $0x80000047;
	s5 =	ssub.s32 $0x2, s4;
	s4 =	sshll.u32 s4, $0xD  }
0xb: {  	s8 =	sadd.s32 s6, s3;
	s9 =	sadd.s32 s9, s1;
	s7 =	sshrl.u32 s5, $0x1  }
0xc: {  	s3 =	sadd.s32 s4, s3;
	s4 =	sadd.s32 s0, s6;
	s0 =	simm.s32 $0x580  }
0xd: {  	s10 =	ssub.s32 s5, s7;
	s5 =	sadd.s32 $0xC800, s8;
	s6 =	sadd.s32 $0x4400, s3  }
0xe: {  	s30 =	sadd.s32 $0x8400, s3;
	s7 =	sadd.s32 $0xC400, s8;
	s8 =	sadd.s32 $0xCC00, s8  }
0xf: {  	s15 =	sadd.s32 $0xD000, s3;
	s3 =	sadd.s32 $0x11000, s3;
	s10 =	smax.u32 s10, $0x1  }
0x10: {  	s21 =	sadd.s32 s12, s30;
	s23 =	sadd.s32 s12, s15;
	s24 =	sadd.s32 s12, s3  }
0x11: {  	s3 =	simm.s32 $0xE800;
	s12 =	simm.s32 $0x2;
	s15 =	simm.s32 $0x0  }
.LBB2_1:
0x12: {  	[tilespmem:s2], [sflag:$0x3] =	stream.linear.gather [hbm4b:s4+s2], $0x200, $0x38;
	[tilespmem:$0x10800] =	vst v63  }
0x13: {  	_ =	swait.ge [sflag:s11], $0x200  }
0x14: {  	[sflag:s11] =	ssyncset.done $0x0  }
0x15: {  	s17 =	simm.s32 $0x200;
	[sflag:s11] =	ssyncadd.s32 $0xFFFFFE00  }
0x16: {  	[tilespmem:s17], [sflag:$0x3] =	stream.linear.gather [hbm4b:s5+s2], $0x200, $0x38;
	[tilespmem:$0x10800] =	vst v63  }
0x17: {  	_ =	swait.ge [sflag:s11], $0x200  }
0x18: {  	[sflag:s11] =	ssyncset.done $0x0  }
0x19: {  	[sflag:s11] =	ssyncadd.s32 $0xFFFFFE00  }
0x1a: {  	[tilespmem:s14], [sflag:$0x1] =	stream.indirect.gather [hbm4b:s6+s13], $0x80, s2, s13, $0xb8;
	[tilespmem:$0x10800] =	vst v63  }
0x1b: {  	s30 =	simm.s32 $0x80  }
0x1c: {  	[tilespmem:s16], [sflag:$0x1] =	stream.indirect.gather [hbm4b:s6+s13], $0x80, s30, s13, $0xb8;
	[tilespmem:$0x10800] =	vst v63  }
0x1d: {  	s19 =	simm.s32 $0x100  }
0x1e: {  	[tilespmem:s18], [sflag:$0x1] =	stream.indirect.gather [hbm4b:s6+s13], $0x80, s19, s13, $0xb8;
	[tilespmem:$0x10800] =	vst v63  }
0x1f: {  	s22 =	simm.s32 $0x180  }
0x20: {  	[tilespmem:s20], [sflag:$0x1] =	stream.indirect.gather [hbm4b:s6+s13], $0x80, s22, s13, $0xb8;
	[tilespmem:$0x10800] =	vst v63  }
0x21: {  	s26 =	simm.s32 $0xC800  }
0x22: {  	[tilespmem:s26], [sflag:$0x3] =	stream.linear.gather [hbm4b:s21+s2], $0x1000, $0x38;
	[tilespmem:$0x10800] =	vst v63  }
0x23: {  	_ =	swait.ge [sflag:s11], $0x1000  }
0x24: {  	[sflag:s11] =	ssyncset.done $0x0  }
0x25: {  	[sflag:s11] =	ssyncadd.s32 $0xFFFFF000  }
0x26: {  	[tilespmem:s25], [sflag:$0x3] =	stream.linear.gather [hbm4b:s7+s2], $0x200, $0x38;
	[tilespmem:$0x10800] =	vst v63  }
0x27: {  	_ =	swait.ge [sflag:s11], $0x200  }
0x28: {  	[sflag:s11] =	ssyncset.done $0x0  }
0x29: {  	s30 =	simm.s32 $0x600;
	[sflag:s11] =	ssyncadd.s32 $0xFFFFFE00  }
0x2a: {  	[tilespmem:s30], [sflag:$0x3] =	stream.linear.gather [hbm4b:s8+s2], $0x200, $0x38;
	[tilespmem:$0x10800] =	vst v63  }
0x2b: {  	_ =	swait.ge [sflag:s11], $0x200  }
0x2c: {  	[sflag:s11] =	ssyncset.done $0x0  }
0x2d: {  	[sflag:s11] =	ssyncadd.s32 $0xFFFFFE00  }
0x2e: {  	_ =	swait.ge [sflag:s28], $0x3000  }
0x2f: {  	[sflag:s28] =	ssyncset.done $0x0  }
0x30: {  	[sflag:s28] =	ssyncadd.s32 $0xFFFFD000  }
0x31: {  	_ =	swait.ge [sflag:s28], $0x3000  }
0x32: {  	[sflag:s28] =	ssyncset.done $0x0  }
0x33: {  	[sflag:s28] =	ssyncadd.s32 $0xFFFFD000  }
0x34: {  	_ =	swait.ge [sflag:s28], $0x3000  }
0x35: {  	[sflag:s28] =	ssyncset.done $0x0  }
0x36: {  	[sflag:s28] =	ssyncadd.s32 $0xFFFFD000  }
0x37: {  	_ =	swait.ge [sflag:s28], $0x3000  }
0x38: {  	[sflag:s28] =	ssyncset.done $0x0  }
0x39: {  	s17 =	simm.s32 $0x0;
	[sflag:s28] =	ssyncadd.s32 $0xFFFFD000  }
.LBB2_2:
0x3a: {  	s19 =	sshll.u32 s17, $0x4;
	s22 =	smul.u32 $0x1800, s17  }
0x3b: {  	s19 =	sand.u32 $0x3FFFFFF0, s19  }
0x3c: {  	v1 =	vld [tilespmem:s19+$0x200];
	s22 =	sshra.s32 s22, $0x2  }
0x3d: {  	v0 =	vld [tilespmem:s22+$0x800]  }
0x3e: {  	v2 =	vld [tilespmem:s22+$0x880]  }
0x3f: {  	v3 =	vld [tilespmem:s22+$0x900]  }
0x40: {  	v9 =	vld [tilespmem:s22+$0x980]  }
0x41: {  	v10 =	vld [tilespmem:s22+$0xA00];
	v4 =	vbroadcast v1, $0x0;
	v5 =	vbroadcast v1, $0x1  }
0x42: {  	v12 =	vld [tilespmem:s22+$0xA80];
	v6 =	vbroadcast v1, $0x2;
	v7 =	vbroadcast v1, $0x3  }
0x43: {  	v13 =	vld [tilespmem:s22+$0xB00];
	v0 =	vmul.f32 v4, v0;
	v2 =	vmul.f32 v2, v5  }
0x44: {  	v14 =	vld [tilespmem:s22+$0xB80];
	v8 =	vbroadcast v1, $0x4;
	v3 =	vmul.f32 v3, v6  }
0x45: {  	v15 =	vld [tilespmem:s22+$0xC00];
	v23 =	vmul.f32 v9, v7;
	v9 =	vbroadcast v1, $0x5;
	v0 =	vmax.f32 v0, v2  }
0x46: {  	v16 =	vld [tilespmem:s22+$0xC80];
	v11 =	vbroadcast v1, $0x6;
	v24 =	vmul.f32 v10, v8;
	v0 =	vmax.f32 v0, v3  }
0x47: {  	v26 =	vld [tilespmem:s22+$0xD00];
	v10 =	vbroadcast v1, $0x7;
	v25 =	vmul.f32 v12, v9;
	v0 =	vmax.f32 v0, v23  }
0x48: {  	v17 =	vld [tilespmem:s22+$0xD80];
	v13 =	vmul.f32 v13, v11;
	v3 =	vbroadcast v1, $0x8;
	v0 =	vmax.f32 v0, v24  }
0x49: {  	v14 =	vmul.f32 v14, v10;
	v2 =	vbroadcast v1, $0x9;
	v0 =	vmax.f32 v0, v25  }
0x4a: {  	s19 =	sshll.u32 s17, $0x7;
	v15 =	vmul.f32 v15, v3;
	v13 =	vmax.f32 v0, v13;
	v0 =	vbroadcast v1, $0xA  }
0x4b: {  	v28 =	vld [tilespmem:s19+$0xC800];
	v27 =	vmul.f32 v16, v2;
	v1 =	vbroadcast v1, $0xB;
	v13 =	vmax.f32 v13, v14  }
0x4c: {  	v13 =	vmax.f32 v13, v15;
	v12 =	vmul.f32 v26, v0  }
0x4d: {  	v29 =	vmul.f32 v17, v1;
	v13 =	vmax.f32 v13, v27  }
0x4e: {  	v12 =	vmax.f32 v13, v12  }
0x4f: {  	v12 =	vmax.f32 v12, v29  }
0x50: {  	v12 =	vsub.f32 v28, v12;
	_ =	sdelay $0x1  }
0x51: {  	[tilespmem:s19+$0xD800] =	vst v12  }
0x52: {  	v12 =	vld [tilespmem:s22+$0x810]  }
0x53: {  	v30 =	vld [tilespmem:s22+$0x890]  }
0x54: {  	v31 =	vld [tilespmem:s22+$0x910]  }
0x55: {  	v32 =	vld [tilespmem:s22+$0x990]  }
0x56: {  	v33 =	vld [tilespmem:s22+$0xA10]  }
0x57: {  	v34 =	vld [tilespmem:s22+$0xA90]  }
0x58: {  	v18 =	vld [tilespmem:s22+$0xB10];
	v12 =	vmul.f32 v12, v4;
	v13 =	vmul.f32 v30, v5  }
0x59: {  	v19 =	vld [tilespmem:s22+$0xB90];
	v14 =	vmul.f32 v31, v6  }
0x5a: {  	v36 =	vld [tilespmem:s22+$0xC10];
	v35 =	vmul.f32 v32, v7;
	v12 =	vmax.f32 v12, v13  }
0x5b: {  	v38 =	vld [tilespmem:s22+$0xC90];
	v37 =	vmul.f32 v33, v8;
	v12 =	vmax.f32 v12, v14  }
0x5c: {  	v40 =	vld [tilespmem:s22+$0xD10];
	v39 =	vmul.f32 v34, v9;
	v12 =	vmax.f32 v12, v35  }
0x5d: {  	v42 =	vld [tilespmem:s22+$0xD90];
	v41 =	vmul.f32 v18, v11;
	v12 =	vmax.f32 v12, v37  }
0x5e: {  	v43 =	vmul.f32 v19, v10;
	v12 =	vmax.f32 v12, v39  }
0x5f: {  	v44 =	vmul.f32 v36, v3;
	v12 =	vmax.f32 v12, v41  }
0x60: {  	v46 =	vld [tilespmem:s19+$0xC810];
	v45 =	vmul.f32 v38, v2;
	v12 =	vmax.f32 v12, v43  }
0x61: {  	v47 =	vmul.f32 v40, v0;
	v12 =	vmax.f32 v12, v44  }
0x62: {  	v48 =	vmul.f32 v42, v1;
	v12 =	vmax.f32 v12, v45  }
0x63: {  	v12 =	vmax.f32 v12, v47  }
0x64: {  	v12 =	vmax.f32 v12, v48  }
0x65: {  	v12 =	vsub.f32 v46, v12;
	_ =	sdelay $0x1  }
0x66: {  	[tilespmem:s19+$0xD810] =	vst v12  }
0x67: {  	v12 =	vld [tilespmem:s22+$0x820]  }
0x68: {  	v49 =	vld [tilespmem:s22+$0x8A0]  }
0x69: {  	v50 =	vld [tilespmem:s22+$0x920]  }
0x6a: {  	v51 =	vld [tilespmem:s22+$0x9A0]  }
0x6b: {  	v52 =	vld [tilespmem:s22+$0xA20]  }
0x6c: {  	v53 =	vld [tilespmem:s22+$0xAA0]  }
0x6d: {  	v54 =	vld [tilespmem:s22+$0xB20];
	v12 =	vmul.f32 v12, v4;
	v13 =	vmul.f32 v49, v5  }
0x6e: {  	v55 =	vld [tilespmem:s22+$0xBA0];
	v14 =	vmul.f32 v50, v6  }
0x6f: {  	v57 =	vld [tilespmem:s22+$0xC20];
	v56 =	vmul.f32 v51, v7;
	v12 =	vmax.f32 v12, v13  }
0x70: {  	v59 =	vld [tilespmem:s22+$0xCA0];
	v58 =	vmul.f32 v52, v8;
	v12 =	vmax.f32 v12, v14  }
0x71: {  	v61 =	vld [tilespmem:s22+$0xD20];
	v60 =	vmul.f32 v53, v9;
	v12 =	vmax.f32 v12, v56  }
0x72: {  	v63 =	vld [tilespmem:s22+$0xDA0];
	v62 =	vmul.f32 v54, v11;
	v12 =	vmax.f32 v12, v58  }
0x73: {  	v19 =	vmul.f32 v55, v10;
	v12 =	vmax.f32 v12, v60  }
0x74: {  	v20 =	vmul.f32 v57, v3;
	v12 =	vmax.f32 v12, v62  }
0x75: {  	v22 =	vld [tilespmem:s19+$0xC820];
	v21 =	vmul.f32 v59, v2;
	v12 =	vmax.f32 v12, v19  }
0x76: {  	v23 =	vmul.f32 v61, v0;
	v12 =	vmax.f32 v12, v20  }
0x77: {  	v24 =	vmul.f32 v63, v1;
	v12 =	vmax.f32 v12, v21  }
0x78: {  	s30 =	sor.u32 $0x1, s17;
	v12 =	vmax.f32 v12, v23  }
0x79: {  	s26 =	sshll.u32 s30, $0x4;
	v12 =	vmax.f32 v12, v24  }
0x7a: {  	s26 =	sand.u32 $0x3FFFFFF0, s26;
	v43 =	vld [tilespmem:s19+$0xC830];
	v12 =	vsub.f32 v22, v12  }
0x7b: {  	v23 =	vld [tilespmem:s26+$0x200];
	s26 =	smul.u32 $0x1800, s30;
	s30 =	sshll.u32 s30, $0x7  }
0x7c: {  	v54 =	vld [tilespmem:s30+$0xC800];
	[tilespmem:s19+$0xD820] =	vst v12  }
0x7d: {  	v12 =	vld [tilespmem:s22+$0x830]  }
0x7e: {  	v25 =	vld [tilespmem:s22+$0x8B0]  }
0x7f: {  	v26 =	vld [tilespmem:s22+$0x930]  }
0x80: {  	v27 =	vld [tilespmem:s22+$0x9B0]  }
0x81: {  	v28 =	vld [tilespmem:s22+$0xA30]  }
0x82: {  	v29 =	vld [tilespmem:s22+$0xAB0]  }
0x83: {  	v30 =	vld [tilespmem:s22+$0xB30];
	v12 =	vmul.f32 v12, v4;
	v13 =	vmul.f32 v25, v5  }
0x84: {  	v31 =	vld [tilespmem:s22+$0xBB0];
	v14 =	vmul.f32 v26, v6  }
0x85: {  	v33 =	vld [tilespmem:s22+$0xC30];
	v32 =	vmul.f32 v27, v7;
	v12 =	vmax.f32 v12, v13  }
0x86: {  	v35 =	vld [tilespmem:s22+$0xCB0];
	v34 =	vmul.f32 v28, v8;
	v12 =	vmax.f32 v12, v14  }
0x87: {  	v37 =	vld [tilespmem:s22+$0xD30];
	v36 =	vmul.f32 v29, v9;
	v12 =	vmax.f32 v12, v32  }
0x88: {  	s26 =	sshra.s32 s26, $0x2;
	v39 =	vld [tilespmem:s22+$0xDB0];
	v38 =	vmul.f32 v30, v11;
	v12 =	vmax.f32 v12, v34  }
0x89: {  	v46 =	vld [tilespmem:s26+$0x800];
	v40 =	vmul.f32 v31, v10;
	v12 =	vmax.f32 v12, v36  }
0x8a: {  	v47 =	vld [tilespmem:s26+$0x880];
	v41 =	vmul.f32 v33, v3;
	v12 =	vmax.f32 v12, v38  }
0x8b: {  	v48 =	vld [tilespmem:s26+$0x900];
	v42 =	vmul.f32 v35, v2;
	v12 =	vmax.f32 v12, v40  }
0x8c: {  	v49 =	vld [tilespmem:s26+$0x980];
	v44 =	vmul.f32 v37, v0;
	v12 =	vmax.f32 v12, v41  }
0x8d: {  	v50 =	vld [tilespmem:s26+$0xA00];
	v45 =	vmul.f32 v39, v1;
	v12 =	vmax.f32 v12, v42  }
0x8e: {  	v20 =	vld [tilespmem:s26+$0xA80];
	v12 =	vmax.f32 v12, v44  }
0x8f: {  	v51 =	vld [tilespmem:s26+$0xC00];
	v12 =	vmax.f32 v12, v45  }
0x90: {  	v18 =	vbroadcast v23, $0x0;
	v22 =	vbroadcast v23, $0x1;
	v28 =	vld [tilespmem:s26+$0xB00];
	v12 =	vsub.f32 v43, v12  }
0x91: {  	v19 =	vbroadcast v23, $0x2;
	v16 =	vbroadcast v23, $0x3;
	v30 =	vld [tilespmem:s26+$0xB80]  }
0x92: {  	v21 =	vmul.f32 v47, v22;
	v31 =	vld [tilespmem:s26+$0xC80];
	[tilespmem:s19+$0xD830] =	vst v12;
	v12 =	vmul.f32 v18, v46  }
0x93: {  	v29 =	vmul.f32 v48, v19;
	v33 =	vld [tilespmem:s26+$0xD80];
	v13 =	vbroadcast v23, $0x4  }
0x94: {  	v15 =	vmul.f32 v49, v16;
	v37 =	vld [tilespmem:s19+$0xC840];
	v14 =	vbroadcast v23, $0x5;
	v12 =	vmax.f32 v12, v21  }
0x95: {  	v17 =	vmul.f32 v50, v13;
	v32 =	vld [tilespmem:s26+$0xD00];
	v29 =	vmax.f32 v12, v29;
	v12 =	vbroadcast v23, $0x6  }
0x96: {  	v20 =	vmul.f32 v20, v14;
	v24 =	vld [tilespmem:s22+$0x840];
	v29 =	vmax.f32 v29, v15;
	v15 =	vbroadcast v23, $0x7  }
0x97: {  	v25 =	vld [tilespmem:s22+$0x8C0];
	v29 =	vmax.f32 v29, v17;
	v28 =	vmul.f32 v28, v12;
	v17 =	vbroadcast v23, $0x8  }
0x98: {  	v26 =	vld [tilespmem:s22+$0x940];
	v29 =	vmax.f32 v29, v20;
	v30 =	vmul.f32 v30, v15;
	v20 =	vbroadcast v23, $0x9  }
0x99: {  	v27 =	vld [tilespmem:s22+$0x9C0];
	v21 =	vbroadcast v23, $0xA;
	v28 =	vmax.f32 v29, v28;
	v52 =	vmul.f32 v51, v17  }
0x9a: {  	v34 =	vld [tilespmem:s22+$0xA40];
	v23 =	vbroadcast v23, $0xB;
	v28 =	vmax.f32 v28, v30;
	v53 =	vmul.f32 v31, v20  }
0x9b: {  	v35 =	vld [tilespmem:s22+$0xAC0];
	v55 =	vmul.f32 v32, v21;
	v28 =	vmax.f32 v28, v52  }
0x9c: {  	v36 =	vld [tilespmem:s22+$0xB40];
	v57 =	vmul.f32 v33, v23;
	v28 =	vmax.f32 v28, v53  }
0x9d: {  	v56 =	vld [tilespmem:s22+$0xBC0];
	v28 =	vmax.f32 v28, v55  }
0x9e: {  	v58 =	vld [tilespmem:s22+$0xC40];
	v28 =	vmax.f32 v28, v57  }
0x9f: {  	v59 =	vld [tilespmem:s22+$0xCC0];
	v28 =	vsub.f32 v54, v28  }
0xa0: {  	v60 =	vld [tilespmem:s22+$0xD40]  }
0xa1: {  	v61 =	vld [tilespmem:s22+$0xDC0];
	[tilespmem:s30+$0xD800] =	vst v28  }
0xa2: {  	v24 =	vmul.f32 v24, v4;
	v28 =	vld [tilespmem:s26+$0x810]  }
0xa3: {  	v25 =	vmul.f32 v25, v5;
	v26 =	vmul.f32 v26, v6;
	v63 =	vld [tilespmem:s26+$0x890]  }
0xa4: {  	v62 =	vmul.f32 v27, v7;
	v39 =	vmul.f32 v34, v8;
	v40 =	vld [tilespmem:s26+$0x910]  }
0xa5: {  	v41 =	vmul.f32 v35, v9;
	v43 =	vmul.f32 v36, v11;
	v42 =	vld [tilespmem:s26+$0x990]  }
0xa6: {  	v45 =	vmul.f32 v56, v10;
	v49 =	vmul.f32 v58, v3;
	v24 =	vmax.f32 v24, v25;
	v44 =	vld [tilespmem:s26+$0xA10]  }
0xa7: {  	v29 =	vmul.f32 v59, v2;
	v30 =	vmul.f32 v60, v0;
	v24 =	vmax.f32 v24, v26;
	v46 =	vld [tilespmem:s26+$0xA90]  }
0xa8: {  	v24 =	vmax.f32 v24, v62;
	v48 =	vld [tilespmem:s26+$0xB10];
	v47 =	vmul.f32 v28, v18;
	v27 =	vmul.f32 v63, v22  }
0xa9: {  	v31 =	vmul.f32 v61, v1;
	v24 =	vmax.f32 v24, v39;
	v51 =	vld [tilespmem:s26+$0xB90];
	v50 =	vmul.f32 v40, v19  }
0xaa: {  	v24 =	vmax.f32 v24, v41;
	v53 =	vld [tilespmem:s26+$0xC10];
	v52 =	vmul.f32 v42, v16;
	v26 =	vmax.f32 v47, v27  }
0xab: {  	v24 =	vmax.f32 v24, v43;
	v56 =	vld [tilespmem:s26+$0xC90];
	v55 =	vmul.f32 v44, v13;
	v54 =	vmax.f32 v26, v50  }
0xac: {  	v24 =	vmax.f32 v24, v45;
	v58 =	vld [tilespmem:s26+$0xD10];
	v57 =	vmul.f32 v46, v14;
	v25 =	vmax.f32 v54, v52  }
0xad: {  	v24 =	vmax.f32 v24, v49;
	v60 =	vld [tilespmem:s26+$0xD90];
	v59 =	vmul.f32 v48, v12;
	v25 =	vmax.f32 v25, v55  }
0xae: {  	v24 =	vmax.f32 v24, v29;
	v61 =	vmul.f32 v51, v15;
	v25 =	vmax.f32 v25, v57  }
0xaf: {  	v24 =	vmax.f32 v24, v30;
	v62 =	vmul.f32 v53, v17;
	v25 =	vmax.f32 v25, v59  }
0xb0: {  	v33 =	vld [tilespmem:s30+$0xC810];
	v24 =	vmax.f32 v24, v31;
	v63 =	vmul.f32 v56, v20;
	v25 =	vmax.f32 v25, v61  }
0xb1: {  	v24 =	vsub.f32 v37, v24;
	v34 =	vmul.f32 v58, v21;
	v25 =	vmax.f32 v25, v62  }
0xb2: {  	v35 =	vmul.f32 v60, v23;
	v25 =	vmax.f32 v25, v63  }
0xb3: {  	[tilespmem:s19+$0xD840] =	vst v24;
	v36 =	vmax.f32 v25, v34  }
0xb4: {  	v28 =	vld [tilespmem:s22+$0x9D0];
	v24 =	vmax.f32 v36, v35  }
0xb5: {  	v58 =	vld [tilespmem:s22+$0xB50];
	v24 =	vsub.f32 v33, v24  }
0xb6: {  	v60 =	vld [tilespmem:s22+$0xBD0]  }
0xb7: {  	v27 =	vld [tilespmem:s22+$0x950];
	[tilespmem:s30+$0xD810] =	vst v24  }
0xb8: {  	v24 =	vld [tilespmem:s26+$0x820]  }
0xb9: {  	v37 =	vld [tilespmem:s26+$0x8A0]  }
0xba: {  	v38 =	vld [tilespmem:s26+$0x920]  }
0xbb: {  	v39 =	vld [tilespmem:s26+$0x9A0]  }
0xbc: {  	v40 =	vld [tilespmem:s26+$0xA20]  }
0xbd: {  	v41 =	vld [tilespmem:s26+$0xAA0]  }
0xbe: {  	v42 =	vld [tilespmem:s26+$0xB20];
	v24 =	vmul.f32 v24, v18;
	v29 =	vmul.f32 v37, v22  }
0xbf: {  	v43 =	vld [tilespmem:s26+$0xBA0];
	v30 =	vmul.f32 v38, v19  }
0xc0: {  	v45 =	vld [tilespmem:s26+$0xC20];
	v44 =	vmul.f32 v39, v16;
	v24 =	vmax.f32 v24, v29  }
0xc1: {  	v47 =	vld [tilespmem:s26+$0xCA0];
	v46 =	vmul.f32 v40, v13;
	v24 =	vmax.f32 v24, v30  }
0xc2: {  	v49 =	vld [tilespmem:s26+$0xD20];
	v48 =	vmul.f32 v41, v14;
	v24 =	vmax.f32 v24, v44  }
0xc3: {  	v51 =	vld [tilespmem:s26+$0xDA0];
	v50 =	vmul.f32 v42, v12;
	v24 =	vmax.f32 v24, v46  }
0xc4: {  	v26 =	vld [tilespmem:s22+$0x8D0];
	v53 =	vmul.f32 v43, v15;
	v24 =	vmax.f32 v24, v48  }
0xc5: {  	v52 =	vld [tilespmem:s22+$0xA50];
	v55 =	vmul.f32 v45, v17;
	v24 =	vmax.f32 v24, v50  }
0xc6: {  	v57 =	vld [tilespmem:s30+$0xC820];
	v56 =	vmul.f32 v47, v20;
	v24 =	vmax.f32 v24, v53  }
0xc7: {  	v54 =	vld [tilespmem:s22+$0xAD0];
	v59 =	vmul.f32 v49, v21;
	v24 =	vmax.f32 v24, v55  }
0xc8: {  	v62 =	vld [tilespmem:s22+$0xC50];
	v61 =	vmul.f32 v51, v23;
	v24 =	vmax.f32 v24, v56  }
0xc9: {  	v63 =	vld [tilespmem:s22+$0xCD0];
	v24 =	vmax.f32 v24, v59  }
0xca: {  	v25 =	vld [tilespmem:s22+$0x850];
	v24 =	vmax.f32 v24, v61  }
0xcb: {  	v40 =	vld [tilespmem:s22+$0xD50];
	v24 =	vsub.f32 v57, v24  }
0xcc: {  	v41 =	vld [tilespmem:s22+$0xDD0]  }
0xcd: {  	v37 =	vld [tilespmem:s19+$0xC850];
	[tilespmem:s30+$0xD820] =	vst v24  }
0xce: {  	v26 =	vmul.f32 v26, v5;
	v43 =	vld [tilespmem:s26+$0x830]  }
0xcf: {  	v25 =	vmul.f32 v25, v4;
	v42 =	vmul.f32 v27, v6;
	v45 =	vld [tilespmem:s26+$0x8B0]  }
0xd0: {  	v30 =	vmul.f32 v63, v2;
	v44 =	vmul.f32 v28, v7;
	v47 =	vld [tilespmem:s26+$0x930]  }
0xd1: {  	v46 =	vmul.f32 v52, v8;
	v52 =	vmul.f32 v60, v10;
	v49 =	vld [tilespmem:s26+$0x9B0]  }
0xd2: {  	v29 =	vmul.f32 v40, v0;
	v31 =	vmul.f32 v41, v1;
	v51 =	vld [tilespmem:s26+$0xA30]  }
0xd3: {  	v25 =	vmax.f32 v25, v26;
	v48 =	vmul.f32 v54, v9;
	v50 =	vmul.f32 v58, v11;
	v53 =	vld [tilespmem:s26+$0xAB0]  }
0xd4: {  	v24 =	vmax.f32 v25, v42;
	v56 =	vld [tilespmem:s26+$0xB30];
	v54 =	vmul.f32 v43, v18;
	v55 =	vmul.f32 v45, v22  }
0xd5: {  	v57 =	vmul.f32 v62, v3;
	v24 =	vmax.f32 v24, v44;
	v59 =	vld [tilespmem:s26+$0xBB0];
	v58 =	vmul.f32 v47, v19  }
0xd6: {  	v61 =	vld [tilespmem:s26+$0xC30];
	v24 =	vmax.f32 v24, v46;
	v60 =	vmul.f32 v49, v16;
	v25 =	vmax.f32 v54, v55  }
0xd7: {  	v63 =	vld [tilespmem:s26+$0xCB0];
	v24 =	vmax.f32 v24, v48;
	v62 =	vmul.f32 v51, v13;
	v25 =	vmax.f32 v25, v58  }
0xd8: {  	v38 =	vld [tilespmem:s26+$0xD30];
	v24 =	vmax.f32 v24, v50;
	v34 =	vmul.f32 v53, v14;
	v25 =	vmax.f32 v25, v60  }
0xd9: {  	v40 =	vld [tilespmem:s26+$0xDB0];
	v24 =	vmax.f32 v24, v52;
	v39 =	vmul.f32 v56, v12;
	v25 =	vmax.f32 v25, v62  }
0xda: {  	v24 =	vmax.f32 v24, v57;
	v41 =	vmul.f32 v59, v15;
	v25 =	vmax.f32 v25, v34  }
0xdb: {  	v42 =	vmul.f32 v61, v17;
	v24 =	vmax.f32 v24, v30;
	v25 =	vmax.f32 v25, v39  }
0xdc: {  	v44 =	vld [tilespmem:s30+$0xC830];
	v43 =	vmul.f32 v63, v20;
	v24 =	vmax.f32 v24, v29;
	v25 =	vmax.f32 v25, v41  }
0xdd: {  	v45 =	vmul.f32 v38, v21;
	v24 =	vmax.f32 v24, v31;
	v25 =	vmax.f32 v25, v42  }
0xde: {  	v46 =	vmul.f32 v40, v23;
	v24 =	vsub.f32 v37, v24;
	v25 =	vmax.f32 v25, v43  }
0xdf: {  	v47 =	vmax.f32 v25, v45  }
0xe0: {  	v37 =	vld [tilespmem:s19+$0xC860];
	[tilespmem:s19+$0xD850] =	vst v24;
	v24 =	vmax.f32 v47, v46  }
0xe1: {  	v26 =	vld [tilespmem:s22+$0x8E0];
	v24 =	vsub.f32 v44, v24  }
0xe2: {  	v27 =	vld [tilespmem:s22+$0x960]  }
0xe3: {  	v28 =	vld [tilespmem:s22+$0x9E0];
	[tilespmem:s30+$0xD830] =	vst v24  }
0xe4: {  	v24 =	vld [tilespmem:s26+$0x840]  }
0xe5: {  	v48 =	vld [tilespmem:s26+$0x8C0]  }
0xe6: {  	v49 =	vld [tilespmem:s26+$0x940]  }
0xe7: {  	v50 =	vld [tilespmem:s26+$0x9C0]  }
0xe8: {  	v51 =	vld [tilespmem:s26+$0xA40]  }
0xe9: {  	v52 =	vld [tilespmem:s26+$0xAC0]  }
0xea: {  	v53 =	vld [tilespmem:s26+$0xB40];
	v24 =	vmul.f32 v24, v18;
	v29 =	vmul.f32 v48, v22  }
0xeb: {  	v54 =	vld [tilespmem:s26+$0xBC0];
	v30 =	vmul.f32 v49, v19  }
0xec: {  	v56 =	vld [tilespmem:s26+$0xC40];
	v55 =	vmul.f32 v50, v16;
	v24 =	vmax.f32 v24, v29  }
0xed: {  	v58 =	vld [tilespmem:s26+$0xCC0];
	v57 =	vmul.f32 v51, v13;
	v24 =	vmax.f32 v24, v30  }
0xee: {  	v60 =	vld [tilespmem:s26+$0xD40];
	v59 =	vmul.f32 v52, v14;
	v24 =	vmax.f32 v24, v55  }
0xef: {  	v62 =	vld [tilespmem:s26+$0xDC0];
	v61 =	vmul.f32 v53, v12;
	v24 =	vmax.f32 v24, v57  }
0xf0: {  	v63 =	vld [tilespmem:s22+$0xA60];
	v39 =	vmul.f32 v54, v15;
	v24 =	vmax.f32 v24, v59  }
0xf1: {  	v40 =	vld [tilespmem:s22+$0xAE0];
	v41 =	vmul.f32 v56, v17;
	v24 =	vmax.f32 v24, v61  }
0xf2: {  	v43 =	vld [tilespmem:s30+$0xC840];
	v42 =	vmul.f32 v58, v20;
	v24 =	vmax.f32 v24, v39  }
0xf3: {  	v31 =	vld [tilespmem:s22+$0xDE0];
	v45 =	vmul.f32 v60, v21;
	v24 =	vmax.f32 v24, v41  }
0xf4: {  	v25 =	vld [tilespmem:s22+$0x860];
	v47 =	vmul.f32 v62, v23;
	v24 =	vmax.f32 v24, v42  }
0xf5: {  	v46 =	vld [tilespmem:s22+$0xBE0];
	v24 =	vmax.f32 v24, v45  }
0xf6: {  	v44 =	vld [tilespmem:s22+$0xB60];
	v24 =	vmax.f32 v24, v47  }
0xf7: {  	v48 =	vld [tilespmem:s22+$0xC60];
	v24 =	vsub.f32 v43, v24  }
0xf8: {  	v49 =	vld [tilespmem:s22+$0xCE0]  }
0xf9: {  	v29 =	vld [tilespmem:s22+$0xD60];
	[tilespmem:s30+$0xD840] =	vst v24  }
0xfa: {  	v26 =	vmul.f32 v26, v5;
	v51 =	vld [tilespmem:s26+$0x850]  }
0xfb: {  	v25 =	vmul.f32 v25, v4;
	v50 =	vmul.f32 v27, v6;
	v53 =	vld [tilespmem:s26+$0x8D0]  }
0xfc: {  	v52 =	vmul.f32 v28, v7;
	v54 =	vmul.f32 v63, v8;
	v55 =	vld [tilespmem:s26+$0x950]  }
0xfd: {  	v56 =	vmul.f32 v40, v9;
	v58 =	vmul.f32 v44, v11;
	v57 =	vld [tilespmem:s26+$0x9D0]  }
0xfe: {  	v60 =	vmul.f32 v46, v10;
	v34 =	vmul.f32 v48, v3;
	v59 =	vld [tilespmem:s26+$0xA50]  }
0xff: {  	v25 =	vmax.f32 v25, v26;
	v30 =	vmul.f32 v49, v2;
	v29 =	vmul.f32 v29, v0;
	v61 =	vld [tilespmem:s26+$0xAD0]  }
0x100: {  	v24 =	vmax.f32 v25, v50;
	v40 =	vld [tilespmem:s26+$0xB50];
	v62 =	vmul.f32 v51, v18;
	v63 =	vmul.f32 v53, v22  }
0x101: {  	v24 =	vmax.f32 v24, v52;
	v42 =	vld [tilespmem:s26+$0xBD0];
	v52 =	vmul.f32 v31, v1;
	v41 =	vmul.f32 v55, v19  }
0x102: {  	v44 =	vld [tilespmem:s26+$0xC50];
	v24 =	vmax.f32 v24, v54;
	v43 =	vmul.f32 v57, v16;
	v25 =	vmax.f32 v62, v63  }
0x103: {  	v46 =	vld [tilespmem:s26+$0xCD0];
	v24 =	vmax.f32 v24, v56;
	v45 =	vmul.f32 v59, v13;
	v25 =	vmax.f32 v25, v41  }
0x104: {  	v48 =	vld [tilespmem:s26+$0xD50];
	v24 =	vmax.f32 v24, v58;
	v47 =	vmul.f32 v61, v14;
	v25 =	vmax.f32 v25, v43  }
0x105: {  	v50 =	vld [tilespmem:s26+$0xDD0];
	v24 =	vmax.f32 v24, v60;
	v49 =	vmul.f32 v40, v12;
	v25 =	vmax.f32 v25, v45  }
0x106: {  	v24 =	vmax.f32 v24, v34;
	v51 =	vmul.f32 v42, v15;
	v25 =	vmax.f32 v25, v47  }
0x107: {  	v53 =	vmul.f32 v44, v17;
	v24 =	vmax.f32 v24, v30;
	v25 =	vmax.f32 v25, v49  }
0x108: {  	v54 =	vmul.f32 v46, v20;
	v55 =	vld [tilespmem:s30+$0xC850];
	v24 =	vmax.f32 v24, v29;
	v25 =	vmax.f32 v25, v51  }
0x109: {  	v56 =	vmul.f32 v48, v21;
	v24 =	vmax.f32 v24, v52;
	v25 =	vmax.f32 v25, v53  }
0x10a: {  	v57 =	vmul.f32 v50, v23;
	v24 =	vsub.f32 v37, v24;
	v25 =	vmax.f32 v25, v54  }
0x10b: {  	v25 =	vmax.f32 v25, v56  }
0x10c: {  	[tilespmem:s19+$0xD860] =	vst v24;
	v58 =	vmax.f32 v25, v57  }
0x10d: {  	v26 =	vld [tilespmem:s22+$0x8F0];
	v24 =	vsub.f32 v55, v58  }
0x10e: {  	v27 =	vld [tilespmem:s22+$0x970]  }
0x10f: {  	v46 =	vld [tilespmem:s22+$0x9F0];
	[tilespmem:s30+$0xD850] =	vst v24  }
0x110: {  	v24 =	vld [tilespmem:s26+$0x860]  }
0x111: {  	v59 =	vld [tilespmem:s26+$0x8E0]  }
0x112: {  	v60 =	vld [tilespmem:s26+$0x960]  }
0x113: {  	v61 =	vld [tilespmem:s26+$0x9E0]  }
0x114: {  	v62 =	vld [tilespmem:s26+$0xA60]  }
0x115: {  	v63 =	vld [tilespmem:s26+$0xAE0]  }
0x116: {  	v36 =	vld [tilespmem:s26+$0xB60];
	v24 =	vmul.f32 v24, v18;
	v28 =	vmul.f32 v59, v22  }
0x117: {  	v37 =	vld [tilespmem:s26+$0xBE0];
	v29 =	vmul.f32 v60, v19  }
0x118: {  	v39 =	vld [tilespmem:s26+$0xC60];
	v38 =	vmul.f32 v61, v16;
	v24 =	vmax.f32 v24, v28  }
0x119: {  	v41 =	vld [tilespmem:s26+$0xCE0];
	v40 =	vmul.f32 v62, v13;
	v24 =	vmax.f32 v24, v29  }
0x11a: {  	v43 =	vld [tilespmem:s26+$0xD60];
	v42 =	vmul.f32 v63, v14;
	v24 =	vmax.f32 v24, v38  }
0x11b: {  	v45 =	vld [tilespmem:s26+$0xDE0];
	v44 =	vmul.f32 v36, v12;
	v24 =	vmax.f32 v24, v40  }
0x11c: {  	v48 =	vld [tilespmem:s22+$0xA70];
	v47 =	vmul.f32 v37, v15;
	v24 =	vmax.f32 v24, v42  }
0x11d: {  	v52 =	vld [tilespmem:s22+$0xAF0];
	v49 =	vmul.f32 v39, v17;
	v24 =	vmax.f32 v24, v44  }
0x11e: {  	v51 =	vld [tilespmem:s30+$0xC860];
	v50 =	vmul.f32 v41, v20;
	v24 =	vmax.f32 v24, v47  }
0x11f: {  	v54 =	vld [tilespmem:s22+$0xB70];
	v53 =	vmul.f32 v43, v21;
	v24 =	vmax.f32 v24, v49  }
0x120: {  	v56 =	vld [tilespmem:s22+$0xBF0];
	v55 =	vmul.f32 v45, v23;
	v24 =	vmax.f32 v24, v50  }
0x121: {  	v25 =	vld [tilespmem:s22+$0x870];
	v24 =	vmax.f32 v24, v53  }
0x122: {  	v57 =	vld [tilespmem:s22+$0xC70];
	v24 =	vmax.f32 v24, v55  }
0x123: {  	v58 =	vld [tilespmem:s22+$0xCF0];
	v24 =	vsub.f32 v51, v24  }
0x124: {  	v59 =	vld [tilespmem:s22+$0xD70]  }
0x125: {  	v36 =	vld [tilespmem:s22+$0xDF0];
	[tilespmem:s30+$0xD860] =	vst v24  }
0x126: {  	v24 =	vld [tilespmem:s26+$0x870]  }
0x127: {  	v60 =	vld [tilespmem:s26+$0x8F0]  }
0x128: {  	v5 =	vmul.f32 v26, v5;
	v4 =	vmul.f32 v25, v4;
	v61 =	vld [tilespmem:s26+$0x970]  }
0x129: {  	v6 =	vmul.f32 v27, v6;
	v27 =	vmul.f32 v48, v8;
	v63 =	vld [tilespmem:s26+$0x9F0]  }
0x12a: {  	v35 =	vmul.f32 v52, v9;
	v4 =	vmax.f32 v4, v5;
	v62 =	vmul.f32 v46, v7;
	v34 =	vld [tilespmem:s26+$0xA70]  }
0x12b: {  	v3 =	vmul.f32 v57, v3;
	v2 =	vmul.f32 v58, v2;
	v4 =	vmax.f32 v4, v6;
	v38 =	vld [tilespmem:s26+$0xAF0]  }
0x12c: {  	v4 =	vmax.f32 v4, v62;
	v41 =	vld [tilespmem:s26+$0xB70];
	v39 =	vmul.f32 v24, v18;
	v40 =	vmul.f32 v60, v22  }
0x12d: {  	v37 =	vmul.f32 v54, v11;
	v4 =	vmax.f32 v4, v27;
	v44 =	vld [tilespmem:s26+$0xBF0];
	v43 =	vmul.f32 v61, v19  }
0x12e: {  	v4 =	vmax.f32 v4, v35;
	v45 =	vld [tilespmem:s26+$0xC70];
	v7 =	vmul.f32 v63, v16;
	v6 =	vmax.f32 v39, v40  }
0x12f: {  	v4 =	vmax.f32 v4, v37;
	v48 =	vld [tilespmem:s26+$0xCF0];
	v47 =	vmul.f32 v34, v13;
	v46 =	vmax.f32 v6, v43  }
0x130: {  	v42 =	vmul.f32 v56, v10;
	v50 =	vld [tilespmem:s26+$0xD70];
	v49 =	vmul.f32 v38, v14;
	v5 =	vmax.f32 v46, v7  }
0x131: {  	v0 =	vmul.f32 v59, v0;
	v51 =	vld [tilespmem:s26+$0xDF0];
	v52 =	vmul.f32 v41, v12;
	v5 =	vmax.f32 v5, v47  }
0x132: {  	v4 =	vmax.f32 v4, v42;
	v54 =	vmul.f32 v44, v15;
	v53 =	vmax.f32 v5, v49  }
0x133: {  	v57 =	vld [tilespmem:s19+$0xC870];
	v3 =	vmax.f32 v4, v3;
	v56 =	vmul.f32 v45, v17;
	v55 =	vmax.f32 v53, v52  }
0x134: {  	v59 =	vld [tilespmem:s30+$0xC870];
	v2 =	vmax.f32 v3, v2;
	v58 =	vmul.f32 v48, v20;
	v3 =	vmax.f32 v55, v54  }
0x135: {  	v1 =	vmul.f32 v36, v1;
	v60 =	vmul.f32 v50, v21;
	v3 =	vmax.f32 v3, v56  }
0x136: {  	p0 =	slt.u32 s17, $0x1E;
	v0 =	vmax.f32 v2, v0;
	v62 =	vmul.f32 v51, v23;
	v61 =	vmax.f32 v3, v58  }
.Ltmp0:
0x137: {  	v0 =	vmax.f32 v0, v1;
	v63 =	vmax.f32 v61, v60;
	(pc) =	sbr.rel @p0 .LBB2_2-.Ltmp0, $4  }
0x138: {  	v0 =	vsub.f32 v57, v0;
	v1 =	vmax.f32 v63, v62  }
0x139: {  	v1 =	vsub.f32 v59, v1  }
0x13a: {  	[tilespmem:s19+$0xD870] =	vst v0;
	s26 =	sadd.s32 $0x2, s17  }
0x13b: {  	s17 =	smov.u32 s26;
	[tilespmem:s30+$0xD870] =	vst v1  }
0x13c: {  	[spmem:s9] =	stream.linear.scatter [tilespmem:s29], [sflag:$0x3], $0x1000, $0x38;
	[tilespmem:$0x10800] =	vst v63  }
0x13d: {  	_ =	swait.ge [sflag:s11], $0x1000  }
0x13e: {  	[sflag:s11] =	ssyncset.done $0x0  }
0x13f: {  	s17 =	simm.s32 $0x0;
	[sflag:s11] =	ssyncadd.s32 $0xFFFFF000  }
0x140: {  	[hbm4b:s23+s17] =	stream.linear.scatter [tilespmem:s29], [sflag:$0x2], $0x1000, $0x38;
	[tilespmem:$0x10800] =	vst v63  }
0x141: {  	[bflag:$0x0] =	sbarrier.arrive $0xFFFF  }
0x142: {  	[tilespmem:s14], [sflag:$0x1] =	stream.indirect.gather [spmem:s1], $0x80, s25, s13, $0xb8;
	[tilespmem:$0x10800] =	vst v63  }
0x143: {  	s19 =	simm.s32 $0x480  }
0x144: {  	[tilespmem:s16], [sflag:$0x1] =	stream.indirect.gather [spmem:s1], $0x80, s19, s13, $0xb8;
	[tilespmem:$0x10800] =	vst v63  }
0x145: {  	_ = 	snop  }
0x146: {  	[tilespmem:s18], [sflag:$0x1] =	stream.indirect.gather [spmem:s1], $0x80, s31, s13, $0xb8;
	[tilespmem:$0x10800] =	vst v63  }
0x147: {  	_ = 	snop  }
0x148: {  	[tilespmem:s20], [sflag:$0x1] =	stream.indirect.gather [spmem:s1], $0x80, s0, s13, $0xb8;
	[tilespmem:$0x10800] =	vst v63  }
0x149: {  	_ =	swait.ge [sflag:s28], $0x3000  }
0x14a: {  	[sflag:s28] =	ssyncset.done $0x0  }
0x14b: {  	[sflag:s28] =	ssyncadd.s32 $0xFFFFD000  }
0x14c: {  	_ =	swait.ge [sflag:s28], $0x3000  }
0x14d: {  	[sflag:s28] =	ssyncset.done $0x0  }
0x14e: {  	[sflag:s28] =	ssyncadd.s32 $0xFFFFD000  }
0x14f: {  	_ =	swait.ge [sflag:s28], $0x3000  }
0x150: {  	[sflag:s28] =	ssyncset.done $0x0  }
0x151: {  	[sflag:s28] =	ssyncadd.s32 $0xFFFFD000  }
0x152: {  	_ =	swait.ge [sflag:s28], $0x3000  }
0x153: {  	[sflag:s28] =	ssyncset.done $0x0  }
0x154: {  	[sflag:s28] =	ssyncadd.s32 $0xFFFFD000  }
.LBB2_4:
0x155: {  	s19 =	sshll.u32 s17, $0x4;
	s22 =	smul.u32 $0x1800, s17  }
0x156: {  	s19 =	sand.u32 $0x3FFFFFF0, s19  }
0x157: {  	v1 =	vld [tilespmem:s19+$0x600];
	s22 =	sshra.s32 s22, $0x2  }
0x158: {  	v0 =	vld [tilespmem:s22+$0x800]  }
0x159: {  	v2 =	vld [tilespmem:s22+$0x880]  }
0x15a: {  	v3 =	vld [tilespmem:s22+$0x900]  }
0x15b: {  	v9 =	vld [tilespmem:s22+$0x980]  }
0x15c: {  	v10 =	vld [tilespmem:s22+$0xA00];
	v4 =	vbroadcast v1, $0x0;
	v5 =	vbroadcast v1, $0x1  }
0x15d: {  	v12 =	vld [tilespmem:s22+$0xA80];
	v6 =	vbroadcast v1, $0x2;
	v7 =	vbroadcast v1, $0x3  }
0x15e: {  	v13 =	vld [tilespmem:s22+$0xB00];
	v0 =	vmul.f32 v4, v0;
	v2 =	vmul.f32 v2, v5  }
0x15f: {  	v14 =	vld [tilespmem:s22+$0xB80];
	v8 =	vbroadcast v1, $0x4;
	v3 =	vmul.f32 v3, v6  }
0x160: {  	v15 =	vld [tilespmem:s22+$0xC00];
	v29 =	vmul.f32 v9, v7;
	v9 =	vbroadcast v1, $0x5;
	v0 =	vmax.f32 v0, v2  }
0x161: {  	v16 =	vld [tilespmem:s22+$0xC80];
	v11 =	vbroadcast v1, $0x6;
	v30 =	vmul.f32 v10, v8;
	v0 =	vmax.f32 v0, v3  }
0x162: {  	v32 =	vld [tilespmem:s22+$0xD00];
	v10 =	vbroadcast v1, $0x7;
	v31 =	vmul.f32 v12, v9;
	v0 =	vmax.f32 v0, v29  }
0x163: {  	v17 =	vld [tilespmem:s22+$0xD80];
	v13 =	vmul.f32 v13, v11;
	v3 =	vbroadcast v1, $0x8;
	v0 =	vmax.f32 v0, v30  }
0x164: {  	v14 =	vmul.f32 v14, v10;
	v2 =	vbroadcast v1, $0x9;
	v0 =	vmax.f32 v0, v31  }
0x165: {  	v15 =	vmul.f32 v15, v3;
	v13 =	vmax.f32 v0, v13;
	v0 =	vbroadcast v1, $0xA  }
0x166: {  	v33 =	vmul.f32 v16, v2;
	v1 =	vbroadcast v1, $0xB;
	v13 =	vmax.f32 v13, v14  }
0x167: {  	v13 =	vmax.f32 v13, v15;
	v12 =	vmul.f32 v32, v0  }
0x168: {  	v34 =	vmul.f32 v17, v1;
	v13 =	vmax.f32 v13, v33  }
0x169: {  	s30 =	sshll.u32 s17, $0x7;
	v12 =	vmax.f32 v13, v12  }
0x16a: {  	s19 =	sand.u32 $0x3FFFFF80, s30;
	v12 =	vmax.f32 v12, v34  }
0x16b: {  	[tilespmem:s19+$0xE800] =	vst v12  }
0x16c: {  	v12 =	vld [tilespmem:s22+$0x810]  }
0x16d: {  	v35 =	vld [tilespmem:s22+$0x890]  }
0x16e: {  	v36 =	vld [tilespmem:s22+$0x910]  }
0x16f: {  	v37 =	vld [tilespmem:s22+$0x990]  }
0x170: {  	v38 =	vld [tilespmem:s22+$0xA10]  }
0x171: {  	v39 =	vld [tilespmem:s22+$0xA90]  }
0x172: {  	v18 =	vld [tilespmem:s22+$0xB10];
	v12 =	vmul.f32 v12, v4;
	v13 =	vmul.f32 v35, v5  }
0x173: {  	v19 =	vld [tilespmem:s22+$0xB90];
	v14 =	vmul.f32 v36, v6  }
0x174: {  	v41 =	vld [tilespmem:s22+$0xC10];
	v40 =	vmul.f32 v37, v7;
	v12 =	vmax.f32 v12, v13  }
0x175: {  	v43 =	vld [tilespmem:s22+$0xC90];
	v42 =	vmul.f32 v38, v8;
	v12 =	vmax.f32 v12, v14  }
0x176: {  	v45 =	vld [tilespmem:s22+$0xD10];
	v44 =	vmul.f32 v39, v9;
	v12 =	vmax.f32 v12, v40  }
0x177: {  	v47 =	vld [tilespmem:s22+$0xD90];
	v46 =	vmul.f32 v18, v11;
	v12 =	vmax.f32 v12, v42  }
0x178: {  	v48 =	vmul.f32 v19, v10;
	v12 =	vmax.f32 v12, v44  }
0x179: {  	v49 =	vmul.f32 v41, v3;
	v12 =	vmax.f32 v12, v46  }
0x17a: {  	v50 =	vmul.f32 v43, v2;
	v12 =	vmax.f32 v12, v48  }
0x17b: {  	v51 =	vmul.f32 v45, v0;
	v12 =	vmax.f32 v12, v49  }
0x17c: {  	v52 =	vmul.f32 v47, v1;
	v12 =	vmax.f32 v12, v50  }
0x17d: {  	v12 =	vmax.f32 v12, v51  }
0x17e: {  	v12 =	vmax.f32 v12, v52  }
0x17f: {  	[tilespmem:s19+$0xE810] =	vst v12  }
0x180: {  	v12 =	vld [tilespmem:s22+$0x820]  }
0x181: {  	v53 =	vld [tilespmem:s22+$0x8A0]  }
0x182: {  	v54 =	vld [tilespmem:s22+$0x920]  }
0x183: {  	v55 =	vld [tilespmem:s22+$0x9A0]  }
0x184: {  	v56 =	vld [tilespmem:s22+$0xA20]  }
0x185: {  	v57 =	vld [tilespmem:s22+$0xAA0]  }
0x186: {  	v58 =	vld [tilespmem:s22+$0xB20];
	v12 =	vmul.f32 v12, v4;
	v13 =	vmul.f32 v53, v5  }
0x187: {  	v59 =	vld [tilespmem:s22+$0xBA0];
	v14 =	vmul.f32 v54, v6  }
0x188: {  	v61 =	vld [tilespmem:s22+$0xC20];
	v60 =	vmul.f32 v55, v7;
	v12 =	vmax.f32 v12, v13  }
0x189: {  	v63 =	vld [tilespmem:s22+$0xCA0];
	v62 =	vmul.f32 v56, v8;
	v12 =	vmax.f32 v12, v14  }
0x18a: {  	v22 =	vld [tilespmem:s22+$0xD20];
	v21 =	vmul.f32 v57, v9;
	v12 =	vmax.f32 v12, v60  }
0x18b: {  	s30 =	sor.u32 $0x1, s17;
	v24 =	vld [tilespmem:s22+$0xDA0];
	v23 =	vmul.f32 v58, v11;
	v12 =	vmax.f32 v12, v62  }
0x18c: {  	s26 =	sshll.u32 s30, $0x4;
	v25 =	vmul.f32 v59, v10;
	v12 =	vmax.f32 v12, v21  }
0x18d: {  	s26 =	sand.u32 $0x3FFFFFF0, s26;
	v26 =	vmul.f32 v61, v3;
	v12 =	vmax.f32 v12, v23  }
0x18e: {  	v27 =	vmul.f32 v63, v2;
	v23 =	vld [tilespmem:s26+$0x600];
	s26 =	smul.u32 $0x1800, s30;
	v12 =	vmax.f32 v12, v25  }
0x18f: {  	v28 =	vmul.f32 v22, v0;
	v12 =	vmax.f32 v12, v26  }
0x190: {  	v29 =	vmul.f32 v24, v1;
	s26 =	sshra.s32 s26, $0x2;
	v12 =	vmax.f32 v12, v27  }
0x191: {  	v50 =	vld [tilespmem:s26+$0x800];
	v12 =	vmax.f32 v12, v28  }
0x192: {  	v51 =	vld [tilespmem:s26+$0x880];
	v12 =	vmax.f32 v12, v29  }
0x193: {  	v52 =	vld [tilespmem:s26+$0x900];
	[tilespmem:s19+$0xE820] =	vst v12  }
0x194: {  	v12 =	vld [tilespmem:s22+$0x830]  }
0x195: {  	v30 =	vld [tilespmem:s22+$0x8B0]  }
0x196: {  	v31 =	vld [tilespmem:s22+$0x930]  }
0x197: {  	v32 =	vld [tilespmem:s22+$0x9B0]  }
0x198: {  	v33 =	vld [tilespmem:s22+$0xA30]  }
0x199: {  	v34 =	vld [tilespmem:s22+$0xAB0]  }
0x19a: {  	v35 =	vld [tilespmem:s22+$0xB30];
	v12 =	vmul.f32 v12, v4;
	v13 =	vmul.f32 v30, v5  }
0x19b: {  	v36 =	vld [tilespmem:s22+$0xBB0];
	v14 =	vmul.f32 v31, v6  }
0x19c: {  	v38 =	vld [tilespmem:s22+$0xC30];
	v37 =	vmul.f32 v32, v7;
	v12 =	vmax.f32 v12, v13  }
0x19d: {  	v40 =	vld [tilespmem:s22+$0xCB0];
	v39 =	vmul.f32 v33, v8;
	v12 =	vmax.f32 v12, v14  }
0x19e: {  	v42 =	vld [tilespmem:s22+$0xD30];
	v41 =	vmul.f32 v34, v9;
	v12 =	vmax.f32 v12, v37  }
0x19f: {  	v44 =	vld [tilespmem:s22+$0xDB0];
	v43 =	vmul.f32 v35, v11;
	v12 =	vmax.f32 v12, v39  }
0x1a0: {  	v53 =	vld [tilespmem:s26+$0x980];
	v45 =	vmul.f32 v36, v10;
	v12 =	vmax.f32 v12, v41  }
0x1a1: {  	v54 =	vld [tilespmem:s26+$0xA00];
	v46 =	vmul.f32 v38, v3;
	v12 =	vmax.f32 v12, v43  }
0x1a2: {  	v21 =	vld [tilespmem:s26+$0xA80];
	v47 =	vmul.f32 v40, v2;
	v12 =	vmax.f32 v12, v45  }
0x1a3: {  	v55 =	vld [tilespmem:s26+$0xC00];
	v48 =	vmul.f32 v42, v0;
	v12 =	vmax.f32 v12, v46  }
0x1a4: {  	v28 =	vld [tilespmem:s26+$0xB00];
	v49 =	vmul.f32 v44, v1;
	v12 =	vmax.f32 v12, v47  }
0x1a5: {  	v18 =	vbroadcast v23, $0x0;
	v20 =	vbroadcast v23, $0x1;
	v30 =	vld [tilespmem:s26+$0xB80];
	v12 =	vmax.f32 v12, v48  }
0x1a6: {  	v19 =	vbroadcast v23, $0x2;
	v16 =	vbroadcast v23, $0x3;
	v31 =	vld [tilespmem:s26+$0xC80];
	v12 =	vmax.f32 v12, v49  }
0x1a7: {  	v22 =	vmul.f32 v51, v20;
	v32 =	vld [tilespmem:s26+$0xD00];
	[tilespmem:s19+$0xE830] =	vst v12;
	v12 =	vmul.f32 v18, v50  }
0x1a8: {  	v29 =	vmul.f32 v52, v19;
	v33 =	vld [tilespmem:s26+$0xD80];
	v13 =	vbroadcast v23, $0x4  }
0x1a9: {  	v15 =	vmul.f32 v53, v16;
	v14 =	vbroadcast v23, $0x5;
	v24 =	vld [tilespmem:s22+$0x840];
	v12 =	vmax.f32 v12, v22  }
0x1aa: {  	v17 =	vmul.f32 v54, v13;
	v25 =	vld [tilespmem:s22+$0x8C0];
	v29 =	vmax.f32 v12, v29;
	v12 =	vbroadcast v23, $0x6  }
0x1ab: {  	v21 =	vmul.f32 v21, v14;
	v26 =	vld [tilespmem:s22+$0x940];
	v29 =	vmax.f32 v29, v15;
	v15 =	vbroadcast v23, $0x7  }
0x1ac: {  	v27 =	vld [tilespmem:s22+$0x9C0];
	v29 =	vmax.f32 v29, v17;
	v28 =	vmul.f32 v28, v12;
	v17 =	vbroadcast v23, $0x8  }
0x1ad: {  	v34 =	vld [tilespmem:s22+$0xA40];
	v29 =	vmax.f32 v29, v21;
	v30 =	vmul.f32 v30, v15;
	v21 =	vbroadcast v23, $0x9  }
0x1ae: {  	v35 =	vld [tilespmem:s22+$0xAC0];
	v22 =	vbroadcast v23, $0xA;
	v28 =	vmax.f32 v29, v28;
	v56 =	vmul.f32 v55, v17  }
0x1af: {  	v36 =	vld [tilespmem:s22+$0xB40];
	v23 =	vbroadcast v23, $0xB;
	v28 =	vmax.f32 v28, v30;
	v57 =	vmul.f32 v31, v21  }
0x1b0: {  	v58 =	vld [tilespmem:s22+$0xBC0];
	v59 =	vmul.f32 v32, v22;
	v28 =	vmax.f32 v28, v56  }
0x1b1: {  	v60 =	vld [tilespmem:s22+$0xC40];
	v61 =	vmul.f32 v33, v23;
	v28 =	vmax.f32 v28, v57  }
0x1b2: {  	s30 =	sshll.u32 s30, $0x7;
	v62 =	vld [tilespmem:s22+$0xCC0];
	v28 =	vmax.f32 v28, v59  }
0x1b3: {  	s30 =	sand.u32 $0x3FFFFF80, s30;
	v63 =	vld [tilespmem:s22+$0xD40];
	v28 =	vmax.f32 v28, v61  }
0x1b4: {  	v40 =	vld [tilespmem:s22+$0xDC0];
	[tilespmem:s30+$0xE800] =	vst v28  }
0x1b5: {  	v28 =	vld [tilespmem:s26+$0x810]  }
0x1b6: {  	v24 =	vmul.f32 v24, v4;
	v25 =	vmul.f32 v25, v5;
	v42 =	vld [tilespmem:s26+$0x890]  }
0x1b7: {  	v26 =	vmul.f32 v26, v6;
	v41 =	vmul.f32 v27, v7;
	v44 =	vld [tilespmem:s26+$0x910]  }
0x1b8: {  	v43 =	vmul.f32 v34, v8;
	v45 =	vmul.f32 v35, v9;
	v24 =	vmax.f32 v24, v25;
	v46 =	vld [tilespmem:s26+$0x990]  }
0x1b9: {  	v47 =	vmul.f32 v36, v11;
	v49 =	vmul.f32 v58, v10;
	v24 =	vmax.f32 v24, v26;
	v48 =	vld [tilespmem:s26+$0xA10]  }
0x1ba: {  	v53 =	vmul.f32 v60, v3;
	v29 =	vmul.f32 v63, v0;
	v24 =	vmax.f32 v24, v41;
	v50 =	vld [tilespmem:s26+$0xA90]  }
0x1bb: {  	v24 =	vmax.f32 v24, v43;
	v52 =	vld [tilespmem:s26+$0xB10];
	v51 =	vmul.f32 v28, v18;
	v27 =	vmul.f32 v42, v20  }
0x1bc: {  	v33 =	vmul.f32 v62, v2;
	v24 =	vmax.f32 v24, v45;
	v55 =	vld [tilespmem:s26+$0xB90];
	v54 =	vmul.f32 v44, v19  }
0x1bd: {  	v24 =	vmax.f32 v24, v47;
	v57 =	vld [tilespmem:s26+$0xC10];
	v56 =	vmul.f32 v46, v16;
	v26 =	vmax.f32 v51, v27  }
0x1be: {  	v24 =	vmax.f32 v24, v49;
	v60 =	vld [tilespmem:s26+$0xC90];
	v59 =	vmul.f32 v48, v13;
	v58 =	vmax.f32 v26, v54  }
0x1bf: {  	v62 =	vld [tilespmem:s26+$0xD10];
	v24 =	vmax.f32 v24, v53;
	v61 =	vmul.f32 v50, v14;
	v25 =	vmax.f32 v58, v56  }
0x1c0: {  	v24 =	vmax.f32 v24, v33;
	v33 =	vld [tilespmem:s26+$0xD90];
	v63 =	vmul.f32 v52, v12;
	v25 =	vmax.f32 v25, v59  }
0x1c1: {  	v30 =	vmul.f32 v40, v1;
	v36 =	vmul.f32 v55, v15;
	v25 =	vmax.f32 v25, v61  }
0x1c2: {  	v24 =	vmax.f32 v24, v29;
	v37 =	vmul.f32 v57, v17;
	v25 =	vmax.f32 v25, v63  }
0x1c3: {  	v24 =	vmax.f32 v24, v30;
	v38 =	vmul.f32 v60, v21;
	v25 =	vmax.f32 v25, v36  }
0x1c4: {  	[tilespmem:s19+$0xE840] =	vst v24;
	v40 =	vmul.f32 v62, v22;
	v39 =	vmax.f32 v25, v37  }
0x1c5: {  	v28 =	vld [tilespmem:s22+$0x8D0];
	v41 =	vmul.f32 v33, v23;
	v24 =	vmax.f32 v39, v38  }
0x1c6: {  	v57 =	vld [tilespmem:s22+$0xA50];
	v24 =	vmax.f32 v24, v40  }
0x1c7: {  	v27 =	vld [tilespmem:s22+$0x9D0];
	v24 =	vmax.f32 v24, v41  }
0x1c8: {  	v26 =	vld [tilespmem:s22+$0x850];
	[tilespmem:s30+$0xE810] =	vst v24  }
0x1c9: {  	v24 =	vld [tilespmem:s26+$0x820]  }
0x1ca: {  	v42 =	vld [tilespmem:s26+$0x8A0]  }
0x1cb: {  	v43 =	vld [tilespmem:s26+$0x920]  }
0x1cc: {  	v44 =	vld [tilespmem:s26+$0x9A0]  }
0x1cd: {  	v45 =	vld [tilespmem:s26+$0xA20]  }
0x1ce: {  	v46 =	vld [tilespmem:s26+$0xAA0]  }
0x1cf: {  	v47 =	vld [tilespmem:s26+$0xB20];
	v24 =	vmul.f32 v24, v18;
	v29 =	vmul.f32 v42, v20  }
0x1d0: {  	v48 =	vld [tilespmem:s26+$0xBA0];
	v30 =	vmul.f32 v43, v19  }
0x1d1: {  	v50 =	vld [tilespmem:s26+$0xC20];
	v49 =	vmul.f32 v44, v16;
	v24 =	vmax.f32 v24, v29  }
0x1d2: {  	v52 =	vld [tilespmem:s26+$0xCA0];
	v51 =	vmul.f32 v45, v13;
	v24 =	vmax.f32 v24, v30  }
0x1d3: {  	v54 =	vld [tilespmem:s26+$0xD20];
	v53 =	vmul.f32 v46, v14;
	v24 =	vmax.f32 v24, v49  }
0x1d4: {  	v56 =	vld [tilespmem:s26+$0xDA0];
	v55 =	vmul.f32 v47, v12;
	v24 =	vmax.f32 v24, v51  }
0x1d5: {  	v59 =	vld [tilespmem:s22+$0xAD0];
	v58 =	vmul.f32 v48, v15;
	v24 =	vmax.f32 v24, v53  }
0x1d6: {  	v61 =	vld [tilespmem:s22+$0xB50];
	v60 =	vmul.f32 v50, v17;
	v24 =	vmax.f32 v24, v55  }
0x1d7: {  	v63 =	vld [tilespmem:s22+$0xBD0];
	v62 =	vmul.f32 v52, v21;
	v24 =	vmax.f32 v24, v58  }
0x1d8: {  	v25 =	vld [tilespmem:s22+$0x950];
	v39 =	vmul.f32 v54, v22;
	v24 =	vmax.f32 v24, v60  }
0x1d9: {  	v40 =	vld [tilespmem:s22+$0xC50];
	v41 =	vmul.f32 v56, v23;
	v24 =	vmax.f32 v24, v62  }
0x1da: {  	v42 =	vld [tilespmem:s22+$0xCD0];
	v24 =	vmax.f32 v24, v39  }
0x1db: {  	v43 =	vld [tilespmem:s22+$0xD50];
	v24 =	vmax.f32 v24, v41  }
0x1dc: {  	v44 =	vld [tilespmem:s22+$0xDD0];
	[tilespmem:s30+$0xE820] =	vst v24  }
0x1dd: {  	v28 =	vmul.f32 v28, v5;
	v46 =	vld [tilespmem:s26+$0x830]  }
0x1de: {  	v27 =	vmul.f32 v27, v7;
	v26 =	vmul.f32 v26, v4;
	v47 =	vld [tilespmem:s26+$0x8B0]  }
0x1df: {  	v45 =	vmul.f32 v25, v6;
	v48 =	vmul.f32 v57, v8;
	v49 =	vld [tilespmem:s26+$0x930]  }
0x1e0: {  	v50 =	vmul.f32 v59, v9;
	v52 =	vmul.f32 v61, v11;
	v51 =	vld [tilespmem:s26+$0x9B0]  }
0x1e1: {  	v26 =	vmax.f32 v26, v28;
	v54 =	vmul.f32 v63, v10;
	v34 =	vmul.f32 v42, v2;
	v53 =	vld [tilespmem:s26+$0xA30]  }
0x1e2: {  	v30 =	vmul.f32 v43, v0;
	v29 =	vmul.f32 v44, v1;
	v24 =	vmax.f32 v26, v45;
	v55 =	vld [tilespmem:s26+$0xAB0]  }
0x1e3: {  	v24 =	vmax.f32 v24, v27;
	v57 =	vld [tilespmem:s26+$0xB30];
	v25 =	vmul.f32 v46, v18;
	v56 =	vmul.f32 v47, v20  }
0x1e4: {  	v58 =	vmul.f32 v40, v3;
	v60 =	vld [tilespmem:s26+$0xBB0];
	v24 =	vmax.f32 v24, v48;
	v59 =	vmul.f32 v49, v19  }
0x1e5: {  	v62 =	vld [tilespmem:s26+$0xC30];
	v24 =	vmax.f32 v24, v50;
	v61 =	vmul.f32 v51, v16;
	v25 =	vmax.f32 v25, v56  }
0x1e6: {  	v37 =	vld [tilespmem:s26+$0xCB0];
	v24 =	vmax.f32 v24, v52;
	v63 =	vmul.f32 v53, v13;
	v25 =	vmax.f32 v25, v59  }
0x1e7: {  	v39 =	vld [tilespmem:s26+$0xD30];
	v24 =	vmax.f32 v24, v54;
	v38 =	vmul.f32 v55, v14;
	v25 =	vmax.f32 v25, v61  }
0x1e8: {  	v41 =	vld [tilespmem:s26+$0xDB0];
	v24 =	vmax.f32 v24, v58;
	v40 =	vmul.f32 v57, v12;
	v25 =	vmax.f32 v25, v63  }
0x1e9: {  	v42 =	vmul.f32 v60, v15;
	v24 =	vmax.f32 v24, v34;
	v25 =	vmax.f32 v25, v38  }
0x1ea: {  	v43 =	vmul.f32 v62, v17;
	v24 =	vmax.f32 v24, v30;
	v25 =	vmax.f32 v25, v40  }
0x1eb: {  	v44 =	vmul.f32 v37, v21;
	v24 =	vmax.f32 v24, v29;
	v25 =	vmax.f32 v25, v42  }
0x1ec: {  	v46 =	vmul.f32 v39, v22;
	[tilespmem:s19+$0xE850] =	vst v24;
	v45 =	vmax.f32 v25, v43  }
0x1ed: {  	v47 =	vmul.f32 v41, v23;
	v27 =	vld [tilespmem:s22+$0x860];
	v24 =	vmax.f32 v45, v44  }
0x1ee: {  	v28 =	vld [tilespmem:s22+$0x8E0];
	v24 =	vmax.f32 v24, v46  }
0x1ef: {  	v26 =	vld [tilespmem:s22+$0x9E0];
	v24 =	vmax.f32 v24, v47  }
0x1f0: {  	v63 =	vld [tilespmem:s22+$0xA60];
	[tilespmem:s30+$0xE830] =	vst v24  }
0x1f1: {  	v24 =	vld [tilespmem:s26+$0x840]  }
0x1f2: {  	v48 =	vld [tilespmem:s26+$0x8C0]  }
0x1f3: {  	v49 =	vld [tilespmem:s26+$0x940]  }
0x1f4: {  	v50 =	vld [tilespmem:s26+$0x9C0]  }
0x1f5: {  	v51 =	vld [tilespmem:s26+$0xA40]  }
0x1f6: {  	v52 =	vld [tilespmem:s26+$0xAC0]  }
0x1f7: {  	v53 =	vld [tilespmem:s26+$0xB40];
	v24 =	vmul.f32 v24, v18;
	v29 =	vmul.f32 v48, v20  }
0x1f8: {  	v54 =	vld [tilespmem:s26+$0xBC0];
	v30 =	vmul.f32 v49, v19  }
0x1f9: {  	v56 =	vld [tilespmem:s26+$0xC40];
	v55 =	vmul.f32 v50, v16;
	v24 =	vmax.f32 v24, v29  }
0x1fa: {  	v58 =	vld [tilespmem:s26+$0xCC0];
	v57 =	vmul.f32 v51, v13;
	v24 =	vmax.f32 v24, v30  }
0x1fb: {  	v60 =	vld [tilespmem:s26+$0xD40];
	v59 =	vmul.f32 v52, v14;
	v24 =	vmax.f32 v24, v55  }
0x1fc: {  	v62 =	vld [tilespmem:s26+$0xDC0];
	v61 =	vmul.f32 v53, v12;
	v24 =	vmax.f32 v24, v57  }
0x1fd: {  	v41 =	vld [tilespmem:s22+$0xAE0];
	v40 =	vmul.f32 v54, v15;
	v24 =	vmax.f32 v24, v59  }
0x1fe: {  	v25 =	vld [tilespmem:s22+$0x960];
	v42 =	vmul.f32 v56, v17;
	v24 =	vmax.f32 v24, v61  }
0x1ff: {  	v43 =	vld [tilespmem:s22+$0xB60];
	v44 =	vmul.f32 v58, v21;
	v24 =	vmax.f32 v24, v40  }
0x200: {  	v45 =	vld [tilespmem:s22+$0xBE0];
	v46 =	vmul.f32 v60, v22;
	v24 =	vmax.f32 v24, v42  }
0x201: {  	v47 =	vld [tilespmem:s22+$0xC60];
	v48 =	vmul.f32 v62, v23;
	v24 =	vmax.f32 v24, v44  }
0x202: {  	v49 =	vld [tilespmem:s22+$0xCE0];
	v24 =	vmax.f32 v24, v46  }
0x203: {  	v50 =	vld [tilespmem:s22+$0xD60];
	v24 =	vmax.f32 v24, v48  }
0x204: {  	v29 =	vld [tilespmem:s22+$0xDE0];
	[tilespmem:s30+$0xE840] =	vst v24  }
0x205: {  	v27 =	vmul.f32 v27, v4;
	v52 =	vld [tilespmem:s26+$0x850]  }
0x206: {  	v28 =	vmul.f32 v28, v5;
	v26 =	vmul.f32 v26, v7;
	v53 =	vld [tilespmem:s26+$0x8D0]  }
0x207: {  	v51 =	vmul.f32 v25, v6;
	v54 =	vmul.f32 v63, v8;
	v55 =	vld [tilespmem:s26+$0x950]  }
0x208: {  	v56 =	vmul.f32 v41, v9;
	v58 =	vmul.f32 v43, v11;
	v57 =	vld [tilespmem:s26+$0x9D0]  }
0x209: {  	v27 =	vmax.f32 v27, v28;
	v60 =	vmul.f32 v45, v10;
	v34 =	vmul.f32 v49, v2;
	v59 =	vld [tilespmem:s26+$0xA50]  }
0x20a: {  	v30 =	vmul.f32 v50, v0;
	v29 =	vmul.f32 v29, v1;
	v24 =	vmax.f32 v27, v51;
	v61 =	vld [tilespmem:s26+$0xAD0]  }
0x20b: {  	v24 =	vmax.f32 v24, v26;
	v63 =	vld [tilespmem:s26+$0xB50];
	v25 =	vmul.f32 v52, v18;
	v62 =	vmul.f32 v53, v20  }
0x20c: {  	v40 =	vmul.f32 v47, v3;
	v42 =	vld [tilespmem:s26+$0xBD0];
	v24 =	vmax.f32 v24, v54;
	v41 =	vmul.f32 v55, v19  }
0x20d: {  	v44 =	vld [tilespmem:s26+$0xC50];
	v24 =	vmax.f32 v24, v56;
	v43 =	vmul.f32 v57, v16;
	v25 =	vmax.f32 v25, v62  }
0x20e: {  	v46 =	vld [tilespmem:s26+$0xCD0];
	v24 =	vmax.f32 v24, v58;
	v45 =	vmul.f32 v59, v13;
	v25 =	vmax.f32 v25, v41  }
0x20f: {  	v48 =	vld [tilespmem:s26+$0xD50];
	v24 =	vmax.f32 v24, v60;
	v47 =	vmul.f32 v61, v14;
	v25 =	vmax.f32 v25, v43  }
0x210: {  	v50 =	vld [tilespmem:s26+$0xDD0];
	v24 =	vmax.f32 v24, v40;
	v49 =	vmul.f32 v63, v12;
	v25 =	vmax.f32 v25, v45  }
0x211: {  	v51 =	vmul.f32 v42, v15;
	v24 =	vmax.f32 v24, v34;
	v25 =	vmax.f32 v25, v47  }
0x212: {  	v52 =	vmul.f32 v44, v17;
	v24 =	vmax.f32 v24, v30;
	v25 =	vmax.f32 v25, v49  }
0x213: {  	v53 =	vmul.f32 v46, v21;
	v24 =	vmax.f32 v24, v29;
	v25 =	vmax.f32 v25, v51  }
0x214: {  	v55 =	vmul.f32 v48, v22;
	[tilespmem:s19+$0xE860] =	vst v24;
	v54 =	vmax.f32 v25, v52  }
0x215: {  	v56 =	vmul.f32 v50, v23;
	v26 =	vld [tilespmem:s22+$0x870];
	v24 =	vmax.f32 v54, v53  }
0x216: {  	v28 =	vld [tilespmem:s22+$0x8F0];
	v24 =	vmax.f32 v24, v55  }
0x217: {  	v27 =	vld [tilespmem:s22+$0x9F0];
	v24 =	vmax.f32 v24, v56  }
0x218: {  	v48 =	vld [tilespmem:s22+$0xA70];
	[tilespmem:s30+$0xE850] =	vst v24  }
0x219: {  	v24 =	vld [tilespmem:s26+$0x860]  }
0x21a: {  	v57 =	vld [tilespmem:s26+$0x8E0]  }
0x21b: {  	v58 =	vld [tilespmem:s26+$0x960]  }
0x21c: {  	v59 =	vld [tilespmem:s26+$0x9E0]  }
0x21d: {  	v60 =	vld [tilespmem:s26+$0xA60]  }
0x21e: {  	v61 =	vld [tilespmem:s26+$0xAE0]  }
0x21f: {  	v62 =	vld [tilespmem:s26+$0xB60];
	v24 =	vmul.f32 v24, v18;
	v29 =	vmul.f32 v57, v20  }
0x220: {  	v63 =	vld [tilespmem:s26+$0xBE0];
	v30 =	vmul.f32 v58, v19  }
0x221: {  	v41 =	vld [tilespmem:s26+$0xC60];
	v40 =	vmul.f32 v59, v16;
	v24 =	vmax.f32 v24, v29  }
0x222: {  	v43 =	vld [tilespmem:s26+$0xCE0];
	v42 =	vmul.f32 v60, v13;
	v24 =	vmax.f32 v24, v30  }
0x223: {  	v45 =	vld [tilespmem:s26+$0xD60];
	v44 =	vmul.f32 v61, v14;
	v24 =	vmax.f32 v24, v40  }
0x224: {  	v47 =	vld [tilespmem:s26+$0xDE0];
	v46 =	vmul.f32 v62, v12;
	v24 =	vmax.f32 v24, v42  }
0x225: {  	v50 =	vld [tilespmem:s22+$0xAF0];
	v49 =	vmul.f32 v63, v15;
	v24 =	vmax.f32 v24, v44  }
0x226: {  	v25 =	vld [tilespmem:s22+$0x970];
	v51 =	vmul.f32 v41, v17;
	v24 =	vmax.f32 v24, v46  }
0x227: {  	v52 =	vld [tilespmem:s22+$0xB70];
	v53 =	vmul.f32 v43, v21;
	v24 =	vmax.f32 v24, v49  }
0x228: {  	v54 =	vld [tilespmem:s22+$0xBF0];
	v55 =	vmul.f32 v45, v22;
	v24 =	vmax.f32 v24, v51  }
0x229: {  	v56 =	vld [tilespmem:s22+$0xC70];
	v57 =	vmul.f32 v47, v23;
	v24 =	vmax.f32 v24, v53  }
0x22a: {  	v58 =	vld [tilespmem:s22+$0xCF0];
	v24 =	vmax.f32 v24, v55  }
0x22b: {  	v59 =	vld [tilespmem:s22+$0xD70];
	v24 =	vmax.f32 v24, v57  }
0x22c: {  	v60 =	vld [tilespmem:s22+$0xDF0];
	[tilespmem:s30+$0xE860] =	vst v24  }
0x22d: {  	v24 =	vld [tilespmem:s26+$0x870]  }
0x22e: {  	v61 =	vld [tilespmem:s26+$0x8F0]  }
0x22f: {  	v4 =	vmul.f32 v26, v4;
	v5 =	vmul.f32 v28, v5;
	v62 =	vld [tilespmem:s26+$0x970]  }
0x230: {  	v6 =	vmul.f32 v25, v6;
	v63 =	vmul.f32 v27, v7;
	v27 =	vld [tilespmem:s26+$0x9F0]  }
0x231: {  	v28 =	vmul.f32 v48, v8;
	v37 =	vmul.f32 v50, v9;
	v4 =	vmax.f32 v4, v5;
	v36 =	vld [tilespmem:s26+$0xA70]  }
0x232: {  	v38 =	vmul.f32 v52, v11;
	v4 =	vmax.f32 v4, v6;
	v3 =	vmul.f32 v56, v3;
	v39 =	vld [tilespmem:s26+$0xAF0]  }
0x233: {  	v4 =	vmax.f32 v4, v63;
	v42 =	vld [tilespmem:s26+$0xB70];
	v40 =	vmul.f32 v24, v18;
	v41 =	vmul.f32 v61, v20  }
0x234: {  	v43 =	vmul.f32 v54, v10;
	v4 =	vmax.f32 v4, v28;
	v45 =	vld [tilespmem:s26+$0xBF0];
	v44 =	vmul.f32 v62, v19  }
0x235: {  	v4 =	vmax.f32 v4, v37;
	v46 =	vld [tilespmem:s26+$0xC70];
	v7 =	vmul.f32 v27, v16;
	v6 =	vmax.f32 v40, v41  }
0x236: {  	v4 =	vmax.f32 v4, v38;
	v49 =	vld [tilespmem:s26+$0xCF0];
	v48 =	vmul.f32 v36, v13;
	v47 =	vmax.f32 v6, v44  }
0x237: {  	v2 =	vmul.f32 v58, v2;
	v51 =	vld [tilespmem:s26+$0xD70];
	v50 =	vmul.f32 v39, v14;
	v5 =	vmax.f32 v47, v7  }
0x238: {  	v0 =	vmul.f32 v59, v0;
	v52 =	vld [tilespmem:s26+$0xDF0];
	v53 =	vmul.f32 v42, v12;
	v5 =	vmax.f32 v5, v48  }
0x239: {  	v4 =	vmax.f32 v4, v43;
	v55 =	vmul.f32 v45, v15;
	v54 =	vmax.f32 v5, v50  }
0x23a: {  	v3 =	vmax.f32 v4, v3;
	v57 =	vmul.f32 v46, v17;
	v56 =	vmax.f32 v54, v53  }
0x23b: {  	p0 =	slt.u32 s17, $0x1E;
	v2 =	vmax.f32 v3, v2;
	v58 =	vmul.f32 v49, v21;
	v3 =	vmax.f32 v56, v55  }
.Ltmp1:
0x23c: {  	v1 =	vmul.f32 v60, v1;
	v59 =	vmul.f32 v51, v22;
	v3 =	vmax.f32 v3, v57;
	(pc) =	sbr.rel @p0 .LBB2_4-.Ltmp1, $4  }
0x23d: {  	v0 =	vmax.f32 v2, v0;
	v61 =	vmul.f32 v52, v23;
	v60 =	vmax.f32 v3, v58  }
0x23e: {  	v0 =	vmax.f32 v0, v1;
	v62 =	vmax.f32 v60, v59  }
0x23f: {  	[tilespmem:s19+$0xE870] =	vst v0;
	s26 =	sadd.s32 $0x2, s17;
	v63 =	vmax.f32 v62, v61  }
0x240: {  	s17 =	smov.u32 s26;
	[tilespmem:s30+$0xE870] =	vst v63  }
0x241: {  	[hbm4b:s24+s2] =	stream.linear.scatter [tilespmem:s3], [sflag:$0x3], $0x1000, $0x38;
	[tilespmem:$0x10800] =	vst v63  }
0x242: {  	s15 =	sadd.s32 $0x1, s15  }
0x243: {  	_ =	swait.ge [sflag:s11], $0x1000;
	p0 =	sne.s32 s15, s10  }
.Ltmp2:
0x244: {  	[sflag:s11] =	ssyncset.done $0x0;
	(pc) =	sbr.rel @p0 .LBB2_1-.Ltmp2, $4  }
0x245: {  	[sflag:s11] =	ssyncadd.s32 $0xFFFFF000  }
0x246: {  	_ =	swait.ge [sflag:s12], $0x1000  }
0x247: {  	[sflag:s12] =	ssyncset.done $0x0  }
0x248: {  	[sflag:s12] =	ssyncadd.s32 $0xFFFFF000  }
0x249: {  	_ =	sfence.sel $0x180000  }
0x24a: {  	[bflag:$0x0] =	sbarrier.arrive $0xFFFF  }
0x24b: {  	_ =	strace $0x90000047  }
0x24c: {  	s0 =	stileid.u32;
	[bflag:$0x2] =	sbarrier.arrive $0xFFFF  }
0x24d: {  	p0 =	sne.s32 s0, $0x0;
	s0 =	rddreg [dreg:$0x3]  }
0x24e: {  	s0 =	sadd.s32 @!p0 $0x100000, s0  }
0x24f: {  	[sflag:s0] =	ssyncadd.tile.s32 @!p0 $0x1;
	_ =	shalt  }
.Lfunc_end2:
_tile_overlayer_lowered:
.L_overlay_start_2:
0x250: {  	(tag) =	ssettag $0x2  }
0x251: {  	s0 =	rddreg [dreg:$0x0];
	s2 =	stileid.u32  }
0x252: {  	s1 =	rddreg [dreg:$0x1];
	p0 =	sne.s32 s2, $0x0  }
0x253: {  	s3 =	rddreg [dreg:$0x2];
	[bflag:$0x3] =	sbarrier.arrive $0xFFFF;
	s2 =	simm.s32 @!p0 $0x1C03  }
0x254: {  	[timem:s3], [sflag:s2] =	dma.local @!p0 [hbm:s0], s1  }
0x255: {  	s0 =	simm.s32 @!p0 $0x3  }
0x256: {  	_ =	swait.ge @!p0 [sflag:s0], s1  }
0x257: {  	s1 =	ssub.s32 @!p0 $0x0, s1;
	[sflag:s0] =	ssyncset.done @!p0 $0x0  }
0x258: {  	[sflag:s0] =	ssyncadd.s32 @!p0 s1  }
0x259: {  	[bflag:$0x3] =	sbarrier.arrive $0xFFFF  }
0x25a: {  	_ =	shalt  }

</sc_bundles>
